<compile_context>
chip_gen: v7x
topology: tpu7x:2x2x1
jax: 0.10.2.dev20260603
libtpu: 0.0.44.dev20260713+nightly
codegen_flags: <defaults>
</compile_context>

<pallas_src>
import functools

import jax
import jax.numpy as jnp
from jax import lax
from jax.experimental import pallas as pl
from jax.experimental.pallas import tpu as pltpu
from jax.experimental.pallas import tpu_sc as plsc

_W = 128


def _sc_workers():
    try:
        info = plsc.get_sparse_core_info()
        return info.num_cores, info.num_subcores
    except Exception:
        return 2, 16


@functools.lru_cache(maxsize=None)
def _build(B, S, V, D):
    NC, NS = _sc_workers()
    NW = NC * NS
    B_FLAT = B * S
    assert B_FLAT % NW == 0
    ROWS_PER_W = B_FLAT // NW
    assert ROWS_PER_W % S == 0
    CH = 64
    assert ROWS_PER_W % CH == 0 and CH % 8 == 0
    NCHUNK = ROWS_PER_W // CH
    assert NCHUNK % 2 == 0
    LANES = 16
    assert D % LANES == 0 and 2 * D == _W
    KV = D // LANES
    POS_ROWS = S + CH

    mesh = plsc.VectorSubcoreMesh(core_axis_name="c", subcore_axis_name="s")

    @functools.partial(
        pl.kernel,
        mesh=mesh,
        out_type=jax.ShapeDtypeStruct((B_FLAT, D), jnp.float32),
        scratch_types=[
            pltpu.VMEM((ROWS_PER_W,), jnp.int32),
            pltpu.VMEM((ROWS_PER_W,), jnp.int32),
            pltpu.VMEM((POS_ROWS, D), jnp.float32),
            pltpu.VMEM((CH, _W), jnp.float32),
            pltpu.VMEM((CH, _W), jnp.float32),
            pltpu.VMEM((CH, D), jnp.float32),
            pltpu.VMEM((CH, D), jnp.float32),
            pltpu.SemaphoreType.DMA,
            pltpu.SemaphoreType.DMA,
            pltpu.SemaphoreType.DMA,
            pltpu.SemaphoreType.DMA,
        ],
    )
    def emb(seq_hbm, tok_hbm, pos_hbm, out_hbm, idx_v, idx2_v, pos_v,
            in0, in1, o0, o1, gs0, gs1, os0, os1):
        wid = lax.axis_index("s") * NC + lax.axis_index("c")
        base = wid * ROWS_PER_W
        pltpu.sync_copy(seq_hbm.at[pl.ds(base, ROWS_PER_W)], idx_v)
        pltpu.sync_copy(pos_hbm, pos_v.at[pl.ds(0, S)])
        pltpu.sync_copy(pos_hbm.at[pl.ds(0, CH)], pos_v.at[pl.ds(S, CH)])

        @plsc.parallel_loop(0, ROWS_PER_W // LANES, unroll=8)
        def halve(j):
            sl = pl.ds(j * LANES, LANES)
            idx2_v[sl] = lax.shift_right_logical(idx_v[sl], 1)

        ins, outs, gss, oss = (in0, in1), (o0, o1), (gs0, gs1), (os0, os1)

        def gather_desc(c, b):
            return pltpu.make_async_copy(
                tok_hbm.at[idx2_v.at[pl.ds(c * CH, CH)]], ins[b], gss[b])

        def out_desc(c, b):
            return pltpu.make_async_copy(
                outs[b], out_hbm.at[pl.ds(base + c * CH, CH)], oss[b])

        for b in range(2):
            gather_desc(jnp.int32(b), b).start()

        def step(g, start):
            for b in range(2):
                c = 2 * g + b
                s = start if b == 0 else lax.select(
                    start + CH >= S, start + CH - S, start + CH)
                gather_desc(c, b).wait()

                @pl.when(g > 0)
                def _():
                    out_desc(c - 2, b).wait()

                @plsc.parallel_loop(0, CH // LANES, unroll=2)
                def grp(j):
                    r0 = j * LANES
                    parv = idx_v[pl.ds(c * CH + r0, LANES)] & 1
                    for rr in range(LANES):
                        r = r0 + rr
                        off = parv[rr] * D
                        p = s + r
                        for k in range(KV):
                            sl = pl.ds(k * LANES, LANES)
                            outs[b][r, sl] = (
                                ins[b][r, pl.ds(off + k * LANES, LANES)]
                                + pos_v[p, sl])

                @pl.when(c + 2 < NCHUNK)
                def _():
                    gather_desc(c + 2, b).start()

                out_desc(c, b).start()
            nxt = start + (2 * CH) % S
            return lax.select(nxt >= S, nxt - S, nxt)

        lax.fori_loop(0, NCHUNK // 2, step, jnp.int32(0))
        for b in range(2):
            out_desc(jnp.int32(NCHUNK - 2 + b), b).wait()

    return emb


def kernel(sequence, token_table, pos_table):
    B, S = sequence.shape
    V, D = token_table.shape
    assert V % 2 == 0
    emb = _build(B, S, V, D)
    seq_flat = sequence.reshape(-1).astype(jnp.int32)
    tok_pairs = token_table.reshape(V // 2, 2 * D)
    out = emb(seq_flat, tok_pairs, pos_table)
    return out.reshape(B, S, D)

# --- scband reference (transcript-rebuilt; emitter-appended) ---
"""Pipeline reference for scband-sequence-embedding-71270687310289 (READ-ONLY COPY).

The authoritative reference and input builder live on the scoring server;
editing this copy changes nothing except your own understanding.
"""

import jax, jax.numpy as jnp
import numpy as np

VOCAB = 1000000
MAX_SEQ = 200
EMBED = 64
BATCH = 4096


def setup_inputs(seed: int = 0) -> dict:
    key = jax.random.key(seed)
    k1, k2, k3 = jax.random.split(key, 3)
    sequence = jax.random.randint(k1, (BATCH, MAX_SEQ), 0, VOCAB, dtype=jnp.int64 if jax.config.jax_enable_x64 else jnp.int32)
    token_table = jax.random.normal(k2, (VOCAB, EMBED), dtype=jnp.float32) * 0.02
    pos_table = jax.random.normal(k3, (MAX_SEQ, EMBED), dtype=jnp.float32) * 0.02
    return {"sequence": sequence, "token_table": token_table, "pos_table": pos_table}


def reference(sequence, token_table, pos_table):
    batch_size, seq_len = sequence.shape
    token_embed = jnp.take(token_table, sequence, axis=0)  # [B, S, D]
    position = jnp.arange(seq_len)[None, :]                # [1, S]
    pos_embed = jnp.take(pos_table, position, axis=0)      # [1, S, D]
    return token_embed + pos_embed

if __name__ == "__main__":
    import jax
    _d = setup_inputs()
    print(jax.jit(kernel)(*tuple(_d.values())))

</pallas_src>

<mosaic_0001>
#map = affine_map<(d0, d1) -> (0)>
#map1 = affine_map<(d0, d1) -> (0, 0)>
module attributes {stable_mosaic.version = 14 : i64} {
  func.func @emb(%arg0: i32, %arg1: i32, %arg2: memref<819200xi32, #tpu.memory_space<hbm>>, %arg3: memref<500000x128xf32, #tpu.memory_space<hbm>>, %arg4: memref<200x64xf32, #tpu.memory_space<hbm>>, %arg5: memref<819200x64xf32, #tpu.memory_space<hbm>>, %arg6: memref<25600xi32, #tpu.memory_space<vmem>>, %arg7: memref<25600xi32, #tpu.memory_space<vmem>>, %arg8: memref<264x64xf32, #tpu.memory_space<vmem>>, %arg9: memref<64x128xf32, #tpu.memory_space<vmem>>, %arg10: memref<64x128xf32, #tpu.memory_space<vmem>>, %arg11: memref<64x64xf32, #tpu.memory_space<vmem>>, %arg12: memref<64x64xf32, #tpu.memory_space<vmem>>, %arg13: memref<!tpu.dma_semaphore, #tpu.memory_space<semaphore_mem>>, %arg14: memref<!tpu.dma_semaphore, #tpu.memory_space<semaphore_mem>>, %arg15: memref<!tpu.dma_semaphore, #tpu.memory_space<semaphore_mem>>, %arg16: memref<!tpu.dma_semaphore, #tpu.memory_space<semaphore_mem>>) attributes {dimension_semantics = [#tpu.dimension_semantics<core_parallel>, #tpu.dimension_semantics<subcore_parallel>], iteration_bounds = array<i64: 2, 16>, scalar_prefetch = 0 : i64, scratch_operands = 11 : i64, tpu.core_type = #tpu.core_type<sc_vector_subcore>, window_params = [{transform_indices = #map}, {transform_indices = #map1}, {transform_indices = #map1}, {transform_indices = #map1}]} {
    %mul3A = arith.constant 2 : i32
    %mul3A_0 = arith.muli %arg1, %mul3A : i32
    %add3A = arith.addi %mul3A_0, %arg0 : i32
    %mul3A_1 = arith.constant 25600 : i32
    %mul3A_2 = arith.muli %add3A, %mul3A_1 : i32
    "tpu.region"() ({
      %run_scoped3A = tpu.sem_alloc : memref<!tpu.dma_semaphore, #tpu.memory_space<semaphore_mem>>
      %dma_start3A_39 = tpu.memref_slice %arg2[%mul3A_2] : memref<819200xi32, #tpu.memory_space<hbm>> -> memref<25600xi32, #tpu.memory_space<hbm>>
      %dma_start3A_40 = tpu.memref_slice %arg2[%mul3A_2] : memref<819200xi32, #tpu.memory_space<hbm>> -> memref<25600xi32, #tpu.memory_space<hbm>>
      tpu.enqueue_dma source(%dma_start3A_40 : memref<25600xi32, #tpu.memory_space<hbm>>) target(%arg6 : memref<25600xi32, #tpu.memory_space<vmem>>) target_semaphore(%run_scoped3A : memref<!tpu.dma_semaphore, #tpu.memory_space<semaphore_mem>>)
      %dma_wait3A_41 = tpu.memref_slice %arg2[%mul3A_2] : memref<819200xi32, #tpu.memory_space<hbm>> -> memref<25600xi32, #tpu.memory_space<hbm>>
      %dma_wait3A_42 = tpu.memref_slice %arg2[%mul3A_2] : memref<819200xi32, #tpu.memory_space<hbm>> -> memref<25600xi32, #tpu.memory_space<hbm>>
      tpu.wait_dma2 semaphore(%run_scoped3A : memref<!tpu.dma_semaphore, #tpu.memory_space<semaphore_mem>>) src(%dma_wait3A_42 : memref<25600xi32, #tpu.memory_space<hbm>>) dst(%arg6 : memref<25600xi32, #tpu.memory_space<vmem>>)
      tpu.yield
    }) : () -> ()
    "tpu.region"() ({
      %run_scoped3A = tpu.sem_alloc : memref<!tpu.dma_semaphore, #tpu.memory_space<semaphore_mem>>
      %dma_start3A_39 = arith.constant 0 : i32
      %dma_start3A_40 = arith.constant 0 : i32
      %dma_start3A_41 = tpu.memref_slice %arg8[%dma_start3A_39, %dma_start3A_40] : memref<264x64xf32, #tpu.memory_space<vmem>> -> memref<200x64xf32, #tpu.memory_space<vmem>>
      %dma_start3A_42 = arith.constant 0 : i32
      %dma_start3A_43 = arith.constant 0 : i32
      %dma_start3A_44 = tpu.memref_slice %arg8[%dma_start3A_42, %dma_start3A_43] : memref<264x64xf32, #tpu.memory_space<vmem>> -> memref<200x64xf32, #tpu.memory_space<vmem>>
      tpu.enqueue_dma source(%arg4 : memref<200x64xf32, #tpu.memory_space<hbm>>) target(%dma_start3A_44 : memref<200x64xf32, #tpu.memory_space<vmem>>) target_semaphore(%run_scoped3A : memref<!tpu.dma_semaphore, #tpu.memory_space<semaphore_mem>>)
      %dma_wait3A_45 = arith.constant 0 : i32
      %dma_wait3A_46 = arith.constant 0 : i32
      %dma_wait3A_47 = tpu.memref_slice %arg8[%dma_wait3A_45, %dma_wait3A_46] : memref<264x64xf32, #tpu.memory_space<vmem>> -> memref<200x64xf32, #tpu.memory_space<vmem>>
      %dma_wait3A_48 = arith.constant 0 : i32
      %dma_wait3A_49 = arith.constant 0 : i32
      %dma_wait3A_50 = tpu.memref_slice %arg8[%dma_wait3A_48, %dma_wait3A_49] : memref<264x64xf32, #tpu.memory_space<vmem>> -> memref<200x64xf32, #tpu.memory_space<vmem>>
      tpu.wait_dma2 semaphore(%run_scoped3A : memref<!tpu.dma_semaphore, #tpu.memory_space<semaphore_mem>>) src(%arg4 : memref<200x64xf32, #tpu.memory_space<hbm>>) dst(%dma_wait3A_50 : memref<200x64xf32, #tpu.memory_space<vmem>>)
      tpu.yield
    }) : () -> ()
    "tpu.region"() ({
      %run_scoped3A = tpu.sem_alloc : memref<!tpu.dma_semaphore, #tpu.memory_space<semaphore_mem>>
      %dma_start3A_39 = arith.constant 200 : i32
      %dma_start3A_40 = arith.constant 0 : i32
      %dma_start3A_41 = tpu.memref_slice %arg8[%dma_start3A_39, %dma_start3A_40] : memref<264x64xf32, #tpu.memory_space<vmem>> -> memref<64x64xf32, #tpu.memory_space<vmem>>
      %dma_start3A_42 = arith.constant 0 : i32
      %dma_start3A_43 = arith.constant 0 : i32
      %dma_start3A_44 = tpu.memref_slice %arg4[%dma_start3A_42, %dma_start3A_43] : memref<200x64xf32, #tpu.memory_space<hbm>> -> memref<64x64xf32, #tpu.memory_space<hbm>>
      %dma_start3A_45 = arith.constant 200 : i32
      %dma_start3A_46 = arith.constant 0 : i32
      %dma_start3A_47 = tpu.memref_slice %arg8[%dma_start3A_45, %dma_start3A_46] : memref<264x64xf32, #tpu.memory_space<vmem>> -> memref<64x64xf32, #tpu.memory_space<vmem>>
      %dma_start3A_48 = arith.constant 0 : i32
      %dma_start3A_49 = arith.constant 0 : i32
      %dma_start3A_50 = tpu.memref_slice %arg4[%dma_start3A_48, %dma_start3A_49] : memref<200x64xf32, #tpu.memory_space<hbm>> -> memref<64x64xf32, #tpu.memory_space<hbm>>
      tpu.enqueue_dma source(%dma_start3A_50 : memref<64x64xf32, #tpu.memory_space<hbm>>) target(%dma_start3A_47 : memref<64x64xf32, #tpu.memory_space<vmem>>) target_semaphore(%run_scoped3A : memref<!tpu.dma_semaphore, #tpu.memory_space<semaphore_mem>>)
      %dma_wait3A_51 = arith.constant 200 : i32
      %dma_wait3A_52 = arith.constant 0 : i32
      %dma_wait3A_53 = tpu.memref_slice %arg8[%dma_wait3A_51, %dma_wait3A_52] : memref<264x64xf32, #tpu.memory_space<vmem>> -> memref<64x64xf32, #tpu.memory_space<vmem>>
      %dma_wait3A_54 = arith.constant 0 : i32
      %dma_wait3A_55 = arith.constant 0 : i32
      %dma_wait3A_56 = tpu.memref_slice %arg4[%dma_wait3A_54, %dma_wait3A_55] : memref<200x64xf32, #tpu.memory_space<hbm>> -> memref<64x64xf32, #tpu.memory_space<hbm>>
      %dma_wait3A_57 = arith.constant 200 : i32
      %dma_wait3A_58 = arith.constant 0 : i32
      %dma_wait3A_59 = tpu.memref_slice %arg8[%dma_wait3A_57, %dma_wait3A_58] : memref<264x64xf32, #tpu.memory_space<vmem>> -> memref<64x64xf32, #tpu.memory_space<vmem>>
      %dma_wait3A_60 = arith.constant 0 : i32
      %dma_wait3A_61 = arith.constant 0 : i32
      %dma_wait3A_62 = tpu.memref_slice %arg4[%dma_wait3A_60, %dma_wait3A_61] : memref<200x64xf32, #tpu.memory_space<hbm>> -> memref<64x64xf32, #tpu.memory_space<hbm>>
      tpu.wait_dma2 semaphore(%run_scoped3A : memref<!tpu.dma_semaphore, #tpu.memory_space<semaphore_mem>>) src(%dma_wait3A_62 : memref<64x64xf32, #tpu.memory_space<hbm>>) dst(%dma_wait3A_59 : memref<64x64xf32, #tpu.memory_space<vmem>>)
      tpu.yield
    }) : () -> ()
    %parallel_loop3A = arith.constant 0 : i32
    %parallel_loop3A_3 = arith.constant 1600 : i32
    %parallel_loop3A_4 = arith.constant 1 : i32
    scf.for %parallel_loop3A_39 = %parallel_loop3A to %parallel_loop3A_3 step %parallel_loop3A_4  : i32 {
      %parallel_loop3A_40 = arith.constant 16 : i32
      %parallel_loop3A_41 = arith.muli %parallel_loop3A_39, %parallel_loop3A_40 : i32
      %parallel_loop3A_42 = arith.index_cast %parallel_loop3A_41 : i32 to index
      %parallel_loop3A_43 = tpu.vector_load %arg6[%parallel_loop3A_42] {strides = array<i32>} : memref<25600xi32, #tpu.memory_space<vmem>>, vector<16xi32>,
      %parallel_loop3A_44 = vector.shape_cast %parallel_loop3A_43 : vector<16xi32> to vector<16xi32>
      %parallel_loop3A_45 = arith.constant 1 : i32
      %parallel_loop3A_46 = vector.broadcast %parallel_loop3A_45 : i32 to vector<16xi32>
      %parallel_loop3A_47 = arith.shrui %parallel_loop3A_44, %parallel_loop3A_46 : vector<16xi32>
      %parallel_loop3A_48 = arith.index_cast %parallel_loop3A_41 : i32 to index
      %parallel_loop3A_49 = tpu.vector_load %arg7[%parallel_loop3A_48] {strides = array<i32>} : memref<25600xi32, #tpu.memory_space<vmem>>, vector<16xi32>,
      %parallel_loop3A_50 = vector.shape_cast %parallel_loop3A_49 : vector<16xi32> to vector<16xi32>
      %parallel_loop3A_51 = vector.shape_cast %parallel_loop3A_47 : vector<16xi32> to vector<16xi32>
      tpu.vector_store %arg7[%parallel_loop3A_48], %parallel_loop3A_51 {strides = array<i32>} : memref<25600xi32, #tpu.memory_space<vmem>>, vector<16xi32>,
    } {sc.loop_unroll_factor = 8 : i64, sc.parallel_access}
    %mul3A_5 = arith.constant 0 : i32
    %mul3A_6 = arith.constant 64 : i32
    %mul3A_7 = arith.muli %mul3A_5, %mul3A_6 : i32
    %dma_start3A = tpu.memref_slice %arg7[%mul3A_7] : memref<25600xi32, #tpu.memory_space<vmem>> -> memref<64xi32, #tpu.memory_space<vmem>>
    %dma_start3A_8 = arith.constant 0 : i32
    %dma_start3A_9 = arith.constant 0 : i32
    %dma_start3A_10 = tpu.memref_slice %arg3[%dma_start3A_8, %dma_start3A_9] : memref<500000x128xf32, #tpu.memory_space<hbm>> -> memref<500000x128xf32, #tpu.memory_space<hbm>>
    tpu.enqueue_indirect_dma source(%dma_start3A_10 : memref<500000x128xf32, #tpu.memory_space<hbm>>) target(%arg9 : memref<64x128xf32, #tpu.memory_space<vmem>>) offsets(%dma_start3A : memref<64xi32, #tpu.memory_space<vmem>>) semaphore(%arg13 : memref<!tpu.dma_semaphore, #tpu.memory_space<semaphore_mem>>)
    %mul3A_11 = arith.constant 1 : i32
    %mul3A_12 = arith.constant 64 : i32
    %mul3A_13 = arith.muli %mul3A_11, %mul3A_12 : i32
    %dma_start3A_14 = tpu.memref_slice %arg7[%mul3A_13] : memref<25600xi32, #tpu.memory_space<vmem>> -> memref<64xi32, #tpu.memory_space<vmem>>
    %dma_start3A_15 = arith.constant 0 : i32
    %dma_start3A_16 = arith.constant 0 : i32
    %dma_start3A_17 = tpu.memref_slice %arg3[%dma_start3A_15, %dma_start3A_16] : memref<500000x128xf32, #tpu.memory_space<hbm>> -> memref<500000x128xf32, #tpu.memory_space<hbm>>
    tpu.enqueue_indirect_dma source(%dma_start3A_17 : memref<500000x128xf32, #tpu.memory_space<hbm>>) target(%arg10 : memref<64x128xf32, #tpu.memory_space<vmem>>) offsets(%dma_start3A_14 : memref<64xi32, #tpu.memory_space<vmem>>) semaphore(%arg14 : memref<!tpu.dma_semaphore, #tpu.memory_space<semaphore_mem>>)
    %scan3A = arith.constant 0 : i32
    %scan3A_18 = arith.constant 0 : i32
    %scan3A_19 = arith.constant 200 : i32
    %scan3A_20 = arith.addi %scan3A_18, %scan3A_19 : i32
    %scan3A_21 = arith.constant 1 : i32
    %scan3A_22 = scf.for %scan3A_39 = %scan3A_18 to %scan3A_20 step %scan3A_21 iter_args(%scan3A_40 = %scan3A) -> (i32)  : i32 {
      %mul3A_41 = arith.constant 2 : i32
      %mul3A_42 = arith.muli %mul3A_41, %scan3A_39 : i32
      %add3A_43 = arith.constant 0 : i32
      %add3A_44 = arith.addi %mul3A_42, %add3A_43 : i32
      %mul3A_45 = arith.constant 64 : i32
      %mul3A_46 = arith.muli %add3A_44, %mul3A_45 : i32
      %dma_wait3A_47 = tpu.memref_slice %arg7[%mul3A_46] : memref<25600xi32, #tpu.memory_space<vmem>> -> memref<64xi32, #tpu.memory_space<vmem>>
      %dma_wait3A_48 = arith.constant 0 : i32
      %dma_wait3A_49 = arith.constant 0 : i32
      %dma_wait3A_50 = tpu.memref_slice %arg3[%dma_wait3A_48, %dma_wait3A_49] : memref<500000x128xf32, #tpu.memory_space<hbm>> -> memref<500000x128xf32, #tpu.memory_space<hbm>>
      tpu.wait_indirect_dma semaphore(%arg13 : memref<!tpu.dma_semaphore, #tpu.memory_space<semaphore_mem>>) src(%dma_wait3A_50 : memref<500000x128xf32, #tpu.memory_space<hbm>>) dst(%arg9 : memref<64x128xf32, #tpu.memory_space<vmem>>)
      %gt3A = arith.constant 0 : i32
      %gt3A_51 = arith.cmpi sgt, %scan3A_39, %gt3A : i32
      %convert_element_type3A = arith.extui %gt3A_51 : i1 to i32
      %cond3A = arith.constant 0 : i32
      %cond3A_52 = arith.cmpi ne, %convert_element_type3A, %cond3A : i32
      scf.if %cond3A_52 {
        %sub3A_116 = arith.constant 2 : i32
        %sub3A_117 = arith.subi %add3A_44, %sub3A_116 : i32
        %mul3A_118 = arith.constant 64 : i32
        %mul3A_119 = arith.muli %sub3A_117, %mul3A_118 : i32
        %add3A_120 = arith.addi %mul3A_2, %mul3A_119 : i32
        %dma_wait3A_121 = arith.constant 0 : i32
        %dma_wait3A_122 = tpu.memref_slice %arg5[%add3A_120, %dma_wait3A_121] : memref<819200x64xf32, #tpu.memory_space<hbm>> -> memref<64x64xf32, #tpu.memory_space<hbm>>
        %dma_wait3A_123 = arith.constant 0 : i32
        %dma_wait3A_124 = tpu.memref_slice %arg5[%add3A_120, %dma_wait3A_123] : memref<819200x64xf32, #tpu.memory_space<hbm>> -> memref<64x64xf32, #tpu.memory_space<hbm>>
        tpu.wait_dma2 semaphore(%arg15 : memref<!tpu.dma_semaphore, #tpu.memory_space<semaphore_mem>>) src(%arg11 : memref<64x64xf32, #tpu.memory_space<vmem>>) dst(%dma_wait3A_124 : memref<64x64xf32, #tpu.memory_space<hbm>>)
      } else {
      }
      %parallel_loop3A_53 = arith.constant 0 : i32
      %parallel_loop3A_54 = arith.constant 4 : i32
      %parallel_loop3A_55 = arith.constant 1 : i32
      scf.for %parallel_loop3A_116 = %parallel_loop3A_53 to %parallel_loop3A_54 step %parallel_loop3A_55  : i32 {
        %parallel_loop3A_117 = arith.constant 16 : i32
        %parallel_loop3A_118 = arith.muli %parallel_loop3A_116, %parallel_loop3A_117 : i32
        %parallel_loop3A_119 = arith.constant 64 : i32
        %parallel_loop3A_120 = arith.muli %add3A_44, %parallel_loop3A_119 : i32
        %parallel_loop3A_121 = arith.addi %parallel_loop3A_120, %parallel_loop3A_118 : i32
        %parallel_loop3A_122 = arith.index_cast %parallel_loop3A_121 : i32 to index
        %parallel_loop3A_123 = tpu.vector_load %arg6[%parallel_loop3A_122] {strides = array<i32>} : memref<25600xi32, #tpu.memory_space<vmem>>, vector<16xi32>,
        %parallel_loop3A_124 = vector.shape_cast %parallel_loop3A_123 : vector<16xi32> to vector<16xi32>
        %parallel_loop3A_125 = arith.constant 1 : i32
        %parallel_loop3A_126 = vector.broadcast %parallel_loop3A_125 : i32 to vector<16xi32>
        %parallel_loop3A_127 = arith.andi %parallel_loop3A_124, %parallel_loop3A_126 : vector<16xi32>
        %parallel_loop3A_128 = arith.constant 0 : i32
        %parallel_loop3A_129 = arith.addi %parallel_loop3A_118, %parallel_loop3A_128 : i32
        %parallel_loop3A_130 = vector.extract_strided_slice %parallel_loop3A_127 {offsets = [0], sizes = [1], strides = [1]} : vector<16xi32> to vector<1xi32>
        %parallel_loop3A_131 = vector.extract %parallel_loop3A_130[0] : i32 from vector<1xi32>
        %parallel_loop3A_132 = arith.constant 64 : i32
        %parallel_loop3A_133 = arith.muli %parallel_loop3A_131, %parallel_loop3A_132 : i32
        %parallel_loop3A_134 = arith.addi %scan3A_40, %parallel_loop3A_129 : i32
        %parallel_loop3A_135 = arith.constant 0 : i32
        %parallel_loop3A_136 = arith.addi %parallel_loop3A_133, %parallel_loop3A_135 : i32
        %parallel_loop3A_137 = arith.index_cast %parallel_loop3A_129 : i32 to index
        %parallel_loop3A_138 = arith.index_cast %parallel_loop3A_136 : i32 to index
        %parallel_loop3A_139 = tpu.vector_load %arg9[%parallel_loop3A_137, %parallel_loop3A_138] {strides = array<i32>} : memref<64x128xf32, #tpu.memory_space<vmem>>, vector<1x16xf32>,
        %parallel_loop3A_140 = vector.shape_cast %parallel_loop3A_139 : vector<1x16xf32> to vector<16xf32>
        %parallel_loop3A_141 = arith.index_cast %parallel_loop3A_134 : i32 to index
        %parallel_loop3A_142 = arith.constant 0 : index
        %parallel_loop3A_143 = tpu.vector_load %arg8[%parallel_loop3A_141, %parallel_loop3A_142] {strides = array<i32>} : memref<264x64xf32, #tpu.memory_space<vmem>>, vector<1x16xf32>,
        %parallel_loop3A_144 = vector.shape_cast %parallel_loop3A_143 : vector<1x16xf32> to vector<16xf32>
        %parallel_loop3A_145 = arith.addf %parallel_loop3A_140, %parallel_loop3A_144 : vector<16xf32>
        %parallel_loop3A_146 = arith.index_cast %parallel_loop3A_129 : i32 to index
        %parallel_loop3A_147 = arith.constant 0 : index
        %parallel_loop3A_148 = tpu.vector_load %arg11[%parallel_loop3A_146, %parallel_loop3A_147] {strides = array<i32>} : memref<64x64xf32, #tpu.memory_space<vmem>>, vector<1x16xf32>,
        %parallel_loop3A_149 = vector.shape_cast %parallel_loop3A_148 : vector<1x16xf32> to vector<16xf32>
        %parallel_loop3A_150 = vector.shape_cast %parallel_loop3A_145 : vector<16xf32> to vector<1x16xf32>
        tpu.vector_store %arg11[%parallel_loop3A_146, %parallel_loop3A_147], %parallel_loop3A_150 {strides = array<i32>} : memref<64x64xf32, #tpu.memory_space<vmem>>, vector<1x16xf32>,
        %parallel_loop3A_151 = arith.constant 16 : i32
        %parallel_loop3A_152 = arith.addi %parallel_loop3A_133, %parallel_loop3A_151 : i32
        %parallel_loop3A_153 = arith.index_cast %parallel_loop3A_129 : i32 to index
        %parallel_loop3A_154 = arith.index_cast %parallel_loop3A_152 : i32 to index
        %parallel_loop3A_155 = tpu.vector_load %arg9[%parallel_loop3A_153, %parallel_loop3A_154] {strides = array<i32>} : memref<64x128xf32, #tpu.memory_space<vmem>>, vector<1x16xf32>,
        %parallel_loop3A_156 = vector.shape_cast %parallel_loop3A_155 : vector<1x16xf32> to vector<16xf32>
        %parallel_loop3A_157 = arith.index_cast %parallel_loop3A_134 : i32 to index
        %parallel_loop3A_158 = arith.constant 16 : index
        %parallel_loop3A_159 = tpu.vector_load %arg8[%parallel_loop3A_157, %parallel_loop3A_158] {strides = array<i32>} : memref<264x64xf32, #tpu.memory_space<vmem>>, vector<1x16xf32>,
        %parallel_loop3A_160 = vector.shape_cast %parallel_loop3A_159 : vector<1x16xf32> to vector<16xf32>
        %parallel_loop3A_161 = arith.addf %parallel_loop3A_156, %parallel_loop3A_160 : vector<16xf32>
        %parallel_loop3A_162 = arith.index_cast %parallel_loop3A_129 : i32 to index
        %parallel_loop3A_163 = arith.constant 16 : index
        %parallel_loop3A_164 = tpu.vector_load %arg11[%parallel_loop3A_162, %parallel_loop3A_163] {strides = array<i32>} : memref<64x64xf32, #tpu.memory_space<vmem>>, vector<1x16xf32>,
        %parallel_loop3A_165 = vector.shape_cast %parallel_loop3A_164 : vector<1x16xf32> to vector<16xf32>
        %parallel_loop3A_166 = vector.shape_cast %parallel_loop3A_161 : vector<16xf32> to vector<1x16xf32>
        tpu.vector_store %arg11[%parallel_loop3A_162, %parallel_loop3A_163], %parallel_loop3A_166 {strides = array<i32>} : memref<64x64xf32, #tpu.memory_space<vmem>>, vector<1x16xf32>,
        %parallel_loop3A_167 = arith.constant 32 : i32
        %parallel_loop3A_168 = arith.addi %parallel_loop3A_133, %parallel_loop3A_167 : i32
        %parallel_loop3A_169 = arith.index_cast %parallel_loop3A_129 : i32 to index
        %parallel_loop3A_170 = arith.index_cast %parallel_loop3A_168 : i32 to index
        %parallel_loop3A_171 = tpu.vector_load %arg9[%parallel_loop3A_169, %parallel_loop3A_170] {strides = array<i32>} : memref<64x128xf32, #tpu.memory_space<vmem>>, vector<1x16xf32>,
        %parallel_loop3A_172 = vector.shape_cast %parallel_loop3A_171 : vector<1x16xf32> to vector<16xf32>
        %parallel_loop3A_173 = arith.index_cast %parallel_loop3A_134 : i32 to index
        %parallel_loop3A_174 = arith.constant 32 : index
        %parallel_loop3A_175 = tpu.vector_load %arg8[%parallel_loop3A_173, %parallel_loop3A_174] {strides = array<i32>} : memref<264x64xf32, #tpu.memory_space<vmem>>, vector<1x16xf32>,
        %parallel_loop3A_176 = vector.shape_cast %parallel_loop3A_175 : vector<1x16xf32> to vector<16xf32>
        %parallel_loop3A_177 = arith.addf %parallel_loop3A_172, %parallel_loop3A_176 : vector<16xf32>
        %parallel_loop3A_178 = arith.index_cast %parallel_loop3A_129 : i32 to index
        %parallel_loop3A_179 = arith.constant 32 : index
        %parallel_loop3A_180 = tpu.vector_load %arg11[%parallel_loop3A_178, %parallel_loop3A_179] {strides = array<i32>} : memref<64x64xf32, #tpu.memory_space<vmem>>, vector<1x16xf32>,
        %parallel_loop3A_181 = vector.shape_cast %parallel_loop3A_180 : vector<1x16xf32> to vector<16xf32>
        %parallel_loop3A_182 = vector.shape_cast %parallel_loop3A_177 : vector<16xf32> to vector<1x16xf32>
        tpu.vector_store %arg11[%parallel_loop3A_178, %parallel_loop3A_179], %parallel_loop3A_182 {strides = array<i32>} : memref<64x64xf32, #tpu.memory_space<vmem>>, vector<1x16xf32>,
        %parallel_loop3A_183 = arith.constant 48 : i32
        %parallel_loop3A_184 = arith.addi %parallel_loop3A_133, %parallel_loop3A_183 : i32
        %parallel_loop3A_185 = arith.index_cast %parallel_loop3A_129 : i32 to index
        %parallel_loop3A_186 = arith.index_cast %parallel_loop3A_184 : i32 to index
        %parallel_loop3A_187 = tpu.vector_load %arg9[%parallel_loop3A_185, %parallel_loop3A_186] {strides = array<i32>} : memref<64x128xf32, #tpu.memory_space<vmem>>, vector<1x16xf32>,
        %parallel_loop3A_188 = vector.shape_cast %parallel_loop3A_187 : vector<1x16xf32> to vector<16xf32>
        %parallel_loop3A_189 = arith.index_cast %parallel_loop3A_134 : i32 to index
        %parallel_loop3A_190 = arith.constant 48 : index
        %parallel_loop3A_191 = tpu.vector_load %arg8[%parallel_loop3A_189, %parallel_loop3A_190] {strides = array<i32>} : memref<264x64xf32, #tpu.memory_space<vmem>>, vector<1x16xf32>,
        %parallel_loop3A_192 = vector.shape_cast %parallel_loop3A_191 : vector<1x16xf32> to vector<16xf32>
        %parallel_loop3A_193 = arith.addf %parallel_loop3A_188, %parallel_loop3A_192 : vector<16xf32>
        %parallel_loop3A_194 = arith.index_cast %parallel_loop3A_129 : i32 to index
        %parallel_loop3A_195 = arith.constant 48 : index
        %parallel_loop3A_196 = tpu.vector_load %arg11[%parallel_loop3A_194, %parallel_loop3A_195] {strides = array<i32>} : memref<64x64xf32, #tpu.memory_space<vmem>>, vector<1x16xf32>,
        %parallel_loop3A_197 = vector.shape_cast %parallel_loop3A_196 : vector<1x16xf32> to vector<16xf32>
        %parallel_loop3A_198 = vector.shape_cast %parallel_loop3A_193 : vector<16xf32> to vector<1x16xf32>
        tpu.vector_store %arg11[%parallel_loop3A_194, %parallel_loop3A_195], %parallel_loop3A_198 {strides = array<i32>} : memref<64x64xf32, #tpu.memory_space<vmem>>, vector<1x16xf32>,
        %parallel_loop3A_199 = arith.constant 1 : i32
        %parallel_loop3A_200 = arith.addi %parallel_loop3A_118, %parallel_loop3A_199 : i32
        %parallel_loop3A_201 = vector.extract_strided_slice %parallel_loop3A_127 {offsets = [1], sizes = [1], strides = [1]} : vector<16xi32> to vector<1xi32>
        %parallel_loop3A_202 = vector.extract %parallel_loop3A_201[0] : i32 from vector<1xi32>
        %parallel_loop3A_203 = arith.constant 64 : i32
        %parallel_loop3A_204 = arith.muli %parallel_loop3A_202, %parallel_loop3A_203 : i32
        %parallel_loop3A_205 = arith.addi %scan3A_40, %parallel_loop3A_200 : i32
        %parallel_loop3A_206 = arith.constant 0 : i32
        %parallel_loop3A_207 = arith.addi %parallel_loop3A_204, %parallel_loop3A_206 : i32
        %parallel_loop3A_208 = arith.index_cast %parallel_loop3A_200 : i32 to index
        %parallel_loop3A_209 = arith.index_cast %parallel_loop3A_207 : i32 to index
        %parallel_loop3A_210 = tpu.vector_load %arg9[%parallel_loop3A_208, %parallel_loop3A_209] {strides = array<i32>} : memref<64x128xf32, #tpu.memory_space<vmem>>, vector<1x16xf32>,
        %parallel_loop3A_211 = vector.shape_cast %parallel_loop3A_210 : vector<1x16xf32> to vector<16xf32>
        %parallel_loop3A_212 = arith.index_cast %parallel_loop3A_205 : i32 to index
        %parallel_loop3A_213 = arith.constant 0 : index
        %parallel_loop3A_214 = tpu.vector_load %arg8[%parallel_loop3A_212, %parallel_loop3A_213] {strides = array<i32>} : memref<264x64xf32, #tpu.memory_space<vmem>>, vector<1x16xf32>,
        %parallel_loop3A_215 = vector.shape_cast %parallel_loop3A_214 : vector<1x16xf32> to vector<16xf32>
        %parallel_loop3A_216 = arith.addf %parallel_loop3A_211, %parallel_loop3A_215 : vector<16xf32>
        %parallel_loop3A_217 = arith.index_cast %parallel_loop3A_200 : i32 to index
        %parallel_loop3A_218 = arith.constant 0 : index
        %parallel_loop3A_219 = tpu.vector_load %arg11[%parallel_loop3A_217, %parallel_loop3A_218] {strides = array<i32>} : memref<64x64xf32, #tpu.memory_space<vmem>>, vector<1x16xf32>,
        %parallel_loop3A_220 = vector.shape_cast %parallel_loop3A_219 : vector<1x16xf32> to vector<16xf32>
        %parallel_loop3A_221 = vector.shape_cast %parallel_loop3A_216 : vector<16xf32> to vector<1x16xf32>
        tpu.vector_store %arg11[%parallel_loop3A_217, %parallel_loop3A_218], %parallel_loop3A_221 {strides = array<i32>} : memref<64x64xf32, #tpu.memory_space<vmem>>, vector<1x16xf32>,
        %parallel_loop3A_222 = arith.constant 16 : i32
        %parallel_loop3A_223 = arith.addi %parallel_loop3A_204, %parallel_loop3A_222 : i32
        %parallel_loop3A_224 = arith.index_cast %parallel_loop3A_200 : i32 to index
        %parallel_loop3A_225 = arith.index_cast %parallel_loop3A_223 : i32 to index
        %parallel_loop3A_226 = tpu.vector_load %arg9[%parallel_loop3A_224, %parallel_loop3A_225] {strides = array<i32>} : memref<64x128xf32, #tpu.memory_space<vmem>>, vector<1x16xf32>,
        %parallel_loop3A_227 = vector.shape_cast %parallel_loop3A_226 : vector<1x16xf32> to vector<16xf32>
        %parallel_loop3A_228 = arith.index_cast %parallel_loop3A_205 : i32 to index
        %parallel_loop3A_229 = arith.constant 16 : index
        %parallel_loop3A_230 = tpu.vector_load %arg8[%parallel_loop3A_228, %parallel_loop3A_229] {strides = array<i32>} : memref<264x64xf32, #tpu.memory_space<vmem>>, vector<1x16xf32>,
        %parallel_loop3A_231 = vector.shape_cast %parallel_loop3A_230 : vector<1x16xf32> to vector<16xf32>
        %parallel_loop3A_232 = arith.addf %parallel_loop3A_227, %parallel_loop3A_231 : vector<16xf32>
        %parallel_loop3A_233 = arith.index_cast %parallel_loop3A_200 : i32 to index
        %parallel_loop3A_234 = arith.constant 16 : index
        %parallel_loop3A_235 = tpu.vector_load %arg11[%parallel_loop3A_233, %parallel_loop3A_234] {strides = array<i32>} : memref<64x64xf32, #tpu.memory_space<vmem>>, vector<1x16xf32>,
        %parallel_loop3A_236 = vector.shape_cast %parallel_loop3A_235 : vector<1x16xf32> to vector<16xf32>
        %parallel_loop3A_237 = vector.shape_cast %parallel_loop3A_232 : vector<16xf32> to vector<1x16xf32>
        tpu.vector_store %arg11[%parallel_loop3A_233, %parallel_loop3A_234], %parallel_loop3A_237 {strides = array<i32>} : memref<64x64xf32, #tpu.memory_space<vmem>>, vector<1x16xf32>,
        %parallel_loop3A_238 = arith.constant 32 : i32
        %parallel_loop3A_239 = arith.addi %parallel_loop3A_204, %parallel_loop3A_238 : i32
        %parallel_loop3A_240 = arith.index_cast %parallel_loop3A_200 : i32 to index
        %parallel_loop3A_241 = arith.index_cast %parallel_loop3A_239 : i32 to index
        %parallel_loop3A_242 = tpu.vector_load %arg9[%parallel_loop3A_240, %parallel_loop3A_241] {strides = array<i32>} : memref<64x128xf32, #tpu.memory_space<vmem>>, vector<1x16xf32>,
        %parallel_loop3A_243 = vector.shape_cast %parallel_loop3A_242 : vector<1x16xf32> to vector<16xf32>
        %parallel_loop3A_244 = arith.index_cast %parallel_loop3A_205 : i32 to index
        %parallel_loop3A_245 = arith.constant 32 : index
        %parallel_loop3A_246 = tpu.vector_load %arg8[%parallel_loop3A_244, %parallel_loop3A_245] {strides = array<i32>} : memref<264x64xf32, #tpu.memory_space<vmem>>, vector<1x16xf32>,
        %parallel_loop3A_247 = vector.shape_cast %parallel_loop3A_246 : vector<1x16xf32> to vector<16xf32>
        %parallel_loop3A_248 = arith.addf %parallel_loop3A_243, %parallel_loop3A_247 : vector<16xf32>
        %parallel_loop3A_249 = arith.index_cast %parallel_loop3A_200 : i32 to index
        %parallel_loop3A_250 = arith.constant 32 : index
        %parallel_loop3A_251 = tpu.vector_load %arg11[%parallel_loop3A_249, %parallel_loop3A_250] {strides = array<i32>} : memref<64x64xf32, #tpu.memory_space<vmem>>, vector<1x16xf32>,
        %parallel_loop3A_252 = vector.shape_cast %parallel_loop3A_251 : vector<1x16xf32> to vector<16xf32>
        %parallel_loop3A_253 = vector.shape_cast %parallel_loop3A_248 : vector<16xf32> to vector<1x16xf32>
        tpu.vector_store %arg11[%parallel_loop3A_249, %parallel_loop3A_250], %parallel_loop3A_253 {strides = array<i32>} : memref<64x64xf32, #tpu.memory_space<vmem>>, vector<1x16xf32>,
        %parallel_loop3A_254 = arith.constant 48 : i32
        %parallel_loop3A_255 = arith.addi %parallel_loop3A_204, %parallel_loop3A_254 : i32
        %parallel_loop3A_256 = arith.index_cast %parallel_loop3A_200 : i32 to index
        %parallel_loop3A_257 = arith.index_cast %parallel_loop3A_255 : i32 to index
        %parallel_loop3A_258 = tpu.vector_load %arg9[%parallel_loop3A_256, %parallel_loop3A_257] {strides = array<i32>} : memref<64x128xf32, #tpu.memory_space<vmem>>, vector<1x16xf32>,
        %parallel_loop3A_259 = vector.shape_cast %parallel_loop3A_258 : vector<1x16xf32> to vector<16xf32>
        %parallel_loop3A_260 = arith.index_cast %parallel_loop3A_205 : i32 to index
        %parallel_loop3A_261 = arith.constant 48 : index
        %parallel_loop3A_262 = tpu.vector_load %arg8[%parallel_loop3A_260, %parallel_loop3A_261] {strides = array<i32>} : memref<264x64xf32, #tpu.memory_space<vmem>>, vector<1x16xf32>,
        %parallel_loop3A_263 = vector.shape_cast %parallel_loop3A_262 : vector<1x16xf32> to vector<16xf32>
        %parallel_loop3A_264 = arith.addf %parallel_loop3A_259, %parallel_loop3A_263 : vector<16xf32>
        %parallel_loop3A_265 = arith.index_cast %parallel_loop3A_200 : i32 to index
        %parallel_loop3A_266 = arith.constant 48 : index
        %parallel_loop3A_267 = tpu.vector_load %arg11[%parallel_loop3A_265, %parallel_loop3A_266] {strides = array<i32>} : memref<64x64xf32, #tpu.memory_space<vmem>>, vector<1x16xf32>,
        %parallel_loop3A_268 = vector.shape_cast %parallel_loop3A_267 : vector<1x16xf32> to vector<16xf32>
        %parallel_loop3A_269 = vector.shape_cast %parallel_loop3A_264 : vector<16xf32> to vector<1x16xf32>
        tpu.vector_store %arg11[%parallel_loop3A_265, %parallel_loop3A_266], %parallel_loop3A_269 {strides = array<i32>} : memref<64x64xf32, #tpu.memory_space<vmem>>, vector<1x16xf32>,
        %parallel_loop3A_270 = arith.constant 2 : i32
        %parallel_loop3A_271 = arith.addi %parallel_loop3A_118, %parallel_loop3A_270 : i32
        %parallel_loop3A_272 = vector.extract_strided_slice %parallel_loop3A_127 {offsets = [2], sizes = [1], strides = [1]} : vector<16xi32> to vector<1xi32>
        %parallel_loop3A_273 = vector.extract %parallel_loop3A_272[0] : i32 from vector<1xi32>
        %parallel_loop3A_274 = arith.constant 64 : i32
        %parallel_loop3A_275 = arith.muli %parallel_loop3A_273, %parallel_loop3A_274 : i32
        %parallel_loop3A_276 = arith.addi %scan3A_40, %parallel_loop3A_271 : i32
        %parallel_loop3A_277 = arith.constant 0 : i32
        %parallel_loop3A_278 = arith.addi %parallel_loop3A_275, %parallel_loop3A_277 : i32
        %parallel_loop3A_279 = arith.index_cast %parallel_loop3A_271 : i32 to index
        %parallel_loop3A_280 = arith.index_cast %parallel_loop3A_278 : i32 to index
        %parallel_loop3A_281 = tpu.vector_load %arg9[%parallel_loop3A_279, %parallel_loop3A_280] {strides = array<i32>} : memref<64x128xf32, #tpu.memory_space<vmem>>, vector<1x16xf32>,
        %parallel_loop3A_282 = vector.shape_cast %parallel_loop3A_281 : vector<1x16xf32> to vector<16xf32>
        %parallel_loop3A_283 = arith.index_cast %parallel_loop3A_276 : i32 to index
        %parallel_loop3A_284 = arith.constant 0 : index
        %parallel_loop3A_285 = tpu.vector_load %arg8[%parallel_loop3A_283, %parallel_loop3A_284] {strides = array<i32>} : memref<264x64xf32, #tpu.memory_space<vmem>>, vector<1x16xf32>,
        %parallel_loop3A_286 = vector.shape_cast %parallel_loop3A_285 : vector<1x16xf32> to vector<16xf32>
        %parallel_loop3A_287 = arith.addf %parallel_loop3A_282, %parallel_loop3A_286 : vector<16xf32>
        %parallel_loop3A_288 = arith.index_cast %parallel_loop3A_271 : i32 to index
        %parallel_loop3A_289 = arith.constant 0 : index
        %parallel_loop3A_290 = tpu.vector_load %arg11[%parallel_loop3A_288, %parallel_loop3A_289] {strides = array<i32>} : memref<64x64xf32, #tpu.memory_space<vmem>>, vector<1x16xf32>,
        %parallel_loop3A_291 = vector.shape_cast %parallel_loop3A_290 : vector<1x16xf32> to vector<16xf32>
        %parallel_loop3A_292 = vector.shape_cast %parallel_loop3A_287 : vector<16xf32> to vector<1x16xf32>
        tpu.vector_store %arg11[%parallel_loop3A_288, %parallel_loop3A_289], %parallel_loop3A_292 {strides = array<i32>} : memref<64x64xf32, #tpu.memory_space<vmem>>, vector<1x16xf32>,
        %parallel_loop3A_293 = arith.constant 16 : i32
        %parallel_loop3A_294 = arith.addi %parallel_loop3A_275, %parallel_loop3A_293 : i32
        %parallel_loop3A_295 = arith.index_cast %parallel_loop3A_271 : i32 to index
        %parallel_loop3A_296 = arith.index_cast %parallel_loop3A_294 : i32 to index
        %parallel_loop3A_297 = tpu.vector_load %arg9[%parallel_loop3A_295, %parallel_loop3A_296] {strides = array<i32>} : memref<64x128xf32, #tpu.memory_space<vmem>>, vector<1x16xf32>,
        %parallel_loop3A_298 = vector.shape_cast %parallel_loop3A_297 : vector<1x16xf32> to vector<16xf32>
        %parallel_loop3A_299 = arith.index_cast %parallel_loop3A_276 : i32 to index
        %parallel_loop3A_300 = arith.constant 16 : index
        %parallel_loop3A_301 = tpu.vector_load %arg8[%parallel_loop3A_299, %parallel_loop3A_300] {strides = array<i32>} : memref<264x64xf32, #tpu.memory_space<vmem>>, vector<1x16xf32>,
        %parallel_loop3A_302 = vector.shape_cast %parallel_loop3A_301 : vector<1x16xf32> to vector<16xf32>
        %parallel_loop3A_303 = arith.addf %parallel_loop3A_298, %parallel_loop3A_302 : vector<16xf32>
        %parallel_loop3A_304 = arith.index_cast %parallel_loop3A_271 : i32 to index
        %parallel_loop3A_305 = arith.constant 16 : index
        %parallel_loop3A_306 = tpu.vector_load %arg11[%parallel_loop3A_304, %parallel_loop3A_305] {strides = array<i32>} : memref<64x64xf32, #tpu.memory_space<vmem>>, vector<1x16xf32>,
        %parallel_loop3A_307 = vector.shape_cast %parallel_loop3A_306 : vector<1x16xf32> to vector<16xf32>
        %parallel_loop3A_308 = vector.shape_cast %parallel_loop3A_303 : vector<16xf32> to vector<1x16xf32>
        tpu.vector_store %arg11[%parallel_loop3A_304, %parallel_loop3A_305], %parallel_loop3A_308 {strides = array<i32>} : memref<64x64xf32, #tpu.memory_space<vmem>>, vector<1x16xf32>,
        %parallel_loop3A_309 = arith.constant 32 : i32
        %parallel_loop3A_310 = arith.addi %parallel_loop3A_275, %parallel_loop3A_309 : i32
        %parallel_loop3A_311 = arith.index_cast %parallel_loop3A_271 : i32 to index
        %parallel_loop3A_312 = arith.index_cast %parallel_loop3A_310 : i32 to index
        %parallel_loop3A_313 = tpu.vector_load %arg9[%parallel_loop3A_311, %parallel_loop3A_312] {strides = array<i32>} : memref<64x128xf32, #tpu.memory_space<vmem>>, vector<1x16xf32>,
        %parallel_loop3A_314 = vector.shape_cast %parallel_loop3A_313 : vector<1x16xf32> to vector<16xf32>
        %parallel_loop3A_315 = arith.index_cast %parallel_loop3A_276 : i32 to index
        %parallel_loop3A_316 = arith.constant 32 : index
        %parallel_loop3A_317 = tpu.vector_load %arg8[%parallel_loop3A_315, %parallel_loop3A_316] {strides = array<i32>} : memref<264x64xf32, #tpu.memory_space<vmem>>, vector<1x16xf32>,
        %parallel_loop3A_318 = vector.shape_cast %parallel_loop3A_317 : vector<1x16xf32> to vector<16xf32>
        %parallel_loop3A_319 = arith.addf %parallel_loop3A_314, %parallel_loop3A_318 : vector<16xf32>
        %parallel_loop3A_320 = arith.index_cast %parallel_loop3A_271 : i32 to index
        %parallel_loop3A_321 = arith.constant 32 : index
        %parallel_loop3A_322 = tpu.vector_load %arg11[%parallel_loop3A_320, %parallel_loop3A_321] {strides = array<i32>} : memref<64x64xf32, #tpu.memory_space<vmem>>, vector<1x16xf32>,
        %parallel_loop3A_323 = vector.shape_cast %parallel_loop3A_322 : vector<1x16xf32> to vector<16xf32>
        %parallel_loop3A_324 = vector.shape_cast %parallel_loop3A_319 : vector<16xf32> to vector<1x16xf32>
        tpu.vector_store %arg11[%parallel_loop3A_320, %parallel_loop3A_321], %parallel_loop3A_324 {strides = array<i32>} : memref<64x64xf32, #tpu.memory_space<vmem>>, vector<1x16xf32>,
        %parallel_loop3A_325 = arith.constant 48 : i32
        %parallel_loop3A_326 = arith.addi %parallel_loop3A_275, %parallel_loop3A_325 : i32
        %parallel_loop3A_327 = arith.index_cast %parallel_loop3A_271 : i32 to index
        %parallel_loop3A_328 = arith.index_cast %parallel_loop3A_326 : i32 to index
        %parallel_loop3A_329 = tpu.vector_load %arg9[%parallel_loop3A_327, %parallel_loop3A_328] {strides = array<i32>} : memref<64x128xf32, #tpu.memory_space<vmem>>, vector<1x16xf32>,
        %parallel_loop3A_330 = vector.shape_cast %parallel_loop3A_329 : vector<1x16xf32> to vector<16xf32>
        %parallel_loop3A_331 = arith.index_cast %parallel_loop3A_276 : i32 to index
        %parallel_loop3A_332 = arith.constant 48 : index
        %parallel_loop3A_333 = tpu.vector_load %arg8[%parallel_loop3A_331, %parallel_loop3A_332] {strides = array<i32>} : memref<264x64xf32, #tpu.memory_space<vmem>>, vector<1x16xf32>,
        %parallel_loop3A_334 = vector.shape_cast %parallel_loop3A_333 : vector<1x16xf32> to vector<16xf32>
        %parallel_loop3A_335 = arith.addf %parallel_loop3A_330, %parallel_loop3A_334 : vector<16xf32>
        %parallel_loop3A_336 = arith.index_cast %parallel_loop3A_271 : i32 to index
        %parallel_loop3A_337 = arith.constant 48 : index
        %parallel_loop3A_338 = tpu.vector_load %arg11[%parallel_loop3A_336, %parallel_loop3A_337] {strides = array<i32>} : memref<64x64xf32, #tpu.memory_space<vmem>>, vector<1x16xf32>,
        %parallel_loop3A_339 = vector.shape_cast %parallel_loop3A_338 : vector<1x16xf32> to vector<16xf32>
        %parallel_loop3A_340 = vector.shape_cast %parallel_loop3A_335 : vector<16xf32> to vector<1x16xf32>
        tpu.vector_store %arg11[%parallel_loop3A_336, %parallel_loop3A_337], %parallel_loop3A_340 {strides = array<i32>} : memref<64x64xf32, #tpu.memory_space<vmem>>, vector<1x16xf32>,
        %parallel_loop3A_341 = arith.constant 3 : i32
        %parallel_loop3A_342 = arith.addi %parallel_loop3A_118, %parallel_loop3A_341 : i32
        %parallel_loop3A_343 = vector.extract_strided_slice %parallel_loop3A_127 {offsets = [3], sizes = [1], strides = [1]} : vector<16xi32> to vector<1xi32>
        %parallel_loop3A_344 = vector.extract %parallel_loop3A_343[0] : i32 from vector<1xi32>
        %parallel_loop3A_345 = arith.constant 64 : i32
        %parallel_loop3A_346 = arith.muli %parallel_loop3A_344, %parallel_loop3A_345 : i32
        %parallel_loop3A_347 = arith.addi %scan3A_40, %parallel_loop3A_342 : i32
        %parallel_loop3A_348 = arith.constant 0 : i32
        %parallel_loop3A_349 = arith.addi %parallel_loop3A_346, %parallel_loop3A_348 : i32
        %parallel_loop3A_350 = arith.index_cast %parallel_loop3A_342 : i32 to index
        %parallel_loop3A_351 = arith.index_cast %parallel_loop3A_349 : i32 to index
        %parallel_loop3A_352 = tpu.vector_load %arg9[%parallel_loop3A_350, %parallel_loop3A_351] {strides = array<i32>} : memref<64x128xf32, #tpu.memory_space<vmem>>, vector<1x16xf32>,
        %parallel_loop3A_353 = vector.shape_cast %parallel_loop3A_352 : vector<1x16xf32> to vector<16xf32>
        %parallel_loop3A_354 = arith.index_cast %parallel_loop3A_347 : i32 to index
        %parallel_loop3A_355 = arith.constant 0 : index
        %parallel_loop3A_356 = tpu.vector_load %arg8[%parallel_loop3A_354, %parallel_loop3A_355] {strides = array<i32>} : memref<264x64xf32, #tpu.memory_space<vmem>>, vector<1x16xf32>,
        %parallel_loop3A_357 = vector.shape_cast %parallel_loop3A_356 : vector<1x16xf32> to vector<16xf32>
        %parallel_loop3A_358 = arith.addf %parallel_loop3A_353, %parallel_loop3A_357 : vector<16xf32>
        %parallel_loop3A_359 = arith.index_cast %parallel_loop3A_342 : i32 to index
        %parallel_loop3A_360 = arith.constant 0 : index
        %parallel_loop3A_361 = tpu.vector_load %arg11[%parallel_loop3A_359, %parallel_loop3A_360] {strides = array<i32>} : memref<64x64xf32, #tpu.memory_space<vmem>>, vector<1x16xf32>,
        %parallel_loop3A_362 = vector.shape_cast %parallel_loop3A_361 : vector<1x16xf32> to vector<16xf32>
        %parallel_loop3A_363 = vector.shape_cast %parallel_loop3A_358 : vector<16xf32> to vector<1x16xf32>
        tpu.vector_store %arg11[%parallel_loop3A_359, %parallel_loop3A_360], %parallel_loop3A_363 {strides = array<i32>} : memref<64x64xf32, #tpu.memory_space<vmem>>, vector<1x16xf32>,
        %parallel_loop3A_364 = arith.constant 16 : i32
        %parallel_loop3A_365 = arith.addi %parallel_loop3A_346, %parallel_loop3A_364 : i32
        %parallel_loop3A_366 = arith.index_cast %parallel_loop3A_342 : i32 to index
        %parallel_loop3A_367 = arith.index_cast %parallel_loop3A_365 : i32 to index
        %parallel_loop3A_368 = tpu.vector_load %arg9[%parallel_loop3A_366, %parallel_loop3A_367] {strides = array<i32>} : memref<64x128xf32, #tpu.memory_space<vmem>>, vector<1x16xf32>,
        %parallel_loop3A_369 = vector.shape_cast %parallel_loop3A_368 : vector<1x16xf32> to vector<16xf32>
        %parallel_loop3A_370 = arith.index_cast %parallel_loop3A_347 : i32 to index
        %parallel_loop3A_371 = arith.constant 16 : index
        %parallel_loop3A_372 = tpu.vector_load %arg8[%parallel_loop3A_370, %parallel_loop3A_371] {strides = array<i32>} : memref<264x64xf32, #tpu.memory_space<vmem>>, vector<1x16xf32>,
        %parallel_loop3A_373 = vector.shape_cast %parallel_loop3A_372 : vector<1x16xf32> to vector<16xf32>
        %parallel_loop3A_374 = arith.addf %parallel_loop3A_369, %parallel_loop3A_373 : vector<16xf32>
        %parallel_loop3A_375 = arith.index_cast %parallel_loop3A_342 : i32 to index
        %parallel_loop3A_376 = arith.constant 16 : index
        %parallel_loop3A_377 = tpu.vector_load %arg11[%parallel_loop3A_375, %parallel_loop3A_376] {strides = array<i32>} : memref<64x64xf32, #tpu.memory_space<vmem>>, vector<1x16xf32>,
        %parallel_loop3A_378 = vector.shape_cast %parallel_loop3A_377 : vector<1x16xf32> to vector<16xf32>
        %parallel_loop3A_379 = vector.shape_cast %parallel_loop3A_374 : vector<16xf32> to vector<1x16xf32>
        tpu.vector_store %arg11[%parallel_loop3A_375, %parallel_loop3A_376], %parallel_loop3A_379 {strides = array<i32>} : memref<64x64xf32, #tpu.memory_space<vmem>>, vector<1x16xf32>,
        %parallel_loop3A_380 = arith.constant 32 : i32
        %parallel_loop3A_381 = arith.addi %parallel_loop3A_346, %parallel_loop3A_380 : i32
        %parallel_loop3A_382 = arith.index_cast %parallel_loop3A_342 : i32 to index
        %parallel_loop3A_383 = arith.index_cast %parallel_loop3A_381 : i32 to index
        %parallel_loop3A_384 = tpu.vector_load %arg9[%parallel_loop3A_382, %parallel_loop3A_383] {strides = array<i32>} : memref<64x128xf32, #tpu.memory_space<vmem>>, vector<1x16xf32>,
        %parallel_loop3A_385 = vector.shape_cast %parallel_loop3A_384 : vector<1x16xf32> to vector<16xf32>
        %parallel_loop3A_386 = arith.index_cast %parallel_loop3A_347 : i32 to index
        %parallel_loop3A_387 = arith.constant 32 : index
        %parallel_loop3A_388 = tpu.vector_load %arg8[%parallel_loop3A_386, %parallel_loop3A_387] {strides = array<i32>} : memref<264x64xf32, #tpu.memory_space<vmem>>, vector<1x16xf32>,
        %parallel_loop3A_389 = vector.shape_cast %parallel_loop3A_388 : vector<1x16xf32> to vector<16xf32>
        %parallel_loop3A_390 = arith.addf %parallel_loop3A_385, %parallel_loop3A_389 : vector<16xf32>
        %parallel_loop3A_391 = arith.index_cast %parallel_loop3A_342 : i32 to index
        %parallel_loop3A_392 = arith.constant 32 : index
        %parallel_loop3A_393 = tpu.vector_load %arg11[%parallel_loop3A_391, %parallel_loop3A_392] {strides = array<i32>} : memref<64x64xf32, #tpu.memory_space<vmem>>, vector<1x16xf32>,
        %parallel_loop3A_394 = vector.shape_cast %parallel_loop3A_393 : vector<1x16xf32> to vector<16xf32>
        %parallel_loop3A_395 = vector.shape_cast %parallel_loop3A_390 : vector<16xf32> to vector<1x16xf32>
        tpu.vector_store %arg11[%parallel_loop3A_391, %parallel_loop3A_392], %parallel_loop3A_395 {strides = array<i32>} : memref<64x64xf32, #tpu.memory_space<vmem>>, vector<1x16xf32>,
        %parallel_loop3A_396 = arith.constant 48 : i32
        %parallel_loop3A_397 = arith.addi %parallel_loop3A_346, %parallel_loop3A_396 : i32
        %parallel_loop3A_398 = arith.index_cast %parallel_loop3A_342 : i32 to index
        %parallel_loop3A_399 = arith.index_cast %parallel_loop3A_397 : i32 to index
        %parallel_loop3A_400 = tpu.vector_load %arg9[%parallel_loop3A_398, %parallel_loop3A_399] {strides = array<i32>} : memref<64x128xf32, #tpu.memory_space<vmem>>, vector<1x16xf32>,
        %parallel_loop3A_401 = vector.shape_cast %parallel_loop3A_400 : vector<1x16xf32> to vector<16xf32>
        %parallel_loop3A_402 = arith.index_cast %parallel_loop3A_347 : i32 to index
        %parallel_loop3A_403 = arith.constant 48 : index
        %parallel_loop3A_404 = tpu.vector_load %arg8[%parallel_loop3A_402, %parallel_loop3A_403] {strides = array<i32>} : memref<264x64xf32, #tpu.memory_space<vmem>>, vector<1x16xf32>,
        %parallel_loop3A_405 = vector.shape_cast %parallel_loop3A_404 : vector<1x16xf32> to vector<16xf32>
        %parallel_loop3A_406 = arith.addf %parallel_loop3A_401, %parallel_loop3A_405 : vector<16xf32>
        %parallel_loop3A_407 = arith.index_cast %parallel_loop3A_342 : i32 to index
        %parallel_loop3A_408 = arith.constant 48 : index
        %parallel_loop3A_409 = tpu.vector_load %arg11[%parallel_loop3A_407, %parallel_loop3A_408] {strides = array<i32>} : memref<64x64xf32, #tpu.memory_space<vmem>>, vector<1x16xf32>,
        %parallel_loop3A_410 = vector.shape_cast %parallel_loop3A_409 : vector<1x16xf32> to vector<16xf32>
        %parallel_loop3A_411 = vector.shape_cast %parallel_loop3A_406 : vector<16xf32> to vector<1x16xf32>
        tpu.vector_store %arg11[%parallel_loop3A_407, %parallel_loop3A_408], %parallel_loop3A_411 {strides = array<i32>} : memref<64x64xf32, #tpu.memory_space<vmem>>, vector<1x16xf32>,
        %parallel_loop3A_412 = arith.constant 4 : i32
        %parallel_loop3A_413 = arith.addi %parallel_loop3A_118, %parallel_loop3A_412 : i32
        %parallel_loop3A_414 = vector.extract_strided_slice %parallel_loop3A_127 {offsets = [4], sizes = [1], strides = [1]} : vector<16xi32> to vector<1xi32>
        %parallel_loop3A_415 = vector.extract %parallel_loop3A_414[0] : i32 from vector<1xi32>
        %parallel_loop3A_416 = arith.constant 64 : i32
        %parallel_loop3A_417 = arith.muli %parallel_loop3A_415, %parallel_loop3A_416 : i32
        %parallel_loop3A_418 = arith.addi %scan3A_40, %parallel_loop3A_413 : i32
        %parallel_loop3A_419 = arith.constant 0 : i32
        %parallel_loop3A_420 = arith.addi %parallel_loop3A_417, %parallel_loop3A_419 : i32
        %parallel_loop3A_421 = arith.index_cast %parallel_loop3A_413 : i32 to index
        %parallel_loop3A_422 = arith.index_cast %parallel_loop3A_420 : i32 to index
        %parallel_loop3A_423 = tpu.vector_load %arg9[%parallel_loop3A_421, %parallel_loop3A_422] {strides = array<i32>} : memref<64x128xf32, #tpu.memory_space<vmem>>, vector<1x16xf32>,
        %parallel_loop3A_424 = vector.shape_cast %parallel_loop3A_423 : vector<1x16xf32> to vector<16xf32>
        %parallel_loop3A_425 = arith.index_cast %parallel_loop3A_418 : i32 to index
        %parallel_loop3A_426 = arith.constant 0 : index
        %parallel_loop3A_427 = tpu.vector_load %arg8[%parallel_loop3A_425, %parallel_loop3A_426] {strides = array<i32>} : memref<264x64xf32, #tpu.memory_space<vmem>>, vector<1x16xf32>,
        %parallel_loop3A_428 = vector.shape_cast %parallel_loop3A_427 : vector<1x16xf32> to vector<16xf32>
        %parallel_loop3A_429 = arith.addf %parallel_loop3A_424, %parallel_loop3A_428 : vector<16xf32>
        %parallel_loop3A_430 = arith.index_cast %parallel_loop3A_413 : i32 to index
        %parallel_loop3A_431 = arith.constant 0 : index
        %parallel_loop3A_432 = tpu.vector_load %arg11[%parallel_loop3A_430, %parallel_loop3A_431] {strides = array<i32>} : memref<64x64xf32, #tpu.memory_space<vmem>>, vector<1x16xf32>,
        %parallel_loop3A_433 = vector.shape_cast %parallel_loop3A_432 : vector<1x16xf32> to vector<16xf32>
        %parallel_loop3A_434 = vector.shape_cast %parallel_loop3A_429 : vector<16xf32> to vector<1x16xf32>
        tpu.vector_store %arg11[%parallel_loop3A_430, %parallel_loop3A_431], %parallel_loop3A_434 {strides = array<i32>} : memref<64x64xf32, #tpu.memory_space<vmem>>, vector<1x16xf32>,
        %parallel_loop3A_435 = arith.constant 16 : i32
        %parallel_loop3A_436 = arith.addi %parallel_loop3A_417, %parallel_loop3A_435 : i32
        %parallel_loop3A_437 = arith.index_cast %parallel_loop3A_413 : i32 to index
        %parallel_loop3A_438 = arith.index_cast %parallel_loop3A_436 : i32 to index
        %parallel_loop3A_439 = tpu.vector_load %arg9[%parallel_loop3A_437, %parallel_loop3A_438] {strides = array<i32>} : memref<64x128xf32, #tpu.memory_space<vmem>>, vector<1x16xf32>,
        %parallel_loop3A_440 = vector.shape_cast %parallel_loop3A_439 : vector<1x16xf32> to vector<16xf32>
        %parallel_loop3A_441 = arith.index_cast %parallel_loop3A_418 : i32 to index
        %parallel_loop3A_442 = arith.constant 16 : index
        %parallel_loop3A_443 = tpu.vector_load %arg8[%parallel_loop3A_441, %parallel_loop3A_442] {strides = array<i32>} : memref<264x64xf32, #tpu.memory_space<vmem>>, vector<1x16xf32>,
        %parallel_loop3A_444 = vector.shape_cast %parallel_loop3A_443 : vector<1x16xf32> to vector<16xf32>
        %parallel_loop3A_445 = arith.addf %parallel_loop3A_440, %parallel_loop3A_444 : vector<16xf32>
        %parallel_loop3A_446 = arith.index_cast %parallel_loop3A_413 : i32 to index
        %parallel_loop3A_447 = arith.constant 16 : index
        %parallel_loop3A_448 = tpu.vector_load %arg11[%parallel_loop3A_446, %parallel_loop3A_447] {strides = array<i32>} : memref<64x64xf32, #tpu.memory_space<vmem>>, vector<1x16xf32>,
        %parallel_loop3A_449 = vector.shape_cast %parallel_loop3A_448 : vector<1x16xf32> to vector<16xf32>
        %parallel_loop3A_450 = vector.shape_cast %parallel_loop3A_445 : vector<16xf32> to vector<1x16xf32>
        tpu.vector_store %arg11[%parallel_loop3A_446, %parallel_loop3A_447], %parallel_loop3A_450 {strides = array<i32>} : memref<64x64xf32, #tpu.memory_space<vmem>>, vector<1x16xf32>,
        %parallel_loop3A_451 = arith.constant 32 : i32
        %parallel_loop3A_452 = arith.addi %parallel_loop3A_417, %parallel_loop3A_451 : i32
        %parallel_loop3A_453 = arith.index_cast %parallel_loop3A_413 : i32 to index
        %parallel_loop3A_454 = arith.index_cast %parallel_loop3A_452 : i32 to index
        %parallel_loop3A_455 = tpu.vector_load %arg9[%parallel_loop3A_453, %parallel_loop3A_454] {strides = array<i32>} : memref<64x128xf32, #tpu.memory_space<vmem>>, vector<1x16xf32>,
        %parallel_loop3A_456 = vector.shape_cast %parallel_loop3A_455 : vector<1x16xf32> to vector<16xf32>
        %parallel_loop3A_457 = arith.index_cast %parallel_loop3A_418 : i32 to index
        %parallel_loop3A_458 = arith.constant 32 : index
        %parallel_loop3A_459 = tpu.vector_load %arg8[%parallel_loop3A_457, %parallel_loop3A_458] {strides = array<i32>} : memref<264x64xf32, #tpu.memory_space<vmem>>, vector<1x16xf32>,
        %parallel_loop3A_460 = vector.shape_cast %parallel_loop3A_459 : vector<1x16xf32> to vector<16xf32>
        %parallel_loop3A_461 = arith.addf %parallel_loop3A_456, %parallel_loop3A_460 : vector<16xf32>
        %parallel_loop3A_462 = arith.index_cast %parallel_loop3A_413 : i32 to index
        %parallel_loop3A_463 = arith.constant 32 : index
        %parallel_loop3A_464 = tpu.vector_load %arg11[%parallel_loop3A_462, %parallel_loop3A_463] {strides = array<i32>} : memref<64x64xf32, #tpu.memory_space<vmem>>, vector<1x16xf32>,
        %parallel_loop3A_465 = vector.shape_cast %parallel_loop3A_464 : vector<1x16xf32> to vector<16xf32>
        %parallel_loop3A_466 = vector.shape_cast %parallel_loop3A_461 : vector<16xf32> to vector<1x16xf32>
        tpu.vector_store %arg11[%parallel_loop3A_462, %parallel_loop3A_463], %parallel_loop3A_466 {strides = array<i32>} : memref<64x64xf32, #tpu.memory_space<vmem>>, vector<1x16xf32>,
        %parallel_loop3A_467 = arith.constant 48 : i32
        %parallel_loop3A_468 = arith.addi %parallel_loop3A_417, %parallel_loop3A_467 : i32
        %parallel_loop3A_469 = arith.index_cast %parallel_loop3A_413 : i32 to index
        %parallel_loop3A_470 = arith.index_cast %parallel_loop3A_468 : i32 to index
        %parallel_loop3A_471 = tpu.vector_load %arg9[%parallel_loop3A_469, %parallel_loop3A_470] {strides = array<i32>} : memref<64x128xf32, #tpu.memory_space<vmem>>, vector<1x16xf32>,
        %parallel_loop3A_472 = vector.shape_cast %parallel_loop3A_471 : vector<1x16xf32> to vector<16xf32>
        %parallel_loop3A_473 = arith.index_cast %parallel_loop3A_418 : i32 to index
        %parallel_loop3A_474 = arith.constant 48 : index
        %parallel_loop3A_475 = tpu.vector_load %arg8[%parallel_loop3A_473, %parallel_loop3A_474] {strides = array<i32>} : memref<264x64xf32, #tpu.memory_space<vmem>>, vector<1x16xf32>,
        %parallel_loop3A_476 = vector.shape_cast %parallel_loop3A_475 : vector<1x16xf32> to vector<16xf32>
        %parallel_loop3A_477 = arith.addf %parallel_loop3A_472, %parallel_loop3A_476 : vector<16xf32>
        %parallel_loop3A_478 = arith.index_cast %parallel_loop3A_413 : i32 to index
        %parallel_loop3A_479 = arith.constant 48 : index
        %parallel_loop3A_480 = tpu.vector_load %arg11[%parallel_loop3A_478, %parallel_loop3A_479] {strides = array<i32>} : memref<64x64xf32, #tpu.memory_space<vmem>>, vector<1x16xf32>,
        %parallel_loop3A_481 = vector.shape_cast %parallel_loop3A_480 : vector<1x16xf32> to vector<16xf32>
        %parallel_loop3A_482 = vector.shape_cast %parallel_loop3A_477 : vector<16xf32> to vector<1x16xf32>
        tpu.vector_store %arg11[%parallel_loop3A_478, %parallel_loop3A_479], %parallel_loop3A_482 {strides = array<i32>} : memref<64x64xf32, #tpu.memory_space<vmem>>, vector<1x16xf32>,
        %parallel_loop3A_483 = arith.constant 5 : i32
        %parallel_loop3A_484 = arith.addi %parallel_loop3A_118, %parallel_loop3A_483 : i32
        %parallel_loop3A_485 = vector.extract_strided_slice %parallel_loop3A_127 {offsets = [5], sizes = [1], strides = [1]} : vector<16xi32> to vector<1xi32>
        %parallel_loop3A_486 = vector.extract %parallel_loop3A_485[0] : i32 from vector<1xi32>
        %parallel_loop3A_487 = arith.constant 64 : i32
        %parallel_loop3A_488 = arith.muli %parallel_loop3A_486, %parallel_loop3A_487 : i32
        %parallel_loop3A_489 = arith.addi %scan3A_40, %parallel_loop3A_484 : i32
        %parallel_loop3A_490 = arith.constant 0 : i32
        %parallel_loop3A_491 = arith.addi %parallel_loop3A_488, %parallel_loop3A_490 : i32
        %parallel_loop3A_492 = arith.index_cast %parallel_loop3A_484 : i32 to index
        %parallel_loop3A_493 = arith.index_cast %parallel_loop3A_491 : i32 to index
        %parallel_loop3A_494 = tpu.vector_load %arg9[%parallel_loop3A_492, %parallel_loop3A_493] {strides = array<i32>} : memref<64x128xf32, #tpu.memory_space<vmem>>, vector<1x16xf32>,
        %parallel_loop3A_495 = vector.shape_cast %parallel_loop3A_494 : vector<1x16xf32> to vector<16xf32>
        %parallel_loop3A_496 = arith.index_cast %parallel_loop3A_489 : i32 to index
        %parallel_loop3A_497 = arith.constant 0 : index
        %parallel_loop3A_498 = tpu.vector_load %arg8[%parallel_loop3A_496, %parallel_loop3A_497] {strides = array<i32>} : memref<264x64xf32, #tpu.memory_space<vmem>>, vector<1x16xf32>,
        %parallel_loop3A_499 = vector.shape_cast %parallel_loop3A_498 : vector<1x16xf32> to vector<16xf32>
        %parallel_loop3A_500 = arith.addf %parallel_loop3A_495, %parallel_loop3A_499 : vector<16xf32>
        %parallel_loop3A_501 = arith.index_cast %parallel_loop3A_484 : i32 to index
        %parallel_loop3A_502 = arith.constant 0 : index
        %parallel_loop3A_503 = tpu.vector_load %arg11[%parallel_loop3A_501, %parallel_loop3A_502] {strides = array<i32>} : memref<64x64xf32, #tpu.memory_space<vmem>>, vector<1x16xf32>,
        %parallel_loop3A_504 = vector.shape_cast %parallel_loop3A_503 : vector<1x16xf32> to vector<16xf32>
        %parallel_loop3A_505 = vector.shape_cast %parallel_loop3A_500 : vector<16xf32> to vector<1x16xf32>
        tpu.vector_store %arg11[%parallel_loop3A_501, %parallel_loop3A_502], %parallel_loop3A_505 {strides = array<i32>} : memref<64x64xf32, #tpu.memory_space<vmem>>, vector<1x16xf32>,
        %parallel_loop3A_506 = arith.constant 16 : i32
        %parallel_loop3A_507 = arith.addi %parallel_loop3A_488, %parallel_loop3A_506 : i32
        %parallel_loop3A_508 = arith.index_cast %parallel_loop3A_484 : i32 to index
        %parallel_loop3A_509 = arith.index_cast %parallel_loop3A_507 : i32 to index
        %parallel_loop3A_510 = tpu.vector_load %arg9[%parallel_loop3A_508, %parallel_loop3A_509] {strides = array<i32>} : memref<64x128xf32, #tpu.memory_space<vmem>>, vector<1x16xf32>,
        %parallel_loop3A_511 = vector.shape_cast %parallel_loop3A_510 : vector<1x16xf32> to vector<16xf32>
        %parallel_loop3A_512 = arith.index_cast %parallel_loop3A_489 : i32 to index
        %parallel_loop3A_513 = arith.constant 16 : index
        %parallel_loop3A_514 = tpu.vector_load %arg8[%parallel_loop3A_512, %parallel_loop3A_513] {strides = array<i32>} : memref<264x64xf32, #tpu.memory_space<vmem>>, vector<1x16xf32>,
        %parallel_loop3A_515 = vector.shape_cast %parallel_loop3A_514 : vector<1x16xf32> to vector<16xf32>
        %parallel_loop3A_516 = arith.addf %parallel_loop3A_511, %parallel_loop3A_515 : vector<16xf32>
        %parallel_loop3A_517 = arith.index_cast %parallel_loop3A_484 : i32 to index
        %parallel_loop3A_518 = arith.constant 16 : index
        %parallel_loop3A_519 = tpu.vector_load %arg11[%parallel_loop3A_517, %parallel_loop3A_518] {strides = array<i32>} : memref<64x64xf32, #tpu.memory_space<vmem>>, vector<1x16xf32>,
        %parallel_loop3A_520 = vector.shape_cast %parallel_loop3A_519 : vector<1x16xf32> to vector<16xf32>
        %parallel_loop3A_521 = vector.shape_cast %parallel_loop3A_516 : vector<16xf32> to vector<1x16xf32>
        tpu.vector_store %arg11[%parallel_loop3A_517, %parallel_loop3A_518], %parallel_loop3A_521 {strides = array<i32>} : memref<64x64xf32, #tpu.memory_space<vmem>>, vector<1x16xf32>,
        %parallel_loop3A_522 = arith.constant 32 : i32
        %parallel_loop3A_523 = arith.addi %parallel_loop3A_488, %parallel_loop3A_522 : i32
        %parallel_loop3A_524 = arith.index_cast %parallel_loop3A_484 : i32 to index
        %parallel_loop3A_525 = arith.index_cast %parallel_loop3A_523 : i32 to index
        %parallel_loop3A_526 = tpu.vector_load %arg9[%parallel_loop3A_524, %parallel_loop3A_525] {strides = array<i32>} : memref<64x128xf32, #tpu.memory_space<vmem>>, vector<1x16xf32>,
        %parallel_loop3A_527 = vector.shape_cast %parallel_loop3A_526 : vector<1x16xf32> to vector<16xf32>
        %parallel_loop3A_528 = arith.index_cast %parallel_loop3A_489 : i32 to index
        %parallel_loop3A_529 = arith.constant 32 : index
        %parallel_loop3A_530 = tpu.vector_load %arg8[%parallel_loop3A_528, %parallel_loop3A_529] {strides = array<i32>} : memref<264x64xf32, #tpu.memory_space<vmem>>, vector<1x16xf32>,
        %parallel_loop3A_531 = vector.shape_cast %parallel_loop3A_530 : vector<1x16xf32> to vector<16xf32>
        %parallel_loop3A_532 = arith.addf %parallel_loop3A_527, %parallel_loop3A_531 : vector<16xf32>
        %parallel_loop3A_533 = arith.index_cast %parallel_loop3A_484 : i32 to index
        %parallel_loop3A_534 = arith.constant 32 : index
        %parallel_loop3A_535 = tpu.vector_load %arg11[%parallel_loop3A_533, %parallel_loop3A_534] {strides = array<i32>} : memref<64x64xf32, #tpu.memory_space<vmem>>, vector<1x16xf32>,
        %parallel_loop3A_536 = vector.shape_cast %parallel_loop3A_535 : vector<1x16xf32> to vector<16xf32>
        %parallel_loop3A_537 = vector.shape_cast %parallel_loop3A_532 : vector<16xf32> to vector<1x16xf32>
        tpu.vector_store %arg11[%parallel_loop3A_533, %parallel_loop3A_534], %parallel_loop3A_537 {strides = array<i32>} : memref<64x64xf32, #tpu.memory_space<vmem>>, vector<1x16xf32>,
        %parallel_loop3A_538 = arith.constant 48 : i32
        %parallel_loop3A_539 = arith.addi %parallel_loop3A_488, %parallel_loop3A_538 : i32
        %parallel_loop3A_540 = arith.index_cast %parallel_loop3A_484 : i32 to index
        %parallel_loop3A_541 = arith.index_cast %parallel_loop3A_539 : i32 to index
        %parallel_loop3A_542 = tpu.vector_load %arg9[%parallel_loop3A_540, %parallel_loop3A_541] {strides = array<i32>} : memref<64x128xf32, #tpu.memory_space<vmem>>, vector<1x16xf32>,
        %parallel_loop3A_543 = vector.shape_cast %parallel_loop3A_542 : vector<1x16xf32> to vector<16xf32>
        %parallel_loop3A_544 = arith.index_cast %parallel_loop3A_489 : i32 to index
        %parallel_loop3A_545 = arith.constant 48 : index
        %parallel_loop3A_546 = tpu.vector_load %arg8[%parallel_loop3A_544, %parallel_loop3A_545] {strides = array<i32>} : memref<264x64xf32, #tpu.memory_space<vmem>>, vector<1x16xf32>,
        %parallel_loop3A_547 = vector.shape_cast %parallel_loop3A_546 : vector<1x16xf32> to vector<16xf32>
        %parallel_loop3A_548 = arith.addf %parallel_loop3A_543, %parallel_loop3A_547 : vector<16xf32>
        %parallel_loop3A_549 = arith.index_cast %parallel_loop3A_484 : i32 to index
        %parallel_loop3A_550 = arith.constant 48 : index
        %parallel_loop3A_551 = tpu.vector_load %arg11[%parallel_loop3A_549, %parallel_loop3A_550] {strides = array<i32>} : memref<64x64xf32, #tpu.memory_space<vmem>>, vector<1x16xf32>,
        %parallel_loop3A_552 = vector.shape_cast %parallel_loop3A_551 : vector<1x16xf32> to vector<16xf32>
        %parallel_loop3A_553 = vector.shape_cast %parallel_loop3A_548 : vector<16xf32> to vector<1x16xf32>
        tpu.vector_store %arg11[%parallel_loop3A_549, %parallel_loop3A_550], %parallel_loop3A_553 {strides = array<i32>} : memref<64x64xf32, #tpu.memory_space<vmem>>, vector<1x16xf32>,
        %parallel_loop3A_554 = arith.constant 6 : i32
        %parallel_loop3A_555 = arith.addi %parallel_loop3A_118, %parallel_loop3A_554 : i32
        %parallel_loop3A_556 = vector.extract_strided_slice %parallel_loop3A_127 {offsets = [6], sizes = [1], strides = [1]} : vector<16xi32> to vector<1xi32>
        %parallel_loop3A_557 = vector.extract %parallel_loop3A_556[0] : i32 from vector<1xi32>
        %parallel_loop3A_558 = arith.constant 64 : i32
        %parallel_loop3A_559 = arith.muli %parallel_loop3A_557, %parallel_loop3A_558 : i32
        %parallel_loop3A_560 = arith.addi %scan3A_40, %parallel_loop3A_555 : i32
        %parallel_loop3A_561 = arith.constant 0 : i32
        %parallel_loop3A_562 = arith.addi %parallel_loop3A_559, %parallel_loop3A_561 : i32
        %parallel_loop3A_563 = arith.index_cast %parallel_loop3A_555 : i32 to index
        %parallel_loop3A_564 = arith.index_cast %parallel_loop3A_562 : i32 to index
        %parallel_loop3A_565 = tpu.vector_load %arg9[%parallel_loop3A_563, %parallel_loop3A_564] {strides = array<i32>} : memref<64x128xf32, #tpu.memory_space<vmem>>, vector<1x16xf32>,
        %parallel_loop3A_566 = vector.shape_cast %parallel_loop3A_565 : vector<1x16xf32> to vector<16xf32>
        %parallel_loop3A_567 = arith.index_cast %parallel_loop3A_560 : i32 to index
        %parallel_loop3A_568 = arith.constant 0 : index
        %parallel_loop3A_569 = tpu.vector_load %arg8[%parallel_loop3A_567, %parallel_loop3A_568] {strides = array<i32>} : memref<264x64xf32, #tpu.memory_space<vmem>>, vector<1x16xf32>,
        %parallel_loop3A_570 = vector.shape_cast %parallel_loop3A_569 : vector<1x16xf32> to vector<16xf32>
        %parallel_loop3A_571 = arith.addf %parallel_loop3A_566, %parallel_loop3A_570 : vector<16xf32>
        %parallel_loop3A_572 = arith.index_cast %parallel_loop3A_555 : i32 to index
        %parallel_loop3A_573 = arith.constant 0 : index
        %parallel_loop3A_574 = tpu.vector_load %arg11[%parallel_loop3A_572, %parallel_loop3A_573] {strides = array<i32>} : memref<64x64xf32, #tpu.memory_space<vmem>>, vector<1x16xf32>,
        %parallel_loop3A_575 = vector.shape_cast %parallel_loop3A_574 : vector<1x16xf32> to vector<16xf32>
        %parallel_loop3A_576 = vector.shape_cast %parallel_loop3A_571 : vector<16xf32> to vector<1x16xf32>
        tpu.vector_store %arg11[%parallel_loop3A_572, %parallel_loop3A_573], %parallel_loop3A_576 {strides = array<i32>} : memref<64x64xf32, #tpu.memory_space<vmem>>, vector<1x16xf32>,
        %parallel_loop3A_577 = arith.constant 16 : i32
        %parallel_loop3A_578 = arith.addi %parallel_loop3A_559, %parallel_loop3A_577 : i32
        %parallel_loop3A_579 = arith.index_cast %parallel_loop3A_555 : i32 to index
        %parallel_loop3A_580 = arith.index_cast %parallel_loop3A_578 : i32 to index
        %parallel_loop3A_581 = tpu.vector_load %arg9[%parallel_loop3A_579, %parallel_loop3A_580] {strides = array<i32>} : memref<64x128xf32, #tpu.memory_space<vmem>>, vector<1x16xf32>,
        %parallel_loop3A_582 = vector.shape_cast %parallel_loop3A_581 : vector<1x16xf32> to vector<16xf32>
        %parallel_loop3A_583 = arith.index_cast %parallel_loop3A_560 : i32 to index
        %parallel_loop3A_584 = arith.constant 16 : index
        %parallel_loop3A_585 = tpu.vector_load %arg8[%parallel_loop3A_583, %parallel_loop3A_584] {strides = array<i32>} : memref<264x64xf32, #tpu.memory_space<vmem>>, vector<1x16xf32>,
        %parallel_loop3A_586 = vector.shape_cast %parallel_loop3A_585 : vector<1x16xf32> to vector<16xf32>
        %parallel_loop3A_587 = arith.addf %parallel_loop3A_582, %parallel_loop3A_586 : vector<16xf32>
        %parallel_loop3A_588 = arith.index_cast %parallel_loop3A_555 : i32 to index
        %parallel_loop3A_589 = arith.constant 16 : index
        %parallel_loop3A_590 = tpu.vector_load %arg11[%parallel_loop3A_588, %parallel_loop3A_589] {strides = array<i32>} : memref<64x64xf32, #tpu.memory_space<vmem>>, vector<1x16xf32>,
        %parallel_loop3A_591 = vector.shape_cast %parallel_loop3A_590 : vector<1x16xf32> to vector<16xf32>
        %parallel_loop3A_592 = vector.shape_cast %parallel_loop3A_587 : vector<16xf32> to vector<1x16xf32>
        tpu.vector_store %arg11[%parallel_loop3A_588, %parallel_loop3A_589], %parallel_loop3A_592 {strides = array<i32>} : memref<64x64xf32, #tpu.memory_space<vmem>>, vector<1x16xf32>,
        %parallel_loop3A_593 = arith.constant 32 : i32
        %parallel_loop3A_594 = arith.addi %parallel_loop3A_559, %parallel_loop3A_593 : i32
        %parallel_loop3A_595 = arith.index_cast %parallel_loop3A_555 : i32 to index
        %parallel_loop3A_596 = arith.index_cast %parallel_loop3A_594 : i32 to index
        %parallel_loop3A_597 = tpu.vector_load %arg9[%parallel_loop3A_595, %parallel_loop3A_596] {strides = array<i32>} : memref<64x128xf32, #tpu.memory_space<vmem>>, vector<1x16xf32>,
        %parallel_loop3A_598 = vector.shape_cast %parallel_loop3A_597 : vector<1x16xf32> to vector<16xf32>
        %parallel_loop3A_599 = arith.index_cast %parallel_loop3A_560 : i32 to index
        %parallel_loop3A_600 = arith.constant 32 : index
        %parallel_loop3A_601 = tpu.vector_load %arg8[%parallel_loop3A_599, %parallel_loop3A_600] {strides = array<i32>} : memref<264x64xf32, #tpu.memory_space<vmem>>, vector<1x16xf32>,
        %parallel_loop3A_602 = vector.shape_cast %parallel_loop3A_601 : vector<1x16xf32> to vector<16xf32>
        %parallel_loop3A_603 = arith.addf %parallel_loop3A_598, %parallel_loop3A_602 : vector<16xf32>
        %parallel_loop3A_604 = arith.index_cast %parallel_loop3A_555 : i32 to index
        %parallel_loop3A_605 = arith.constant 32 : index
        %parallel_loop3A_606 = tpu.vector_load %arg11[%parallel_loop3A_604, %parallel_loop3A_605] {strides = array<i32>} : memref<64x64xf32, #tpu.memory_space<vmem>>, vector<1x16xf32>,
        %parallel_loop3A_607 = vector.shape_cast %parallel_loop3A_606 : vector<1x16xf32> to vector<16xf32>
        %parallel_loop3A_608 = vector.shape_cast %parallel_loop3A_603 : vector<16xf32> to vector<1x16xf32>
        tpu.vector_store %arg11[%parallel_loop3A_604, %parallel_loop3A_605], %parallel_loop3A_608 {strides = array<i32>} : memref<64x64xf32, #tpu.memory_space<vmem>>, vector<1x16xf32>,
        %parallel_loop3A_609 = arith.constant 48 : i32
        %parallel_loop3A_610 = arith.addi %parallel_loop3A_559, %parallel_loop3A_609 : i32
        %parallel_loop3A_611 = arith.index_cast %parallel_loop3A_555 : i32 to index
        %parallel_loop3A_612 = arith.index_cast %parallel_loop3A_610 : i32 to index
        %parallel_loop3A_613 = tpu.vector_load %arg9[%parallel_loop3A_611, %parallel_loop3A_612] {strides = array<i32>} : memref<64x128xf32, #tpu.memory_space<vmem>>, vector<1x16xf32>,
        %parallel_loop3A_614 = vector.shape_cast %parallel_loop3A_613 : vector<1x16xf32> to vector<16xf32>
        %parallel_loop3A_615 = arith.index_cast %parallel_loop3A_560 : i32 to index
        %parallel_loop3A_616 = arith.constant 48 : index
        %parallel_loop3A_617 = tpu.vector_load %arg8[%parallel_loop3A_615, %parallel_loop3A_616] {strides = array<i32>} : memref<264x64xf32, #tpu.memory_space<vmem>>, vector<1x16xf32>,
        %parallel_loop3A_618 = vector.shape_cast %parallel_loop3A_617 : vector<1x16xf32> to vector<16xf32>
        %parallel_loop3A_619 = arith.addf %parallel_loop3A_614, %parallel_loop3A_618 : vector<16xf32>
        %parallel_loop3A_620 = arith.index_cast %parallel_loop3A_555 : i32 to index
        %parallel_loop3A_621 = arith.constant 48 : index
        %parallel_loop3A_622 = tpu.vector_load %arg11[%parallel_loop3A_620, %parallel_loop3A_621] {strides = array<i32>} : memref<64x64xf32, #tpu.memory_space<vmem>>, vector<1x16xf32>,
        %parallel_loop3A_623 = vector.shape_cast %parallel_loop3A_622 : vector<1x16xf32> to vector<16xf32>
        %parallel_loop3A_624 = vector.shape_cast %parallel_loop3A_619 : vector<16xf32> to vector<1x16xf32>
        tpu.vector_store %arg11[%parallel_loop3A_620, %parallel_loop3A_621], %parallel_loop3A_624 {strides = array<i32>} : memref<64x64xf32, #tpu.memory_space<vmem>>, vector<1x16xf32>,
        %parallel_loop3A_625 = arith.constant 7 : i32
        %parallel_loop3A_626 = arith.addi %parallel_loop3A_118, %parallel_loop3A_625 : i32
        %parallel_loop3A_627 = vector.extract_strided_slice %parallel_loop3A_127 {offsets = [7], sizes = [1], strides = [1]} : vector<16xi32> to vector<1xi32>
        %parallel_loop3A_628 = vector.extract %parallel_loop3A_627[0] : i32 from vector<1xi32>
        %parallel_loop3A_629 = arith.constant 64 : i32
        %parallel_loop3A_630 = arith.muli %parallel_loop3A_628, %parallel_loop3A_629 : i32
        %parallel_loop3A_631 = arith.addi %scan3A_40, %parallel_loop3A_626 : i32
        %parallel_loop3A_632 = arith.constant 0 : i32
        %parallel_loop3A_633 = arith.addi %parallel_loop3A_630, %parallel_loop3A_632 : i32
        %parallel_loop3A_634 = arith.index_cast %parallel_loop3A_626 : i32 to index
        %parallel_loop3A_635 = arith.index_cast %parallel_loop3A_633 : i32 to index
        %parallel_loop3A_636 = tpu.vector_load %arg9[%parallel_loop3A_634, %parallel_loop3A_635] {strides = array<i32>} : memref<64x128xf32, #tpu.memory_space<vmem>>, vector<1x16xf32>,
        %parallel_loop3A_637 = vector.shape_cast %parallel_loop3A_636 : vector<1x16xf32> to vector<16xf32>
        %parallel_loop3A_638 = arith.index_cast %parallel_loop3A_631 : i32 to index
        %parallel_loop3A_639 = arith.constant 0 : index
        %parallel_loop3A_640 = tpu.vector_load %arg8[%parallel_loop3A_638, %parallel_loop3A_639] {strides = array<i32>} : memref<264x64xf32, #tpu.memory_space<vmem>>, vector<1x16xf32>,
        %parallel_loop3A_641 = vector.shape_cast %parallel_loop3A_640 : vector<1x16xf32> to vector<16xf32>
        %parallel_loop3A_642 = arith.addf %parallel_loop3A_637, %parallel_loop3A_641 : vector<16xf32>
        %parallel_loop3A_643 = arith.index_cast %parallel_loop3A_626 : i32 to index
        %parallel_loop3A_644 = arith.constant 0 : index
        %parallel_loop3A_645 = tpu.vector_load %arg11[%parallel_loop3A_643, %parallel_loop3A_644] {strides = array<i32>} : memref<64x64xf32, #tpu.memory_space<vmem>>, vector<1x16xf32>,
        %parallel_loop3A_646 = vector.shape_cast %parallel_loop3A_645 : vector<1x16xf32> to vector<16xf32>
        %parallel_loop3A_647 = vector.shape_cast %parallel_loop3A_642 : vector<16xf32> to vector<1x16xf32>
        tpu.vector_store %arg11[%parallel_loop3A_643, %parallel_loop3A_644], %parallel_loop3A_647 {strides = array<i32>} : memref<64x64xf32, #tpu.memory_space<vmem>>, vector<1x16xf32>,
        %parallel_loop3A_648 = arith.constant 16 : i32
        %parallel_loop3A_649 = arith.addi %parallel_loop3A_630, %parallel_loop3A_648 : i32
        %parallel_loop3A_650 = arith.index_cast %parallel_loop3A_626 : i32 to index
        %parallel_loop3A_651 = arith.index_cast %parallel_loop3A_649 : i32 to index
        %parallel_loop3A_652 = tpu.vector_load %arg9[%parallel_loop3A_650, %parallel_loop3A_651] {strides = array<i32>} : memref<64x128xf32, #tpu.memory_space<vmem>>, vector<1x16xf32>,
        %parallel_loop3A_653 = vector.shape_cast %parallel_loop3A_652 : vector<1x16xf32> to vector<16xf32>
        %parallel_loop3A_654 = arith.index_cast %parallel_loop3A_631 : i32 to index
        %parallel_loop3A_655 = arith.constant 16 : index
        %parallel_loop3A_656 = tpu.vector_load %arg8[%parallel_loop3A_654, %parallel_loop3A_655] {strides = array<i32>} : memref<264x64xf32, #tpu.memory_space<vmem>>, vector<1x16xf32>,
        %parallel_loop3A_657 = vector.shape_cast %parallel_loop3A_656 : vector<1x16xf32> to vector<16xf32>
        %parallel_loop3A_658 = arith.addf %parallel_loop3A_653, %parallel_loop3A_657 : vector<16xf32>
        %parallel_loop3A_659 = arith.index_cast %parallel_loop3A_626 : i32 to index
        %parallel_loop3A_660 = arith.constant 16 : index
        %parallel_loop3A_661 = tpu.vector_load %arg11[%parallel_loop3A_659, %parallel_loop3A_660] {strides = array<i32>} : memref<64x64xf32, #tpu.memory_space<vmem>>, vector<1x16xf32>,
        %parallel_loop3A_662 = vector.shape_cast %parallel_loop3A_661 : vector<1x16xf32> to vector<16xf32>
        %parallel_loop3A_663 = vector.shape_cast %parallel_loop3A_658 : vector<16xf32> to vector<1x16xf32>
        tpu.vector_store %arg11[%parallel_loop3A_659, %parallel_loop3A_660], %parallel_loop3A_663 {strides = array<i32>} : memref<64x64xf32, #tpu.memory_space<vmem>>, vector<1x16xf32>,
        %parallel_loop3A_664 = arith.constant 32 : i32
        %parallel_loop3A_665 = arith.addi %parallel_loop3A_630, %parallel_loop3A_664 : i32
        %parallel_loop3A_666 = arith.index_cast %parallel_loop3A_626 : i32 to index
        %parallel_loop3A_667 = arith.index_cast %parallel_loop3A_665 : i32 to index
        %parallel_loop3A_668 = tpu.vector_load %arg9[%parallel_loop3A_666, %parallel_loop3A_667] {strides = array<i32>} : memref<64x128xf32, #tpu.memory_space<vmem>>, vector<1x16xf32>,
        %parallel_loop3A_669 = vector.shape_cast %parallel_loop3A_668 : vector<1x16xf32> to vector<16xf32>
        %parallel_loop3A_670 = arith.index_cast %parallel_loop3A_631 : i32 to index
        %parallel_loop3A_671 = arith.constant 32 : index
        %parallel_loop3A_672 = tpu.vector_load %arg8[%parallel_loop3A_670, %parallel_loop3A_671] {strides = array<i32>} : memref<264x64xf32, #tpu.memory_space<vmem>>, vector<1x16xf32>,
        %parallel_loop3A_673 = vector.shape_cast %parallel_loop3A_672 : vector<1x16xf32> to vector<16xf32>
        %parallel_loop3A_674 = arith.addf %parallel_loop3A_669, %parallel_loop3A_673 : vector<16xf32>
        %parallel_loop3A_675 = arith.index_cast %parallel_loop3A_626 : i32 to index
        %parallel_loop3A_676 = arith.constant 32 : index
        %parallel_loop3A_677 = tpu.vector_load %arg11[%parallel_loop3A_675, %parallel_loop3A_676] {strides = array<i32>} : memref<64x64xf32, #tpu.memory_space<vmem>>, vector<1x16xf32>,
        %parallel_loop3A_678 = vector.shape_cast %parallel_loop3A_677 : vector<1x16xf32> to vector<16xf32>
        %parallel_loop3A_679 = vector.shape_cast %parallel_loop3A_674 : vector<16xf32> to vector<1x16xf32>
        tpu.vector_store %arg11[%parallel_loop3A_675, %parallel_loop3A_676], %parallel_loop3A_679 {strides = array<i32>} : memref<64x64xf32, #tpu.memory_space<vmem>>, vector<1x16xf32>,
        %parallel_loop3A_680 = arith.constant 48 : i32
        %parallel_loop3A_681 = arith.addi %parallel_loop3A_630, %parallel_loop3A_680 : i32
        %parallel_loop3A_682 = arith.index_cast %parallel_loop3A_626 : i32 to index
        %parallel_loop3A_683 = arith.index_cast %parallel_loop3A_681 : i32 to index
        %parallel_loop3A_684 = tpu.vector_load %arg9[%parallel_loop3A_682, %parallel_loop3A_683] {strides = array<i32>} : memref<64x128xf32, #tpu.memory_space<vmem>>, vector<1x16xf32>,
        %parallel_loop3A_685 = vector.shape_cast %parallel_loop3A_684 : vector<1x16xf32> to vector<16xf32>
        %parallel_loop3A_686 = arith.index_cast %parallel_loop3A_631 : i32 to index
        %parallel_loop3A_687 = arith.constant 48 : index
        %parallel_loop3A_688 = tpu.vector_load %arg8[%parallel_loop3A_686, %parallel_loop3A_687] {strides = array<i32>} : memref<264x64xf32, #tpu.memory_space<vmem>>, vector<1x16xf32>,
        %parallel_loop3A_689 = vector.shape_cast %parallel_loop3A_688 : vector<1x16xf32> to vector<16xf32>
        %parallel_loop3A_690 = arith.addf %parallel_loop3A_685, %parallel_loop3A_689 : vector<16xf32>
        %parallel_loop3A_691 = arith.index_cast %parallel_loop3A_626 : i32 to index
        %parallel_loop3A_692 = arith.constant 48 : index
        %parallel_loop3A_693 = tpu.vector_load %arg11[%parallel_loop3A_691, %parallel_loop3A_692] {strides = array<i32>} : memref<64x64xf32, #tpu.memory_space<vmem>>, vector<1x16xf32>,
        %parallel_loop3A_694 = vector.shape_cast %parallel_loop3A_693 : vector<1x16xf32> to vector<16xf32>
        %parallel_loop3A_695 = vector.shape_cast %parallel_loop3A_690 : vector<16xf32> to vector<1x16xf32>
        tpu.vector_store %arg11[%parallel_loop3A_691, %parallel_loop3A_692], %parallel_loop3A_695 {strides = array<i32>} : memref<64x64xf32, #tpu.memory_space<vmem>>, vector<1x16xf32>,
        %parallel_loop3A_696 = arith.constant 8 : i32
        %parallel_loop3A_697 = arith.addi %parallel_loop3A_118, %parallel_loop3A_696 : i32
        %parallel_loop3A_698 = vector.extract_strided_slice %parallel_loop3A_127 {offsets = [8], sizes = [1], strides = [1]} : vector<16xi32> to vector<1xi32>
        %parallel_loop3A_699 = vector.extract %parallel_loop3A_698[0] : i32 from vector<1xi32>
        %parallel_loop3A_700 = arith.constant 64 : i32
        %parallel_loop3A_701 = arith.muli %parallel_loop3A_699, %parallel_loop3A_700 : i32
        %parallel_loop3A_702 = arith.addi %scan3A_40, %parallel_loop3A_697 : i32
        %parallel_loop3A_703 = arith.constant 0 : i32
        %parallel_loop3A_704 = arith.addi %parallel_loop3A_701, %parallel_loop3A_703 : i32
        %parallel_loop3A_705 = arith.index_cast %parallel_loop3A_697 : i32 to index
        %parallel_loop3A_706 = arith.index_cast %parallel_loop3A_704 : i32 to index
        %parallel_loop3A_707 = tpu.vector_load %arg9[%parallel_loop3A_705, %parallel_loop3A_706] {strides = array<i32>} : memref<64x128xf32, #tpu.memory_space<vmem>>, vector<1x16xf32>,
        %parallel_loop3A_708 = vector.shape_cast %parallel_loop3A_707 : vector<1x16xf32> to vector<16xf32>
        %parallel_loop3A_709 = arith.index_cast %parallel_loop3A_702 : i32 to index
        %parallel_loop3A_710 = arith.constant 0 : index
        %parallel_loop3A_711 = tpu.vector_load %arg8[%parallel_loop3A_709, %parallel_loop3A_710] {strides = array<i32>} : memref<264x64xf32, #tpu.memory_space<vmem>>, vector<1x16xf32>,
        %parallel_loop3A_712 = vector.shape_cast %parallel_loop3A_711 : vector<1x16xf32> to vector<16xf32>
        %parallel_loop3A_713 = arith.addf %parallel_loop3A_708, %parallel_loop3A_712 : vector<16xf32>
        %parallel_loop3A_714 = arith.index_cast %parallel_loop3A_697 : i32 to index
        %parallel_loop3A_715 = arith.constant 0 : index
        %parallel_loop3A_716 = tpu.vector_load %arg11[%parallel_loop3A_714, %parallel_loop3A_715] {strides = array<i32>} : memref<64x64xf32, #tpu.memory_space<vmem>>, vector<1x16xf32>,
        %parallel_loop3A_717 = vector.shape_cast %parallel_loop3A_716 : vector<1x16xf32> to vector<16xf32>
        %parallel_loop3A_718 = vector.shape_cast %parallel_loop3A_713 : vector<16xf32> to vector<1x16xf32>
        tpu.vector_store %arg11[%parallel_loop3A_714, %parallel_loop3A_715], %parallel_loop3A_718 {strides = array<i32>} : memref<64x64xf32, #tpu.memory_space<vmem>>, vector<1x16xf32>,
        %parallel_loop3A_719 = arith.constant 16 : i32
        %parallel_loop3A_720 = arith.addi %parallel_loop3A_701, %parallel_loop3A_719 : i32
        %parallel_loop3A_721 = arith.index_cast %parallel_loop3A_697 : i32 to index
        %parallel_loop3A_722 = arith.index_cast %parallel_loop3A_720 : i32 to index
        %parallel_loop3A_723 = tpu.vector_load %arg9[%parallel_loop3A_721, %parallel_loop3A_722] {strides = array<i32>} : memref<64x128xf32, #tpu.memory_space<vmem>>, vector<1x16xf32>,
        %parallel_loop3A_724 = vector.shape_cast %parallel_loop3A_723 : vector<1x16xf32> to vector<16xf32>
        %parallel_loop3A_725 = arith.index_cast %parallel_loop3A_702 : i32 to index
        %parallel_loop3A_726 = arith.constant 16 : index
        %parallel_loop3A_727 = tpu.vector_load %arg8[%parallel_loop3A_725, %parallel_loop3A_726] {strides = array<i32>} : memref<264x64xf32, #tpu.memory_space<vmem>>, vector<1x16xf32>,
        %parallel_loop3A_728 = vector.shape_cast %parallel_loop3A_727 : vector<1x16xf32> to vector<16xf32>
        %parallel_loop3A_729 = arith.addf %parallel_loop3A_724, %parallel_loop3A_728 : vector<16xf32>
        %parallel_loop3A_730 = arith.index_cast %parallel_loop3A_697 : i32 to index
        %parallel_loop3A_731 = arith.constant 16 : index
        %parallel_loop3A_732 = tpu.vector_load %arg11[%parallel_loop3A_730, %parallel_loop3A_731] {strides = array<i32>} : memref<64x64xf32, #tpu.memory_space<vmem>>, vector<1x16xf32>,
        %parallel_loop3A_733 = vector.shape_cast %parallel_loop3A_732 : vector<1x16xf32> to vector<16xf32>
        %parallel_loop3A_734 = vector.shape_cast %parallel_loop3A_729 : vector<16xf32> to vector<1x16xf32>
        tpu.vector_store %arg11[%parallel_loop3A_730, %parallel_loop3A_731], %parallel_loop3A_734 {strides = array<i32>} : memref<64x64xf32, #tpu.memory_space<vmem>>, vector<1x16xf32>,
        %parallel_loop3A_735 = arith.constant 32 : i32
        %parallel_loop3A_736 = arith.addi %parallel_loop3A_701, %parallel_loop3A_735 : i32
        %parallel_loop3A_737 = arith.index_cast %parallel_loop3A_697 : i32 to index
        %parallel_loop3A_738 = arith.index_cast %parallel_loop3A_736 : i32 to index
        %parallel_loop3A_739 = tpu.vector_load %arg9[%parallel_loop3A_737, %parallel_loop3A_738] {strides = array<i32>} : memref<64x128xf32, #tpu.memory_space<vmem>>, vector<1x16xf32>,
        %parallel_loop3A_740 = vector.shape_cast %parallel_loop3A_739 : vector<1x16xf32> to vector<16xf32>
        %parallel_loop3A_741 = arith.index_cast %parallel_loop3A_702 : i32 to index
        %parallel_loop3A_742 = arith.constant 32 : index
        %parallel_loop3A_743 = tpu.vector_load %arg8[%parallel_loop3A_741, %parallel_loop3A_742] {strides = array<i32>} : memref<264x64xf32, #tpu.memory_space<vmem>>, vector<1x16xf32>,
        %parallel_loop3A_744 = vector.shape_cast %parallel_loop3A_743 : vector<1x16xf32> to vector<16xf32>
        %parallel_loop3A_745 = arith.addf %parallel_loop3A_740, %parallel_loop3A_744 : vector<16xf32>
        %parallel_loop3A_746 = arith.index_cast %parallel_loop3A_697 : i32 to index
        %parallel_loop3A_747 = arith.constant 32 : index
        %parallel_loop3A_748 = tpu.vector_load %arg11[%parallel_loop3A_746, %parallel_loop3A_747] {strides = array<i32>} : memref<64x64xf32, #tpu.memory_space<vmem>>, vector<1x16xf32>,
        %parallel_loop3A_749 = vector.shape_cast %parallel_loop3A_748 : vector<1x16xf32> to vector<16xf32>
        %parallel_loop3A_750 = vector.shape_cast %parallel_loop3A_745 : vector<16xf32> to vector<1x16xf32>
        tpu.vector_store %arg11[%parallel_loop3A_746, %parallel_loop3A_747], %parallel_loop3A_750 {strides = array<i32>} : memref<64x64xf32, #tpu.memory_space<vmem>>, vector<1x16xf32>,
        %parallel_loop3A_751 = arith.constant 48 : i32
        %parallel_loop3A_752 = arith.addi %parallel_loop3A_701, %parallel_loop3A_751 : i32
        %parallel_loop3A_753 = arith.index_cast %parallel_loop3A_697 : i32 to index
        %parallel_loop3A_754 = arith.index_cast %parallel_loop3A_752 : i32 to index
        %parallel_loop3A_755 = tpu.vector_load %arg9[%parallel_loop3A_753, %parallel_loop3A_754] {strides = array<i32>} : memref<64x128xf32, #tpu.memory_space<vmem>>, vector<1x16xf32>,
        %parallel_loop3A_756 = vector.shape_cast %parallel_loop3A_755 : vector<1x16xf32> to vector<16xf32>
        %parallel_loop3A_757 = arith.index_cast %parallel_loop3A_702 : i32 to index
        %parallel_loop3A_758 = arith.constant 48 : index
        %parallel_loop3A_759 = tpu.vector_load %arg8[%parallel_loop3A_757, %parallel_loop3A_758] {strides = array<i32>} : memref<264x64xf32, #tpu.memory_space<vmem>>, vector<1x16xf32>,
        %parallel_loop3A_760 = vector.shape_cast %parallel_loop3A_759 : vector<1x16xf32> to vector<16xf32>
        %parallel_loop3A_761 = arith.addf %parallel_loop3A_756, %parallel_loop3A_760 : vector<16xf32>
        %parallel_loop3A_762 = arith.index_cast %parallel_loop3A_697 : i32 to index
        %parallel_loop3A_763 = arith.constant 48 : index
        %parallel_loop3A_764 = tpu.vector_load %arg11[%parallel_loop3A_762, %parallel_loop3A_763] {strides = array<i32>} : memref<64x64xf32, #tpu.memory_space<vmem>>, vector<1x16xf32>,
        %parallel_loop3A_765 = vector.shape_cast %parallel_loop3A_764 : vector<1x16xf32> to vector<16xf32>
        %parallel_loop3A_766 = vector.shape_cast %parallel_loop3A_761 : vector<16xf32> to vector<1x16xf32>
        tpu.vector_store %arg11[%parallel_loop3A_762, %parallel_loop3A_763], %parallel_loop3A_766 {strides = array<i32>} : memref<64x64xf32, #tpu.memory_space<vmem>>, vector<1x16xf32>,
        %parallel_loop3A_767 = arith.constant 9 : i32
        %parallel_loop3A_768 = arith.addi %parallel_loop3A_118, %parallel_loop3A_767 : i32
        %parallel_loop3A_769 = vector.extract_strided_slice %parallel_loop3A_127 {offsets = [9], sizes = [1], strides = [1]} : vector<16xi32> to vector<1xi32>
        %parallel_loop3A_770 = vector.extract %parallel_loop3A_769[0] : i32 from vector<1xi32>
        %parallel_loop3A_771 = arith.constant 64 : i32
        %parallel_loop3A_772 = arith.muli %parallel_loop3A_770, %parallel_loop3A_771 : i32
        %parallel_loop3A_773 = arith.addi %scan3A_40, %parallel_loop3A_768 : i32
        %parallel_loop3A_774 = arith.constant 0 : i32
        %parallel_loop3A_775 = arith.addi %parallel_loop3A_772, %parallel_loop3A_774 : i32
        %parallel_loop3A_776 = arith.index_cast %parallel_loop3A_768 : i32 to index
        %parallel_loop3A_777 = arith.index_cast %parallel_loop3A_775 : i32 to index
        %parallel_loop3A_778 = tpu.vector_load %arg9[%parallel_loop3A_776, %parallel_loop3A_777] {strides = array<i32>} : memref<64x128xf32, #tpu.memory_space<vmem>>, vector<1x16xf32>,
        %parallel_loop3A_779 = vector.shape_cast %parallel_loop3A_778 : vector<1x16xf32> to vector<16xf32>
        %parallel_loop3A_780 = arith.index_cast %parallel_loop3A_773 : i32 to index
        %parallel_loop3A_781 = arith.constant 0 : index
        %parallel_loop3A_782 = tpu.vector_load %arg8[%parallel_loop3A_780, %parallel_loop3A_781] {strides = array<i32>} : memref<264x64xf32, #tpu.memory_space<vmem>>, vector<1x16xf32>,
        %parallel_loop3A_783 = vector.shape_cast %parallel_loop3A_782 : vector<1x16xf32> to vector<16xf32>
        %parallel_loop3A_784 = arith.addf %parallel_loop3A_779, %parallel_loop3A_783 : vector<16xf32>
        %parallel_loop3A_785 = arith.index_cast %parallel_loop3A_768 : i32 to index
        %parallel_loop3A_786 = arith.constant 0 : index
        %parallel_loop3A_787 = tpu.vector_load %arg11[%parallel_loop3A_785, %parallel_loop3A_786] {strides = array<i32>} : memref<64x64xf32, #tpu.memory_space<vmem>>, vector<1x16xf32>,
        %parallel_loop3A_788 = vector.shape_cast %parallel_loop3A_787 : vector<1x16xf32> to vector<16xf32>
        %parallel_loop3A_789 = vector.shape_cast %parallel_loop3A_784 : vector<16xf32> to vector<1x16xf32>
        tpu.vector_store %arg11[%parallel_loop3A_785, %parallel_loop3A_786], %parallel_loop3A_789 {strides = array<i32>} : memref<64x64xf32, #tpu.memory_space<vmem>>, vector<1x16xf32>,
        %parallel_loop3A_790 = arith.constant 16 : i32
        %parallel_loop3A_791 = arith.addi %parallel_loop3A_772, %parallel_loop3A_790 : i32
        %parallel_loop3A_792 = arith.index_cast %parallel_loop3A_768 : i32 to index
        %parallel_loop3A_793 = arith.index_cast %parallel_loop3A_791 : i32 to index
        %parallel_loop3A_794 = tpu.vector_load %arg9[%parallel_loop3A_792, %parallel_loop3A_793] {strides = array<i32>} : memref<64x128xf32, #tpu.memory_space<vmem>>, vector<1x16xf32>,
        %parallel_loop3A_795 = vector.shape_cast %parallel_loop3A_794 : vector<1x16xf32> to vector<16xf32>
        %parallel_loop3A_796 = arith.index_cast %parallel_loop3A_773 : i32 to index
        %parallel_loop3A_797 = arith.constant 16 : index
        %parallel_loop3A_798 = tpu.vector_load %arg8[%parallel_loop3A_796, %parallel_loop3A_797] {strides = array<i32>} : memref<264x64xf32, #tpu.memory_space<vmem>>, vector<1x16xf32>,
        %parallel_loop3A_799 = vector.shape_cast %parallel_loop3A_798 : vector<1x16xf32> to vector<16xf32>
        %parallel_loop3A_800 = arith.addf %parallel_loop3A_795, %parallel_loop3A_799 : vector<16xf32>
        %parallel_loop3A_801 = arith.index_cast %parallel_loop3A_768 : i32 to index
        %parallel_loop3A_802 = arith.constant 16 : index
        %parallel_loop3A_803 = tpu.vector_load %arg11[%parallel_loop3A_801, %parallel_loop3A_802] {strides = array<i32>} : memref<64x64xf32, #tpu.memory_space<vmem>>, vector<1x16xf32>,
        %parallel_loop3A_804 = vector.shape_cast %parallel_loop3A_803 : vector<1x16xf32> to vector<16xf32>
        %parallel_loop3A_805 = vector.shape_cast %parallel_loop3A_800 : vector<16xf32> to vector<1x16xf32>
        tpu.vector_store %arg11[%parallel_loop3A_801, %parallel_loop3A_802], %parallel_loop3A_805 {strides = array<i32>} : memref<64x64xf32, #tpu.memory_space<vmem>>, vector<1x16xf32>,
        %parallel_loop3A_806 = arith.constant 32 : i32
        %parallel_loop3A_807 = arith.addi %parallel_loop3A_772, %parallel_loop3A_806 : i32
        %parallel_loop3A_808 = arith.index_cast %parallel_loop3A_768 : i32 to index
        %parallel_loop3A_809 = arith.index_cast %parallel_loop3A_807 : i32 to index
        %parallel_loop3A_810 = tpu.vector_load %arg9[%parallel_loop3A_808, %parallel_loop3A_809] {strides = array<i32>} : memref<64x128xf32, #tpu.memory_space<vmem>>, vector<1x16xf32>,
        %parallel_loop3A_811 = vector.shape_cast %parallel_loop3A_810 : vector<1x16xf32> to vector<16xf32>
        %parallel_loop3A_812 = arith.index_cast %parallel_loop3A_773 : i32 to index
        %parallel_loop3A_813 = arith.constant 32 : index
        %parallel_loop3A_814 = tpu.vector_load %arg8[%parallel_loop3A_812, %parallel_loop3A_813] {strides = array<i32>} : memref<264x64xf32, #tpu.memory_space<vmem>>, vector<1x16xf32>,
        %parallel_loop3A_815 = vector.shape_cast %parallel_loop3A_814 : vector<1x16xf32> to vector<16xf32>
        %parallel_loop3A_816 = arith.addf %parallel_loop3A_811, %parallel_loop3A_815 : vector<16xf32>
        %parallel_loop3A_817 = arith.index_cast %parallel_loop3A_768 : i32 to index
        %parallel_loop3A_818 = arith.constant 32 : index
        %parallel_loop3A_819 = tpu.vector_load %arg11[%parallel_loop3A_817, %parallel_loop3A_818] {strides = array<i32>} : memref<64x64xf32, #tpu.memory_space<vmem>>, vector<1x16xf32>,
        %parallel_loop3A_820 = vector.shape_cast %parallel_loop3A_819 : vector<1x16xf32> to vector<16xf32>
        %parallel_loop3A_821 = vector.shape_cast %parallel_loop3A_816 : vector<16xf32> to vector<1x16xf32>
        tpu.vector_store %arg11[%parallel_loop3A_817, %parallel_loop3A_818], %parallel_loop3A_821 {strides = array<i32>} : memref<64x64xf32, #tpu.memory_space<vmem>>, vector<1x16xf32>,
        %parallel_loop3A_822 = arith.constant 48 : i32
        %parallel_loop3A_823 = arith.addi %parallel_loop3A_772, %parallel_loop3A_822 : i32
        %parallel_loop3A_824 = arith.index_cast %parallel_loop3A_768 : i32 to index
        %parallel_loop3A_825 = arith.index_cast %parallel_loop3A_823 : i32 to index
        %parallel_loop3A_826 = tpu.vector_load %arg9[%parallel_loop3A_824, %parallel_loop3A_825] {strides = array<i32>} : memref<64x128xf32, #tpu.memory_space<vmem>>, vector<1x16xf32>,
        %parallel_loop3A_827 = vector.shape_cast %parallel_loop3A_826 : vector<1x16xf32> to vector<16xf32>
        %parallel_loop3A_828 = arith.index_cast %parallel_loop3A_773 : i32 to index
        %parallel_loop3A_829 = arith.constant 48 : index
        %parallel_loop3A_830 = tpu.vector_load %arg8[%parallel_loop3A_828, %parallel_loop3A_829] {strides = array<i32>} : memref<264x64xf32, #tpu.memory_space<vmem>>, vector<1x16xf32>,
        %parallel_loop3A_831 = vector.shape_cast %parallel_loop3A_830 : vector<1x16xf32> to vector<16xf32>
        %parallel_loop3A_832 = arith.addf %parallel_loop3A_827, %parallel_loop3A_831 : vector<16xf32>
        %parallel_loop3A_833 = arith.index_cast %parallel_loop3A_768 : i32 to index
        %parallel_loop3A_834 = arith.constant 48 : index
        %parallel_loop3A_835 = tpu.vector_load %arg11[%parallel_loop3A_833, %parallel_loop3A_834] {strides = array<i32>} : memref<64x64xf32, #tpu.memory_space<vmem>>, vector<1x16xf32>,
        %parallel_loop3A_836 = vector.shape_cast %parallel_loop3A_835 : vector<1x16xf32> to vector<16xf32>
        %parallel_loop3A_837 = vector.shape_cast %parallel_loop3A_832 : vector<16xf32> to vector<1x16xf32>
        tpu.vector_store %arg11[%parallel_loop3A_833, %parallel_loop3A_834], %parallel_loop3A_837 {strides = array<i32>} : memref<64x64xf32, #tpu.memory_space<vmem>>, vector<1x16xf32>,
        %parallel_loop3A_838 = arith.constant 10 : i32
        %parallel_loop3A_839 = arith.addi %parallel_loop3A_118, %parallel_loop3A_838 : i32
        %parallel_loop3A_840 = vector.extract_strided_slice %parallel_loop3A_127 {offsets = [10], sizes = [1], strides = [1]} : vector<16xi32> to vector<1xi32>
        %parallel_loop3A_841 = vector.extract %parallel_loop3A_840[0] : i32 from vector<1xi32>
        %parallel_loop3A_842 = arith.constant 64 : i32
        %parallel_loop3A_843 = arith.muli %parallel_loop3A_841, %parallel_loop3A_842 : i32
        %parallel_loop3A_844 = arith.addi %scan3A_40, %parallel_loop3A_839 : i32
        %parallel_loop3A_845 = arith.constant 0 : i32
        %parallel_loop3A_846 = arith.addi %parallel_loop3A_843, %parallel_loop3A_845 : i32
        %parallel_loop3A_847 = arith.index_cast %parallel_loop3A_839 : i32 to index
        %parallel_loop3A_848 = arith.index_cast %parallel_loop3A_846 : i32 to index
        %parallel_loop3A_849 = tpu.vector_load %arg9[%parallel_loop3A_847, %parallel_loop3A_848] {strides = array<i32>} : memref<64x128xf32, #tpu.memory_space<vmem>>, vector<1x16xf32>,
        %parallel_loop3A_850 = vector.shape_cast %parallel_loop3A_849 : vector<1x16xf32> to vector<16xf32>
        %parallel_loop3A_851 = arith.index_cast %parallel_loop3A_844 : i32 to index
        %parallel_loop3A_852 = arith.constant 0 : index
        %parallel_loop3A_853 = tpu.vector_load %arg8[%parallel_loop3A_851, %parallel_loop3A_852] {strides = array<i32>} : memref<264x64xf32, #tpu.memory_space<vmem>>, vector<1x16xf32>,
        %parallel_loop3A_854 = vector.shape_cast %parallel_loop3A_853 : vector<1x16xf32> to vector<16xf32>
        %parallel_loop3A_855 = arith.addf %parallel_loop3A_850, %parallel_loop3A_854 : vector<16xf32>
        %parallel_loop3A_856 = arith.index_cast %parallel_loop3A_839 : i32 to index
        %parallel_loop3A_857 = arith.constant 0 : index
        %parallel_loop3A_858 = tpu.vector_load %arg11[%parallel_loop3A_856, %parallel_loop3A_857] {strides = array<i32>} : memref<64x64xf32, #tpu.memory_space<vmem>>, vector<1x16xf32>,
        %parallel_loop3A_859 = vector.shape_cast %parallel_loop3A_858 : vector<1x16xf32> to vector<16xf32>
        %parallel_loop3A_860 = vector.shape_cast %parallel_loop3A_855 : vector<16xf32> to vector<1x16xf32>
        tpu.vector_store %arg11[%parallel_loop3A_856, %parallel_loop3A_857], %parallel_loop3A_860 {strides = array<i32>} : memref<64x64xf32, #tpu.memory_space<vmem>>, vector<1x16xf32>,
        %parallel_loop3A_861 = arith.constant 16 : i32
        %parallel_loop3A_862 = arith.addi %parallel_loop3A_843, %parallel_loop3A_861 : i32
        %parallel_loop3A_863 = arith.index_cast %parallel_loop3A_839 : i32 to index
        %parallel_loop3A_864 = arith.index_cast %parallel_loop3A_862 : i32 to index
        %parallel_loop3A_865 = tpu.vector_load %arg9[%parallel_loop3A_863, %parallel_loop3A_864] {strides = array<i32>} : memref<64x128xf32, #tpu.memory_space<vmem>>, vector<1x16xf32>,
        %parallel_loop3A_866 = vector.shape_cast %parallel_loop3A_865 : vector<1x16xf32> to vector<16xf32>
        %parallel_loop3A_867 = arith.index_cast %parallel_loop3A_844 : i32 to index
        %parallel_loop3A_868 = arith.constant 16 : index
        %parallel_loop3A_869 = tpu.vector_load %arg8[%parallel_loop3A_867, %parallel_loop3A_868] {strides = array<i32>} : memref<264x64xf32, #tpu.memory_space<vmem>>, vector<1x16xf32>,
        %parallel_loop3A_870 = vector.shape_cast %parallel_loop3A_869 : vector<1x16xf32> to vector<16xf32>
        %parallel_loop3A_871 = arith.addf %parallel_loop3A_866, %parallel_loop3A_870 : vector<16xf32>
        %parallel_loop3A_872 = arith.index_cast %parallel_loop3A_839 : i32 to index
        %parallel_loop3A_873 = arith.constant 16 : index
        %parallel_loop3A_874 = tpu.vector_load %arg11[%parallel_loop3A_872, %parallel_loop3A_873] {strides = array<i32>} : memref<64x64xf32, #tpu.memory_space<vmem>>, vector<1x16xf32>,
        %parallel_loop3A_875 = vector.shape_cast %parallel_loop3A_874 : vector<1x16xf32> to vector<16xf32>
        %parallel_loop3A_876 = vector.shape_cast %parallel_loop3A_871 : vector<16xf32> to vector<1x16xf32>
        tpu.vector_store %arg11[%parallel_loop3A_872, %parallel_loop3A_873], %parallel_loop3A_876 {strides = array<i32>} : memref<64x64xf32, #tpu.memory_space<vmem>>, vector<1x16xf32>,
        %parallel_loop3A_877 = arith.constant 32 : i32
        %parallel_loop3A_878 = arith.addi %parallel_loop3A_843, %parallel_loop3A_877 : i32
        %parallel_loop3A_879 = arith.index_cast %parallel_loop3A_839 : i32 to index
        %parallel_loop3A_880 = arith.index_cast %parallel_loop3A_878 : i32 to index
        %parallel_loop3A_881 = tpu.vector_load %arg9[%parallel_loop3A_879, %parallel_loop3A_880] {strides = array<i32>} : memref<64x128xf32, #tpu.memory_space<vmem>>, vector<1x16xf32>,
        %parallel_loop3A_882 = vector.shape_cast %parallel_loop3A_881 : vector<1x16xf32> to vector<16xf32>
        %parallel_loop3A_883 = arith.index_cast %parallel_loop3A_844 : i32 to index
        %parallel_loop3A_884 = arith.constant 32 : index
        %parallel_loop3A_885 = tpu.vector_load %arg8[%parallel_loop3A_883, %parallel_loop3A_884] {strides = array<i32>} : memref<264x64xf32, #tpu.memory_space<vmem>>, vector<1x16xf32>,
        %parallel_loop3A_886 = vector.shape_cast %parallel_loop3A_885 : vector<1x16xf32> to vector<16xf32>
        %parallel_loop3A_887 = arith.addf %parallel_loop3A_882, %parallel_loop3A_886 : vector<16xf32>
        %parallel_loop3A_888 = arith.index_cast %parallel_loop3A_839 : i32 to index
        %parallel_loop3A_889 = arith.constant 32 : index
        %parallel_loop3A_890 = tpu.vector_load %arg11[%parallel_loop3A_888, %parallel_loop3A_889] {strides = array<i32>} : memref<64x64xf32, #tpu.memory_space<vmem>>, vector<1x16xf32>,
        %parallel_loop3A_891 = vector.shape_cast %parallel_loop3A_890 : vector<1x16xf32> to vector<16xf32>
        %parallel_loop3A_892 = vector.shape_cast %parallel_loop3A_887 : vector<16xf32> to vector<1x16xf32>
        tpu.vector_store %arg11[%parallel_loop3A_888, %parallel_loop3A_889], %parallel_loop3A_892 {strides = array<i32>} : memref<64x64xf32, #tpu.memory_space<vmem>>, vector<1x16xf32>,
        %parallel_loop3A_893 = arith.constant 48 : i32
        %parallel_loop3A_894 = arith.addi %parallel_loop3A_843, %parallel_loop3A_893 : i32
        %parallel_loop3A_895 = arith.index_cast %parallel_loop3A_839 : i32 to index
        %parallel_loop3A_896 = arith.index_cast %parallel_loop3A_894 : i32 to index
        %parallel_loop3A_897 = tpu.vector_load %arg9[%parallel_loop3A_895, %parallel_loop3A_896] {strides = array<i32>} : memref<64x128xf32, #tpu.memory_space<vmem>>, vector<1x16xf32>,
        %parallel_loop3A_898 = vector.shape_cast %parallel_loop3A_897 : vector<1x16xf32> to vector<16xf32>
        %parallel_loop3A_899 = arith.index_cast %parallel_loop3A_844 : i32 to index
        %parallel_loop3A_900 = arith.constant 48 : index
        %parallel_loop3A_901 = tpu.vector_load %arg8[%parallel_loop3A_899, %parallel_loop3A_900] {strides = array<i32>} : memref<264x64xf32, #tpu.memory_space<vmem>>, vector<1x16xf32>,
        %parallel_loop3A_902 = vector.shape_cast %parallel_loop3A_901 : vector<1x16xf32> to vector<16xf32>
        %parallel_loop3A_903 = arith.addf %parallel_loop3A_898, %parallel_loop3A_902 : vector<16xf32>
        %parallel_loop3A_904 = arith.index_cast %parallel_loop3A_839 : i32 to index
        %parallel_loop3A_905 = arith.constant 48 : index
        %parallel_loop3A_906 = tpu.vector_load %arg11[%parallel_loop3A_904, %parallel_loop3A_905] {strides = array<i32>} : memref<64x64xf32, #tpu.memory_space<vmem>>, vector<1x16xf32>,
        %parallel_loop3A_907 = vector.shape_cast %parallel_loop3A_906 : vector<1x16xf32> to vector<16xf32>
        %parallel_loop3A_908 = vector.shape_cast %parallel_loop3A_903 : vector<16xf32> to vector<1x16xf32>
        tpu.vector_store %arg11[%parallel_loop3A_904, %parallel_loop3A_905], %parallel_loop3A_908 {strides = array<i32>} : memref<64x64xf32, #tpu.memory_space<vmem>>, vector<1x16xf32>,
        %parallel_loop3A_909 = arith.constant 11 : i32
        %parallel_loop3A_910 = arith.addi %parallel_loop3A_118, %parallel_loop3A_909 : i32
        %parallel_loop3A_911 = vector.extract_strided_slice %parallel_loop3A_127 {offsets = [11], sizes = [1], strides = [1]} : vector<16xi32> to vector<1xi32>
        %parallel_loop3A_912 = vector.extract %parallel_loop3A_911[0] : i32 from vector<1xi32>
        %parallel_loop3A_913 = arith.constant 64 : i32
        %parallel_loop3A_914 = arith.muli %parallel_loop3A_912, %parallel_loop3A_913 : i32
        %parallel_loop3A_915 = arith.addi %scan3A_40, %parallel_loop3A_910 : i32
        %parallel_loop3A_916 = arith.constant 0 : i32
        %parallel_loop3A_917 = arith.addi %parallel_loop3A_914, %parallel_loop3A_916 : i32
        %parallel_loop3A_918 = arith.index_cast %parallel_loop3A_910 : i32 to index
        %parallel_loop3A_919 = arith.index_cast %parallel_loop3A_917 : i32 to index
        %parallel_loop3A_920 = tpu.vector_load %arg9[%parallel_loop3A_918, %parallel_loop3A_919] {strides = array<i32>} : memref<64x128xf32, #tpu.memory_space<vmem>>, vector<1x16xf32>,
        %parallel_loop3A_921 = vector.shape_cast %parallel_loop3A_920 : vector<1x16xf32> to vector<16xf32>
        %parallel_loop3A_922 = arith.index_cast %parallel_loop3A_915 : i32 to index
        %parallel_loop3A_923 = arith.constant 0 : index
        %parallel_loop3A_924 = tpu.vector_load %arg8[%parallel_loop3A_922, %parallel_loop3A_923] {strides = array<i32>} : memref<264x64xf32, #tpu.memory_space<vmem>>, vector<1x16xf32>,
        %parallel_loop3A_925 = vector.shape_cast %parallel_loop3A_924 : vector<1x16xf32> to vector<16xf32>
        %parallel_loop3A_926 = arith.addf %parallel_loop3A_921, %parallel_loop3A_925 : vector<16xf32>
        %parallel_loop3A_927 = arith.index_cast %parallel_loop3A_910 : i32 to index
        %parallel_loop3A_928 = arith.constant 0 : index
        %parallel_loop3A_929 = tpu.vector_load %arg11[%parallel_loop3A_927, %parallel_loop3A_928] {strides = array<i32>} : memref<64x64xf32, #tpu.memory_space<vmem>>, vector<1x16xf32>,
        %parallel_loop3A_930 = vector.shape_cast %parallel_loop3A_929 : vector<1x16xf32> to vector<16xf32>
        %parallel_loop3A_931 = vector.shape_cast %parallel_loop3A_926 : vector<16xf32> to vector<1x16xf32>
        tpu.vector_store %arg11[%parallel_loop3A_927, %parallel_loop3A_928], %parallel_loop3A_931 {strides = array<i32>} : memref<64x64xf32, #tpu.memory_space<vmem>>, vector<1x16xf32>,
        %parallel_loop3A_932 = arith.constant 16 : i32
        %parallel_loop3A_933 = arith.addi %parallel_loop3A_914, %parallel_loop3A_932 : i32
        %parallel_loop3A_934 = arith.index_cast %parallel_loop3A_910 : i32 to index
        %parallel_loop3A_935 = arith.index_cast %parallel_loop3A_933 : i32 to index
        %parallel_loop3A_936 = tpu.vector_load %arg9[%parallel_loop3A_934, %parallel_loop3A_935] {strides = array<i32>} : memref<64x128xf32, #tpu.memory_space<vmem>>, vector<1x16xf32>,
        %parallel_loop3A_937 = vector.shape_cast %parallel_loop3A_936 : vector<1x16xf32> to vector<16xf32>
        %parallel_loop3A_938 = arith.index_cast %parallel_loop3A_915 : i32 to index
        %parallel_loop3A_939 = arith.constant 16 : index
        %parallel_loop3A_940 = tpu.vector_load %arg8[%parallel_loop3A_938, %parallel_loop3A_939] {strides = array<i32>} : memref<264x64xf32, #tpu.memory_space<vmem>>, vector<1x16xf32>,
        %parallel_loop3A_941 = vector.shape_cast %parallel_loop3A_940 : vector<1x16xf32> to vector<16xf32>
        %parallel_loop3A_942 = arith.addf %parallel_loop3A_937, %parallel_loop3A_941 : vector<16xf32>
        %parallel_loop3A_943 = arith.index_cast %parallel_loop3A_910 : i32 to index
        %parallel_loop3A_944 = arith.constant 16 : index
        %parallel_loop3A_945 = tpu.vector_load %arg11[%parallel_loop3A_943, %parallel_loop3A_944] {strides = array<i32>} : memref<64x64xf32, #tpu.memory_space<vmem>>, vector<1x16xf32>,
        %parallel_loop3A_946 = vector.shape_cast %parallel_loop3A_945 : vector<1x16xf32> to vector<16xf32>
        %parallel_loop3A_947 = vector.shape_cast %parallel_loop3A_942 : vector<16xf32> to vector<1x16xf32>
        tpu.vector_store %arg11[%parallel_loop3A_943, %parallel_loop3A_944], %parallel_loop3A_947 {strides = array<i32>} : memref<64x64xf32, #tpu.memory_space<vmem>>, vector<1x16xf32>,
        %parallel_loop3A_948 = arith.constant 32 : i32
        %parallel_loop3A_949 = arith.addi %parallel_loop3A_914, %parallel_loop3A_948 : i32
        %parallel_loop3A_950 = arith.index_cast %parallel_loop3A_910 : i32 to index
        %parallel_loop3A_951 = arith.index_cast %parallel_loop3A_949 : i32 to index
        %parallel_loop3A_952 = tpu.vector_load %arg9[%parallel_loop3A_950, %parallel_loop3A_951] {strides = array<i32>} : memref<64x128xf32, #tpu.memory_space<vmem>>, vector<1x16xf32>,
        %parallel_loop3A_953 = vector.shape_cast %parallel_loop3A_952 : vector<1x16xf32> to vector<16xf32>
        %parallel_loop3A_954 = arith.index_cast %parallel_loop3A_915 : i32 to index
        %parallel_loop3A_955 = arith.constant 32 : index
        %parallel_loop3A_956 = tpu.vector_load %arg8[%parallel_loop3A_954, %parallel_loop3A_955] {strides = array<i32>} : memref<264x64xf32, #tpu.memory_space<vmem>>, vector<1x16xf32>,
        %parallel_loop3A_957 = vector.shape_cast %parallel_loop3A_956 : vector<1x16xf32> to vector<16xf32>
        %parallel_loop3A_958 = arith.addf %parallel_loop3A_953, %parallel_loop3A_957 : vector<16xf32>
        %parallel_loop3A_959 = arith.index_cast %parallel_loop3A_910 : i32 to index
        %parallel_loop3A_960 = arith.constant 32 : index
        %parallel_loop3A_961 = tpu.vector_load %arg11[%parallel_loop3A_959, %parallel_loop3A_960] {strides = array<i32>} : memref<64x64xf32, #tpu.memory_space<vmem>>, vector<1x16xf32>,
        %parallel_loop3A_962 = vector.shape_cast %parallel_loop3A_961 : vector<1x16xf32> to vector<16xf32>
        %parallel_loop3A_963 = vector.shape_cast %parallel_loop3A_958 : vector<16xf32> to vector<1x16xf32>
        tpu.vector_store %arg11[%parallel_loop3A_959, %parallel_loop3A_960], %parallel_loop3A_963 {strides = array<i32>} : memref<64x64xf32, #tpu.memory_space<vmem>>, vector<1x16xf32>,
        %parallel_loop3A_964 = arith.constant 48 : i32
        %parallel_loop3A_965 = arith.addi %parallel_loop3A_914, %parallel_loop3A_964 : i32
        %parallel_loop3A_966 = arith.index_cast %parallel_loop3A_910 : i32 to index
        %parallel_loop3A_967 = arith.index_cast %parallel_loop3A_965 : i32 to index
        %parallel_loop3A_968 = tpu.vector_load %arg9[%parallel_loop3A_966, %parallel_loop3A_967] {strides = array<i32>} : memref<64x128xf32, #tpu.memory_space<vmem>>, vector<1x16xf32>,
        %parallel_loop3A_969 = vector.shape_cast %parallel_loop3A_968 : vector<1x16xf32> to vector<16xf32>
        %parallel_loop3A_970 = arith.index_cast %parallel_loop3A_915 : i32 to index
        %parallel_loop3A_971 = arith.constant 48 : index
        %parallel_loop3A_972 = tpu.vector_load %arg8[%parallel_loop3A_970, %parallel_loop3A_971] {strides = array<i32>} : memref<264x64xf32, #tpu.memory_space<vmem>>, vector<1x16xf32>,
        %parallel_loop3A_973 = vector.shape_cast %parallel_loop3A_972 : vector<1x16xf32> to vector<16xf32>
        %parallel_loop3A_974 = arith.addf %parallel_loop3A_969, %parallel_loop3A_973 : vector<16xf32>
        %parallel_loop3A_975 = arith.index_cast %parallel_loop3A_910 : i32 to index
        %parallel_loop3A_976 = arith.constant 48 : index
        %parallel_loop3A_977 = tpu.vector_load %arg11[%parallel_loop3A_975, %parallel_loop3A_976] {strides = array<i32>} : memref<64x64xf32, #tpu.memory_space<vmem>>, vector<1x16xf32>,
        %parallel_loop3A_978 = vector.shape_cast %parallel_loop3A_977 : vector<1x16xf32> to vector<16xf32>
        %parallel_loop3A_979 = vector.shape_cast %parallel_loop3A_974 : vector<16xf32> to vector<1x16xf32>
        tpu.vector_store %arg11[%parallel_loop3A_975, %parallel_loop3A_976], %parallel_loop3A_979 {strides = array<i32>} : memref<64x64xf32, #tpu.memory_space<vmem>>, vector<1x16xf32>,
        %parallel_loop3A_980 = arith.constant 12 : i32
        %parallel_loop3A_981 = arith.addi %parallel_loop3A_118, %parallel_loop3A_980 : i32
        %parallel_loop3A_982 = vector.extract_strided_slice %parallel_loop3A_127 {offsets = [12], sizes = [1], strides = [1]} : vector<16xi32> to vector<1xi32>
        %parallel_loop3A_983 = vector.extract %parallel_loop3A_982[0] : i32 from vector<1xi32>
        %parallel_loop3A_984 = arith.constant 64 : i32
        %parallel_loop3A_985 = arith.muli %parallel_loop3A_983, %parallel_loop3A_984 : i32
        %parallel_loop3A_986 = arith.addi %scan3A_40, %parallel_loop3A_981 : i32
        %parallel_loop3A_987 = arith.constant 0 : i32
        %parallel_loop3A_988 = arith.addi %parallel_loop3A_985, %parallel_loop3A_987 : i32
        %parallel_loop3A_989 = arith.index_cast %parallel_loop3A_981 : i32 to index
        %parallel_loop3A_990 = arith.index_cast %parallel_loop3A_988 : i32 to index
        %parallel_loop3A_991 = tpu.vector_load %arg9[%parallel_loop3A_989, %parallel_loop3A_990] {strides = array<i32>} : memref<64x128xf32, #tpu.memory_space<vmem>>, vector<1x16xf32>,
        %parallel_loop3A_992 = vector.shape_cast %parallel_loop3A_991 : vector<1x16xf32> to vector<16xf32>
        %parallel_loop3A_993 = arith.index_cast %parallel_loop3A_986 : i32 to index
        %parallel_loop3A_994 = arith.constant 0 : index
        %parallel_loop3A_995 = tpu.vector_load %arg8[%parallel_loop3A_993, %parallel_loop3A_994] {strides = array<i32>} : memref<264x64xf32, #tpu.memory_space<vmem>>, vector<1x16xf32>,
        %parallel_loop3A_996 = vector.shape_cast %parallel_loop3A_995 : vector<1x16xf32> to vector<16xf32>
        %parallel_loop3A_997 = arith.addf %parallel_loop3A_992, %parallel_loop3A_996 : vector<16xf32>
        %parallel_loop3A_998 = arith.index_cast %parallel_loop3A_981 : i32 to index
        %parallel_loop3A_999 = arith.constant 0 : index
        %parallel_loop3A_1000 = tpu.vector_load %arg11[%parallel_loop3A_998, %parallel_loop3A_999] {strides = array<i32>} : memref<64x64xf32, #tpu.memory_space<vmem>>, vector<1x16xf32>,
        %parallel_loop3A_1001 = vector.shape_cast %parallel_loop3A_1000 : vector<1x16xf32> to vector<16xf32>
        %parallel_loop3A_1002 = vector.shape_cast %parallel_loop3A_997 : vector<16xf32> to vector<1x16xf32>
        tpu.vector_store %arg11[%parallel_loop3A_998, %parallel_loop3A_999], %parallel_loop3A_1002 {strides = array<i32>} : memref<64x64xf32, #tpu.memory_space<vmem>>, vector<1x16xf32>,
        %parallel_loop3A_1003 = arith.constant 16 : i32
        %parallel_loop3A_1004 = arith.addi %parallel_loop3A_985, %parallel_loop3A_1003 : i32
        %parallel_loop3A_1005 = arith.index_cast %parallel_loop3A_981 : i32 to index
        %parallel_loop3A_1006 = arith.index_cast %parallel_loop3A_1004 : i32 to index
        %parallel_loop3A_1007 = tpu.vector_load %arg9[%parallel_loop3A_1005, %parallel_loop3A_1006] {strides = array<i32>} : memref<64x128xf32, #tpu.memory_space<vmem>>, vector<1x16xf32>,
        %parallel_loop3A_1008 = vector.shape_cast %parallel_loop3A_1007 : vector<1x16xf32> to vector<16xf32>
        %parallel_loop3A_1009 = arith.index_cast %parallel_loop3A_986 : i32 to index
        %parallel_loop3A_1010 = arith.constant 16 : index
        %parallel_loop3A_1011 = tpu.vector_load %arg8[%parallel_loop3A_1009, %parallel_loop3A_1010] {strides = array<i32>} : memref<264x64xf32, #tpu.memory_space<vmem>>, vector<1x16xf32>,
        %parallel_loop3A_1012 = vector.shape_cast %parallel_loop3A_1011 : vector<1x16xf32> to vector<16xf32>
        %parallel_loop3A_1013 = arith.addf %parallel_loop3A_1008, %parallel_loop3A_1012 : vector<16xf32>
        %parallel_loop3A_1014 = arith.index_cast %parallel_loop3A_981 : i32 to index
        %parallel_loop3A_1015 = arith.constant 16 : index
        %parallel_loop3A_1016 = tpu.vector_load %arg11[%parallel_loop3A_1014, %parallel_loop3A_1015] {strides = array<i32>} : memref<64x64xf32, #tpu.memory_space<vmem>>, vector<1x16xf32>,
        %parallel_loop3A_1017 = vector.shape_cast %parallel_loop3A_1016 : vector<1x16xf32> to vector<16xf32>
        %parallel_loop3A_1018 = vector.shape_cast %parallel_loop3A_1013 : vector<16xf32> to vector<1x16xf32>
        tpu.vector_store %arg11[%parallel_loop3A_1014, %parallel_loop3A_1015], %parallel_loop3A_1018 {strides = array<i32>} : memref<64x64xf32, #tpu.memory_space<vmem>>, vector<1x16xf32>,
        %parallel_loop3A_1019 = arith.constant 32 : i32
        %parallel_loop3A_1020 = arith.addi %parallel_loop3A_985, %parallel_loop3A_1019 : i32
        %parallel_loop3A_1021 = arith.index_cast %parallel_loop3A_981 : i32 to index
        %parallel_loop3A_1022 = arith.index_cast %parallel_loop3A_1020 : i32 to index
        %parallel_loop3A_1023 = tpu.vector_load %arg9[%parallel_loop3A_1021, %parallel_loop3A_1022] {strides = array<i32>} : memref<64x128xf32, #tpu.memory_space<vmem>>, vector<1x16xf32>,
        %parallel_loop3A_1024 = vector.shape_cast %parallel_loop3A_1023 : vector<1x16xf32> to vector<16xf32>
        %parallel_loop3A_1025 = arith.index_cast %parallel_loop3A_986 : i32 to index
        %parallel_loop3A_1026 = arith.constant 32 : index
        %parallel_loop3A_1027 = tpu.vector_load %arg8[%parallel_loop3A_1025, %parallel_loop3A_1026] {strides = array<i32>} : memref<264x64xf32, #tpu.memory_space<vmem>>, vector<1x16xf32>,
        %parallel_loop3A_1028 = vector.shape_cast %parallel_loop3A_1027 : vector<1x16xf32> to vector<16xf32>
        %parallel_loop3A_1029 = arith.addf %parallel_loop3A_1024, %parallel_loop3A_1028 : vector<16xf32>
        %parallel_loop3A_1030 = arith.index_cast %parallel_loop3A_981 : i32 to index
        %parallel_loop3A_1031 = arith.constant 32 : index
        %parallel_loop3A_1032 = tpu.vector_load %arg11[%parallel_loop3A_1030, %parallel_loop3A_1031] {strides = array<i32>} : memref<64x64xf32, #tpu.memory_space<vmem>>, vector<1x16xf32>,
        %parallel_loop3A_1033 = vector.shape_cast %parallel_loop3A_1032 : vector<1x16xf32> to vector<16xf32>
        %parallel_loop3A_1034 = vector.shape_cast %parallel_loop3A_1029 : vector<16xf32> to vector<1x16xf32>
        tpu.vector_store %arg11[%parallel_loop3A_1030, %parallel_loop3A_1031], %parallel_loop3A_1034 {strides = array<i32>} : memref<64x64xf32, #tpu.memory_space<vmem>>, vector<1x16xf32>,
        %parallel_loop3A_1035 = arith.constant 48 : i32
        %parallel_loop3A_1036 = arith.addi %parallel_loop3A_985, %parallel_loop3A_1035 : i32
        %parallel_loop3A_1037 = arith.index_cast %parallel_loop3A_981 : i32 to index
        %parallel_loop3A_1038 = arith.index_cast %parallel_loop3A_1036 : i32 to index
        %parallel_loop3A_1039 = tpu.vector_load %arg9[%parallel_loop3A_1037, %parallel_loop3A_1038] {strides = array<i32>} : memref<64x128xf32, #tpu.memory_space<vmem>>, vector<1x16xf32>,
        %parallel_loop3A_1040 = vector.shape_cast %parallel_loop3A_1039 : vector<1x16xf32> to vector<16xf32>
        %parallel_loop3A_1041 = arith.index_cast %parallel_loop3A_986 : i32 to index
        %parallel_loop3A_1042 = arith.constant 48 : index
        %parallel_loop3A_1043 = tpu.vector_load %arg8[%parallel_loop3A_1041, %parallel_loop3A_1042] {strides = array<i32>} : memref<264x64xf32, #tpu.memory_space<vmem>>, vector<1x16xf32>,
        %parallel_loop3A_1044 = vector.shape_cast %parallel_loop3A_1043 : vector<1x16xf32> to vector<16xf32>
        %parallel_loop3A_1045 = arith.addf %parallel_loop3A_1040, %parallel_loop3A_1044 : vector<16xf32>
        %parallel_loop3A_1046 = arith.index_cast %parallel_loop3A_981 : i32 to index
        %parallel_loop3A_1047 = arith.constant 48 : index
        %parallel_loop3A_1048 = tpu.vector_load %arg11[%parallel_loop3A_1046, %parallel_loop3A_1047] {strides = array<i32>} : memref<64x64xf32, #tpu.memory_space<vmem>>, vector<1x16xf32>,
        %parallel_loop3A_1049 = vector.shape_cast %parallel_loop3A_1048 : vector<1x16xf32> to vector<16xf32>
        %parallel_loop3A_1050 = vector.shape_cast %parallel_loop3A_1045 : vector<16xf32> to vector<1x16xf32>
        tpu.vector_store %arg11[%parallel_loop3A_1046, %parallel_loop3A_1047], %parallel_loop3A_1050 {strides = array<i32>} : memref<64x64xf32, #tpu.memory_space<vmem>>, vector<1x16xf32>,
        %parallel_loop3A_1051 = arith.constant 13 : i32
        %parallel_loop3A_1052 = arith.addi %parallel_loop3A_118, %parallel_loop3A_1051 : i32
        %parallel_loop3A_1053 = vector.extract_strided_slice %parallel_loop3A_127 {offsets = [13], sizes = [1], strides = [1]} : vector<16xi32> to vector<1xi32>
        %parallel_loop3A_1054 = vector.extract %parallel_loop3A_1053[0] : i32 from vector<1xi32>
        %parallel_loop3A_1055 = arith.constant 64 : i32
        %parallel_loop3A_1056 = arith.muli %parallel_loop3A_1054, %parallel_loop3A_1055 : i32
        %parallel_loop3A_1057 = arith.addi %scan3A_40, %parallel_loop3A_1052 : i32
        %parallel_loop3A_1058 = arith.constant 0 : i32
        %parallel_loop3A_1059 = arith.addi %parallel_loop3A_1056, %parallel_loop3A_1058 : i32
        %parallel_loop3A_1060 = arith.index_cast %parallel_loop3A_1052 : i32 to index
        %parallel_loop3A_1061 = arith.index_cast %parallel_loop3A_1059 : i32 to index
        %parallel_loop3A_1062 = tpu.vector_load %arg9[%parallel_loop3A_1060, %parallel_loop3A_1061] {strides = array<i32>} : memref<64x128xf32, #tpu.memory_space<vmem>>, vector<1x16xf32>,
        %parallel_loop3A_1063 = vector.shape_cast %parallel_loop3A_1062 : vector<1x16xf32> to vector<16xf32>
        %parallel_loop3A_1064 = arith.index_cast %parallel_loop3A_1057 : i32 to index
        %parallel_loop3A_1065 = arith.constant 0 : index
        %parallel_loop3A_1066 = tpu.vector_load %arg8[%parallel_loop3A_1064, %parallel_loop3A_1065] {strides = array<i32>} : memref<264x64xf32, #tpu.memory_space<vmem>>, vector<1x16xf32>,
        %parallel_loop3A_1067 = vector.shape_cast %parallel_loop3A_1066 : vector<1x16xf32> to vector<16xf32>
        %parallel_loop3A_1068 = arith.addf %parallel_loop3A_1063, %parallel_loop3A_1067 : vector<16xf32>
        %parallel_loop3A_1069 = arith.index_cast %parallel_loop3A_1052 : i32 to index
        %parallel_loop3A_1070 = arith.constant 0 : index
        %parallel_loop3A_1071 = tpu.vector_load %arg11[%parallel_loop3A_1069, %parallel_loop3A_1070] {strides = array<i32>} : memref<64x64xf32, #tpu.memory_space<vmem>>, vector<1x16xf32>,
        %parallel_loop3A_1072 = vector.shape_cast %parallel_loop3A_1071 : vector<1x16xf32> to vector<16xf32>
        %parallel_loop3A_1073 = vector.shape_cast %parallel_loop3A_1068 : vector<16xf32> to vector<1x16xf32>
        tpu.vector_store %arg11[%parallel_loop3A_1069, %parallel_loop3A_1070], %parallel_loop3A_1073 {strides = array<i32>} : memref<64x64xf32, #tpu.memory_space<vmem>>, vector<1x16xf32>,
        %parallel_loop3A_1074 = arith.constant 16 : i32
        %parallel_loop3A_1075 = arith.addi %parallel_loop3A_1056, %parallel_loop3A_1074 : i32
        %parallel_loop3A_1076 = arith.index_cast %parallel_loop3A_1052 : i32 to index
        %parallel_loop3A_1077 = arith.index_cast %parallel_loop3A_1075 : i32 to index
        %parallel_loop3A_1078 = tpu.vector_load %arg9[%parallel_loop3A_1076, %parallel_loop3A_1077] {strides = array<i32>} : memref<64x128xf32, #tpu.memory_space<vmem>>, vector<1x16xf32>,
        %parallel_loop3A_1079 = vector.shape_cast %parallel_loop3A_1078 : vector<1x16xf32> to vector<16xf32>
        %parallel_loop3A_1080 = arith.index_cast %parallel_loop3A_1057 : i32 to index
        %parallel_loop3A_1081 = arith.constant 16 : index
        %parallel_loop3A_1082 = tpu.vector_load %arg8[%parallel_loop3A_1080, %parallel_loop3A_1081] {strides = array<i32>} : memref<264x64xf32, #tpu.memory_space<vmem>>, vector<1x16xf32>,
        %parallel_loop3A_1083 = vector.shape_cast %parallel_loop3A_1082 : vector<1x16xf32> to vector<16xf32>
        %parallel_loop3A_1084 = arith.addf %parallel_loop3A_1079, %parallel_loop3A_1083 : vector<16xf32>
        %parallel_loop3A_1085 = arith.index_cast %parallel_loop3A_1052 : i32 to index
        %parallel_loop3A_1086 = arith.constant 16 : index
        %parallel_loop3A_1087 = tpu.vector_load %arg11[%parallel_loop3A_1085, %parallel_loop3A_1086] {strides = array<i32>} : memref<64x64xf32, #tpu.memory_space<vmem>>, vector<1x16xf32>,
        %parallel_loop3A_1088 = vector.shape_cast %parallel_loop3A_1087 : vector<1x16xf32> to vector<16xf32>
        %parallel_loop3A_1089 = vector.shape_cast %parallel_loop3A_1084 : vector<16xf32> to vector<1x16xf32>
        tpu.vector_store %arg11[%parallel_loop3A_1085, %parallel_loop3A_1086], %parallel_loop3A_1089 {strides = array<i32>} : memref<64x64xf32, #tpu.memory_space<vmem>>, vector<1x16xf32>,
        %parallel_loop3A_1090 = arith.constant 32 : i32
        %parallel_loop3A_1091 = arith.addi %parallel_loop3A_1056, %parallel_loop3A_1090 : i32
        %parallel_loop3A_1092 = arith.index_cast %parallel_loop3A_1052 : i32 to index
        %parallel_loop3A_1093 = arith.index_cast %parallel_loop3A_1091 : i32 to index
        %parallel_loop3A_1094 = tpu.vector_load %arg9[%parallel_loop3A_1092, %parallel_loop3A_1093] {strides = array<i32>} : memref<64x128xf32, #tpu.memory_space<vmem>>, vector<1x16xf32>,
        %parallel_loop3A_1095 = vector.shape_cast %parallel_loop3A_1094 : vector<1x16xf32> to vector<16xf32>
        %parallel_loop3A_1096 = arith.index_cast %parallel_loop3A_1057 : i32 to index
        %parallel_loop3A_1097 = arith.constant 32 : index
        %parallel_loop3A_1098 = tpu.vector_load %arg8[%parallel_loop3A_1096, %parallel_loop3A_1097] {strides = array<i32>} : memref<264x64xf32, #tpu.memory_space<vmem>>, vector<1x16xf32>,
        %parallel_loop3A_1099 = vector.shape_cast %parallel_loop3A_1098 : vector<1x16xf32> to vector<16xf32>
        %parallel_loop3A_1100 = arith.addf %parallel_loop3A_1095, %parallel_loop3A_1099 : vector<16xf32>
        %parallel_loop3A_1101 = arith.index_cast %parallel_loop3A_1052 : i32 to index
        %parallel_loop3A_1102 = arith.constant 32 : index
        %parallel_loop3A_1103 = tpu.vector_load %arg11[%parallel_loop3A_1101, %parallel_loop3A_1102] {strides = array<i32>} : memref<64x64xf32, #tpu.memory_space<vmem>>, vector<1x16xf32>,
        %parallel_loop3A_1104 = vector.shape_cast %parallel_loop3A_1103 : vector<1x16xf32> to vector<16xf32>
        %parallel_loop3A_1105 = vector.shape_cast %parallel_loop3A_1100 : vector<16xf32> to vector<1x16xf32>
        tpu.vector_store %arg11[%parallel_loop3A_1101, %parallel_loop3A_1102], %parallel_loop3A_1105 {strides = array<i32>} : memref<64x64xf32, #tpu.memory_space<vmem>>, vector<1x16xf32>,
        %parallel_loop3A_1106 = arith.constant 48 : i32
        %parallel_loop3A_1107 = arith.addi %parallel_loop3A_1056, %parallel_loop3A_1106 : i32
        %parallel_loop3A_1108 = arith.index_cast %parallel_loop3A_1052 : i32 to index
        %parallel_loop3A_1109 = arith.index_cast %parallel_loop3A_1107 : i32 to index
        %parallel_loop3A_1110 = tpu.vector_load %arg9[%parallel_loop3A_1108, %parallel_loop3A_1109] {strides = array<i32>} : memref<64x128xf32, #tpu.memory_space<vmem>>, vector<1x16xf32>,
        %parallel_loop3A_1111 = vector.shape_cast %parallel_loop3A_1110 : vector<1x16xf32> to vector<16xf32>
        %parallel_loop3A_1112 = arith.index_cast %parallel_loop3A_1057 : i32 to index
        %parallel_loop3A_1113 = arith.constant 48 : index
        %parallel_loop3A_1114 = tpu.vector_load %arg8[%parallel_loop3A_1112, %parallel_loop3A_1113] {strides = array<i32>} : memref<264x64xf32, #tpu.memory_space<vmem>>, vector<1x16xf32>,
        %parallel_loop3A_1115 = vector.shape_cast %parallel_loop3A_1114 : vector<1x16xf32> to vector<16xf32>
        %parallel_loop3A_1116 = arith.addf %parallel_loop3A_1111, %parallel_loop3A_1115 : vector<16xf32>
        %parallel_loop3A_1117 = arith.index_cast %parallel_loop3A_1052 : i32 to index
        %parallel_loop3A_1118 = arith.constant 48 : index
        %parallel_loop3A_1119 = tpu.vector_load %arg11[%parallel_loop3A_1117, %parallel_loop3A_1118] {strides = array<i32>} : memref<64x64xf32, #tpu.memory_space<vmem>>, vector<1x16xf32>,
        %parallel_loop3A_1120 = vector.shape_cast %parallel_loop3A_1119 : vector<1x16xf32> to vector<16xf32>
        %parallel_loop3A_1121 = vector.shape_cast %parallel_loop3A_1116 : vector<16xf32> to vector<1x16xf32>
        tpu.vector_store %arg11[%parallel_loop3A_1117, %parallel_loop3A_1118], %parallel_loop3A_1121 {strides = array<i32>} : memref<64x64xf32, #tpu.memory_space<vmem>>, vector<1x16xf32>,
        %parallel_loop3A_1122 = arith.constant 14 : i32
        %parallel_loop3A_1123 = arith.addi %parallel_loop3A_118, %parallel_loop3A_1122 : i32
        %parallel_loop3A_1124 = vector.extract_strided_slice %parallel_loop3A_127 {offsets = [14], sizes = [1], strides = [1]} : vector<16xi32> to vector<1xi32>
        %parallel_loop3A_1125 = vector.extract %parallel_loop3A_1124[0] : i32 from vector<1xi32>
        %parallel_loop3A_1126 = arith.constant 64 : i32
        %parallel_loop3A_1127 = arith.muli %parallel_loop3A_1125, %parallel_loop3A_1126 : i32
        %parallel_loop3A_1128 = arith.addi %scan3A_40, %parallel_loop3A_1123 : i32
        %parallel_loop3A_1129 = arith.constant 0 : i32
        %parallel_loop3A_1130 = arith.addi %parallel_loop3A_1127, %parallel_loop3A_1129 : i32
        %parallel_loop3A_1131 = arith.index_cast %parallel_loop3A_1123 : i32 to index
        %parallel_loop3A_1132 = arith.index_cast %parallel_loop3A_1130 : i32 to index
        %parallel_loop3A_1133 = tpu.vector_load %arg9[%parallel_loop3A_1131, %parallel_loop3A_1132] {strides = array<i32>} : memref<64x128xf32, #tpu.memory_space<vmem>>, vector<1x16xf32>,
        %parallel_loop3A_1134 = vector.shape_cast %parallel_loop3A_1133 : vector<1x16xf32> to vector<16xf32>
        %parallel_loop3A_1135 = arith.index_cast %parallel_loop3A_1128 : i32 to index
        %parallel_loop3A_1136 = arith.constant 0 : index
        %parallel_loop3A_1137 = tpu.vector_load %arg8[%parallel_loop3A_1135, %parallel_loop3A_1136] {strides = array<i32>} : memref<264x64xf32, #tpu.memory_space<vmem>>, vector<1x16xf32>,
        %parallel_loop3A_1138 = vector.shape_cast %parallel_loop3A_1137 : vector<1x16xf32> to vector<16xf32>
        %parallel_loop3A_1139 = arith.addf %parallel_loop3A_1134, %parallel_loop3A_1138 : vector<16xf32>
        %parallel_loop3A_1140 = arith.index_cast %parallel_loop3A_1123 : i32 to index
        %parallel_loop3A_1141 = arith.constant 0 : index
        %parallel_loop3A_1142 = tpu.vector_load %arg11[%parallel_loop3A_1140, %parallel_loop3A_1141] {strides = array<i32>} : memref<64x64xf32, #tpu.memory_space<vmem>>, vector<1x16xf32>,
        %parallel_loop3A_1143 = vector.shape_cast %parallel_loop3A_1142 : vector<1x16xf32> to vector<16xf32>
        %parallel_loop3A_1144 = vector.shape_cast %parallel_loop3A_1139 : vector<16xf32> to vector<1x16xf32>
        tpu.vector_store %arg11[%parallel_loop3A_1140, %parallel_loop3A_1141], %parallel_loop3A_1144 {strides = array<i32>} : memref<64x64xf32, #tpu.memory_space<vmem>>, vector<1x16xf32>,
        %parallel_loop3A_1145 = arith.constant 16 : i32
        %parallel_loop3A_1146 = arith.addi %parallel_loop3A_1127, %parallel_loop3A_1145 : i32
        %parallel_loop3A_1147 = arith.index_cast %parallel_loop3A_1123 : i32 to index
        %parallel_loop3A_1148 = arith.index_cast %parallel_loop3A_1146 : i32 to index
        %parallel_loop3A_1149 = tpu.vector_load %arg9[%parallel_loop3A_1147, %parallel_loop3A_1148] {strides = array<i32>} : memref<64x128xf32, #tpu.memory_space<vmem>>, vector<1x16xf32>,
        %parallel_loop3A_1150 = vector.shape_cast %parallel_loop3A_1149 : vector<1x16xf32> to vector<16xf32>
        %parallel_loop3A_1151 = arith.index_cast %parallel_loop3A_1128 : i32 to index
        %parallel_loop3A_1152 = arith.constant 16 : index
        %parallel_loop3A_1153 = tpu.vector_load %arg8[%parallel_loop3A_1151, %parallel_loop3A_1152] {strides = array<i32>} : memref<264x64xf32, #tpu.memory_space<vmem>>, vector<1x16xf32>,
        %parallel_loop3A_1154 = vector.shape_cast %parallel_loop3A_1153 : vector<1x16xf32> to vector<16xf32>
        %parallel_loop3A_1155 = arith.addf %parallel_loop3A_1150, %parallel_loop3A_1154 : vector<16xf32>
        %parallel_loop3A_1156 = arith.index_cast %parallel_loop3A_1123 : i32 to index
        %parallel_loop3A_1157 = arith.constant 16 : index
        %parallel_loop3A_1158 = tpu.vector_load %arg11[%parallel_loop3A_1156, %parallel_loop3A_1157] {strides = array<i32>} : memref<64x64xf32, #tpu.memory_space<vmem>>, vector<1x16xf32>,
        %parallel_loop3A_1159 = vector.shape_cast %parallel_loop3A_1158 : vector<1x16xf32> to vector<16xf32>
        %parallel_loop3A_1160 = vector.shape_cast %parallel_loop3A_1155 : vector<16xf32> to vector<1x16xf32>
        tpu.vector_store %arg11[%parallel_loop3A_1156, %parallel_loop3A_1157], %parallel_loop3A_1160 {strides = array<i32>} : memref<64x64xf32, #tpu.memory_space<vmem>>, vector<1x16xf32>,
        %parallel_loop3A_1161 = arith.constant 32 : i32
        %parallel_loop3A_1162 = arith.addi %parallel_loop3A_1127, %parallel_loop3A_1161 : i32
        %parallel_loop3A_1163 = arith.index_cast %parallel_loop3A_1123 : i32 to index
        %parallel_loop3A_1164 = arith.index_cast %parallel_loop3A_1162 : i32 to index
        %parallel_loop3A_1165 = tpu.vector_load %arg9[%parallel_loop3A_1163, %parallel_loop3A_1164] {strides = array<i32>} : memref<64x128xf32, #tpu.memory_space<vmem>>, vector<1x16xf32>,
        %parallel_loop3A_1166 = vector.shape_cast %parallel_loop3A_1165 : vector<1x16xf32> to vector<16xf32>
        %parallel_loop3A_1167 = arith.index_cast %parallel_loop3A_1128 : i32 to index
        %parallel_loop3A_1168 = arith.constant 32 : index
        %parallel_loop3A_1169 = tpu.vector_load %arg8[%parallel_loop3A_1167, %parallel_loop3A_1168] {strides = array<i32>} : memref<264x64xf32, #tpu.memory_space<vmem>>, vector<1x16xf32>,
        %parallel_loop3A_1170 = vector.shape_cast %parallel_loop3A_1169 : vector<1x16xf32> to vector<16xf32>
        %parallel_loop3A_1171 = arith.addf %parallel_loop3A_1166, %parallel_loop3A_1170 : vector<16xf32>
        %parallel_loop3A_1172 = arith.index_cast %parallel_loop3A_1123 : i32 to index
        %parallel_loop3A_1173 = arith.constant 32 : index
        %parallel_loop3A_1174 = tpu.vector_load %arg11[%parallel_loop3A_1172, %parallel_loop3A_1173] {strides = array<i32>} : memref<64x64xf32, #tpu.memory_space<vmem>>, vector<1x16xf32>,
        %parallel_loop3A_1175 = vector.shape_cast %parallel_loop3A_1174 : vector<1x16xf32> to vector<16xf32>
        %parallel_loop3A_1176 = vector.shape_cast %parallel_loop3A_1171 : vector<16xf32> to vector<1x16xf32>
        tpu.vector_store %arg11[%parallel_loop3A_1172, %parallel_loop3A_1173], %parallel_loop3A_1176 {strides = array<i32>} : memref<64x64xf32, #tpu.memory_space<vmem>>, vector<1x16xf32>,
        %parallel_loop3A_1177 = arith.constant 48 : i32
        %parallel_loop3A_1178 = arith.addi %parallel_loop3A_1127, %parallel_loop3A_1177 : i32
        %parallel_loop3A_1179 = arith.index_cast %parallel_loop3A_1123 : i32 to index
        %parallel_loop3A_1180 = arith.index_cast %parallel_loop3A_1178 : i32 to index
        %parallel_loop3A_1181 = tpu.vector_load %arg9[%parallel_loop3A_1179, %parallel_loop3A_1180] {strides = array<i32>} : memref<64x128xf32, #tpu.memory_space<vmem>>, vector<1x16xf32>,
        %parallel_loop3A_1182 = vector.shape_cast %parallel_loop3A_1181 : vector<1x16xf32> to vector<16xf32>
        %parallel_loop3A_1183 = arith.index_cast %parallel_loop3A_1128 : i32 to index
        %parallel_loop3A_1184 = arith.constant 48 : index
        %parallel_loop3A_1185 = tpu.vector_load %arg8[%parallel_loop3A_1183, %parallel_loop3A_1184] {strides = array<i32>} : memref<264x64xf32, #tpu.memory_space<vmem>>, vector<1x16xf32>,
        %parallel_loop3A_1186 = vector.shape_cast %parallel_loop3A_1185 : vector<1x16xf32> to vector<16xf32>
        %parallel_loop3A_1187 = arith.addf %parallel_loop3A_1182, %parallel_loop3A_1186 : vector<16xf32>
        %parallel_loop3A_1188 = arith.index_cast %parallel_loop3A_1123 : i32 to index
        %parallel_loop3A_1189 = arith.constant 48 : index
        %parallel_loop3A_1190 = tpu.vector_load %arg11[%parallel_loop3A_1188, %parallel_loop3A_1189] {strides = array<i32>} : memref<64x64xf32, #tpu.memory_space<vmem>>, vector<1x16xf32>,
        %parallel_loop3A_1191 = vector.shape_cast %parallel_loop3A_1190 : vector<1x16xf32> to vector<16xf32>
        %parallel_loop3A_1192 = vector.shape_cast %parallel_loop3A_1187 : vector<16xf32> to vector<1x16xf32>
        tpu.vector_store %arg11[%parallel_loop3A_1188, %parallel_loop3A_1189], %parallel_loop3A_1192 {strides = array<i32>} : memref<64x64xf32, #tpu.memory_space<vmem>>, vector<1x16xf32>,
        %parallel_loop3A_1193 = arith.constant 15 : i32
        %parallel_loop3A_1194 = arith.addi %parallel_loop3A_118, %parallel_loop3A_1193 : i32
        %parallel_loop3A_1195 = vector.extract_strided_slice %parallel_loop3A_127 {offsets = [15], sizes = [1], strides = [1]} : vector<16xi32> to vector<1xi32>
        %parallel_loop3A_1196 = vector.extract %parallel_loop3A_1195[0] : i32 from vector<1xi32>
        %parallel_loop3A_1197 = arith.constant 64 : i32
        %parallel_loop3A_1198 = arith.muli %parallel_loop3A_1196, %parallel_loop3A_1197 : i32
        %parallel_loop3A_1199 = arith.addi %scan3A_40, %parallel_loop3A_1194 : i32
        %parallel_loop3A_1200 = arith.constant 0 : i32
        %parallel_loop3A_1201 = arith.addi %parallel_loop3A_1198, %parallel_loop3A_1200 : i32
        %parallel_loop3A_1202 = arith.index_cast %parallel_loop3A_1194 : i32 to index
        %parallel_loop3A_1203 = arith.index_cast %parallel_loop3A_1201 : i32 to index
        %parallel_loop3A_1204 = tpu.vector_load %arg9[%parallel_loop3A_1202, %parallel_loop3A_1203] {strides = array<i32>} : memref<64x128xf32, #tpu.memory_space<vmem>>, vector<1x16xf32>,
        %parallel_loop3A_1205 = vector.shape_cast %parallel_loop3A_1204 : vector<1x16xf32> to vector<16xf32>
        %parallel_loop3A_1206 = arith.index_cast %parallel_loop3A_1199 : i32 to index
        %parallel_loop3A_1207 = arith.constant 0 : index
        %parallel_loop3A_1208 = tpu.vector_load %arg8[%parallel_loop3A_1206, %parallel_loop3A_1207] {strides = array<i32>} : memref<264x64xf32, #tpu.memory_space<vmem>>, vector<1x16xf32>,
        %parallel_loop3A_1209 = vector.shape_cast %parallel_loop3A_1208 : vector<1x16xf32> to vector<16xf32>
        %parallel_loop3A_1210 = arith.addf %parallel_loop3A_1205, %parallel_loop3A_1209 : vector<16xf32>
        %parallel_loop3A_1211 = arith.index_cast %parallel_loop3A_1194 : i32 to index
        %parallel_loop3A_1212 = arith.constant 0 : index
        %parallel_loop3A_1213 = tpu.vector_load %arg11[%parallel_loop3A_1211, %parallel_loop3A_1212] {strides = array<i32>} : memref<64x64xf32, #tpu.memory_space<vmem>>, vector<1x16xf32>,
        %parallel_loop3A_1214 = vector.shape_cast %parallel_loop3A_1213 : vector<1x16xf32> to vector<16xf32>
        %parallel_loop3A_1215 = vector.shape_cast %parallel_loop3A_1210 : vector<16xf32> to vector<1x16xf32>
        tpu.vector_store %arg11[%parallel_loop3A_1211, %parallel_loop3A_1212], %parallel_loop3A_1215 {strides = array<i32>} : memref<64x64xf32, #tpu.memory_space<vmem>>, vector<1x16xf32>,
        %parallel_loop3A_1216 = arith.constant 16 : i32
        %parallel_loop3A_1217 = arith.addi %parallel_loop3A_1198, %parallel_loop3A_1216 : i32
        %parallel_loop3A_1218 = arith.index_cast %parallel_loop3A_1194 : i32 to index
        %parallel_loop3A_1219 = arith.index_cast %parallel_loop3A_1217 : i32 to index
        %parallel_loop3A_1220 = tpu.vector_load %arg9[%parallel_loop3A_1218, %parallel_loop3A_1219] {strides = array<i32>} : memref<64x128xf32, #tpu.memory_space<vmem>>, vector<1x16xf32>,
        %parallel_loop3A_1221 = vector.shape_cast %parallel_loop3A_1220 : vector<1x16xf32> to vector<16xf32>
        %parallel_loop3A_1222 = arith.index_cast %parallel_loop3A_1199 : i32 to index
        %parallel_loop3A_1223 = arith.constant 16 : index
        %parallel_loop3A_1224 = tpu.vector_load %arg8[%parallel_loop3A_1222, %parallel_loop3A_1223] {strides = array<i32>} : memref<264x64xf32, #tpu.memory_space<vmem>>, vector<1x16xf32>,
        %parallel_loop3A_1225 = vector.shape_cast %parallel_loop3A_1224 : vector<1x16xf32> to vector<16xf32>
        %parallel_loop3A_1226 = arith.addf %parallel_loop3A_1221, %parallel_loop3A_1225 : vector<16xf32>
        %parallel_loop3A_1227 = arith.index_cast %parallel_loop3A_1194 : i32 to index
        %parallel_loop3A_1228 = arith.constant 16 : index
        %parallel_loop3A_1229 = tpu.vector_load %arg11[%parallel_loop3A_1227, %parallel_loop3A_1228] {strides = array<i32>} : memref<64x64xf32, #tpu.memory_space<vmem>>, vector<1x16xf32>,
        %parallel_loop3A_1230 = vector.shape_cast %parallel_loop3A_1229 : vector<1x16xf32> to vector<16xf32>
        %parallel_loop3A_1231 = vector.shape_cast %parallel_loop3A_1226 : vector<16xf32> to vector<1x16xf32>
        tpu.vector_store %arg11[%parallel_loop3A_1227, %parallel_loop3A_1228], %parallel_loop3A_1231 {strides = array<i32>} : memref<64x64xf32, #tpu.memory_space<vmem>>, vector<1x16xf32>,
        %parallel_loop3A_1232 = arith.constant 32 : i32
        %parallel_loop3A_1233 = arith.addi %parallel_loop3A_1198, %parallel_loop3A_1232 : i32
        %parallel_loop3A_1234 = arith.index_cast %parallel_loop3A_1194 : i32 to index
        %parallel_loop3A_1235 = arith.index_cast %parallel_loop3A_1233 : i32 to index
        %parallel_loop3A_1236 = tpu.vector_load %arg9[%parallel_loop3A_1234, %parallel_loop3A_1235] {strides = array<i32>} : memref<64x128xf32, #tpu.memory_space<vmem>>, vector<1x16xf32>,
        %parallel_loop3A_1237 = vector.shape_cast %parallel_loop3A_1236 : vector<1x16xf32> to vector<16xf32>
        %parallel_loop3A_1238 = arith.index_cast %parallel_loop3A_1199 : i32 to index
        %parallel_loop3A_1239 = arith.constant 32 : index
        %parallel_loop3A_1240 = tpu.vector_load %arg8[%parallel_loop3A_1238, %parallel_loop3A_1239] {strides = array<i32>} : memref<264x64xf32, #tpu.memory_space<vmem>>, vector<1x16xf32>,
        %parallel_loop3A_1241 = vector.shape_cast %parallel_loop3A_1240 : vector<1x16xf32> to vector<16xf32>
        %parallel_loop3A_1242 = arith.addf %parallel_loop3A_1237, %parallel_loop3A_1241 : vector<16xf32>
        %parallel_loop3A_1243 = arith.index_cast %parallel_loop3A_1194 : i32 to index
        %parallel_loop3A_1244 = arith.constant 32 : index
        %parallel_loop3A_1245 = tpu.vector_load %arg11[%parallel_loop3A_1243, %parallel_loop3A_1244] {strides = array<i32>} : memref<64x64xf32, #tpu.memory_space<vmem>>, vector<1x16xf32>,
        %parallel_loop3A_1246 = vector.shape_cast %parallel_loop3A_1245 : vector<1x16xf32> to vector<16xf32>
        %parallel_loop3A_1247 = vector.shape_cast %parallel_loop3A_1242 : vector<16xf32> to vector<1x16xf32>
        tpu.vector_store %arg11[%parallel_loop3A_1243, %parallel_loop3A_1244], %parallel_loop3A_1247 {strides = array<i32>} : memref<64x64xf32, #tpu.memory_space<vmem>>, vector<1x16xf32>,
        %parallel_loop3A_1248 = arith.constant 48 : i32
        %parallel_loop3A_1249 = arith.addi %parallel_loop3A_1198, %parallel_loop3A_1248 : i32
        %parallel_loop3A_1250 = arith.index_cast %parallel_loop3A_1194 : i32 to index
        %parallel_loop3A_1251 = arith.index_cast %parallel_loop3A_1249 : i32 to index
        %parallel_loop3A_1252 = tpu.vector_load %arg9[%parallel_loop3A_1250, %parallel_loop3A_1251] {strides = array<i32>} : memref<64x128xf32, #tpu.memory_space<vmem>>, vector<1x16xf32>,
        %parallel_loop3A_1253 = vector.shape_cast %parallel_loop3A_1252 : vector<1x16xf32> to vector<16xf32>
        %parallel_loop3A_1254 = arith.index_cast %parallel_loop3A_1199 : i32 to index
        %parallel_loop3A_1255 = arith.constant 48 : index
        %parallel_loop3A_1256 = tpu.vector_load %arg8[%parallel_loop3A_1254, %parallel_loop3A_1255] {strides = array<i32>} : memref<264x64xf32, #tpu.memory_space<vmem>>, vector<1x16xf32>,
        %parallel_loop3A_1257 = vector.shape_cast %parallel_loop3A_1256 : vector<1x16xf32> to vector<16xf32>
        %parallel_loop3A_1258 = arith.addf %parallel_loop3A_1253, %parallel_loop3A_1257 : vector<16xf32>
        %parallel_loop3A_1259 = arith.index_cast %parallel_loop3A_1194 : i32 to index
        %parallel_loop3A_1260 = arith.constant 48 : index
        %parallel_loop3A_1261 = tpu.vector_load %arg11[%parallel_loop3A_1259, %parallel_loop3A_1260] {strides = array<i32>} : memref<64x64xf32, #tpu.memory_space<vmem>>, vector<1x16xf32>,
        %parallel_loop3A_1262 = vector.shape_cast %parallel_loop3A_1261 : vector<1x16xf32> to vector<16xf32>
        %parallel_loop3A_1263 = vector.shape_cast %parallel_loop3A_1258 : vector<16xf32> to vector<1x16xf32>
        tpu.vector_store %arg11[%parallel_loop3A_1259, %parallel_loop3A_1260], %parallel_loop3A_1263 {strides = array<i32>} : memref<64x64xf32, #tpu.memory_space<vmem>>, vector<1x16xf32>,
      } {sc.loop_unroll_factor = 2 : i64, sc.parallel_access}
      %add3A_56 = arith.constant 2 : i32
      %add3A_57 = arith.addi %add3A_44, %add3A_56 : i32
      %lt3A = arith.constant 400 : i32
      %lt3A_58 = arith.cmpi slt, %add3A_57, %lt3A : i32
      %convert_element_type3A_59 = arith.extui %lt3A_58 : i1 to i32
      %cond3A_60 = arith.constant 0 : i32
      %cond3A_61 = arith.cmpi ne, %convert_element_type3A_59, %cond3A_60 : i32
      scf.if %cond3A_61 {
        %add3A_116 = arith.constant 2 : i32
        %add3A_117 = arith.addi %add3A_44, %add3A_116 : i32
        %mul3A_118 = arith.constant 64 : i32
        %mul3A_119 = arith.muli %add3A_117, %mul3A_118 : i32
        %dma_start3A_120 = tpu.memref_slice %arg7[%mul3A_119] : memref<25600xi32, #tpu.memory_space<vmem>> -> memref<64xi32, #tpu.memory_space<vmem>>
        %dma_start3A_121 = arith.constant 0 : i32
        %dma_start3A_122 = arith.constant 0 : i32
        %dma_start3A_123 = tpu.memref_slice %arg3[%dma_start3A_121, %dma_start3A_122] : memref<500000x128xf32, #tpu.memory_space<hbm>> -> memref<500000x128xf32, #tpu.memory_space<hbm>>
        tpu.enqueue_indirect_dma source(%dma_start3A_123 : memref<500000x128xf32, #tpu.memory_space<hbm>>) target(%arg9 : memref<64x128xf32, #tpu.memory_space<vmem>>) offsets(%dma_start3A_120 : memref<64xi32, #tpu.memory_space<vmem>>) semaphore(%arg13 : memref<!tpu.dma_semaphore, #tpu.memory_space<semaphore_mem>>)
      } else {
      }
      %mul3A_62 = arith.constant 64 : i32
      %mul3A_63 = arith.muli %add3A_44, %mul3A_62 : i32
      %add3A_64 = arith.addi %mul3A_2, %mul3A_63 : i32
      %dma_start3A_65 = arith.constant 0 : i32
      %dma_start3A_66 = tpu.memref_slice %arg5[%add3A_64, %dma_start3A_65] : memref<819200x64xf32, #tpu.memory_space<hbm>> -> memref<64x64xf32, #tpu.memory_space<hbm>>
      %dma_start3A_67 = arith.constant 0 : i32
      %dma_start3A_68 = tpu.memref_slice %arg5[%add3A_64, %dma_start3A_67] : memref<819200x64xf32, #tpu.memory_space<hbm>> -> memref<64x64xf32, #tpu.memory_space<hbm>>
      tpu.enqueue_dma source(%arg11 : memref<64x64xf32, #tpu.memory_space<vmem>>) target(%dma_start3A_68 : memref<64x64xf32, #tpu.memory_space<hbm>>) target_semaphore(%arg15 : memref<!tpu.dma_semaphore, #tpu.memory_space<semaphore_mem>>)
      %mul3A_69 = arith.constant 2 : i32
      %mul3A_70 = arith.muli %mul3A_69, %scan3A_39 : i32
      %add3A_71 = arith.constant 1 : i32
      %add3A_72 = arith.addi %mul3A_70, %add3A_71 : i32
      %add3A_73 = arith.constant 64 : i32
      %add3A_74 = arith.addi %scan3A_40, %add3A_73 : i32
      %ge3A = arith.constant 200 : i32
      %ge3A_75 = arith.cmpi sge, %add3A_74, %ge3A : i32
      %add3A_76 = arith.constant 64 : i32
      %add3A_77 = arith.addi %scan3A_40, %add3A_76 : i32
      %sub3A = arith.constant 200 : i32
      %sub3A_78 = arith.subi %add3A_77, %sub3A : i32
      %add3A_79 = arith.constant 64 : i32
      %add3A_80 = arith.addi %scan3A_40, %add3A_79 : i32
      %select_n3A = arith.select %ge3A_75, %sub3A_78, %add3A_80 : i32
      %mul3A_81 = arith.constant 64 : i32
      %mul3A_82 = arith.muli %add3A_72, %mul3A_81 : i32
      %dma_wait3A_83 = tpu.memref_slice %arg7[%mul3A_82] : memref<25600xi32, #tpu.memory_space<vmem>> -> memref<64xi32, #tpu.memory_space<vmem>>
      %dma_wait3A_84 = arith.constant 0 : i32
      %dma_wait3A_85 = arith.constant 0 : i32
      %dma_wait3A_86 = tpu.memref_slice %arg3[%dma_wait3A_84, %dma_wait3A_85] : memref<500000x128xf32, #tpu.memory_space<hbm>> -> memref<500000x128xf32, #tpu.memory_space<hbm>>
      tpu.wait_indirect_dma semaphore(%arg14 : memref<!tpu.dma_semaphore, #tpu.memory_space<semaphore_mem>>) src(%dma_wait3A_86 : memref<500000x128xf32, #tpu.memory_space<hbm>>) dst(%arg10 : memref<64x128xf32, #tpu.memory_space<vmem>>)
      %gt3A_87 = arith.constant 0 : i32
      %gt3A_88 = arith.cmpi sgt, %scan3A_39, %gt3A_87 : i32
      %convert_element_type3A_89 = arith.extui %gt3A_88 : i1 to i32
      %cond3A_90 = arith.constant 0 : i32
      %cond3A_91 = arith.cmpi ne, %convert_element_type3A_89, %cond3A_90 : i32
      scf.if %cond3A_91 {
        %sub3A_116 = arith.constant 2 : i32
        %sub3A_117 = arith.subi %add3A_72, %sub3A_116 : i32
        %mul3A_118 = arith.constant 64 : i32
        %mul3A_119 = arith.muli %sub3A_117, %mul3A_118 : i32
        %add3A_120 = arith.addi %mul3A_2, %mul3A_119 : i32
        %dma_wait3A_121 = arith.constant 0 : i32
        %dma_wait3A_122 = tpu.memref_slice %arg5[%add3A_120, %dma_wait3A_121] : memref<819200x64xf32, #tpu.memory_space<hbm>> -> memref<64x64xf32, #tpu.memory_space<hbm>>
        %dma_wait3A_123 = arith.constant 0 : i32
        %dma_wait3A_124 = tpu.memref_slice %arg5[%add3A_120, %dma_wait3A_123] : memref<819200x64xf32, #tpu.memory_space<hbm>> -> memref<64x64xf32, #tpu.memory_space<hbm>>
        tpu.wait_dma2 semaphore(%arg16 : memref<!tpu.dma_semaphore, #tpu.memory_space<semaphore_mem>>) src(%arg12 : memref<64x64xf32, #tpu.memory_space<vmem>>) dst(%dma_wait3A_124 : memref<64x64xf32, #tpu.memory_space<hbm>>)
      } else {
      }
      %parallel_loop3A_92 = arith.constant 0 : i32
      %parallel_loop3A_93 = arith.constant 4 : i32
      %parallel_loop3A_94 = arith.constant 1 : i32
      scf.for %parallel_loop3A_116 = %parallel_loop3A_92 to %parallel_loop3A_93 step %parallel_loop3A_94  : i32 {
        %parallel_loop3A_117 = arith.constant 16 : i32
        %parallel_loop3A_118 = arith.muli %parallel_loop3A_116, %parallel_loop3A_117 : i32
        %parallel_loop3A_119 = arith.constant 64 : i32
        %parallel_loop3A_120 = arith.muli %add3A_72, %parallel_loop3A_119 : i32
        %parallel_loop3A_121 = arith.addi %parallel_loop3A_120, %parallel_loop3A_118 : i32
        %parallel_loop3A_122 = arith.index_cast %parallel_loop3A_121 : i32 to index
        %parallel_loop3A_123 = tpu.vector_load %arg6[%parallel_loop3A_122] {strides = array<i32>} : memref<25600xi32, #tpu.memory_space<vmem>>, vector<16xi32>,
        %parallel_loop3A_124 = vector.shape_cast %parallel_loop3A_123 : vector<16xi32> to vector<16xi32>
        %parallel_loop3A_125 = arith.constant 1 : i32
        %parallel_loop3A_126 = vector.broadcast %parallel_loop3A_125 : i32 to vector<16xi32>
        %parallel_loop3A_127 = arith.andi %parallel_loop3A_124, %parallel_loop3A_126 : vector<16xi32>
        %parallel_loop3A_128 = arith.constant 0 : i32
        %parallel_loop3A_129 = arith.addi %parallel_loop3A_118, %parallel_loop3A_128 : i32
        %parallel_loop3A_130 = vector.extract_strided_slice %parallel_loop3A_127 {offsets = [0], sizes = [1], strides = [1]} : vector<16xi32> to vector<1xi32>
        %parallel_loop3A_131 = vector.extract %parallel_loop3A_130[0] : i32 from vector<1xi32>
        %parallel_loop3A_132 = arith.constant 64 : i32
        %parallel_loop3A_133 = arith.muli %parallel_loop3A_131, %parallel_loop3A_132 : i32
        %parallel_loop3A_134 = arith.addi %select_n3A, %parallel_loop3A_129 : i32
        %parallel_loop3A_135 = arith.constant 0 : i32
        %parallel_loop3A_136 = arith.addi %parallel_loop3A_133, %parallel_loop3A_135 : i32
        %parallel_loop3A_137 = arith.index_cast %parallel_loop3A_129 : i32 to index
        %parallel_loop3A_138 = arith.index_cast %parallel_loop3A_136 : i32 to index
        %parallel_loop3A_139 = tpu.vector_load %arg10[%parallel_loop3A_137, %parallel_loop3A_138] {strides = array<i32>} : memref<64x128xf32, #tpu.memory_space<vmem>>, vector<1x16xf32>,
        %parallel_loop3A_140 = vector.shape_cast %parallel_loop3A_139 : vector<1x16xf32> to vector<16xf32>
        %parallel_loop3A_141 = arith.index_cast %parallel_loop3A_134 : i32 to index
        %parallel_loop3A_142 = arith.constant 0 : index
        %parallel_loop3A_143 = tpu.vector_load %arg8[%parallel_loop3A_141, %parallel_loop3A_142] {strides = array<i32>} : memref<264x64xf32, #tpu.memory_space<vmem>>, vector<1x16xf32>,
        %parallel_loop3A_144 = vector.shape_cast %parallel_loop3A_143 : vector<1x16xf32> to vector<16xf32>
        %parallel_loop3A_145 = arith.addf %parallel_loop3A_140, %parallel_loop3A_144 : vector<16xf32>
        %parallel_loop3A_146 = arith.index_cast %parallel_loop3A_129 : i32 to index
        %parallel_loop3A_147 = arith.constant 0 : index
        %parallel_loop3A_148 = tpu.vector_load %arg12[%parallel_loop3A_146, %parallel_loop3A_147] {strides = array<i32>} : memref<64x64xf32, #tpu.memory_space<vmem>>, vector<1x16xf32>,
        %parallel_loop3A_149 = vector.shape_cast %parallel_loop3A_148 : vector<1x16xf32> to vector<16xf32>
        %parallel_loop3A_150 = vector.shape_cast %parallel_loop3A_145 : vector<16xf32> to vector<1x16xf32>
        tpu.vector_store %arg12[%parallel_loop3A_146, %parallel_loop3A_147], %parallel_loop3A_150 {strides = array<i32>} : memref<64x64xf32, #tpu.memory_space<vmem>>, vector<1x16xf32>,
        %parallel_loop3A_151 = arith.constant 16 : i32
        %parallel_loop3A_152 = arith.addi %parallel_loop3A_133, %parallel_loop3A_151 : i32
        %parallel_loop3A_153 = arith.index_cast %parallel_loop3A_129 : i32 to index
        %parallel_loop3A_154 = arith.index_cast %parallel_loop3A_152 : i32 to index
        %parallel_loop3A_155 = tpu.vector_load %arg10[%parallel_loop3A_153, %parallel_loop3A_154] {strides = array<i32>} : memref<64x128xf32, #tpu.memory_space<vmem>>, vector<1x16xf32>,
        %parallel_loop3A_156 = vector.shape_cast %parallel_loop3A_155 : vector<1x16xf32> to vector<16xf32>
        %parallel_loop3A_157 = arith.index_cast %parallel_loop3A_134 : i32 to index
        %parallel_loop3A_158 = arith.constant 16 : index
        %parallel_loop3A_159 = tpu.vector_load %arg8[%parallel_loop3A_157, %parallel_loop3A_158] {strides = array<i32>} : memref<264x64xf32, #tpu.memory_space<vmem>>, vector<1x16xf32>,
        %parallel_loop3A_160 = vector.shape_cast %parallel_loop3A_159 : vector<1x16xf32> to vector<16xf32>
        %parallel_loop3A_161 = arith.addf %parallel_loop3A_156, %parallel_loop3A_160 : vector<16xf32>
        %parallel_loop3A_162 = arith.index_cast %parallel_loop3A_129 : i32 to index
        %parallel_loop3A_163 = arith.constant 16 : index
        %parallel_loop3A_164 = tpu.vector_load %arg12[%parallel_loop3A_162, %parallel_loop3A_163] {strides = array<i32>} : memref<64x64xf32, #tpu.memory_space<vmem>>, vector<1x16xf32>,
        %parallel_loop3A_165 = vector.shape_cast %parallel_loop3A_164 : vector<1x16xf32> to vector<16xf32>
        %parallel_loop3A_166 = vector.shape_cast %parallel_loop3A_161 : vector<16xf32> to vector<1x16xf32>
        tpu.vector_store %arg12[%parallel_loop3A_162, %parallel_loop3A_163], %parallel_loop3A_166 {strides = array<i32>} : memref<64x64xf32, #tpu.memory_space<vmem>>, vector<1x16xf32>,
        %parallel_loop3A_167 = arith.constant 32 : i32
        %parallel_loop3A_168 = arith.addi %parallel_loop3A_133, %parallel_loop3A_167 : i32
        %parallel_loop3A_169 = arith.index_cast %parallel_loop3A_129 : i32 to index
        %parallel_loop3A_170 = arith.index_cast %parallel_loop3A_168 : i32 to index
        %parallel_loop3A_171 = tpu.vector_load %arg10[%parallel_loop3A_169, %parallel_loop3A_170] {strides = array<i32>} : memref<64x128xf32, #tpu.memory_space<vmem>>, vector<1x16xf32>,
        %parallel_loop3A_172 = vector.shape_cast %parallel_loop3A_171 : vector<1x16xf32> to vector<16xf32>
        %parallel_loop3A_173 = arith.index_cast %parallel_loop3A_134 : i32 to index
        %parallel_loop3A_174 = arith.constant 32 : index
        %parallel_loop3A_175 = tpu.vector_load %arg8[%parallel_loop3A_173, %parallel_loop3A_174] {strides = array<i32>} : memref<264x64xf32, #tpu.memory_space<vmem>>, vector<1x16xf32>,
        %parallel_loop3A_176 = vector.shape_cast %parallel_loop3A_175 : vector<1x16xf32> to vector<16xf32>
        %parallel_loop3A_177 = arith.addf %parallel_loop3A_172, %parallel_loop3A_176 : vector<16xf32>
        %parallel_loop3A_178 = arith.index_cast %parallel_loop3A_129 : i32 to index
        %parallel_loop3A_179 = arith.constant 32 : index
        %parallel_loop3A_180 = tpu.vector_load %arg12[%parallel_loop3A_178, %parallel_loop3A_179] {strides = array<i32>} : memref<64x64xf32, #tpu.memory_space<vmem>>, vector<1x16xf32>,
        %parallel_loop3A_181 = vector.shape_cast %parallel_loop3A_180 : vector<1x16xf32> to vector<16xf32>
        %parallel_loop3A_182 = vector.shape_cast %parallel_loop3A_177 : vector<16xf32> to vector<1x16xf32>
        tpu.vector_store %arg12[%parallel_loop3A_178, %parallel_loop3A_179], %parallel_loop3A_182 {strides = array<i32>} : memref<64x64xf32, #tpu.memory_space<vmem>>, vector<1x16xf32>,
        %parallel_loop3A_183 = arith.constant 48 : i32
        %parallel_loop3A_184 = arith.addi %parallel_loop3A_133, %parallel_loop3A_183 : i32
        %parallel_loop3A_185 = arith.index_cast %parallel_loop3A_129 : i32 to index
        %parallel_loop3A_186 = arith.index_cast %parallel_loop3A_184 : i32 to index
        %parallel_loop3A_187 = tpu.vector_load %arg10[%parallel_loop3A_185, %parallel_loop3A_186] {strides = array<i32>} : memref<64x128xf32, #tpu.memory_space<vmem>>, vector<1x16xf32>,
        %parallel_loop3A_188 = vector.shape_cast %parallel_loop3A_187 : vector<1x16xf32> to vector<16xf32>
        %parallel_loop3A_189 = arith.index_cast %parallel_loop3A_134 : i32 to index
        %parallel_loop3A_190 = arith.constant 48 : index
        %parallel_loop3A_191 = tpu.vector_load %arg8[%parallel_loop3A_189, %parallel_loop3A_190] {strides = array<i32>} : memref<264x64xf32, #tpu.memory_space<vmem>>, vector<1x16xf32>,
        %parallel_loop3A_192 = vector.shape_cast %parallel_loop3A_191 : vector<1x16xf32> to vector<16xf32>
        %parallel_loop3A_193 = arith.addf %parallel_loop3A_188, %parallel_loop3A_192 : vector<16xf32>
        %parallel_loop3A_194 = arith.index_cast %parallel_loop3A_129 : i32 to index
        %parallel_loop3A_195 = arith.constant 48 : index
        %parallel_loop3A_196 = tpu.vector_load %arg12[%parallel_loop3A_194, %parallel_loop3A_195] {strides = array<i32>} : memref<64x64xf32, #tpu.memory_space<vmem>>, vector<1x16xf32>,
        %parallel_loop3A_197 = vector.shape_cast %parallel_loop3A_196 : vector<1x16xf32> to vector<16xf32>
        %parallel_loop3A_198 = vector.shape_cast %parallel_loop3A_193 : vector<16xf32> to vector<1x16xf32>
        tpu.vector_store %arg12[%parallel_loop3A_194, %parallel_loop3A_195], %parallel_loop3A_198 {strides = array<i32>} : memref<64x64xf32, #tpu.memory_space<vmem>>, vector<1x16xf32>,
        %parallel_loop3A_199 = arith.constant 1 : i32
        %parallel_loop3A_200 = arith.addi %parallel_loop3A_118, %parallel_loop3A_199 : i32
        %parallel_loop3A_201 = vector.extract_strided_slice %parallel_loop3A_127 {offsets = [1], sizes = [1], strides = [1]} : vector<16xi32> to vector<1xi32>
        %parallel_loop3A_202 = vector.extract %parallel_loop3A_201[0] : i32 from vector<1xi32>
        %parallel_loop3A_203 = arith.constant 64 : i32
        %parallel_loop3A_204 = arith.muli %parallel_loop3A_202, %parallel_loop3A_203 : i32
        %parallel_loop3A_205 = arith.addi %select_n3A, %parallel_loop3A_200 : i32
        %parallel_loop3A_206 = arith.constant 0 : i32
        %parallel_loop3A_207 = arith.addi %parallel_loop3A_204, %parallel_loop3A_206 : i32
        %parallel_loop3A_208 = arith.index_cast %parallel_loop3A_200 : i32 to index
        %parallel_loop3A_209 = arith.index_cast %parallel_loop3A_207 : i32 to index
        %parallel_loop3A_210 = tpu.vector_load %arg10[%parallel_loop3A_208, %parallel_loop3A_209] {strides = array<i32>} : memref<64x128xf32, #tpu.memory_space<vmem>>, vector<1x16xf32>,
        %parallel_loop3A_211 = vector.shape_cast %parallel_loop3A_210 : vector<1x16xf32> to vector<16xf32>
        %parallel_loop3A_212 = arith.index_cast %parallel_loop3A_205 : i32 to index
        %parallel_loop3A_213 = arith.constant 0 : index
        %parallel_loop3A_214 = tpu.vector_load %arg8[%parallel_loop3A_212, %parallel_loop3A_213] {strides = array<i32>} : memref<264x64xf32, #tpu.memory_space<vmem>>, vector<1x16xf32>,
        %parallel_loop3A_215 = vector.shape_cast %parallel_loop3A_214 : vector<1x16xf32> to vector<16xf32>
        %parallel_loop3A_216 = arith.addf %parallel_loop3A_211, %parallel_loop3A_215 : vector<16xf32>
        %parallel_loop3A_217 = arith.index_cast %parallel_loop3A_200 : i32 to index
        %parallel_loop3A_218 = arith.constant 0 : index
        %parallel_loop3A_219 = tpu.vector_load %arg12[%parallel_loop3A_217, %parallel_loop3A_218] {strides = array<i32>} : memref<64x64xf32, #tpu.memory_space<vmem>>, vector<1x16xf32>,
        %parallel_loop3A_220 = vector.shape_cast %parallel_loop3A_219 : vector<1x16xf32> to vector<16xf32>
        %parallel_loop3A_221 = vector.shape_cast %parallel_loop3A_216 : vector<16xf32> to vector<1x16xf32>
        tpu.vector_store %arg12[%parallel_loop3A_217, %parallel_loop3A_218], %parallel_loop3A_221 {strides = array<i32>} : memref<64x64xf32, #tpu.memory_space<vmem>>, vector<1x16xf32>,
        %parallel_loop3A_222 = arith.constant 16 : i32
        %parallel_loop3A_223 = arith.addi %parallel_loop3A_204, %parallel_loop3A_222 : i32
        %parallel_loop3A_224 = arith.index_cast %parallel_loop3A_200 : i32 to index
        %parallel_loop3A_225 = arith.index_cast %parallel_loop3A_223 : i32 to index
        %parallel_loop3A_226 = tpu.vector_load %arg10[%parallel_loop3A_224, %parallel_loop3A_225] {strides = array<i32>} : memref<64x128xf32, #tpu.memory_space<vmem>>, vector<1x16xf32>,
        %parallel_loop3A_227 = vector.shape_cast %parallel_loop3A_226 : vector<1x16xf32> to vector<16xf32>
        %parallel_loop3A_228 = arith.index_cast %parallel_loop3A_205 : i32 to index
        %parallel_loop3A_229 = arith.constant 16 : index
        %parallel_loop3A_230 = tpu.vector_load %arg8[%parallel_loop3A_228, %parallel_loop3A_229] {strides = array<i32>} : memref<264x64xf32, #tpu.memory_space<vmem>>, vector<1x16xf32>,
        %parallel_loop3A_231 = vector.shape_cast %parallel_loop3A_230 : vector<1x16xf32> to vector<16xf32>
        %parallel_loop3A_232 = arith.addf %parallel_loop3A_227, %parallel_loop3A_231 : vector<16xf32>
        %parallel_loop3A_233 = arith.index_cast %parallel_loop3A_200 : i32 to index
        %parallel_loop3A_234 = arith.constant 16 : index
        %parallel_loop3A_235 = tpu.vector_load %arg12[%parallel_loop3A_233, %parallel_loop3A_234] {strides = array<i32>} : memref<64x64xf32, #tpu.memory_space<vmem>>, vector<1x16xf32>,
        %parallel_loop3A_236 = vector.shape_cast %parallel_loop3A_235 : vector<1x16xf32> to vector<16xf32>
        %parallel_loop3A_237 = vector.shape_cast %parallel_loop3A_232 : vector<16xf32> to vector<1x16xf32>
        tpu.vector_store %arg12[%parallel_loop3A_233, %parallel_loop3A_234], %parallel_loop3A_237 {strides = array<i32>} : memref<64x64xf32, #tpu.memory_space<vmem>>, vector<1x16xf32>,
        %parallel_loop3A_238 = arith.constant 32 : i32
        %parallel_loop3A_239 = arith.addi %parallel_loop3A_204, %parallel_loop3A_238 : i32
        %parallel_loop3A_240 = arith.index_cast %parallel_loop3A_200 : i32 to index
        %parallel_loop3A_241 = arith.index_cast %parallel_loop3A_239 : i32 to index
        %parallel_loop3A_242 = tpu.vector_load %arg10[%parallel_loop3A_240, %parallel_loop3A_241] {strides = array<i32>} : memref<64x128xf32, #tpu.memory_space<vmem>>, vector<1x16xf32>,
        %parallel_loop3A_243 = vector.shape_cast %parallel_loop3A_242 : vector<1x16xf32> to vector<16xf32>
        %parallel_loop3A_244 = arith.index_cast %parallel_loop3A_205 : i32 to index
        %parallel_loop3A_245 = arith.constant 32 : index
        %parallel_loop3A_246 = tpu.vector_load %arg8[%parallel_loop3A_244, %parallel_loop3A_245] {strides = array<i32>} : memref<264x64xf32, #tpu.memory_space<vmem>>, vector<1x16xf32>,
        %parallel_loop3A_247 = vector.shape_cast %parallel_loop3A_246 : vector<1x16xf32> to vector<16xf32>
        %parallel_loop3A_248 = arith.addf %parallel_loop3A_243, %parallel_loop3A_247 : vector<16xf32>
        %parallel_loop3A_249 = arith.index_cast %parallel_loop3A_200 : i32 to index
        %parallel_loop3A_250 = arith.constant 32 : index
        %parallel_loop3A_251 = tpu.vector_load %arg12[%parallel_loop3A_249, %parallel_loop3A_250] {strides = array<i32>} : memref<64x64xf32, #tpu.memory_space<vmem>>, vector<1x16xf32>,
        %parallel_loop3A_252 = vector.shape_cast %parallel_loop3A_251 : vector<1x16xf32> to vector<16xf32>
        %parallel_loop3A_253 = vector.shape_cast %parallel_loop3A_248 : vector<16xf32> to vector<1x16xf32>
        tpu.vector_store %arg12[%parallel_loop3A_249, %parallel_loop3A_250], %parallel_loop3A_253 {strides = array<i32>} : memref<64x64xf32, #tpu.memory_space<vmem>>, vector<1x16xf32>,
        %parallel_loop3A_254 = arith.constant 48 : i32
        %parallel_loop3A_255 = arith.addi %parallel_loop3A_204, %parallel_loop3A_254 : i32
        %parallel_loop3A_256 = arith.index_cast %parallel_loop3A_200 : i32 to index
        %parallel_loop3A_257 = arith.index_cast %parallel_loop3A_255 : i32 to index
        %parallel_loop3A_258 = tpu.vector_load %arg10[%parallel_loop3A_256, %parallel_loop3A_257] {strides = array<i32>} : memref<64x128xf32, #tpu.memory_space<vmem>>, vector<1x16xf32>,
        %parallel_loop3A_259 = vector.shape_cast %parallel_loop3A_258 : vector<1x16xf32> to vector<16xf32>
        %parallel_loop3A_260 = arith.index_cast %parallel_loop3A_205 : i32 to index
        %parallel_loop3A_261 = arith.constant 48 : index
        %parallel_loop3A_262 = tpu.vector_load %arg8[%parallel_loop3A_260, %parallel_loop3A_261] {strides = array<i32>} : memref<264x64xf32, #tpu.memory_space<vmem>>, vector<1x16xf32>,
        %parallel_loop3A_263 = vector.shape_cast %parallel_loop3A_262 : vector<1x16xf32> to vector<16xf32>
        %parallel_loop3A_264 = arith.addf %parallel_loop3A_259, %parallel_loop3A_263 : vector<16xf32>
        %parallel_loop3A_265 = arith.index_cast %parallel_loop3A_200 : i32 to index
        %parallel_loop3A_266 = arith.constant 48 : index
        %parallel_loop3A_267 = tpu.vector_load %arg12[%parallel_loop3A_265, %parallel_loop3A_266] {strides = array<i32>} : memref<64x64xf32, #tpu.memory_space<vmem>>, vector<1x16xf32>,
        %parallel_loop3A_268 = vector.shape_cast %parallel_loop3A_267 : vector<1x16xf32> to vector<16xf32>
        %parallel_loop3A_269 = vector.shape_cast %parallel_loop3A_264 : vector<16xf32> to vector<1x16xf32>
        tpu.vector_store %arg12[%parallel_loop3A_265, %parallel_loop3A_266], %parallel_loop3A_269 {strides = array<i32>} : memref<64x64xf32, #tpu.memory_space<vmem>>, vector<1x16xf32>,
        %parallel_loop3A_270 = arith.constant 2 : i32
        %parallel_loop3A_271 = arith.addi %parallel_loop3A_118, %parallel_loop3A_270 : i32
        %parallel_loop3A_272 = vector.extract_strided_slice %parallel_loop3A_127 {offsets = [2], sizes = [1], strides = [1]} : vector<16xi32> to vector<1xi32>
        %parallel_loop3A_273 = vector.extract %parallel_loop3A_272[0] : i32 from vector<1xi32>
        %parallel_loop3A_274 = arith.constant 64 : i32
        %parallel_loop3A_275 = arith.muli %parallel_loop3A_273, %parallel_loop3A_274 : i32
        %parallel_loop3A_276 = arith.addi %select_n3A, %parallel_loop3A_271 : i32
        %parallel_loop3A_277 = arith.constant 0 : i32
        %parallel_loop3A_278 = arith.addi %parallel_loop3A_275, %parallel_loop3A_277 : i32
        %parallel_loop3A_279 = arith.index_cast %parallel_loop3A_271 : i32 to index
        %parallel_loop3A_280 = arith.index_cast %parallel_loop3A_278 : i32 to index
        %parallel_loop3A_281 = tpu.vector_load %arg10[%parallel_loop3A_279, %parallel_loop3A_280] {strides = array<i32>} : memref<64x128xf32, #tpu.memory_space<vmem>>, vector<1x16xf32>,
        %parallel_loop3A_282 = vector.shape_cast %parallel_loop3A_281 : vector<1x16xf32> to vector<16xf32>
        %parallel_loop3A_283 = arith.index_cast %parallel_loop3A_276 : i32 to index
        %parallel_loop3A_284 = arith.constant 0 : index
        %parallel_loop3A_285 = tpu.vector_load %arg8[%parallel_loop3A_283, %parallel_loop3A_284] {strides = array<i32>} : memref<264x64xf32, #tpu.memory_space<vmem>>, vector<1x16xf32>,
        %parallel_loop3A_286 = vector.shape_cast %parallel_loop3A_285 : vector<1x16xf32> to vector<16xf32>
        %parallel_loop3A_287 = arith.addf %parallel_loop3A_282, %parallel_loop3A_286 : vector<16xf32>
        %parallel_loop3A_288 = arith.index_cast %parallel_loop3A_271 : i32 to index
        %parallel_loop3A_289 = arith.constant 0 : index
        %parallel_loop3A_290 = tpu.vector_load %arg12[%parallel_loop3A_288, %parallel_loop3A_289] {strides = array<i32>} : memref<64x64xf32, #tpu.memory_space<vmem>>, vector<1x16xf32>,
        %parallel_loop3A_291 = vector.shape_cast %parallel_loop3A_290 : vector<1x16xf32> to vector<16xf32>
        %parallel_loop3A_292 = vector.shape_cast %parallel_loop3A_287 : vector<16xf32> to vector<1x16xf32>
        tpu.vector_store %arg12[%parallel_loop3A_288, %parallel_loop3A_289], %parallel_loop3A_292 {strides = array<i32>} : memref<64x64xf32, #tpu.memory_space<vmem>>, vector<1x16xf32>,
        %parallel_loop3A_293 = arith.constant 16 : i32
        %parallel_loop3A_294 = arith.addi %parallel_loop3A_275, %parallel_loop3A_293 : i32
        %parallel_loop3A_295 = arith.index_cast %parallel_loop3A_271 : i32 to index
        %parallel_loop3A_296 = arith.index_cast %parallel_loop3A_294 : i32 to index
        %parallel_loop3A_297 = tpu.vector_load %arg10[%parallel_loop3A_295, %parallel_loop3A_296] {strides = array<i32>} : memref<64x128xf32, #tpu.memory_space<vmem>>, vector<1x16xf32>,
        %parallel_loop3A_298 = vector.shape_cast %parallel_loop3A_297 : vector<1x16xf32> to vector<16xf32>
        %parallel_loop3A_299 = arith.index_cast %parallel_loop3A_276 : i32 to index
        %parallel_loop3A_300 = arith.constant 16 : index
        %parallel_loop3A_301 = tpu.vector_load %arg8[%parallel_loop3A_299, %parallel_loop3A_300] {strides = array<i32>} : memref<264x64xf32, #tpu.memory_space<vmem>>, vector<1x16xf32>,
        %parallel_loop3A_302 = vector.shape_cast %parallel_loop3A_301 : vector<1x16xf32> to vector<16xf32>
        %parallel_loop3A_303 = arith.addf %parallel_loop3A_298, %parallel_loop3A_302 : vector<16xf32>
        %parallel_loop3A_304 = arith.index_cast %parallel_loop3A_271 : i32 to index
        %parallel_loop3A_305 = arith.constant 16 : index
        %parallel_loop3A_306 = tpu.vector_load %arg12[%parallel_loop3A_304, %parallel_loop3A_305] {strides = array<i32>} : memref<64x64xf32, #tpu.memory_space<vmem>>, vector<1x16xf32>,
        %parallel_loop3A_307 = vector.shape_cast %parallel_loop3A_306 : vector<1x16xf32> to vector<16xf32>
        %parallel_loop3A_308 = vector.shape_cast %parallel_loop3A_303 : vector<16xf32> to vector<1x16xf32>
        tpu.vector_store %arg12[%parallel_loop3A_304, %parallel_loop3A_305], %parallel_loop3A_308 {strides = array<i32>} : memref<64x64xf32, #tpu.memory_space<vmem>>, vector<1x16xf32>,
        %parallel_loop3A_309 = arith.constant 32 : i32
        %parallel_loop3A_310 = arith.addi %parallel_loop3A_275, %parallel_loop3A_309 : i32
        %parallel_loop3A_311 = arith.index_cast %parallel_loop3A_271 : i32 to index
        %parallel_loop3A_312 = arith.index_cast %parallel_loop3A_310 : i32 to index
        %parallel_loop3A_313 = tpu.vector_load %arg10[%parallel_loop3A_311, %parallel_loop3A_312] {strides = array<i32>} : memref<64x128xf32, #tpu.memory_space<vmem>>, vector<1x16xf32>,
        %parallel_loop3A_314 = vector.shape_cast %parallel_loop3A_313 : vector<1x16xf32> to vector<16xf32>
        %parallel_loop3A_315 = arith.index_cast %parallel_loop3A_276 : i32 to index
        %parallel_loop3A_316 = arith.constant 32 : index
        %parallel_loop3A_317 = tpu.vector_load %arg8[%parallel_loop3A_315, %parallel_loop3A_316] {strides = array<i32>} : memref<264x64xf32, #tpu.memory_space<vmem>>, vector<1x16xf32>,
        %parallel_loop3A_318 = vector.shape_cast %parallel_loop3A_317 : vector<1x16xf32> to vector<16xf32>
        %parallel_loop3A_319 = arith.addf %parallel_loop3A_314, %parallel_loop3A_318 : vector<16xf32>
        %parallel_loop3A_320 = arith.index_cast %parallel_loop3A_271 : i32 to index
        %parallel_loop3A_321 = arith.constant 32 : index
        %parallel_loop3A_322 = tpu.vector_load %arg12[%parallel_loop3A_320, %parallel_loop3A_321] {strides = array<i32>} : memref<64x64xf32, #tpu.memory_space<vmem>>, vector<1x16xf32>,
        %parallel_loop3A_323 = vector.shape_cast %parallel_loop3A_322 : vector<1x16xf32> to vector<16xf32>
        %parallel_loop3A_324 = vector.shape_cast %parallel_loop3A_319 : vector<16xf32> to vector<1x16xf32>
        tpu.vector_store %arg12[%parallel_loop3A_320, %parallel_loop3A_321], %parallel_loop3A_324 {strides = array<i32>} : memref<64x64xf32, #tpu.memory_space<vmem>>, vector<1x16xf32>,
        %parallel_loop3A_325 = arith.constant 48 : i32
        %parallel_loop3A_326 = arith.addi %parallel_loop3A_275, %parallel_loop3A_325 : i32
        %parallel_loop3A_327 = arith.index_cast %parallel_loop3A_271 : i32 to index
        %parallel_loop3A_328 = arith.index_cast %parallel_loop3A_326 : i32 to index
        %parallel_loop3A_329 = tpu.vector_load %arg10[%parallel_loop3A_327, %parallel_loop3A_328] {strides = array<i32>} : memref<64x128xf32, #tpu.memory_space<vmem>>, vector<1x16xf32>,
        %parallel_loop3A_330 = vector.shape_cast %parallel_loop3A_329 : vector<1x16xf32> to vector<16xf32>
        %parallel_loop3A_331 = arith.index_cast %parallel_loop3A_276 : i32 to index
        %parallel_loop3A_332 = arith.constant 48 : index
        %parallel_loop3A_333 = tpu.vector_load %arg8[%parallel_loop3A_331, %parallel_loop3A_332] {strides = array<i32>} : memref<264x64xf32, #tpu.memory_space<vmem>>, vector<1x16xf32>,
        %parallel_loop3A_334 = vector.shape_cast %parallel_loop3A_333 : vector<1x16xf32> to vector<16xf32>
        %parallel_loop3A_335 = arith.addf %parallel_loop3A_330, %parallel_loop3A_334 : vector<16xf32>
        %parallel_loop3A_336 = arith.index_cast %parallel_loop3A_271 : i32 to index
        %parallel_loop3A_337 = arith.constant 48 : index
        %parallel_loop3A_338 = tpu.vector_load %arg12[%parallel_loop3A_336, %parallel_loop3A_337] {strides = array<i32>} : memref<64x64xf32, #tpu.memory_space<vmem>>, vector<1x16xf32>,
        %parallel_loop3A_339 = vector.shape_cast %parallel_loop3A_338 : vector<1x16xf32> to vector<16xf32>
        %parallel_loop3A_340 = vector.shape_cast %parallel_loop3A_335 : vector<16xf32> to vector<1x16xf32>
        tpu.vector_store %arg12[%parallel_loop3A_336, %parallel_loop3A_337], %parallel_loop3A_340 {strides = array<i32>} : memref<64x64xf32, #tpu.memory_space<vmem>>, vector<1x16xf32>,
        %parallel_loop3A_341 = arith.constant 3 : i32
        %parallel_loop3A_342 = arith.addi %parallel_loop3A_118, %parallel_loop3A_341 : i32
        %parallel_loop3A_343 = vector.extract_strided_slice %parallel_loop3A_127 {offsets = [3], sizes = [1], strides = [1]} : vector<16xi32> to vector<1xi32>
        %parallel_loop3A_344 = vector.extract %parallel_loop3A_343[0] : i32 from vector<1xi32>
        %parallel_loop3A_345 = arith.constant 64 : i32
        %parallel_loop3A_346 = arith.muli %parallel_loop3A_344, %parallel_loop3A_345 : i32
        %parallel_loop3A_347 = arith.addi %select_n3A, %parallel_loop3A_342 : i32
        %parallel_loop3A_348 = arith.constant 0 : i32
        %parallel_loop3A_349 = arith.addi %parallel_loop3A_346, %parallel_loop3A_348 : i32
        %parallel_loop3A_350 = arith.index_cast %parallel_loop3A_342 : i32 to index
        %parallel_loop3A_351 = arith.index_cast %parallel_loop3A_349 : i32 to index
        %parallel_loop3A_352 = tpu.vector_load %arg10[%parallel_loop3A_350, %parallel_loop3A_351] {strides = array<i32>} : memref<64x128xf32, #tpu.memory_space<vmem>>, vector<1x16xf32>,
        %parallel_loop3A_353 = vector.shape_cast %parallel_loop3A_352 : vector<1x16xf32> to vector<16xf32>
        %parallel_loop3A_354 = arith.index_cast %parallel_loop3A_347 : i32 to index
        %parallel_loop3A_355 = arith.constant 0 : index
        %parallel_loop3A_356 = tpu.vector_load %arg8[%parallel_loop3A_354, %parallel_loop3A_355] {strides = array<i32>} : memref<264x64xf32, #tpu.memory_space<vmem>>, vector<1x16xf32>,
        %parallel_loop3A_357 = vector.shape_cast %parallel_loop3A_356 : vector<1x16xf32> to vector<16xf32>
        %parallel_loop3A_358 = arith.addf %parallel_loop3A_353, %parallel_loop3A_357 : vector<16xf32>
        %parallel_loop3A_359 = arith.index_cast %parallel_loop3A_342 : i32 to index
        %parallel_loop3A_360 = arith.constant 0 : index
        %parallel_loop3A_361 = tpu.vector_load %arg12[%parallel_loop3A_359, %parallel_loop3A_360] {strides = array<i32>} : memref<64x64xf32, #tpu.memory_space<vmem>>, vector<1x16xf32>,
        %parallel_loop3A_362 = vector.shape_cast %parallel_loop3A_361 : vector<1x16xf32> to vector<16xf32>
        %parallel_loop3A_363 = vector.shape_cast %parallel_loop3A_358 : vector<16xf32> to vector<1x16xf32>
        tpu.vector_store %arg12[%parallel_loop3A_359, %parallel_loop3A_360], %parallel_loop3A_363 {strides = array<i32>} : memref<64x64xf32, #tpu.memory_space<vmem>>, vector<1x16xf32>,
        %parallel_loop3A_364 = arith.constant 16 : i32
        %parallel_loop3A_365 = arith.addi %parallel_loop3A_346, %parallel_loop3A_364 : i32
        %parallel_loop3A_366 = arith.index_cast %parallel_loop3A_342 : i32 to index
        %parallel_loop3A_367 = arith.index_cast %parallel_loop3A_365 : i32 to index
        %parallel_loop3A_368 = tpu.vector_load %arg10[%parallel_loop3A_366, %parallel_loop3A_367] {strides = array<i32>} : memref<64x128xf32, #tpu.memory_space<vmem>>, vector<1x16xf32>,
        %parallel_loop3A_369 = vector.shape_cast %parallel_loop3A_368 : vector<1x16xf32> to vector<16xf32>
        %parallel_loop3A_370 = arith.index_cast %parallel_loop3A_347 : i32 to index
        %parallel_loop3A_371 = arith.constant 16 : index
        %parallel_loop3A_372 = tpu.vector_load %arg8[%parallel_loop3A_370, %parallel_loop3A_371] {strides = array<i32>} : memref<264x64xf32, #tpu.memory_space<vmem>>, vector<1x16xf32>,
        %parallel_loop3A_373 = vector.shape_cast %parallel_loop3A_372 : vector<1x16xf32> to vector<16xf32>
        %parallel_loop3A_374 = arith.addf %parallel_loop3A_369, %parallel_loop3A_373 : vector<16xf32>
        %parallel_loop3A_375 = arith.index_cast %parallel_loop3A_342 : i32 to index
        %parallel_loop3A_376 = arith.constant 16 : index
        %parallel_loop3A_377 = tpu.vector_load %arg12[%parallel_loop3A_375, %parallel_loop3A_376] {strides = array<i32>} : memref<64x64xf32, #tpu.memory_space<vmem>>, vector<1x16xf32>,
        %parallel_loop3A_378 = vector.shape_cast %parallel_loop3A_377 : vector<1x16xf32> to vector<16xf32>
        %parallel_loop3A_379 = vector.shape_cast %parallel_loop3A_374 : vector<16xf32> to vector<1x16xf32>
        tpu.vector_store %arg12[%parallel_loop3A_375, %parallel_loop3A_376], %parallel_loop3A_379 {strides = array<i32>} : memref<64x64xf32, #tpu.memory_space<vmem>>, vector<1x16xf32>,
        %parallel_loop3A_380 = arith.constant 32 : i32
        %parallel_loop3A_381 = arith.addi %parallel_loop3A_346, %parallel_loop3A_380 : i32
        %parallel_loop3A_382 = arith.index_cast %parallel_loop3A_342 : i32 to index
        %parallel_loop3A_383 = arith.index_cast %parallel_loop3A_381 : i32 to index
        %parallel_loop3A_384 = tpu.vector_load %arg10[%parallel_loop3A_382, %parallel_loop3A_383] {strides = array<i32>} : memref<64x128xf32, #tpu.memory_space<vmem>>, vector<1x16xf32>,
        %parallel_loop3A_385 = vector.shape_cast %parallel_loop3A_384 : vector<1x16xf32> to vector<16xf32>
        %parallel_loop3A_386 = arith.index_cast %parallel_loop3A_347 : i32 to index
        %parallel_loop3A_387 = arith.constant 32 : index
        %parallel_loop3A_388 = tpu.vector_load %arg8[%parallel_loop3A_386, %parallel_loop3A_387] {strides = array<i32>} : memref<264x64xf32, #tpu.memory_space<vmem>>, vector<1x16xf32>,
        %parallel_loop3A_389 = vector.shape_cast %parallel_loop3A_388 : vector<1x16xf32> to vector<16xf32>
        %parallel_loop3A_390 = arith.addf %parallel_loop3A_385, %parallel_loop3A_389 : vector<16xf32>
        %parallel_loop3A_391 = arith.index_cast %parallel_loop3A_342 : i32 to index
        %parallel_loop3A_392 = arith.constant 32 : index
        %parallel_loop3A_393 = tpu.vector_load %arg12[%parallel_loop3A_391, %parallel_loop3A_392] {strides = array<i32>} : memref<64x64xf32, #tpu.memory_space<vmem>>, vector<1x16xf32>,
        %parallel_loop3A_394 = vector.shape_cast %parallel_loop3A_393 : vector<1x16xf32> to vector<16xf32>
        %parallel_loop3A_395 = vector.shape_cast %parallel_loop3A_390 : vector<16xf32> to vector<1x16xf32>
        tpu.vector_store %arg12[%parallel_loop3A_391, %parallel_loop3A_392], %parallel_loop3A_395 {strides = array<i32>} : memref<64x64xf32, #tpu.memory_space<vmem>>, vector<1x16xf32>,
        %parallel_loop3A_396 = arith.constant 48 : i32
        %parallel_loop3A_397 = arith.addi %parallel_loop3A_346, %parallel_loop3A_396 : i32
        %parallel_loop3A_398 = arith.index_cast %parallel_loop3A_342 : i32 to index
        %parallel_loop3A_399 = arith.index_cast %parallel_loop3A_397 : i32 to index
        %parallel_loop3A_400 = tpu.vector_load %arg10[%parallel_loop3A_398, %parallel_loop3A_399] {strides = array<i32>} : memref<64x128xf32, #tpu.memory_space<vmem>>, vector<1x16xf32>,
        %parallel_loop3A_401 = vector.shape_cast %parallel_loop3A_400 : vector<1x16xf32> to vector<16xf32>
        %parallel_loop3A_402 = arith.index_cast %parallel_loop3A_347 : i32 to index
        %parallel_loop3A_403 = arith.constant 48 : index
        %parallel_loop3A_404 = tpu.vector_load %arg8[%parallel_loop3A_402, %parallel_loop3A_403] {strides = array<i32>} : memref<264x64xf32, #tpu.memory_space<vmem>>, vector<1x16xf32>,
        %parallel_loop3A_405 = vector.shape_cast %parallel_loop3A_404 : vector<1x16xf32> to vector<16xf32>
        %parallel_loop3A_406 = arith.addf %parallel_loop3A_401, %parallel_loop3A_405 : vector<16xf32>
        %parallel_loop3A_407 = arith.index_cast %parallel_loop3A_342 : i32 to index
        %parallel_loop3A_408 = arith.constant 48 : index
        %parallel_loop3A_409 = tpu.vector_load %arg12[%parallel_loop3A_407, %parallel_loop3A_408] {strides = array<i32>} : memref<64x64xf32, #tpu.memory_space<vmem>>, vector<1x16xf32>,
        %parallel_loop3A_410 = vector.shape_cast %parallel_loop3A_409 : vector<1x16xf32> to vector<16xf32>
        %parallel_loop3A_411 = vector.shape_cast %parallel_loop3A_406 : vector<16xf32> to vector<1x16xf32>
        tpu.vector_store %arg12[%parallel_loop3A_407, %parallel_loop3A_408], %parallel_loop3A_411 {strides = array<i32>} : memref<64x64xf32, #tpu.memory_space<vmem>>, vector<1x16xf32>,
        %parallel_loop3A_412 = arith.constant 4 : i32
        %parallel_loop3A_413 = arith.addi %parallel_loop3A_118, %parallel_loop3A_412 : i32
        %parallel_loop3A_414 = vector.extract_strided_slice %parallel_loop3A_127 {offsets = [4], sizes = [1], strides = [1]} : vector<16xi32> to vector<1xi32>
        %parallel_loop3A_415 = vector.extract %parallel_loop3A_414[0] : i32 from vector<1xi32>
        %parallel_loop3A_416 = arith.constant 64 : i32
        %parallel_loop3A_417 = arith.muli %parallel_loop3A_415, %parallel_loop3A_416 : i32
        %parallel_loop3A_418 = arith.addi %select_n3A, %parallel_loop3A_413 : i32
        %parallel_loop3A_419 = arith.constant 0 : i32
        %parallel_loop3A_420 = arith.addi %parallel_loop3A_417, %parallel_loop3A_419 : i32
        %parallel_loop3A_421 = arith.index_cast %parallel_loop3A_413 : i32 to index
        %parallel_loop3A_422 = arith.index_cast %parallel_loop3A_420 : i32 to index
        %parallel_loop3A_423 = tpu.vector_load %arg10[%parallel_loop3A_421, %parallel_loop3A_422] {strides = array<i32>} : memref<64x128xf32, #tpu.memory_space<vmem>>, vector<1x16xf32>,
        %parallel_loop3A_424 = vector.shape_cast %parallel_loop3A_423 : vector<1x16xf32> to vector<16xf32>
        %parallel_loop3A_425 = arith.index_cast %parallel_loop3A_418 : i32 to index
        %parallel_loop3A_426 = arith.constant 0 : index
        %parallel_loop3A_427 = tpu.vector_load %arg8[%parallel_loop3A_425, %parallel_loop3A_426] {strides = array<i32>} : memref<264x64xf32, #tpu.memory_space<vmem>>, vector<1x16xf32>,
        %parallel_loop3A_428 = vector.shape_cast %parallel_loop3A_427 : vector<1x16xf32> to vector<16xf32>
        %parallel_loop3A_429 = arith.addf %parallel_loop3A_424, %parallel_loop3A_428 : vector<16xf32>
        %parallel_loop3A_430 = arith.index_cast %parallel_loop3A_413 : i32 to index
        %parallel_loop3A_431 = arith.constant 0 : index
        %parallel_loop3A_432 = tpu.vector_load %arg12[%parallel_loop3A_430, %parallel_loop3A_431] {strides = array<i32>} : memref<64x64xf32, #tpu.memory_space<vmem>>, vector<1x16xf32>,
        %parallel_loop3A_433 = vector.shape_cast %parallel_loop3A_432 : vector<1x16xf32> to vector<16xf32>
        %parallel_loop3A_434 = vector.shape_cast %parallel_loop3A_429 : vector<16xf32> to vector<1x16xf32>
        tpu.vector_store %arg12[%parallel_loop3A_430, %parallel_loop3A_431], %parallel_loop3A_434 {strides = array<i32>} : memref<64x64xf32, #tpu.memory_space<vmem>>, vector<1x16xf32>,
        %parallel_loop3A_435 = arith.constant 16 : i32
        %parallel_loop3A_436 = arith.addi %parallel_loop3A_417, %parallel_loop3A_435 : i32
        %parallel_loop3A_437 = arith.index_cast %parallel_loop3A_413 : i32 to index
        %parallel_loop3A_438 = arith.index_cast %parallel_loop3A_436 : i32 to index
        %parallel_loop3A_439 = tpu.vector_load %arg10[%parallel_loop3A_437, %parallel_loop3A_438] {strides = array<i32>} : memref<64x128xf32, #tpu.memory_space<vmem>>, vector<1x16xf32>,
        %parallel_loop3A_440 = vector.shape_cast %parallel_loop3A_439 : vector<1x16xf32> to vector<16xf32>
        %parallel_loop3A_441 = arith.index_cast %parallel_loop3A_418 : i32 to index
        %parallel_loop3A_442 = arith.constant 16 : index
        %parallel_loop3A_443 = tpu.vector_load %arg8[%parallel_loop3A_441, %parallel_loop3A_442] {strides = array<i32>} : memref<264x64xf32, #tpu.memory_space<vmem>>, vector<1x16xf32>,
        %parallel_loop3A_444 = vector.shape_cast %parallel_loop3A_443 : vector<1x16xf32> to vector<16xf32>
        %parallel_loop3A_445 = arith.addf %parallel_loop3A_440, %parallel_loop3A_444 : vector<16xf32>
        %parallel_loop3A_446 = arith.index_cast %parallel_loop3A_413 : i32 to index
        %parallel_loop3A_447 = arith.constant 16 : index
        %parallel_loop3A_448 = tpu.vector_load %arg12[%parallel_loop3A_446, %parallel_loop3A_447] {strides = array<i32>} : memref<64x64xf32, #tpu.memory_space<vmem>>, vector<1x16xf32>,
        %parallel_loop3A_449 = vector.shape_cast %parallel_loop3A_448 : vector<1x16xf32> to vector<16xf32>
        %parallel_loop3A_450 = vector.shape_cast %parallel_loop3A_445 : vector<16xf32> to vector<1x16xf32>
        tpu.vector_store %arg12[%parallel_loop3A_446, %parallel_loop3A_447], %parallel_loop3A_450 {strides = array<i32>} : memref<64x64xf32, #tpu.memory_space<vmem>>, vector<1x16xf32>,
        %parallel_loop3A_451 = arith.constant 32 : i32
        %parallel_loop3A_452 = arith.addi %parallel_loop3A_417, %parallel_loop3A_451 : i32
        %parallel_loop3A_453 = arith.index_cast %parallel_loop3A_413 : i32 to index
        %parallel_loop3A_454 = arith.index_cast %parallel_loop3A_452 : i32 to index
        %parallel_loop3A_455 = tpu.vector_load %arg10[%parallel_loop3A_453, %parallel_loop3A_454] {strides = array<i32>} : memref<64x128xf32, #tpu.memory_space<vmem>>, vector<1x16xf32>,
        %parallel_loop3A_456 = vector.shape_cast %parallel_loop3A_455 : vector<1x16xf32> to vector<16xf32>
        %parallel_loop3A_457 = arith.index_cast %parallel_loop3A_418 : i32 to index
        %parallel_loop3A_458 = arith.constant 32 : index
        %parallel_loop3A_459 = tpu.vector_load %arg8[%parallel_loop3A_457, %parallel_loop3A_458] {strides = array<i32>} : memref<264x64xf32, #tpu.memory_space<vmem>>, vector<1x16xf32>,
        %parallel_loop3A_460 = vector.shape_cast %parallel_loop3A_459 : vector<1x16xf32> to vector<16xf32>
        %parallel_loop3A_461 = arith.addf %parallel_loop3A_456, %parallel_loop3A_460 : vector<16xf32>
        %parallel_loop3A_462 = arith.index_cast %parallel_loop3A_413 : i32 to index
        %parallel_loop3A_463 = arith.constant 32 : index
        %parallel_loop3A_464 = tpu.vector_load %arg12[%parallel_loop3A_462, %parallel_loop3A_463] {strides = array<i32>} : memref<64x64xf32, #tpu.memory_space<vmem>>, vector<1x16xf32>,
        %parallel_loop3A_465 = vector.shape_cast %parallel_loop3A_464 : vector<1x16xf32> to vector<16xf32>
        %parallel_loop3A_466 = vector.shape_cast %parallel_loop3A_461 : vector<16xf32> to vector<1x16xf32>
        tpu.vector_store %arg12[%parallel_loop3A_462, %parallel_loop3A_463], %parallel_loop3A_466 {strides = array<i32>} : memref<64x64xf32, #tpu.memory_space<vmem>>, vector<1x16xf32>,
        %parallel_loop3A_467 = arith.constant 48 : i32
        %parallel_loop3A_468 = arith.addi %parallel_loop3A_417, %parallel_loop3A_467 : i32
        %parallel_loop3A_469 = arith.index_cast %parallel_loop3A_413 : i32 to index
        %parallel_loop3A_470 = arith.index_cast %parallel_loop3A_468 : i32 to index
        %parallel_loop3A_471 = tpu.vector_load %arg10[%parallel_loop3A_469, %parallel_loop3A_470] {strides = array<i32>} : memref<64x128xf32, #tpu.memory_space<vmem>>, vector<1x16xf32>,
        %parallel_loop3A_472 = vector.shape_cast %parallel_loop3A_471 : vector<1x16xf32> to vector<16xf32>
        %parallel_loop3A_473 = arith.index_cast %parallel_loop3A_418 : i32 to index
        %parallel_loop3A_474 = arith.constant 48 : index
        %parallel_loop3A_475 = tpu.vector_load %arg8[%parallel_loop3A_473, %parallel_loop3A_474] {strides = array<i32>} : memref<264x64xf32, #tpu.memory_space<vmem>>, vector<1x16xf32>,
        %parallel_loop3A_476 = vector.shape_cast %parallel_loop3A_475 : vector<1x16xf32> to vector<16xf32>
        %parallel_loop3A_477 = arith.addf %parallel_loop3A_472, %parallel_loop3A_476 : vector<16xf32>
        %parallel_loop3A_478 = arith.index_cast %parallel_loop3A_413 : i32 to index
        %parallel_loop3A_479 = arith.constant 48 : index
        %parallel_loop3A_480 = tpu.vector_load %arg12[%parallel_loop3A_478, %parallel_loop3A_479] {strides = array<i32>} : memref<64x64xf32, #tpu.memory_space<vmem>>, vector<1x16xf32>,
        %parallel_loop3A_481 = vector.shape_cast %parallel_loop3A_480 : vector<1x16xf32> to vector<16xf32>
        %parallel_loop3A_482 = vector.shape_cast %parallel_loop3A_477 : vector<16xf32> to vector<1x16xf32>
        tpu.vector_store %arg12[%parallel_loop3A_478, %parallel_loop3A_479], %parallel_loop3A_482 {strides = array<i32>} : memref<64x64xf32, #tpu.memory_space<vmem>>, vector<1x16xf32>,
        %parallel_loop3A_483 = arith.constant 5 : i32
        %parallel_loop3A_484 = arith.addi %parallel_loop3A_118, %parallel_loop3A_483 : i32
        %parallel_loop3A_485 = vector.extract_strided_slice %parallel_loop3A_127 {offsets = [5], sizes = [1], strides = [1]} : vector<16xi32> to vector<1xi32>
        %parallel_loop3A_486 = vector.extract %parallel_loop3A_485[0] : i32 from vector<1xi32>
        %parallel_loop3A_487 = arith.constant 64 : i32
        %parallel_loop3A_488 = arith.muli %parallel_loop3A_486, %parallel_loop3A_487 : i32
        %parallel_loop3A_489 = arith.addi %select_n3A, %parallel_loop3A_484 : i32
        %parallel_loop3A_490 = arith.constant 0 : i32
        %parallel_loop3A_491 = arith.addi %parallel_loop3A_488, %parallel_loop3A_490 : i32
        %parallel_loop3A_492 = arith.index_cast %parallel_loop3A_484 : i32 to index
        %parallel_loop3A_493 = arith.index_cast %parallel_loop3A_491 : i32 to index
        %parallel_loop3A_494 = tpu.vector_load %arg10[%parallel_loop3A_492, %parallel_loop3A_493] {strides = array<i32>} : memref<64x128xf32, #tpu.memory_space<vmem>>, vector<1x16xf32>,
        %parallel_loop3A_495 = vector.shape_cast %parallel_loop3A_494 : vector<1x16xf32> to vector<16xf32>
        %parallel_loop3A_496 = arith.index_cast %parallel_loop3A_489 : i32 to index
        %parallel_loop3A_497 = arith.constant 0 : index
        %parallel_loop3A_498 = tpu.vector_load %arg8[%parallel_loop3A_496, %parallel_loop3A_497] {strides = array<i32>} : memref<264x64xf32, #tpu.memory_space<vmem>>, vector<1x16xf32>,
        %parallel_loop3A_499 = vector.shape_cast %parallel_loop3A_498 : vector<1x16xf32> to vector<16xf32>
        %parallel_loop3A_500 = arith.addf %parallel_loop3A_495, %parallel_loop3A_499 : vector<16xf32>
        %parallel_loop3A_501 = arith.index_cast %parallel_loop3A_484 : i32 to index
        %parallel_loop3A_502 = arith.constant 0 : index
        %parallel_loop3A_503 = tpu.vector_load %arg12[%parallel_loop3A_501, %parallel_loop3A_502] {strides = array<i32>} : memref<64x64xf32, #tpu.memory_space<vmem>>, vector<1x16xf32>,
        %parallel_loop3A_504 = vector.shape_cast %parallel_loop3A_503 : vector<1x16xf32> to vector<16xf32>
        %parallel_loop3A_505 = vector.shape_cast %parallel_loop3A_500 : vector<16xf32> to vector<1x16xf32>
        tpu.vector_store %arg12[%parallel_loop3A_501, %parallel_loop3A_502], %parallel_loop3A_505 {strides = array<i32>} : memref<64x64xf32, #tpu.memory_space<vmem>>, vector<1x16xf32>,
        %parallel_loop3A_506 = arith.constant 16 : i32
        %parallel_loop3A_507 = arith.addi %parallel_loop3A_488, %parallel_loop3A_506 : i32
        %parallel_loop3A_508 = arith.index_cast %parallel_loop3A_484 : i32 to index
        %parallel_loop3A_509 = arith.index_cast %parallel_loop3A_507 : i32 to index
        %parallel_loop3A_510 = tpu.vector_load %arg10[%parallel_loop3A_508, %parallel_loop3A_509] {strides = array<i32>} : memref<64x128xf32, #tpu.memory_space<vmem>>, vector<1x16xf32>,
        %parallel_loop3A_511 = vector.shape_cast %parallel_loop3A_510 : vector<1x16xf32> to vector<16xf32>
        %parallel_loop3A_512 = arith.index_cast %parallel_loop3A_489 : i32 to index
        %parallel_loop3A_513 = arith.constant 16 : index
        %parallel_loop3A_514 = tpu.vector_load %arg8[%parallel_loop3A_512, %parallel_loop3A_513] {strides = array<i32>} : memref<264x64xf32, #tpu.memory_space<vmem>>, vector<1x16xf32>,
        %parallel_loop3A_515 = vector.shape_cast %parallel_loop3A_514 : vector<1x16xf32> to vector<16xf32>
        %parallel_loop3A_516 = arith.addf %parallel_loop3A_511, %parallel_loop3A_515 : vector<16xf32>
        %parallel_loop3A_517 = arith.index_cast %parallel_loop3A_484 : i32 to index
        %parallel_loop3A_518 = arith.constant 16 : index
        %parallel_loop3A_519 = tpu.vector_load %arg12[%parallel_loop3A_517, %parallel_loop3A_518] {strides = array<i32>} : memref<64x64xf32, #tpu.memory_space<vmem>>, vector<1x16xf32>,
        %parallel_loop3A_520 = vector.shape_cast %parallel_loop3A_519 : vector<1x16xf32> to vector<16xf32>
        %parallel_loop3A_521 = vector.shape_cast %parallel_loop3A_516 : vector<16xf32> to vector<1x16xf32>
        tpu.vector_store %arg12[%parallel_loop3A_517, %parallel_loop3A_518], %parallel_loop3A_521 {strides = array<i32>} : memref<64x64xf32, #tpu.memory_space<vmem>>, vector<1x16xf32>,
        %parallel_loop3A_522 = arith.constant 32 : i32
        %parallel_loop3A_523 = arith.addi %parallel_loop3A_488, %parallel_loop3A_522 : i32
        %parallel_loop3A_524 = arith.index_cast %parallel_loop3A_484 : i32 to index
        %parallel_loop3A_525 = arith.index_cast %parallel_loop3A_523 : i32 to index
        %parallel_loop3A_526 = tpu.vector_load %arg10[%parallel_loop3A_524, %parallel_loop3A_525] {strides = array<i32>} : memref<64x128xf32, #tpu.memory_space<vmem>>, vector<1x16xf32>,
        %parallel_loop3A_527 = vector.shape_cast %parallel_loop3A_526 : vector<1x16xf32> to vector<16xf32>
        %parallel_loop3A_528 = arith.index_cast %parallel_loop3A_489 : i32 to index
        %parallel_loop3A_529 = arith.constant 32 : index
        %parallel_loop3A_530 = tpu.vector_load %arg8[%parallel_loop3A_528, %parallel_loop3A_529] {strides = array<i32>} : memref<264x64xf32, #tpu.memory_space<vmem>>, vector<1x16xf32>,
        %parallel_loop3A_531 = vector.shape_cast %parallel_loop3A_530 : vector<1x16xf32> to vector<16xf32>
        %parallel_loop3A_532 = arith.addf %parallel_loop3A_527, %parallel_loop3A_531 : vector<16xf32>
        %parallel_loop3A_533 = arith.index_cast %parallel_loop3A_484 : i32 to index
        %parallel_loop3A_534 = arith.constant 32 : index
        %parallel_loop3A_535 = tpu.vector_load %arg12[%parallel_loop3A_533, %parallel_loop3A_534] {strides = array<i32>} : memref<64x64xf32, #tpu.memory_space<vmem>>, vector<1x16xf32>,
        %parallel_loop3A_536 = vector.shape_cast %parallel_loop3A_535 : vector<1x16xf32> to vector<16xf32>
        %parallel_loop3A_537 = vector.shape_cast %parallel_loop3A_532 : vector<16xf32> to vector<1x16xf32>
        tpu.vector_store %arg12[%parallel_loop3A_533, %parallel_loop3A_534], %parallel_loop3A_537 {strides = array<i32>} : memref<64x64xf32, #tpu.memory_space<vmem>>, vector<1x16xf32>,
        %parallel_loop3A_538 = arith.constant 48 : i32
        %parallel_loop3A_539 = arith.addi %parallel_loop3A_488, %parallel_loop3A_538 : i32
        %parallel_loop3A_540 = arith.index_cast %parallel_loop3A_484 : i32 to index
        %parallel_loop3A_541 = arith.index_cast %parallel_loop3A_539 : i32 to index
        %parallel_loop3A_542 = tpu.vector_load %arg10[%parallel_loop3A_540, %parallel_loop3A_541] {strides = array<i32>} : memref<64x128xf32, #tpu.memory_space<vmem>>, vector<1x16xf32>,
        %parallel_loop3A_543 = vector.shape_cast %parallel_loop3A_542 : vector<1x16xf32> to vector<16xf32>
        %parallel_loop3A_544 = arith.index_cast %parallel_loop3A_489 : i32 to index
        %parallel_loop3A_545 = arith.constant 48 : index
        %parallel_loop3A_546 = tpu.vector_load %arg8[%parallel_loop3A_544, %parallel_loop3A_545] {strides = array<i32>} : memref<264x64xf32, #tpu.memory_space<vmem>>, vector<1x16xf32>,
        %parallel_loop3A_547 = vector.shape_cast %parallel_loop3A_546 : vector<1x16xf32> to vector<16xf32>
        %parallel_loop3A_548 = arith.addf %parallel_loop3A_543, %parallel_loop3A_547 : vector<16xf32>
        %parallel_loop3A_549 = arith.index_cast %parallel_loop3A_484 : i32 to index
        %parallel_loop3A_550 = arith.constant 48 : index
        %parallel_loop3A_551 = tpu.vector_load %arg12[%parallel_loop3A_549, %parallel_loop3A_550] {strides = array<i32>} : memref<64x64xf32, #tpu.memory_space<vmem>>, vector<1x16xf32>,
        %parallel_loop3A_552 = vector.shape_cast %parallel_loop3A_551 : vector<1x16xf32> to vector<16xf32>
        %parallel_loop3A_553 = vector.shape_cast %parallel_loop3A_548 : vector<16xf32> to vector<1x16xf32>
        tpu.vector_store %arg12[%parallel_loop3A_549, %parallel_loop3A_550], %parallel_loop3A_553 {strides = array<i32>} : memref<64x64xf32, #tpu.memory_space<vmem>>, vector<1x16xf32>,
        %parallel_loop3A_554 = arith.constant 6 : i32
        %parallel_loop3A_555 = arith.addi %parallel_loop3A_118, %parallel_loop3A_554 : i32
        %parallel_loop3A_556 = vector.extract_strided_slice %parallel_loop3A_127 {offsets = [6], sizes = [1], strides = [1]} : vector<16xi32> to vector<1xi32>
        %parallel_loop3A_557 = vector.extract %parallel_loop3A_556[0] : i32 from vector<1xi32>
        %parallel_loop3A_558 = arith.constant 64 : i32
        %parallel_loop3A_559 = arith.muli %parallel_loop3A_557, %parallel_loop3A_558 : i32
        %parallel_loop3A_560 = arith.addi %select_n3A, %parallel_loop3A_555 : i32
        %parallel_loop3A_561 = arith.constant 0 : i32
        %parallel_loop3A_562 = arith.addi %parallel_loop3A_559, %parallel_loop3A_561 : i32
        %parallel_loop3A_563 = arith.index_cast %parallel_loop3A_555 : i32 to index
        %parallel_loop3A_564 = arith.index_cast %parallel_loop3A_562 : i32 to index
        %parallel_loop3A_565 = tpu.vector_load %arg10[%parallel_loop3A_563, %parallel_loop3A_564] {strides = array<i32>} : memref<64x128xf32, #tpu.memory_space<vmem>>, vector<1x16xf32>,
        %parallel_loop3A_566 = vector.shape_cast %parallel_loop3A_565 : vector<1x16xf32> to vector<16xf32>
        %parallel_loop3A_567 = arith.index_cast %parallel_loop3A_560 : i32 to index
        %parallel_loop3A_568 = arith.constant 0 : index
        %parallel_loop3A_569 = tpu.vector_load %arg8[%parallel_loop3A_567, %parallel_loop3A_568] {strides = array<i32>} : memref<264x64xf32, #tpu.memory_space<vmem>>, vector<1x16xf32>,
        %parallel_loop3A_570 = vector.shape_cast %parallel_loop3A_569 : vector<1x16xf32> to vector<16xf32>
        %parallel_loop3A_571 = arith.addf %parallel_loop3A_566, %parallel_loop3A_570 : vector<16xf32>
        %parallel_loop3A_572 = arith.index_cast %parallel_loop3A_555 : i32 to index
        %parallel_loop3A_573 = arith.constant 0 : index
        %parallel_loop3A_574 = tpu.vector_load %arg12[%parallel_loop3A_572, %parallel_loop3A_573] {strides = array<i32>} : memref<64x64xf32, #tpu.memory_space<vmem>>, vector<1x16xf32>,
        %parallel_loop3A_575 = vector.shape_cast %parallel_loop3A_574 : vector<1x16xf32> to vector<16xf32>
        %parallel_loop3A_576 = vector.shape_cast %parallel_loop3A_571 : vector<16xf32> to vector<1x16xf32>
        tpu.vector_store %arg12[%parallel_loop3A_572, %parallel_loop3A_573], %parallel_loop3A_576 {strides = array<i32>} : memref<64x64xf32, #tpu.memory_space<vmem>>, vector<1x16xf32>,
        %parallel_loop3A_577 = arith.constant 16 : i32
        %parallel_loop3A_578 = arith.addi %parallel_loop3A_559, %parallel_loop3A_577 : i32
        %parallel_loop3A_579 = arith.index_cast %parallel_loop3A_555 : i32 to index
        %parallel_loop3A_580 = arith.index_cast %parallel_loop3A_578 : i32 to index
        %parallel_loop3A_581 = tpu.vector_load %arg10[%parallel_loop3A_579, %parallel_loop3A_580] {strides = array<i32>} : memref<64x128xf32, #tpu.memory_space<vmem>>, vector<1x16xf32>,
        %parallel_loop3A_582 = vector.shape_cast %parallel_loop3A_581 : vector<1x16xf32> to vector<16xf32>
        %parallel_loop3A_583 = arith.index_cast %parallel_loop3A_560 : i32 to index
        %parallel_loop3A_584 = arith.constant 16 : index
        %parallel_loop3A_585 = tpu.vector_load %arg8[%parallel_loop3A_583, %parallel_loop3A_584] {strides = array<i32>} : memref<264x64xf32, #tpu.memory_space<vmem>>, vector<1x16xf32>,
        %parallel_loop3A_586 = vector.shape_cast %parallel_loop3A_585 : vector<1x16xf32> to vector<16xf32>
        %parallel_loop3A_587 = arith.addf %parallel_loop3A_582, %parallel_loop3A_586 : vector<16xf32>
        %parallel_loop3A_588 = arith.index_cast %parallel_loop3A_555 : i32 to index
        %parallel_loop3A_589 = arith.constant 16 : index
        %parallel_loop3A_590 = tpu.vector_load %arg12[%parallel_loop3A_588, %parallel_loop3A_589] {strides = array<i32>} : memref<64x64xf32, #tpu.memory_space<vmem>>, vector<1x16xf32>,
        %parallel_loop3A_591 = vector.shape_cast %parallel_loop3A_590 : vector<1x16xf32> to vector<16xf32>
        %parallel_loop3A_592 = vector.shape_cast %parallel_loop3A_587 : vector<16xf32> to vector<1x16xf32>
        tpu.vector_store %arg12[%parallel_loop3A_588, %parallel_loop3A_589], %parallel_loop3A_592 {strides = array<i32>} : memref<64x64xf32, #tpu.memory_space<vmem>>, vector<1x16xf32>,
        %parallel_loop3A_593 = arith.constant 32 : i32
        %parallel_loop3A_594 = arith.addi %parallel_loop3A_559, %parallel_loop3A_593 : i32
        %parallel_loop3A_595 = arith.index_cast %parallel_loop3A_555 : i32 to index
        %parallel_loop3A_596 = arith.index_cast %parallel_loop3A_594 : i32 to index
        %parallel_loop3A_597 = tpu.vector_load %arg10[%parallel_loop3A_595, %parallel_loop3A_596] {strides = array<i32>} : memref<64x128xf32, #tpu.memory_space<vmem>>, vector<1x16xf32>,
        %parallel_loop3A_598 = vector.shape_cast %parallel_loop3A_597 : vector<1x16xf32> to vector<16xf32>
        %parallel_loop3A_599 = arith.index_cast %parallel_loop3A_560 : i32 to index
        %parallel_loop3A_600 = arith.constant 32 : index
        %parallel_loop3A_601 = tpu.vector_load %arg8[%parallel_loop3A_599, %parallel_loop3A_600] {strides = array<i32>} : memref<264x64xf32, #tpu.memory_space<vmem>>, vector<1x16xf32>,
        %parallel_loop3A_602 = vector.shape_cast %parallel_loop3A_601 : vector<1x16xf32> to vector<16xf32>
        %parallel_loop3A_603 = arith.addf %parallel_loop3A_598, %parallel_loop3A_602 : vector<16xf32>
        %parallel_loop3A_604 = arith.index_cast %parallel_loop3A_555 : i32 to index
        %parallel_loop3A_605 = arith.constant 32 : index
        %parallel_loop3A_606 = tpu.vector_load %arg12[%parallel_loop3A_604, %parallel_loop3A_605] {strides = array<i32>} : memref<64x64xf32, #tpu.memory_space<vmem>>, vector<1x16xf32>,
        %parallel_loop3A_607 = vector.shape_cast %parallel_loop3A_606 : vector<1x16xf32> to vector<16xf32>
        %parallel_loop3A_608 = vector.shape_cast %parallel_loop3A_603 : vector<16xf32> to vector<1x16xf32>
        tpu.vector_store %arg12[%parallel_loop3A_604, %parallel_loop3A_605], %parallel_loop3A_608 {strides = array<i32>} : memref<64x64xf32, #tpu.memory_space<vmem>>, vector<1x16xf32>,
        %parallel_loop3A_609 = arith.constant 48 : i32
        %parallel_loop3A_610 = arith.addi %parallel_loop3A_559, %parallel_loop3A_609 : i32
        %parallel_loop3A_611 = arith.index_cast %parallel_loop3A_555 : i32 to index
        %parallel_loop3A_612 = arith.index_cast %parallel_loop3A_610 : i32 to index
        %parallel_loop3A_613 = tpu.vector_load %arg10[%parallel_loop3A_611, %parallel_loop3A_612] {strides = array<i32>} : memref<64x128xf32, #tpu.memory_space<vmem>>, vector<1x16xf32>,
        %parallel_loop3A_614 = vector.shape_cast %parallel_loop3A_613 : vector<1x16xf32> to vector<16xf32>
        %parallel_loop3A_615 = arith.index_cast %parallel_loop3A_560 : i32 to index
        %parallel_loop3A_616 = arith.constant 48 : index
        %parallel_loop3A_617 = tpu.vector_load %arg8[%parallel_loop3A_615, %parallel_loop3A_616] {strides = array<i32>} : memref<264x64xf32, #tpu.memory_space<vmem>>, vector<1x16xf32>,
        %parallel_loop3A_618 = vector.shape_cast %parallel_loop3A_617 : vector<1x16xf32> to vector<16xf32>
        %parallel_loop3A_619 = arith.addf %parallel_loop3A_614, %parallel_loop3A_618 : vector<16xf32>
        %parallel_loop3A_620 = arith.index_cast %parallel_loop3A_555 : i32 to index
        %parallel_loop3A_621 = arith.constant 48 : index
        %parallel_loop3A_622 = tpu.vector_load %arg12[%parallel_loop3A_620, %parallel_loop3A_621] {strides = array<i32>} : memref<64x64xf32, #tpu.memory_space<vmem>>, vector<1x16xf32>,
        %parallel_loop3A_623 = vector.shape_cast %parallel_loop3A_622 : vector<1x16xf32> to vector<16xf32>
        %parallel_loop3A_624 = vector.shape_cast %parallel_loop3A_619 : vector<16xf32> to vector<1x16xf32>
        tpu.vector_store %arg12[%parallel_loop3A_620, %parallel_loop3A_621], %parallel_loop3A_624 {strides = array<i32>} : memref<64x64xf32, #tpu.memory_space<vmem>>, vector<1x16xf32>,
        %parallel_loop3A_625 = arith.constant 7 : i32
        %parallel_loop3A_626 = arith.addi %parallel_loop3A_118, %parallel_loop3A_625 : i32
        %parallel_loop3A_627 = vector.extract_strided_slice %parallel_loop3A_127 {offsets = [7], sizes = [1], strides = [1]} : vector<16xi32> to vector<1xi32>
        %parallel_loop3A_628 = vector.extract %parallel_loop3A_627[0] : i32 from vector<1xi32>
        %parallel_loop3A_629 = arith.constant 64 : i32
        %parallel_loop3A_630 = arith.muli %parallel_loop3A_628, %parallel_loop3A_629 : i32
        %parallel_loop3A_631 = arith.addi %select_n3A, %parallel_loop3A_626 : i32
        %parallel_loop3A_632 = arith.constant 0 : i32
        %parallel_loop3A_633 = arith.addi %parallel_loop3A_630, %parallel_loop3A_632 : i32
        %parallel_loop3A_634 = arith.index_cast %parallel_loop3A_626 : i32 to index
        %parallel_loop3A_635 = arith.index_cast %parallel_loop3A_633 : i32 to index
        %parallel_loop3A_636 = tpu.vector_load %arg10[%parallel_loop3A_634, %parallel_loop3A_635] {strides = array<i32>} : memref<64x128xf32, #tpu.memory_space<vmem>>, vector<1x16xf32>,
        %parallel_loop3A_637 = vector.shape_cast %parallel_loop3A_636 : vector<1x16xf32> to vector<16xf32>
        %parallel_loop3A_638 = arith.index_cast %parallel_loop3A_631 : i32 to index
        %parallel_loop3A_639 = arith.constant 0 : index
        %parallel_loop3A_640 = tpu.vector_load %arg8[%parallel_loop3A_638, %parallel_loop3A_639] {strides = array<i32>} : memref<264x64xf32, #tpu.memory_space<vmem>>, vector<1x16xf32>,
        %parallel_loop3A_641 = vector.shape_cast %parallel_loop3A_640 : vector<1x16xf32> to vector<16xf32>
        %parallel_loop3A_642 = arith.addf %parallel_loop3A_637, %parallel_loop3A_641 : vector<16xf32>
        %parallel_loop3A_643 = arith.index_cast %parallel_loop3A_626 : i32 to index
        %parallel_loop3A_644 = arith.constant 0 : index
        %parallel_loop3A_645 = tpu.vector_load %arg12[%parallel_loop3A_643, %parallel_loop3A_644] {strides = array<i32>} : memref<64x64xf32, #tpu.memory_space<vmem>>, vector<1x16xf32>,
        %parallel_loop3A_646 = vector.shape_cast %parallel_loop3A_645 : vector<1x16xf32> to vector<16xf32>
        %parallel_loop3A_647 = vector.shape_cast %parallel_loop3A_642 : vector<16xf32> to vector<1x16xf32>
        tpu.vector_store %arg12[%parallel_loop3A_643, %parallel_loop3A_644], %parallel_loop3A_647 {strides = array<i32>} : memref<64x64xf32, #tpu.memory_space<vmem>>, vector<1x16xf32>,
        %parallel_loop3A_648 = arith.constant 16 : i32
        %parallel_loop3A_649 = arith.addi %parallel_loop3A_630, %parallel_loop3A_648 : i32
        %parallel_loop3A_650 = arith.index_cast %parallel_loop3A_626 : i32 to index
        %parallel_loop3A_651 = arith.index_cast %parallel_loop3A_649 : i32 to index
        %parallel_loop3A_652 = tpu.vector_load %arg10[%parallel_loop3A_650, %parallel_loop3A_651] {strides = array<i32>} : memref<64x128xf32, #tpu.memory_space<vmem>>, vector<1x16xf32>,
        %parallel_loop3A_653 = vector.shape_cast %parallel_loop3A_652 : vector<1x16xf32> to vector<16xf32>
        %parallel_loop3A_654 = arith.index_cast %parallel_loop3A_631 : i32 to index
        %parallel_loop3A_655 = arith.constant 16 : index
        %parallel_loop3A_656 = tpu.vector_load %arg8[%parallel_loop3A_654, %parallel_loop3A_655] {strides = array<i32>} : memref<264x64xf32, #tpu.memory_space<vmem>>, vector<1x16xf32>,
        %parallel_loop3A_657 = vector.shape_cast %parallel_loop3A_656 : vector<1x16xf32> to vector<16xf32>
        %parallel_loop3A_658 = arith.addf %parallel_loop3A_653, %parallel_loop3A_657 : vector<16xf32>
        %parallel_loop3A_659 = arith.index_cast %parallel_loop3A_626 : i32 to index
        %parallel_loop3A_660 = arith.constant 16 : index
        %parallel_loop3A_661 = tpu.vector_load %arg12[%parallel_loop3A_659, %parallel_loop3A_660] {strides = array<i32>} : memref<64x64xf32, #tpu.memory_space<vmem>>, vector<1x16xf32>,
        %parallel_loop3A_662 = vector.shape_cast %parallel_loop3A_661 : vector<1x16xf32> to vector<16xf32>
        %parallel_loop3A_663 = vector.shape_cast %parallel_loop3A_658 : vector<16xf32> to vector<1x16xf32>
        tpu.vector_store %arg12[%parallel_loop3A_659, %parallel_loop3A_660], %parallel_loop3A_663 {strides = array<i32>} : memref<64x64xf32, #tpu.memory_space<vmem>>, vector<1x16xf32>,
        %parallel_loop3A_664 = arith.constant 32 : i32
        %parallel_loop3A_665 = arith.addi %parallel_loop3A_630, %parallel_loop3A_664 : i32
        %parallel_loop3A_666 = arith.index_cast %parallel_loop3A_626 : i32 to index
        %parallel_loop3A_667 = arith.index_cast %parallel_loop3A_665 : i32 to index
        %parallel_loop3A_668 = tpu.vector_load %arg10[%parallel_loop3A_666, %parallel_loop3A_667] {strides = array<i32>} : memref<64x128xf32, #tpu.memory_space<vmem>>, vector<1x16xf32>,
        %parallel_loop3A_669 = vector.shape_cast %parallel_loop3A_668 : vector<1x16xf32> to vector<16xf32>
        %parallel_loop3A_670 = arith.index_cast %parallel_loop3A_631 : i32 to index
        %parallel_loop3A_671 = arith.constant 32 : index
        %parallel_loop3A_672 = tpu.vector_load %arg8[%parallel_loop3A_670, %parallel_loop3A_671] {strides = array<i32>} : memref<264x64xf32, #tpu.memory_space<vmem>>, vector<1x16xf32>,
        %parallel_loop3A_673 = vector.shape_cast %parallel_loop3A_672 : vector<1x16xf32> to vector<16xf32>
        %parallel_loop3A_674 = arith.addf %parallel_loop3A_669, %parallel_loop3A_673 : vector<16xf32>
        %parallel_loop3A_675 = arith.index_cast %parallel_loop3A_626 : i32 to index
        %parallel_loop3A_676 = arith.constant 32 : index
        %parallel_loop3A_677 = tpu.vector_load %arg12[%parallel_loop3A_675, %parallel_loop3A_676] {strides = array<i32>} : memref<64x64xf32, #tpu.memory_space<vmem>>, vector<1x16xf32>,
        %parallel_loop3A_678 = vector.shape_cast %parallel_loop3A_677 : vector<1x16xf32> to vector<16xf32>
        %parallel_loop3A_679 = vector.shape_cast %parallel_loop3A_674 : vector<16xf32> to vector<1x16xf32>
        tpu.vector_store %arg12[%parallel_loop3A_675, %parallel_loop3A_676], %parallel_loop3A_679 {strides = array<i32>} : memref<64x64xf32, #tpu.memory_space<vmem>>, vector<1x16xf32>,
        %parallel_loop3A_680 = arith.constant 48 : i32
        %parallel_loop3A_681 = arith.addi %parallel_loop3A_630, %parallel_loop3A_680 : i32
        %parallel_loop3A_682 = arith.index_cast %parallel_loop3A_626 : i32 to index
        %parallel_loop3A_683 = arith.index_cast %parallel_loop3A_681 : i32 to index
        %parallel_loop3A_684 = tpu.vector_load %arg10[%parallel_loop3A_682, %parallel_loop3A_683] {strides = array<i32>} : memref<64x128xf32, #tpu.memory_space<vmem>>, vector<1x16xf32>,
        %parallel_loop3A_685 = vector.shape_cast %parallel_loop3A_684 : vector<1x16xf32> to vector<16xf32>
        %parallel_loop3A_686 = arith.index_cast %parallel_loop3A_631 : i32 to index
        %parallel_loop3A_687 = arith.constant 48 : index
        %parallel_loop3A_688 = tpu.vector_load %arg8[%parallel_loop3A_686, %parallel_loop3A_687] {strides = array<i32>} : memref<264x64xf32, #tpu.memory_space<vmem>>, vector<1x16xf32>,
        %parallel_loop3A_689 = vector.shape_cast %parallel_loop3A_688 : vector<1x16xf32> to vector<16xf32>
        %parallel_loop3A_690 = arith.addf %parallel_loop3A_685, %parallel_loop3A_689 : vector<16xf32>
        %parallel_loop3A_691 = arith.index_cast %parallel_loop3A_626 : i32 to index
        %parallel_loop3A_692 = arith.constant 48 : index
        %parallel_loop3A_693 = tpu.vector_load %arg12[%parallel_loop3A_691, %parallel_loop3A_692] {strides = array<i32>} : memref<64x64xf32, #tpu.memory_space<vmem>>, vector<1x16xf32>,
        %parallel_loop3A_694 = vector.shape_cast %parallel_loop3A_693 : vector<1x16xf32> to vector<16xf32>
        %parallel_loop3A_695 = vector.shape_cast %parallel_loop3A_690 : vector<16xf32> to vector<1x16xf32>
        tpu.vector_store %arg12[%parallel_loop3A_691, %parallel_loop3A_692], %parallel_loop3A_695 {strides = array<i32>} : memref<64x64xf32, #tpu.memory_space<vmem>>, vector<1x16xf32>,
        %parallel_loop3A_696 = arith.constant 8 : i32
        %parallel_loop3A_697 = arith.addi %parallel_loop3A_118, %parallel_loop3A_696 : i32
        %parallel_loop3A_698 = vector.extract_strided_slice %parallel_loop3A_127 {offsets = [8], sizes = [1], strides = [1]} : vector<16xi32> to vector<1xi32>
        %parallel_loop3A_699 = vector.extract %parallel_loop3A_698[0] : i32 from vector<1xi32>
        %parallel_loop3A_700 = arith.constant 64 : i32
        %parallel_loop3A_701 = arith.muli %parallel_loop3A_699, %parallel_loop3A_700 : i32
        %parallel_loop3A_702 = arith.addi %select_n3A, %parallel_loop3A_697 : i32
        %parallel_loop3A_703 = arith.constant 0 : i32
        %parallel_loop3A_704 = arith.addi %parallel_loop3A_701, %parallel_loop3A_703 : i32
        %parallel_loop3A_705 = arith.index_cast %parallel_loop3A_697 : i32 to index
        %parallel_loop3A_706 = arith.index_cast %parallel_loop3A_704 : i32 to index
        %parallel_loop3A_707 = tpu.vector_load %arg10[%parallel_loop3A_705, %parallel_loop3A_706] {strides = array<i32>} : memref<64x128xf32, #tpu.memory_space<vmem>>, vector<1x16xf32>,
        %parallel_loop3A_708 = vector.shape_cast %parallel_loop3A_707 : vector<1x16xf32> to vector<16xf32>
        %parallel_loop3A_709 = arith.index_cast %parallel_loop3A_702 : i32 to index
        %parallel_loop3A_710 = arith.constant 0 : index
        %parallel_loop3A_711 = tpu.vector_load %arg8[%parallel_loop3A_709, %parallel_loop3A_710] {strides = array<i32>} : memref<264x64xf32, #tpu.memory_space<vmem>>, vector<1x16xf32>,
        %parallel_loop3A_712 = vector.shape_cast %parallel_loop3A_711 : vector<1x16xf32> to vector<16xf32>
        %parallel_loop3A_713 = arith.addf %parallel_loop3A_708, %parallel_loop3A_712 : vector<16xf32>
        %parallel_loop3A_714 = arith.index_cast %parallel_loop3A_697 : i32 to index
        %parallel_loop3A_715 = arith.constant 0 : index
        %parallel_loop3A_716 = tpu.vector_load %arg12[%parallel_loop3A_714, %parallel_loop3A_715] {strides = array<i32>} : memref<64x64xf32, #tpu.memory_space<vmem>>, vector<1x16xf32>,
        %parallel_loop3A_717 = vector.shape_cast %parallel_loop3A_716 : vector<1x16xf32> to vector<16xf32>
        %parallel_loop3A_718 = vector.shape_cast %parallel_loop3A_713 : vector<16xf32> to vector<1x16xf32>
        tpu.vector_store %arg12[%parallel_loop3A_714, %parallel_loop3A_715], %parallel_loop3A_718 {strides = array<i32>} : memref<64x64xf32, #tpu.memory_space<vmem>>, vector<1x16xf32>,
        %parallel_loop3A_719 = arith.constant 16 : i32
        %parallel_loop3A_720 = arith.addi %parallel_loop3A_701, %parallel_loop3A_719 : i32
        %parallel_loop3A_721 = arith.index_cast %parallel_loop3A_697 : i32 to index
        %parallel_loop3A_722 = arith.index_cast %parallel_loop3A_720 : i32 to index
        %parallel_loop3A_723 = tpu.vector_load %arg10[%parallel_loop3A_721, %parallel_loop3A_722] {strides = array<i32>} : memref<64x128xf32, #tpu.memory_space<vmem>>, vector<1x16xf32>,
        %parallel_loop3A_724 = vector.shape_cast %parallel_loop3A_723 : vector<1x16xf32> to vector<16xf32>
        %parallel_loop3A_725 = arith.index_cast %parallel_loop3A_702 : i32 to index
        %parallel_loop3A_726 = arith.constant 16 : index
        %parallel_loop3A_727 = tpu.vector_load %arg8[%parallel_loop3A_725, %parallel_loop3A_726] {strides = array<i32>} : memref<264x64xf32, #tpu.memory_space<vmem>>, vector<1x16xf32>,
        %parallel_loop3A_728 = vector.shape_cast %parallel_loop3A_727 : vector<1x16xf32> to vector<16xf32>
        %parallel_loop3A_729 = arith.addf %parallel_loop3A_724, %parallel_loop3A_728 : vector<16xf32>
        %parallel_loop3A_730 = arith.index_cast %parallel_loop3A_697 : i32 to index
        %parallel_loop3A_731 = arith.constant 16 : index
        %parallel_loop3A_732 = tpu.vector_load %arg12[%parallel_loop3A_730, %parallel_loop3A_731] {strides = array<i32>} : memref<64x64xf32, #tpu.memory_space<vmem>>, vector<1x16xf32>,
        %parallel_loop3A_733 = vector.shape_cast %parallel_loop3A_732 : vector<1x16xf32> to vector<16xf32>
        %parallel_loop3A_734 = vector.shape_cast %parallel_loop3A_729 : vector<16xf32> to vector<1x16xf32>
        tpu.vector_store %arg12[%parallel_loop3A_730, %parallel_loop3A_731], %parallel_loop3A_734 {strides = array<i32>} : memref<64x64xf32, #tpu.memory_space<vmem>>, vector<1x16xf32>,
        %parallel_loop3A_735 = arith.constant 32 : i32
        %parallel_loop3A_736 = arith.addi %parallel_loop3A_701, %parallel_loop3A_735 : i32
        %parallel_loop3A_737 = arith.index_cast %parallel_loop3A_697 : i32 to index
        %parallel_loop3A_738 = arith.index_cast %parallel_loop3A_736 : i32 to index
        %parallel_loop3A_739 = tpu.vector_load %arg10[%parallel_loop3A_737, %parallel_loop3A_738] {strides = array<i32>} : memref<64x128xf32, #tpu.memory_space<vmem>>, vector<1x16xf32>,
        %parallel_loop3A_740 = vector.shape_cast %parallel_loop3A_739 : vector<1x16xf32> to vector<16xf32>
        %parallel_loop3A_741 = arith.index_cast %parallel_loop3A_702 : i32 to index
        %parallel_loop3A_742 = arith.constant 32 : index
        %parallel_loop3A_743 = tpu.vector_load %arg8[%parallel_loop3A_741, %parallel_loop3A_742] {strides = array<i32>} : memref<264x64xf32, #tpu.memory_space<vmem>>, vector<1x16xf32>,
        %parallel_loop3A_744 = vector.shape_cast %parallel_loop3A_743 : vector<1x16xf32> to vector<16xf32>
        %parallel_loop3A_745 = arith.addf %parallel_loop3A_740, %parallel_loop3A_744 : vector<16xf32>
        %parallel_loop3A_746 = arith.index_cast %parallel_loop3A_697 : i32 to index
        %parallel_loop3A_747 = arith.constant 32 : index
        %parallel_loop3A_748 = tpu.vector_load %arg12[%parallel_loop3A_746, %parallel_loop3A_747] {strides = array<i32>} : memref<64x64xf32, #tpu.memory_space<vmem>>, vector<1x16xf32>,
        %parallel_loop3A_749 = vector.shape_cast %parallel_loop3A_748 : vector<1x16xf32> to vector<16xf32>
        %parallel_loop3A_750 = vector.shape_cast %parallel_loop3A_745 : vector<16xf32> to vector<1x16xf32>
        tpu.vector_store %arg12[%parallel_loop3A_746, %parallel_loop3A_747], %parallel_loop3A_750 {strides = array<i32>} : memref<64x64xf32, #tpu.memory_space<vmem>>, vector<1x16xf32>,
        %parallel_loop3A_751 = arith.constant 48 : i32
        %parallel_loop3A_752 = arith.addi %parallel_loop3A_701, %parallel_loop3A_751 : i32
        %parallel_loop3A_753 = arith.index_cast %parallel_loop3A_697 : i32 to index
        %parallel_loop3A_754 = arith.index_cast %parallel_loop3A_752 : i32 to index
        %parallel_loop3A_755 = tpu.vector_load %arg10[%parallel_loop3A_753, %parallel_loop3A_754] {strides = array<i32>} : memref<64x128xf32, #tpu.memory_space<vmem>>, vector<1x16xf32>,
        %parallel_loop3A_756 = vector.shape_cast %parallel_loop3A_755 : vector<1x16xf32> to vector<16xf32>
        %parallel_loop3A_757 = arith.index_cast %parallel_loop3A_702 : i32 to index
        %parallel_loop3A_758 = arith.constant 48 : index
        %parallel_loop3A_759 = tpu.vector_load %arg8[%parallel_loop3A_757, %parallel_loop3A_758] {strides = array<i32>} : memref<264x64xf32, #tpu.memory_space<vmem>>, vector<1x16xf32>,
        %parallel_loop3A_760 = vector.shape_cast %parallel_loop3A_759 : vector<1x16xf32> to vector<16xf32>
        %parallel_loop3A_761 = arith.addf %parallel_loop3A_756, %parallel_loop3A_760 : vector<16xf32>
        %parallel_loop3A_762 = arith.index_cast %parallel_loop3A_697 : i32 to index
        %parallel_loop3A_763 = arith.constant 48 : index
        %parallel_loop3A_764 = tpu.vector_load %arg12[%parallel_loop3A_762, %parallel_loop3A_763] {strides = array<i32>} : memref<64x64xf32, #tpu.memory_space<vmem>>, vector<1x16xf32>,
        %parallel_loop3A_765 = vector.shape_cast %parallel_loop3A_764 : vector<1x16xf32> to vector<16xf32>
        %parallel_loop3A_766 = vector.shape_cast %parallel_loop3A_761 : vector<16xf32> to vector<1x16xf32>
        tpu.vector_store %arg12[%parallel_loop3A_762, %parallel_loop3A_763], %parallel_loop3A_766 {strides = array<i32>} : memref<64x64xf32, #tpu.memory_space<vmem>>, vector<1x16xf32>,
        %parallel_loop3A_767 = arith.constant 9 : i32
        %parallel_loop3A_768 = arith.addi %parallel_loop3A_118, %parallel_loop3A_767 : i32
        %parallel_loop3A_769 = vector.extract_strided_slice %parallel_loop3A_127 {offsets = [9], sizes = [1], strides = [1]} : vector<16xi32> to vector<1xi32>
        %parallel_loop3A_770 = vector.extract %parallel_loop3A_769[0] : i32 from vector<1xi32>
        %parallel_loop3A_771 = arith.constant 64 : i32
        %parallel_loop3A_772 = arith.muli %parallel_loop3A_770, %parallel_loop3A_771 : i32
        %parallel_loop3A_773 = arith.addi %select_n3A, %parallel_loop3A_768 : i32
        %parallel_loop3A_774 = arith.constant 0 : i32
        %parallel_loop3A_775 = arith.addi %parallel_loop3A_772, %parallel_loop3A_774 : i32
        %parallel_loop3A_776 = arith.index_cast %parallel_loop3A_768 : i32 to index
        %parallel_loop3A_777 = arith.index_cast %parallel_loop3A_775 : i32 to index
        %parallel_loop3A_778 = tpu.vector_load %arg10[%parallel_loop3A_776, %parallel_loop3A_777] {strides = array<i32>} : memref<64x128xf32, #tpu.memory_space<vmem>>, vector<1x16xf32>,
        %parallel_loop3A_779 = vector.shape_cast %parallel_loop3A_778 : vector<1x16xf32> to vector<16xf32>
        %parallel_loop3A_780 = arith.index_cast %parallel_loop3A_773 : i32 to index
        %parallel_loop3A_781 = arith.constant 0 : index
        %parallel_loop3A_782 = tpu.vector_load %arg8[%parallel_loop3A_780, %parallel_loop3A_781] {strides = array<i32>} : memref<264x64xf32, #tpu.memory_space<vmem>>, vector<1x16xf32>,
        %parallel_loop3A_783 = vector.shape_cast %parallel_loop3A_782 : vector<1x16xf32> to vector<16xf32>
        %parallel_loop3A_784 = arith.addf %parallel_loop3A_779, %parallel_loop3A_783 : vector<16xf32>
        %parallel_loop3A_785 = arith.index_cast %parallel_loop3A_768 : i32 to index
        %parallel_loop3A_786 = arith.constant 0 : index
        %parallel_loop3A_787 = tpu.vector_load %arg12[%parallel_loop3A_785, %parallel_loop3A_786] {strides = array<i32>} : memref<64x64xf32, #tpu.memory_space<vmem>>, vector<1x16xf32>,
        %parallel_loop3A_788 = vector.shape_cast %parallel_loop3A_787 : vector<1x16xf32> to vector<16xf32>
        %parallel_loop3A_789 = vector.shape_cast %parallel_loop3A_784 : vector<16xf32> to vector<1x16xf32>
        tpu.vector_store %arg12[%parallel_loop3A_785, %parallel_loop3A_786], %parallel_loop3A_789 {strides = array<i32>} : memref<64x64xf32, #tpu.memory_space<vmem>>, vector<1x16xf32>,
        %parallel_loop3A_790 = arith.constant 16 : i32
        %parallel_loop3A_791 = arith.addi %parallel_loop3A_772, %parallel_loop3A_790 : i32
        %parallel_loop3A_792 = arith.index_cast %parallel_loop3A_768 : i32 to index
        %parallel_loop3A_793 = arith.index_cast %parallel_loop3A_791 : i32 to index
        %parallel_loop3A_794 = tpu.vector_load %arg10[%parallel_loop3A_792, %parallel_loop3A_793] {strides = array<i32>} : memref<64x128xf32, #tpu.memory_space<vmem>>, vector<1x16xf32>,
        %parallel_loop3A_795 = vector.shape_cast %parallel_loop3A_794 : vector<1x16xf32> to vector<16xf32>
        %parallel_loop3A_796 = arith.index_cast %parallel_loop3A_773 : i32 to index
        %parallel_loop3A_797 = arith.constant 16 : index
        %parallel_loop3A_798 = tpu.vector_load %arg8[%parallel_loop3A_796, %parallel_loop3A_797] {strides = array<i32>} : memref<264x64xf32, #tpu.memory_space<vmem>>, vector<1x16xf32>,
        %parallel_loop3A_799 = vector.shape_cast %parallel_loop3A_798 : vector<1x16xf32> to vector<16xf32>
        %parallel_loop3A_800 = arith.addf %parallel_loop3A_795, %parallel_loop3A_799 : vector<16xf32>
        %parallel_loop3A_801 = arith.index_cast %parallel_loop3A_768 : i32 to index
        %parallel_loop3A_802 = arith.constant 16 : index
        %parallel_loop3A_803 = tpu.vector_load %arg12[%parallel_loop3A_801, %parallel_loop3A_802] {strides = array<i32>} : memref<64x64xf32, #tpu.memory_space<vmem>>, vector<1x16xf32>,
        %parallel_loop3A_804 = vector.shape_cast %parallel_loop3A_803 : vector<1x16xf32> to vector<16xf32>
        %parallel_loop3A_805 = vector.shape_cast %parallel_loop3A_800 : vector<16xf32> to vector<1x16xf32>
        tpu.vector_store %arg12[%parallel_loop3A_801, %parallel_loop3A_802], %parallel_loop3A_805 {strides = array<i32>} : memref<64x64xf32, #tpu.memory_space<vmem>>, vector<1x16xf32>,
        %parallel_loop3A_806 = arith.constant 32 : i32
        %parallel_loop3A_807 = arith.addi %parallel_loop3A_772, %parallel_loop3A_806 : i32
        %parallel_loop3A_808 = arith.index_cast %parallel_loop3A_768 : i32 to index
        %parallel_loop3A_809 = arith.index_cast %parallel_loop3A_807 : i32 to index
        %parallel_loop3A_810 = tpu.vector_load %arg10[%parallel_loop3A_808, %parallel_loop3A_809] {strides = array<i32>} : memref<64x128xf32, #tpu.memory_space<vmem>>, vector<1x16xf32>,
        %parallel_loop3A_811 = vector.shape_cast %parallel_loop3A_810 : vector<1x16xf32> to vector<16xf32>
        %parallel_loop3A_812 = arith.index_cast %parallel_loop3A_773 : i32 to index
        %parallel_loop3A_813 = arith.constant 32 : index
        %parallel_loop3A_814 = tpu.vector_load %arg8[%parallel_loop3A_812, %parallel_loop3A_813] {strides = array<i32>} : memref<264x64xf32, #tpu.memory_space<vmem>>, vector<1x16xf32>,
        %parallel_loop3A_815 = vector.shape_cast %parallel_loop3A_814 : vector<1x16xf32> to vector<16xf32>
        %parallel_loop3A_816 = arith.addf %parallel_loop3A_811, %parallel_loop3A_815 : vector<16xf32>
        %parallel_loop3A_817 = arith.index_cast %parallel_loop3A_768 : i32 to index
        %parallel_loop3A_818 = arith.constant 32 : index
        %parallel_loop3A_819 = tpu.vector_load %arg12[%parallel_loop3A_817, %parallel_loop3A_818] {strides = array<i32>} : memref<64x64xf32, #tpu.memory_space<vmem>>, vector<1x16xf32>,
        %parallel_loop3A_820 = vector.shape_cast %parallel_loop3A_819 : vector<1x16xf32> to vector<16xf32>
        %parallel_loop3A_821 = vector.shape_cast %parallel_loop3A_816 : vector<16xf32> to vector<1x16xf32>
        tpu.vector_store %arg12[%parallel_loop3A_817, %parallel_loop3A_818], %parallel_loop3A_821 {strides = array<i32>} : memref<64x64xf32, #tpu.memory_space<vmem>>, vector<1x16xf32>,
        %parallel_loop3A_822 = arith.constant 48 : i32
        %parallel_loop3A_823 = arith.addi %parallel_loop3A_772, %parallel_loop3A_822 : i32
        %parallel_loop3A_824 = arith.index_cast %parallel_loop3A_768 : i32 to index
        %parallel_loop3A_825 = arith.index_cast %parallel_loop3A_823 : i32 to index
        %parallel_loop3A_826 = tpu.vector_load %arg10[%parallel_loop3A_824, %parallel_loop3A_825] {strides = array<i32>} : memref<64x128xf32, #tpu.memory_space<vmem>>, vector<1x16xf32>,
        %parallel_loop3A_827 = vector.shape_cast %parallel_loop3A_826 : vector<1x16xf32> to vector<16xf32>
        %parallel_loop3A_828 = arith.index_cast %parallel_loop3A_773 : i32 to index
        %parallel_loop3A_829 = arith.constant 48 : index
        %parallel_loop3A_830 = tpu.vector_load %arg8[%parallel_loop3A_828, %parallel_loop3A_829] {strides = array<i32>} : memref<264x64xf32, #tpu.memory_space<vmem>>, vector<1x16xf32>,
        %parallel_loop3A_831 = vector.shape_cast %parallel_loop3A_830 : vector<1x16xf32> to vector<16xf32>
        %parallel_loop3A_832 = arith.addf %parallel_loop3A_827, %parallel_loop3A_831 : vector<16xf32>
        %parallel_loop3A_833 = arith.index_cast %parallel_loop3A_768 : i32 to index
        %parallel_loop3A_834 = arith.constant 48 : index
        %parallel_loop3A_835 = tpu.vector_load %arg12[%parallel_loop3A_833, %parallel_loop3A_834] {strides = array<i32>} : memref<64x64xf32, #tpu.memory_space<vmem>>, vector<1x16xf32>,
        %parallel_loop3A_836 = vector.shape_cast %parallel_loop3A_835 : vector<1x16xf32> to vector<16xf32>
        %parallel_loop3A_837 = vector.shape_cast %parallel_loop3A_832 : vector<16xf32> to vector<1x16xf32>
        tpu.vector_store %arg12[%parallel_loop3A_833, %parallel_loop3A_834], %parallel_loop3A_837 {strides = array<i32>} : memref<64x64xf32, #tpu.memory_space<vmem>>, vector<1x16xf32>,
        %parallel_loop3A_838 = arith.constant 10 : i32
        %parallel_loop3A_839 = arith.addi %parallel_loop3A_118, %parallel_loop3A_838 : i32
        %parallel_loop3A_840 = vector.extract_strided_slice %parallel_loop3A_127 {offsets = [10], sizes = [1], strides = [1]} : vector<16xi32> to vector<1xi32>
        %parallel_loop3A_841 = vector.extract %parallel_loop3A_840[0] : i32 from vector<1xi32>
        %parallel_loop3A_842 = arith.constant 64 : i32
        %parallel_loop3A_843 = arith.muli %parallel_loop3A_841, %parallel_loop3A_842 : i32
        %parallel_loop3A_844 = arith.addi %select_n3A, %parallel_loop3A_839 : i32
        %parallel_loop3A_845 = arith.constant 0 : i32
        %parallel_loop3A_846 = arith.addi %parallel_loop3A_843, %parallel_loop3A_845 : i32
        %parallel_loop3A_847 = arith.index_cast %parallel_loop3A_839 : i32 to index
        %parallel_loop3A_848 = arith.index_cast %parallel_loop3A_846 : i32 to index
        %parallel_loop3A_849 = tpu.vector_load %arg10[%parallel_loop3A_847, %parallel_loop3A_848] {strides = array<i32>} : memref<64x128xf32, #tpu.memory_space<vmem>>, vector<1x16xf32>,
        %parallel_loop3A_850 = vector.shape_cast %parallel_loop3A_849 : vector<1x16xf32> to vector<16xf32>
        %parallel_loop3A_851 = arith.index_cast %parallel_loop3A_844 : i32 to index
        %parallel_loop3A_852 = arith.constant 0 : index
        %parallel_loop3A_853 = tpu.vector_load %arg8[%parallel_loop3A_851, %parallel_loop3A_852] {strides = array<i32>} : memref<264x64xf32, #tpu.memory_space<vmem>>, vector<1x16xf32>,
        %parallel_loop3A_854 = vector.shape_cast %parallel_loop3A_853 : vector<1x16xf32> to vector<16xf32>
        %parallel_loop3A_855 = arith.addf %parallel_loop3A_850, %parallel_loop3A_854 : vector<16xf32>
        %parallel_loop3A_856 = arith.index_cast %parallel_loop3A_839 : i32 to index
        %parallel_loop3A_857 = arith.constant 0 : index
        %parallel_loop3A_858 = tpu.vector_load %arg12[%parallel_loop3A_856, %parallel_loop3A_857] {strides = array<i32>} : memref<64x64xf32, #tpu.memory_space<vmem>>, vector<1x16xf32>,
        %parallel_loop3A_859 = vector.shape_cast %parallel_loop3A_858 : vector<1x16xf32> to vector<16xf32>
        %parallel_loop3A_860 = vector.shape_cast %parallel_loop3A_855 : vector<16xf32> to vector<1x16xf32>
        tpu.vector_store %arg12[%parallel_loop3A_856, %parallel_loop3A_857], %parallel_loop3A_860 {strides = array<i32>} : memref<64x64xf32, #tpu.memory_space<vmem>>, vector<1x16xf32>,
        %parallel_loop3A_861 = arith.constant 16 : i32
        %parallel_loop3A_862 = arith.addi %parallel_loop3A_843, %parallel_loop3A_861 : i32
        %parallel_loop3A_863 = arith.index_cast %parallel_loop3A_839 : i32 to index
        %parallel_loop3A_864 = arith.index_cast %parallel_loop3A_862 : i32 to index
        %parallel_loop3A_865 = tpu.vector_load %arg10[%parallel_loop3A_863, %parallel_loop3A_864] {strides = array<i32>} : memref<64x128xf32, #tpu.memory_space<vmem>>, vector<1x16xf32>,
        %parallel_loop3A_866 = vector.shape_cast %parallel_loop3A_865 : vector<1x16xf32> to vector<16xf32>
        %parallel_loop3A_867 = arith.index_cast %parallel_loop3A_844 : i32 to index
        %parallel_loop3A_868 = arith.constant 16 : index
        %parallel_loop3A_869 = tpu.vector_load %arg8[%parallel_loop3A_867, %parallel_loop3A_868] {strides = array<i32>} : memref<264x64xf32, #tpu.memory_space<vmem>>, vector<1x16xf32>,
        %parallel_loop3A_870 = vector.shape_cast %parallel_loop3A_869 : vector<1x16xf32> to vector<16xf32>
        %parallel_loop3A_871 = arith.addf %parallel_loop3A_866, %parallel_loop3A_870 : vector<16xf32>
        %parallel_loop3A_872 = arith.index_cast %parallel_loop3A_839 : i32 to index
        %parallel_loop3A_873 = arith.constant 16 : index
        %parallel_loop3A_874 = tpu.vector_load %arg12[%parallel_loop3A_872, %parallel_loop3A_873] {strides = array<i32>} : memref<64x64xf32, #tpu.memory_space<vmem>>, vector<1x16xf32>,
        %parallel_loop3A_875 = vector.shape_cast %parallel_loop3A_874 : vector<1x16xf32> to vector<16xf32>
        %parallel_loop3A_876 = vector.shape_cast %parallel_loop3A_871 : vector<16xf32> to vector<1x16xf32>
        tpu.vector_store %arg12[%parallel_loop3A_872, %parallel_loop3A_873], %parallel_loop3A_876 {strides = array<i32>} : memref<64x64xf32, #tpu.memory_space<vmem>>, vector<1x16xf32>,
        %parallel_loop3A_877 = arith.constant 32 : i32
        %parallel_loop3A_878 = arith.addi %parallel_loop3A_843, %parallel_loop3A_877 : i32
        %parallel_loop3A_879 = arith.index_cast %parallel_loop3A_839 : i32 to index
        %parallel_loop3A_880 = arith.index_cast %parallel_loop3A_878 : i32 to index
        %parallel_loop3A_881 = tpu.vector_load %arg10[%parallel_loop3A_879, %parallel_loop3A_880] {strides = array<i32>} : memref<64x128xf32, #tpu.memory_space<vmem>>, vector<1x16xf32>,
        %parallel_loop3A_882 = vector.shape_cast %parallel_loop3A_881 : vector<1x16xf32> to vector<16xf32>
        %parallel_loop3A_883 = arith.index_cast %parallel_loop3A_844 : i32 to index
        %parallel_loop3A_884 = arith.constant 32 : index
        %parallel_loop3A_885 = tpu.vector_load %arg8[%parallel_loop3A_883, %parallel_loop3A_884] {strides = array<i32>} : memref<264x64xf32, #tpu.memory_space<vmem>>, vector<1x16xf32>,
        %parallel_loop3A_886 = vector.shape_cast %parallel_loop3A_885 : vector<1x16xf32> to vector<16xf32>
        %parallel_loop3A_887 = arith.addf %parallel_loop3A_882, %parallel_loop3A_886 : vector<16xf32>
        %parallel_loop3A_888 = arith.index_cast %parallel_loop3A_839 : i32 to index
        %parallel_loop3A_889 = arith.constant 32 : index
        %parallel_loop3A_890 = tpu.vector_load %arg12[%parallel_loop3A_888, %parallel_loop3A_889] {strides = array<i32>} : memref<64x64xf32, #tpu.memory_space<vmem>>, vector<1x16xf32>,
        %parallel_loop3A_891 = vector.shape_cast %parallel_loop3A_890 : vector<1x16xf32> to vector<16xf32>
        %parallel_loop3A_892 = vector.shape_cast %parallel_loop3A_887 : vector<16xf32> to vector<1x16xf32>
        tpu.vector_store %arg12[%parallel_loop3A_888, %parallel_loop3A_889], %parallel_loop3A_892 {strides = array<i32>} : memref<64x64xf32, #tpu.memory_space<vmem>>, vector<1x16xf32>,
        %parallel_loop3A_893 = arith.constant 48 : i32
        %parallel_loop3A_894 = arith.addi %parallel_loop3A_843, %parallel_loop3A_893 : i32
        %parallel_loop3A_895 = arith.index_cast %parallel_loop3A_839 : i32 to index
        %parallel_loop3A_896 = arith.index_cast %parallel_loop3A_894 : i32 to index
        %parallel_loop3A_897 = tpu.vector_load %arg10[%parallel_loop3A_895, %parallel_loop3A_896] {strides = array<i32>} : memref<64x128xf32, #tpu.memory_space<vmem>>, vector<1x16xf32>,
        %parallel_loop3A_898 = vector.shape_cast %parallel_loop3A_897 : vector<1x16xf32> to vector<16xf32>
        %parallel_loop3A_899 = arith.index_cast %parallel_loop3A_844 : i32 to index
        %parallel_loop3A_900 = arith.constant 48 : index
        %parallel_loop3A_901 = tpu.vector_load %arg8[%parallel_loop3A_899, %parallel_loop3A_900] {strides = array<i32>} : memref<264x64xf32, #tpu.memory_space<vmem>>, vector<1x16xf32>,
        %parallel_loop3A_902 = vector.shape_cast %parallel_loop3A_901 : vector<1x16xf32> to vector<16xf32>
        %parallel_loop3A_903 = arith.addf %parallel_loop3A_898, %parallel_loop3A_902 : vector<16xf32>
        %parallel_loop3A_904 = arith.index_cast %parallel_loop3A_839 : i32 to index
        %parallel_loop3A_905 = arith.constant 48 : index
        %parallel_loop3A_906 = tpu.vector_load %arg12[%parallel_loop3A_904, %parallel_loop3A_905] {strides = array<i32>} : memref<64x64xf32, #tpu.memory_space<vmem>>, vector<1x16xf32>,
        %parallel_loop3A_907 = vector.shape_cast %parallel_loop3A_906 : vector<1x16xf32> to vector<16xf32>
        %parallel_loop3A_908 = vector.shape_cast %parallel_loop3A_903 : vector<16xf32> to vector<1x16xf32>
        tpu.vector_store %arg12[%parallel_loop3A_904, %parallel_loop3A_905], %parallel_loop3A_908 {strides = array<i32>} : memref<64x64xf32, #tpu.memory_space<vmem>>, vector<1x16xf32>,
        %parallel_loop3A_909 = arith.constant 11 : i32
        %parallel_loop3A_910 = arith.addi %parallel_loop3A_118, %parallel_loop3A_909 : i32
        %parallel_loop3A_911 = vector.extract_strided_slice %parallel_loop3A_127 {offsets = [11], sizes = [1], strides = [1]} : vector<16xi32> to vector<1xi32>
        %parallel_loop3A_912 = vector.extract %parallel_loop3A_911[0] : i32 from vector<1xi32>
        %parallel_loop3A_913 = arith.constant 64 : i32
        %parallel_loop3A_914 = arith.muli %parallel_loop3A_912, %parallel_loop3A_913 : i32
        %parallel_loop3A_915 = arith.addi %select_n3A, %parallel_loop3A_910 : i32
        %parallel_loop3A_916 = arith.constant 0 : i32
        %parallel_loop3A_917 = arith.addi %parallel_loop3A_914, %parallel_loop3A_916 : i32
        %parallel_loop3A_918 = arith.index_cast %parallel_loop3A_910 : i32 to index
        %parallel_loop3A_919 = arith.index_cast %parallel_loop3A_917 : i32 to index
        %parallel_loop3A_920 = tpu.vector_load %arg10[%parallel_loop3A_918, %parallel_loop3A_919] {strides = array<i32>} : memref<64x128xf32, #tpu.memory_space<vmem>>, vector<1x16xf32>,
        %parallel_loop3A_921 = vector.shape_cast %parallel_loop3A_920 : vector<1x16xf32> to vector<16xf32>
        %parallel_loop3A_922 = arith.index_cast %parallel_loop3A_915 : i32 to index
        %parallel_loop3A_923 = arith.constant 0 : index
        %parallel_loop3A_924 = tpu.vector_load %arg8[%parallel_loop3A_922, %parallel_loop3A_923] {strides = array<i32>} : memref<264x64xf32, #tpu.memory_space<vmem>>, vector<1x16xf32>,
        %parallel_loop3A_925 = vector.shape_cast %parallel_loop3A_924 : vector<1x16xf32> to vector<16xf32>
        %parallel_loop3A_926 = arith.addf %parallel_loop3A_921, %parallel_loop3A_925 : vector<16xf32>
        %parallel_loop3A_927 = arith.index_cast %parallel_loop3A_910 : i32 to index
        %parallel_loop3A_928 = arith.constant 0 : index
        %parallel_loop3A_929 = tpu.vector_load %arg12[%parallel_loop3A_927, %parallel_loop3A_928] {strides = array<i32>} : memref<64x64xf32, #tpu.memory_space<vmem>>, vector<1x16xf32>,
        %parallel_loop3A_930 = vector.shape_cast %parallel_loop3A_929 : vector<1x16xf32> to vector<16xf32>
        %parallel_loop3A_931 = vector.shape_cast %parallel_loop3A_926 : vector<16xf32> to vector<1x16xf32>
        tpu.vector_store %arg12[%parallel_loop3A_927, %parallel_loop3A_928], %parallel_loop3A_931 {strides = array<i32>} : memref<64x64xf32, #tpu.memory_space<vmem>>, vector<1x16xf32>,
        %parallel_loop3A_932 = arith.constant 16 : i32
        %parallel_loop3A_933 = arith.addi %parallel_loop3A_914, %parallel_loop3A_932 : i32
        %parallel_loop3A_934 = arith.index_cast %parallel_loop3A_910 : i32 to index
        %parallel_loop3A_935 = arith.index_cast %parallel_loop3A_933 : i32 to index
        %parallel_loop3A_936 = tpu.vector_load %arg10[%parallel_loop3A_934, %parallel_loop3A_935] {strides = array<i32>} : memref<64x128xf32, #tpu.memory_space<vmem>>, vector<1x16xf32>,
        %parallel_loop3A_937 = vector.shape_cast %parallel_loop3A_936 : vector<1x16xf32> to vector<16xf32>
        %parallel_loop3A_938 = arith.index_cast %parallel_loop3A_915 : i32 to index
        %parallel_loop3A_939 = arith.constant 16 : index
        %parallel_loop3A_940 = tpu.vector_load %arg8[%parallel_loop3A_938, %parallel_loop3A_939] {strides = array<i32>} : memref<264x64xf32, #tpu.memory_space<vmem>>, vector<1x16xf32>,
        %parallel_loop3A_941 = vector.shape_cast %parallel_loop3A_940 : vector<1x16xf32> to vector<16xf32>
        %parallel_loop3A_942 = arith.addf %parallel_loop3A_937, %parallel_loop3A_941 : vector<16xf32>
        %parallel_loop3A_943 = arith.index_cast %parallel_loop3A_910 : i32 to index
        %parallel_loop3A_944 = arith.constant 16 : index
        %parallel_loop3A_945 = tpu.vector_load %arg12[%parallel_loop3A_943, %parallel_loop3A_944] {strides = array<i32>} : memref<64x64xf32, #tpu.memory_space<vmem>>, vector<1x16xf32>,
        %parallel_loop3A_946 = vector.shape_cast %parallel_loop3A_945 : vector<1x16xf32> to vector<16xf32>
        %parallel_loop3A_947 = vector.shape_cast %parallel_loop3A_942 : vector<16xf32> to vector<1x16xf32>
        tpu.vector_store %arg12[%parallel_loop3A_943, %parallel_loop3A_944], %parallel_loop3A_947 {strides = array<i32>} : memref<64x64xf32, #tpu.memory_space<vmem>>, vector<1x16xf32>,
        %parallel_loop3A_948 = arith.constant 32 : i32
        %parallel_loop3A_949 = arith.addi %parallel_loop3A_914, %parallel_loop3A_948 : i32
        %parallel_loop3A_950 = arith.index_cast %parallel_loop3A_910 : i32 to index
        %parallel_loop3A_951 = arith.index_cast %parallel_loop3A_949 : i32 to index
        %parallel_loop3A_952 = tpu.vector_load %arg10[%parallel_loop3A_950, %parallel_loop3A_951] {strides = array<i32>} : memref<64x128xf32, #tpu.memory_space<vmem>>, vector<1x16xf32>,
        %parallel_loop3A_953 = vector.shape_cast %parallel_loop3A_952 : vector<1x16xf32> to vector<16xf32>
        %parallel_loop3A_954 = arith.index_cast %parallel_loop3A_915 : i32 to index
        %parallel_loop3A_955 = arith.constant 32 : index
        %parallel_loop3A_956 = tpu.vector_load %arg8[%parallel_loop3A_954, %parallel_loop3A_955] {strides = array<i32>} : memref<264x64xf32, #tpu.memory_space<vmem>>, vector<1x16xf32>,
        %parallel_loop3A_957 = vector.shape_cast %parallel_loop3A_956 : vector<1x16xf32> to vector<16xf32>
        %parallel_loop3A_958 = arith.addf %parallel_loop3A_953, %parallel_loop3A_957 : vector<16xf32>
        %parallel_loop3A_959 = arith.index_cast %parallel_loop3A_910 : i32 to index
        %parallel_loop3A_960 = arith.constant 32 : index
        %parallel_loop3A_961 = tpu.vector_load %arg12[%parallel_loop3A_959, %parallel_loop3A_960] {strides = array<i32>} : memref<64x64xf32, #tpu.memory_space<vmem>>, vector<1x16xf32>,
        %parallel_loop3A_962 = vector.shape_cast %parallel_loop3A_961 : vector<1x16xf32> to vector<16xf32>
        %parallel_loop3A_963 = vector.shape_cast %parallel_loop3A_958 : vector<16xf32> to vector<1x16xf32>
        tpu.vector_store %arg12[%parallel_loop3A_959, %parallel_loop3A_960], %parallel_loop3A_963 {strides = array<i32>} : memref<64x64xf32, #tpu.memory_space<vmem>>, vector<1x16xf32>,
        %parallel_loop3A_964 = arith.constant 48 : i32
        %parallel_loop3A_965 = arith.addi %parallel_loop3A_914, %parallel_loop3A_964 : i32
        %parallel_loop3A_966 = arith.index_cast %parallel_loop3A_910 : i32 to index
        %parallel_loop3A_967 = arith.index_cast %parallel_loop3A_965 : i32 to index
        %parallel_loop3A_968 = tpu.vector_load %arg10[%parallel_loop3A_966, %parallel_loop3A_967] {strides = array<i32>} : memref<64x128xf32, #tpu.memory_space<vmem>>, vector<1x16xf32>,
        %parallel_loop3A_969 = vector.shape_cast %parallel_loop3A_968 : vector<1x16xf32> to vector<16xf32>
        %parallel_loop3A_970 = arith.index_cast %parallel_loop3A_915 : i32 to index
        %parallel_loop3A_971 = arith.constant 48 : index
        %parallel_loop3A_972 = tpu.vector_load %arg8[%parallel_loop3A_970, %parallel_loop3A_971] {strides = array<i32>} : memref<264x64xf32, #tpu.memory_space<vmem>>, vector<1x16xf32>,
        %parallel_loop3A_973 = vector.shape_cast %parallel_loop3A_972 : vector<1x16xf32> to vector<16xf32>
        %parallel_loop3A_974 = arith.addf %parallel_loop3A_969, %parallel_loop3A_973 : vector<16xf32>
        %parallel_loop3A_975 = arith.index_cast %parallel_loop3A_910 : i32 to index
        %parallel_loop3A_976 = arith.constant 48 : index
        %parallel_loop3A_977 = tpu.vector_load %arg12[%parallel_loop3A_975, %parallel_loop3A_976] {strides = array<i32>} : memref<64x64xf32, #tpu.memory_space<vmem>>, vector<1x16xf32>,
        %parallel_loop3A_978 = vector.shape_cast %parallel_loop3A_977 : vector<1x16xf32> to vector<16xf32>
        %parallel_loop3A_979 = vector.shape_cast %parallel_loop3A_974 : vector<16xf32> to vector<1x16xf32>
        tpu.vector_store %arg12[%parallel_loop3A_975, %parallel_loop3A_976], %parallel_loop3A_979 {strides = array<i32>} : memref<64x64xf32, #tpu.memory_space<vmem>>, vector<1x16xf32>,
        %parallel_loop3A_980 = arith.constant 12 : i32
        %parallel_loop3A_981 = arith.addi %parallel_loop3A_118, %parallel_loop3A_980 : i32
        %parallel_loop3A_982 = vector.extract_strided_slice %parallel_loop3A_127 {offsets = [12], sizes = [1], strides = [1]} : vector<16xi32> to vector<1xi32>
        %parallel_loop3A_983 = vector.extract %parallel_loop3A_982[0] : i32 from vector<1xi32>
        %parallel_loop3A_984 = arith.constant 64 : i32
        %parallel_loop3A_985 = arith.muli %parallel_loop3A_983, %parallel_loop3A_984 : i32
        %parallel_loop3A_986 = arith.addi %select_n3A, %parallel_loop3A_981 : i32
        %parallel_loop3A_987 = arith.constant 0 : i32
        %parallel_loop3A_988 = arith.addi %parallel_loop3A_985, %parallel_loop3A_987 : i32
        %parallel_loop3A_989 = arith.index_cast %parallel_loop3A_981 : i32 to index
        %parallel_loop3A_990 = arith.index_cast %parallel_loop3A_988 : i32 to index
        %parallel_loop3A_991 = tpu.vector_load %arg10[%parallel_loop3A_989, %parallel_loop3A_990] {strides = array<i32>} : memref<64x128xf32, #tpu.memory_space<vmem>>, vector<1x16xf32>,
        %parallel_loop3A_992 = vector.shape_cast %parallel_loop3A_991 : vector<1x16xf32> to vector<16xf32>
        %parallel_loop3A_993 = arith.index_cast %parallel_loop3A_986 : i32 to index
        %parallel_loop3A_994 = arith.constant 0 : index
        %parallel_loop3A_995 = tpu.vector_load %arg8[%parallel_loop3A_993, %parallel_loop3A_994] {strides = array<i32>} : memref<264x64xf32, #tpu.memory_space<vmem>>, vector<1x16xf32>,
        %parallel_loop3A_996 = vector.shape_cast %parallel_loop3A_995 : vector<1x16xf32> to vector<16xf32>
        %parallel_loop3A_997 = arith.addf %parallel_loop3A_992, %parallel_loop3A_996 : vector<16xf32>
        %parallel_loop3A_998 = arith.index_cast %parallel_loop3A_981 : i32 to index
        %parallel_loop3A_999 = arith.constant 0 : index
        %parallel_loop3A_1000 = tpu.vector_load %arg12[%parallel_loop3A_998, %parallel_loop3A_999] {strides = array<i32>} : memref<64x64xf32, #tpu.memory_space<vmem>>, vector<1x16xf32>,
        %parallel_loop3A_1001 = vector.shape_cast %parallel_loop3A_1000 : vector<1x16xf32> to vector<16xf32>
        %parallel_loop3A_1002 = vector.shape_cast %parallel_loop3A_997 : vector<16xf32> to vector<1x16xf32>
        tpu.vector_store %arg12[%parallel_loop3A_998, %parallel_loop3A_999], %parallel_loop3A_1002 {strides = array<i32>} : memref<64x64xf32, #tpu.memory_space<vmem>>, vector<1x16xf32>,
        %parallel_loop3A_1003 = arith.constant 16 : i32
        %parallel_loop3A_1004 = arith.addi %parallel_loop3A_985, %parallel_loop3A_1003 : i32
        %parallel_loop3A_1005 = arith.index_cast %parallel_loop3A_981 : i32 to index
        %parallel_loop3A_1006 = arith.index_cast %parallel_loop3A_1004 : i32 to index
        %parallel_loop3A_1007 = tpu.vector_load %arg10[%parallel_loop3A_1005, %parallel_loop3A_1006] {strides = array<i32>} : memref<64x128xf32, #tpu.memory_space<vmem>>, vector<1x16xf32>,
        %parallel_loop3A_1008 = vector.shape_cast %parallel_loop3A_1007 : vector<1x16xf32> to vector<16xf32>
        %parallel_loop3A_1009 = arith.index_cast %parallel_loop3A_986 : i32 to index
        %parallel_loop3A_1010 = arith.constant 16 : index
        %parallel_loop3A_1011 = tpu.vector_load %arg8[%parallel_loop3A_1009, %parallel_loop3A_1010] {strides = array<i32>} : memref<264x64xf32, #tpu.memory_space<vmem>>, vector<1x16xf32>,
        %parallel_loop3A_1012 = vector.shape_cast %parallel_loop3A_1011 : vector<1x16xf32> to vector<16xf32>
        %parallel_loop3A_1013 = arith.addf %parallel_loop3A_1008, %parallel_loop3A_1012 : vector<16xf32>
        %parallel_loop3A_1014 = arith.index_cast %parallel_loop3A_981 : i32 to index
        %parallel_loop3A_1015 = arith.constant 16 : index
        %parallel_loop3A_1016 = tpu.vector_load %arg12[%parallel_loop3A_1014, %parallel_loop3A_1015] {strides = array<i32>} : memref<64x64xf32, #tpu.memory_space<vmem>>, vector<1x16xf32>,
        %parallel_loop3A_1017 = vector.shape_cast %parallel_loop3A_1016 : vector<1x16xf32> to vector<16xf32>
        %parallel_loop3A_1018 = vector.shape_cast %parallel_loop3A_1013 : vector<16xf32> to vector<1x16xf32>
        tpu.vector_store %arg12[%parallel_loop3A_1014, %parallel_loop3A_1015], %parallel_loop3A_1018 {strides = array<i32>} : memref<64x64xf32, #tpu.memory_space<vmem>>, vector<1x16xf32>,
        %parallel_loop3A_1019 = arith.constant 32 : i32
        %parallel_loop3A_1020 = arith.addi %parallel_loop3A_985, %parallel_loop3A_1019 : i32
        %parallel_loop3A_1021 = arith.index_cast %parallel_loop3A_981 : i32 to index
        %parallel_loop3A_1022 = arith.index_cast %parallel_loop3A_1020 : i32 to index
        %parallel_loop3A_1023 = tpu.vector_load %arg10[%parallel_loop3A_1021, %parallel_loop3A_1022] {strides = array<i32>} : memref<64x128xf32, #tpu.memory_space<vmem>>, vector<1x16xf32>,
        %parallel_loop3A_1024 = vector.shape_cast %parallel_loop3A_1023 : vector<1x16xf32> to vector<16xf32>
        %parallel_loop3A_1025 = arith.index_cast %parallel_loop3A_986 : i32 to index
        %parallel_loop3A_1026 = arith.constant 32 : index
        %parallel_loop3A_1027 = tpu.vector_load %arg8[%parallel_loop3A_1025, %parallel_loop3A_1026] {strides = array<i32>} : memref<264x64xf32, #tpu.memory_space<vmem>>, vector<1x16xf32>,
        %parallel_loop3A_1028 = vector.shape_cast %parallel_loop3A_1027 : vector<1x16xf32> to vector<16xf32>
        %parallel_loop3A_1029 = arith.addf %parallel_loop3A_1024, %parallel_loop3A_1028 : vector<16xf32>
        %parallel_loop3A_1030 = arith.index_cast %parallel_loop3A_981 : i32 to index
        %parallel_loop3A_1031 = arith.constant 32 : index
        %parallel_loop3A_1032 = tpu.vector_load %arg12[%parallel_loop3A_1030, %parallel_loop3A_1031] {strides = array<i32>} : memref<64x64xf32, #tpu.memory_space<vmem>>, vector<1x16xf32>,
        %parallel_loop3A_1033 = vector.shape_cast %parallel_loop3A_1032 : vector<1x16xf32> to vector<16xf32>
        %parallel_loop3A_1034 = vector.shape_cast %parallel_loop3A_1029 : vector<16xf32> to vector<1x16xf32>
        tpu.vector_store %arg12[%parallel_loop3A_1030, %parallel_loop3A_1031], %parallel_loop3A_1034 {strides = array<i32>} : memref<64x64xf32, #tpu.memory_space<vmem>>, vector<1x16xf32>,
        %parallel_loop3A_1035 = arith.constant 48 : i32
        %parallel_loop3A_1036 = arith.addi %parallel_loop3A_985, %parallel_loop3A_1035 : i32
        %parallel_loop3A_1037 = arith.index_cast %parallel_loop3A_981 : i32 to index
        %parallel_loop3A_1038 = arith.index_cast %parallel_loop3A_1036 : i32 to index
        %parallel_loop3A_1039 = tpu.vector_load %arg10[%parallel_loop3A_1037, %parallel_loop3A_1038] {strides = array<i32>} : memref<64x128xf32, #tpu.memory_space<vmem>>, vector<1x16xf32>,
        %parallel_loop3A_1040 = vector.shape_cast %parallel_loop3A_1039 : vector<1x16xf32> to vector<16xf32>
        %parallel_loop3A_1041 = arith.index_cast %parallel_loop3A_986 : i32 to index
        %parallel_loop3A_1042 = arith.constant 48 : index
        %parallel_loop3A_1043 = tpu.vector_load %arg8[%parallel_loop3A_1041, %parallel_loop3A_1042] {strides = array<i32>} : memref<264x64xf32, #tpu.memory_space<vmem>>, vector<1x16xf32>,
        %parallel_loop3A_1044 = vector.shape_cast %parallel_loop3A_1043 : vector<1x16xf32> to vector<16xf32>
        %parallel_loop3A_1045 = arith.addf %parallel_loop3A_1040, %parallel_loop3A_1044 : vector<16xf32>
        %parallel_loop3A_1046 = arith.index_cast %parallel_loop3A_981 : i32 to index
        %parallel_loop3A_1047 = arith.constant 48 : index
        %parallel_loop3A_1048 = tpu.vector_load %arg12[%parallel_loop3A_1046, %parallel_loop3A_1047] {strides = array<i32>} : memref<64x64xf32, #tpu.memory_space<vmem>>, vector<1x16xf32>,
        %parallel_loop3A_1049 = vector.shape_cast %parallel_loop3A_1048 : vector<1x16xf32> to vector<16xf32>
        %parallel_loop3A_1050 = vector.shape_cast %parallel_loop3A_1045 : vector<16xf32> to vector<1x16xf32>
        tpu.vector_store %arg12[%parallel_loop3A_1046, %parallel_loop3A_1047], %parallel_loop3A_1050 {strides = array<i32>} : memref<64x64xf32, #tpu.memory_space<vmem>>, vector<1x16xf32>,
        %parallel_loop3A_1051 = arith.constant 13 : i32
        %parallel_loop3A_1052 = arith.addi %parallel_loop3A_118, %parallel_loop3A_1051 : i32
        %parallel_loop3A_1053 = vector.extract_strided_slice %parallel_loop3A_127 {offsets = [13], sizes = [1], strides = [1]} : vector<16xi32> to vector<1xi32>
        %parallel_loop3A_1054 = vector.extract %parallel_loop3A_1053[0] : i32 from vector<1xi32>
        %parallel_loop3A_1055 = arith.constant 64 : i32
        %parallel_loop3A_1056 = arith.muli %parallel_loop3A_1054, %parallel_loop3A_1055 : i32
        %parallel_loop3A_1057 = arith.addi %select_n3A, %parallel_loop3A_1052 : i32
        %parallel_loop3A_1058 = arith.constant 0 : i32
        %parallel_loop3A_1059 = arith.addi %parallel_loop3A_1056, %parallel_loop3A_1058 : i32
        %parallel_loop3A_1060 = arith.index_cast %parallel_loop3A_1052 : i32 to index
        %parallel_loop3A_1061 = arith.index_cast %parallel_loop3A_1059 : i32 to index
        %parallel_loop3A_1062 = tpu.vector_load %arg10[%parallel_loop3A_1060, %parallel_loop3A_1061] {strides = array<i32>} : memref<64x128xf32, #tpu.memory_space<vmem>>, vector<1x16xf32>,
        %parallel_loop3A_1063 = vector.shape_cast %parallel_loop3A_1062 : vector<1x16xf32> to vector<16xf32>
        %parallel_loop3A_1064 = arith.index_cast %parallel_loop3A_1057 : i32 to index
        %parallel_loop3A_1065 = arith.constant 0 : index
        %parallel_loop3A_1066 = tpu.vector_load %arg8[%parallel_loop3A_1064, %parallel_loop3A_1065] {strides = array<i32>} : memref<264x64xf32, #tpu.memory_space<vmem>>, vector<1x16xf32>,
        %parallel_loop3A_1067 = vector.shape_cast %parallel_loop3A_1066 : vector<1x16xf32> to vector<16xf32>
        %parallel_loop3A_1068 = arith.addf %parallel_loop3A_1063, %parallel_loop3A_1067 : vector<16xf32>
        %parallel_loop3A_1069 = arith.index_cast %parallel_loop3A_1052 : i32 to index
        %parallel_loop3A_1070 = arith.constant 0 : index
        %parallel_loop3A_1071 = tpu.vector_load %arg12[%parallel_loop3A_1069, %parallel_loop3A_1070] {strides = array<i32>} : memref<64x64xf32, #tpu.memory_space<vmem>>, vector<1x16xf32>,
        %parallel_loop3A_1072 = vector.shape_cast %parallel_loop3A_1071 : vector<1x16xf32> to vector<16xf32>
        %parallel_loop3A_1073 = vector.shape_cast %parallel_loop3A_1068 : vector<16xf32> to vector<1x16xf32>
        tpu.vector_store %arg12[%parallel_loop3A_1069, %parallel_loop3A_1070], %parallel_loop3A_1073 {strides = array<i32>} : memref<64x64xf32, #tpu.memory_space<vmem>>, vector<1x16xf32>,
        %parallel_loop3A_1074 = arith.constant 16 : i32
        %parallel_loop3A_1075 = arith.addi %parallel_loop3A_1056, %parallel_loop3A_1074 : i32
        %parallel_loop3A_1076 = arith.index_cast %parallel_loop3A_1052 : i32 to index
        %parallel_loop3A_1077 = arith.index_cast %parallel_loop3A_1075 : i32 to index
        %parallel_loop3A_1078 = tpu.vector_load %arg10[%parallel_loop3A_1076, %parallel_loop3A_1077] {strides = array<i32>} : memref<64x128xf32, #tpu.memory_space<vmem>>, vector<1x16xf32>,
        %parallel_loop3A_1079 = vector.shape_cast %parallel_loop3A_1078 : vector<1x16xf32> to vector<16xf32>
        %parallel_loop3A_1080 = arith.index_cast %parallel_loop3A_1057 : i32 to index
        %parallel_loop3A_1081 = arith.constant 16 : index
        %parallel_loop3A_1082 = tpu.vector_load %arg8[%parallel_loop3A_1080, %parallel_loop3A_1081] {strides = array<i32>} : memref<264x64xf32, #tpu.memory_space<vmem>>, vector<1x16xf32>,
        %parallel_loop3A_1083 = vector.shape_cast %parallel_loop3A_1082 : vector<1x16xf32> to vector<16xf32>
        %parallel_loop3A_1084 = arith.addf %parallel_loop3A_1079, %parallel_loop3A_1083 : vector<16xf32>
        %parallel_loop3A_1085 = arith.index_cast %parallel_loop3A_1052 : i32 to index
        %parallel_loop3A_1086 = arith.constant 16 : index
        %parallel_loop3A_1087 = tpu.vector_load %arg12[%parallel_loop3A_1085, %parallel_loop3A_1086] {strides = array<i32>} : memref<64x64xf32, #tpu.memory_space<vmem>>, vector<1x16xf32>,
        %parallel_loop3A_1088 = vector.shape_cast %parallel_loop3A_1087 : vector<1x16xf32> to vector<16xf32>
        %parallel_loop3A_1089 = vector.shape_cast %parallel_loop3A_1084 : vector<16xf32> to vector<1x16xf32>
        tpu.vector_store %arg12[%parallel_loop3A_1085, %parallel_loop3A_1086], %parallel_loop3A_1089 {strides = array<i32>} : memref<64x64xf32, #tpu.memory_space<vmem>>, vector<1x16xf32>,
        %parallel_loop3A_1090 = arith.constant 32 : i32
        %parallel_loop3A_1091 = arith.addi %parallel_loop3A_1056, %parallel_loop3A_1090 : i32
        %parallel_loop3A_1092 = arith.index_cast %parallel_loop3A_1052 : i32 to index
        %parallel_loop3A_1093 = arith.index_cast %parallel_loop3A_1091 : i32 to index
        %parallel_loop3A_1094 = tpu.vector_load %arg10[%parallel_loop3A_1092, %parallel_loop3A_1093] {strides = array<i32>} : memref<64x128xf32, #tpu.memory_space<vmem>>, vector<1x16xf32>,
        %parallel_loop3A_1095 = vector.shape_cast %parallel_loop3A_1094 : vector<1x16xf32> to vector<16xf32>
        %parallel_loop3A_1096 = arith.index_cast %parallel_loop3A_1057 : i32 to index
        %parallel_loop3A_1097 = arith.constant 32 : index
        %parallel_loop3A_1098 = tpu.vector_load %arg8[%parallel_loop3A_1096, %parallel_loop3A_1097] {strides = array<i32>} : memref<264x64xf32, #tpu.memory_space<vmem>>, vector<1x16xf32>,
        %parallel_loop3A_1099 = vector.shape_cast %parallel_loop3A_1098 : vector<1x16xf32> to vector<16xf32>
        %parallel_loop3A_1100 = arith.addf %parallel_loop3A_1095, %parallel_loop3A_1099 : vector<16xf32>
        %parallel_loop3A_1101 = arith.index_cast %parallel_loop3A_1052 : i32 to index
        %parallel_loop3A_1102 = arith.constant 32 : index
        %parallel_loop3A_1103 = tpu.vector_load %arg12[%parallel_loop3A_1101, %parallel_loop3A_1102] {strides = array<i32>} : memref<64x64xf32, #tpu.memory_space<vmem>>, vector<1x16xf32>,
        %parallel_loop3A_1104 = vector.shape_cast %parallel_loop3A_1103 : vector<1x16xf32> to vector<16xf32>
        %parallel_loop3A_1105 = vector.shape_cast %parallel_loop3A_1100 : vector<16xf32> to vector<1x16xf32>
        tpu.vector_store %arg12[%parallel_loop3A_1101, %parallel_loop3A_1102], %parallel_loop3A_1105 {strides = array<i32>} : memref<64x64xf32, #tpu.memory_space<vmem>>, vector<1x16xf32>,
        %parallel_loop3A_1106 = arith.constant 48 : i32
        %parallel_loop3A_1107 = arith.addi %parallel_loop3A_1056, %parallel_loop3A_1106 : i32
        %parallel_loop3A_1108 = arith.index_cast %parallel_loop3A_1052 : i32 to index
        %parallel_loop3A_1109 = arith.index_cast %parallel_loop3A_1107 : i32 to index
        %parallel_loop3A_1110 = tpu.vector_load %arg10[%parallel_loop3A_1108, %parallel_loop3A_1109] {strides = array<i32>} : memref<64x128xf32, #tpu.memory_space<vmem>>, vector<1x16xf32>,
        %parallel_loop3A_1111 = vector.shape_cast %parallel_loop3A_1110 : vector<1x16xf32> to vector<16xf32>
        %parallel_loop3A_1112 = arith.index_cast %parallel_loop3A_1057 : i32 to index
        %parallel_loop3A_1113 = arith.constant 48 : index
        %parallel_loop3A_1114 = tpu.vector_load %arg8[%parallel_loop3A_1112, %parallel_loop3A_1113] {strides = array<i32>} : memref<264x64xf32, #tpu.memory_space<vmem>>, vector<1x16xf32>,
        %parallel_loop3A_1115 = vector.shape_cast %parallel_loop3A_1114 : vector<1x16xf32> to vector<16xf32>
        %parallel_loop3A_1116 = arith.addf %parallel_loop3A_1111, %parallel_loop3A_1115 : vector<16xf32>
        %parallel_loop3A_1117 = arith.index_cast %parallel_loop3A_1052 : i32 to index
        %parallel_loop3A_1118 = arith.constant 48 : index
        %parallel_loop3A_1119 = tpu.vector_load %arg12[%parallel_loop3A_1117, %parallel_loop3A_1118] {strides = array<i32>} : memref<64x64xf32, #tpu.memory_space<vmem>>, vector<1x16xf32>,
        %parallel_loop3A_1120 = vector.shape_cast %parallel_loop3A_1119 : vector<1x16xf32> to vector<16xf32>
        %parallel_loop3A_1121 = vector.shape_cast %parallel_loop3A_1116 : vector<16xf32> to vector<1x16xf32>
        tpu.vector_store %arg12[%parallel_loop3A_1117, %parallel_loop3A_1118], %parallel_loop3A_1121 {strides = array<i32>} : memref<64x64xf32, #tpu.memory_space<vmem>>, vector<1x16xf32>,
        %parallel_loop3A_1122 = arith.constant 14 : i32
        %parallel_loop3A_1123 = arith.addi %parallel_loop3A_118, %parallel_loop3A_1122 : i32
        %parallel_loop3A_1124 = vector.extract_strided_slice %parallel_loop3A_127 {offsets = [14], sizes = [1], strides = [1]} : vector<16xi32> to vector<1xi32>
        %parallel_loop3A_1125 = vector.extract %parallel_loop3A_1124[0] : i32 from vector<1xi32>
        %parallel_loop3A_1126 = arith.constant 64 : i32
        %parallel_loop3A_1127 = arith.muli %parallel_loop3A_1125, %parallel_loop3A_1126 : i32
        %parallel_loop3A_1128 = arith.addi %select_n3A, %parallel_loop3A_1123 : i32
        %parallel_loop3A_1129 = arith.constant 0 : i32
        %parallel_loop3A_1130 = arith.addi %parallel_loop3A_1127, %parallel_loop3A_1129 : i32
        %parallel_loop3A_1131 = arith.index_cast %parallel_loop3A_1123 : i32 to index
        %parallel_loop3A_1132 = arith.index_cast %parallel_loop3A_1130 : i32 to index
        %parallel_loop3A_1133 = tpu.vector_load %arg10[%parallel_loop3A_1131, %parallel_loop3A_1132] {strides = array<i32>} : memref<64x128xf32, #tpu.memory_space<vmem>>, vector<1x16xf32>,
        %parallel_loop3A_1134 = vector.shape_cast %parallel_loop3A_1133 : vector<1x16xf32> to vector<16xf32>
        %parallel_loop3A_1135 = arith.index_cast %parallel_loop3A_1128 : i32 to index
        %parallel_loop3A_1136 = arith.constant 0 : index
        %parallel_loop3A_1137 = tpu.vector_load %arg8[%parallel_loop3A_1135, %parallel_loop3A_1136] {strides = array<i32>} : memref<264x64xf32, #tpu.memory_space<vmem>>, vector<1x16xf32>,
        %parallel_loop3A_1138 = vector.shape_cast %parallel_loop3A_1137 : vector<1x16xf32> to vector<16xf32>
        %parallel_loop3A_1139 = arith.addf %parallel_loop3A_1134, %parallel_loop3A_1138 : vector<16xf32>
        %parallel_loop3A_1140 = arith.index_cast %parallel_loop3A_1123 : i32 to index
        %parallel_loop3A_1141 = arith.constant 0 : index
        %parallel_loop3A_1142 = tpu.vector_load %arg12[%parallel_loop3A_1140, %parallel_loop3A_1141] {strides = array<i32>} : memref<64x64xf32, #tpu.memory_space<vmem>>, vector<1x16xf32>,
        %parallel_loop3A_1143 = vector.shape_cast %parallel_loop3A_1142 : vector<1x16xf32> to vector<16xf32>
        %parallel_loop3A_1144 = vector.shape_cast %parallel_loop3A_1139 : vector<16xf32> to vector<1x16xf32>
        tpu.vector_store %arg12[%parallel_loop3A_1140, %parallel_loop3A_1141], %parallel_loop3A_1144 {strides = array<i32>} : memref<64x64xf32, #tpu.memory_space<vmem>>, vector<1x16xf32>,
        %parallel_loop3A_1145 = arith.constant 16 : i32
        %parallel_loop3A_1146 = arith.addi %parallel_loop3A_1127, %parallel_loop3A_1145 : i32
        %parallel_loop3A_1147 = arith.index_cast %parallel_loop3A_1123 : i32 to index
        %parallel_loop3A_1148 = arith.index_cast %parallel_loop3A_1146 : i32 to index
        %parallel_loop3A_1149 = tpu.vector_load %arg10[%parallel_loop3A_1147, %parallel_loop3A_1148] {strides = array<i32>} : memref<64x128xf32, #tpu.memory_space<vmem>>, vector<1x16xf32>,
        %parallel_loop3A_1150 = vector.shape_cast %parallel_loop3A_1149 : vector<1x16xf32> to vector<16xf32>
        %parallel_loop3A_1151 = arith.index_cast %parallel_loop3A_1128 : i32 to index
        %parallel_loop3A_1152 = arith.constant 16 : index
        %parallel_loop3A_1153 = tpu.vector_load %arg8[%parallel_loop3A_1151, %parallel_loop3A_1152] {strides = array<i32>} : memref<264x64xf32, #tpu.memory_space<vmem>>, vector<1x16xf32>,
        %parallel_loop3A_1154 = vector.shape_cast %parallel_loop3A_1153 : vector<1x16xf32> to vector<16xf32>
        %parallel_loop3A_1155 = arith.addf %parallel_loop3A_1150, %parallel_loop3A_1154 : vector<16xf32>
        %parallel_loop3A_1156 = arith.index_cast %parallel_loop3A_1123 : i32 to index
        %parallel_loop3A_1157 = arith.constant 16 : index
        %parallel_loop3A_1158 = tpu.vector_load %arg12[%parallel_loop3A_1156, %parallel_loop3A_1157] {strides = array<i32>} : memref<64x64xf32, #tpu.memory_space<vmem>>, vector<1x16xf32>,
        %parallel_loop3A_1159 = vector.shape_cast %parallel_loop3A_1158 : vector<1x16xf32> to vector<16xf32>
        %parallel_loop3A_1160 = vector.shape_cast %parallel_loop3A_1155 : vector<16xf32> to vector<1x16xf32>
        tpu.vector_store %arg12[%parallel_loop3A_1156, %parallel_loop3A_1157], %parallel_loop3A_1160 {strides = array<i32>} : memref<64x64xf32, #tpu.memory_space<vmem>>, vector<1x16xf32>,
        %parallel_loop3A_1161 = arith.constant 32 : i32
        %parallel_loop3A_1162 = arith.addi %parallel_loop3A_1127, %parallel_loop3A_1161 : i32
        %parallel_loop3A_1163 = arith.index_cast %parallel_loop3A_1123 : i32 to index
        %parallel_loop3A_1164 = arith.index_cast %parallel_loop3A_1162 : i32 to index
        %parallel_loop3A_1165 = tpu.vector_load %arg10[%parallel_loop3A_1163, %parallel_loop3A_1164] {strides = array<i32>} : memref<64x128xf32, #tpu.memory_space<vmem>>, vector<1x16xf32>,
        %parallel_loop3A_1166 = vector.shape_cast %parallel_loop3A_1165 : vector<1x16xf32> to vector<16xf32>
        %parallel_loop3A_1167 = arith.index_cast %parallel_loop3A_1128 : i32 to index
        %parallel_loop3A_1168 = arith.constant 32 : index
        %parallel_loop3A_1169 = tpu.vector_load %arg8[%parallel_loop3A_1167, %parallel_loop3A_1168] {strides = array<i32>} : memref<264x64xf32, #tpu.memory_space<vmem>>, vector<1x16xf32>,
        %parallel_loop3A_1170 = vector.shape_cast %parallel_loop3A_1169 : vector<1x16xf32> to vector<16xf32>
        %parallel_loop3A_1171 = arith.addf %parallel_loop3A_1166, %parallel_loop3A_1170 : vector<16xf32>
        %parallel_loop3A_1172 = arith.index_cast %parallel_loop3A_1123 : i32 to index
        %parallel_loop3A_1173 = arith.constant 32 : index
        %parallel_loop3A_1174 = tpu.vector_load %arg12[%parallel_loop3A_1172, %parallel_loop3A_1173] {strides = array<i32>} : memref<64x64xf32, #tpu.memory_space<vmem>>, vector<1x16xf32>,
        %parallel_loop3A_1175 = vector.shape_cast %parallel_loop3A_1174 : vector<1x16xf32> to vector<16xf32>
        %parallel_loop3A_1176 = vector.shape_cast %parallel_loop3A_1171 : vector<16xf32> to vector<1x16xf32>
        tpu.vector_store %arg12[%parallel_loop3A_1172, %parallel_loop3A_1173], %parallel_loop3A_1176 {strides = array<i32>} : memref<64x64xf32, #tpu.memory_space<vmem>>, vector<1x16xf32>,
        %parallel_loop3A_1177 = arith.constant 48 : i32
        %parallel_loop3A_1178 = arith.addi %parallel_loop3A_1127, %parallel_loop3A_1177 : i32
        %parallel_loop3A_1179 = arith.index_cast %parallel_loop3A_1123 : i32 to index
        %parallel_loop3A_1180 = arith.index_cast %parallel_loop3A_1178 : i32 to index
        %parallel_loop3A_1181 = tpu.vector_load %arg10[%parallel_loop3A_1179, %parallel_loop3A_1180] {strides = array<i32>} : memref<64x128xf32, #tpu.memory_space<vmem>>, vector<1x16xf32>,
        %parallel_loop3A_1182 = vector.shape_cast %parallel_loop3A_1181 : vector<1x16xf32> to vector<16xf32>
        %parallel_loop3A_1183 = arith.index_cast %parallel_loop3A_1128 : i32 to index
        %parallel_loop3A_1184 = arith.constant 48 : index
        %parallel_loop3A_1185 = tpu.vector_load %arg8[%parallel_loop3A_1183, %parallel_loop3A_1184] {strides = array<i32>} : memref<264x64xf32, #tpu.memory_space<vmem>>, vector<1x16xf32>,
        %parallel_loop3A_1186 = vector.shape_cast %parallel_loop3A_1185 : vector<1x16xf32> to vector<16xf32>
        %parallel_loop3A_1187 = arith.addf %parallel_loop3A_1182, %parallel_loop3A_1186 : vector<16xf32>
        %parallel_loop3A_1188 = arith.index_cast %parallel_loop3A_1123 : i32 to index
        %parallel_loop3A_1189 = arith.constant 48 : index
        %parallel_loop3A_1190 = tpu.vector_load %arg12[%parallel_loop3A_1188, %parallel_loop3A_1189] {strides = array<i32>} : memref<64x64xf32, #tpu.memory_space<vmem>>, vector<1x16xf32>,
        %parallel_loop3A_1191 = vector.shape_cast %parallel_loop3A_1190 : vector<1x16xf32> to vector<16xf32>
        %parallel_loop3A_1192 = vector.shape_cast %parallel_loop3A_1187 : vector<16xf32> to vector<1x16xf32>
        tpu.vector_store %arg12[%parallel_loop3A_1188, %parallel_loop3A_1189], %parallel_loop3A_1192 {strides = array<i32>} : memref<64x64xf32, #tpu.memory_space<vmem>>, vector<1x16xf32>,
        %parallel_loop3A_1193 = arith.constant 15 : i32
        %parallel_loop3A_1194 = arith.addi %parallel_loop3A_118, %parallel_loop3A_1193 : i32
        %parallel_loop3A_1195 = vector.extract_strided_slice %parallel_loop3A_127 {offsets = [15], sizes = [1], strides = [1]} : vector<16xi32> to vector<1xi32>
        %parallel_loop3A_1196 = vector.extract %parallel_loop3A_1195[0] : i32 from vector<1xi32>
        %parallel_loop3A_1197 = arith.constant 64 : i32
        %parallel_loop3A_1198 = arith.muli %parallel_loop3A_1196, %parallel_loop3A_1197 : i32
        %parallel_loop3A_1199 = arith.addi %select_n3A, %parallel_loop3A_1194 : i32
        %parallel_loop3A_1200 = arith.constant 0 : i32
        %parallel_loop3A_1201 = arith.addi %parallel_loop3A_1198, %parallel_loop3A_1200 : i32
        %parallel_loop3A_1202 = arith.index_cast %parallel_loop3A_1194 : i32 to index
        %parallel_loop3A_1203 = arith.index_cast %parallel_loop3A_1201 : i32 to index
        %parallel_loop3A_1204 = tpu.vector_load %arg10[%parallel_loop3A_1202, %parallel_loop3A_1203] {strides = array<i32>} : memref<64x128xf32, #tpu.memory_space<vmem>>, vector<1x16xf32>,
        %parallel_loop3A_1205 = vector.shape_cast %parallel_loop3A_1204 : vector<1x16xf32> to vector<16xf32>
        %parallel_loop3A_1206 = arith.index_cast %parallel_loop3A_1199 : i32 to index
        %parallel_loop3A_1207 = arith.constant 0 : index
        %parallel_loop3A_1208 = tpu.vector_load %arg8[%parallel_loop3A_1206, %parallel_loop3A_1207] {strides = array<i32>} : memref<264x64xf32, #tpu.memory_space<vmem>>, vector<1x16xf32>,
        %parallel_loop3A_1209 = vector.shape_cast %parallel_loop3A_1208 : vector<1x16xf32> to vector<16xf32>
        %parallel_loop3A_1210 = arith.addf %parallel_loop3A_1205, %parallel_loop3A_1209 : vector<16xf32>
        %parallel_loop3A_1211 = arith.index_cast %parallel_loop3A_1194 : i32 to index
        %parallel_loop3A_1212 = arith.constant 0 : index
        %parallel_loop3A_1213 = tpu.vector_load %arg12[%parallel_loop3A_1211, %parallel_loop3A_1212] {strides = array<i32>} : memref<64x64xf32, #tpu.memory_space<vmem>>, vector<1x16xf32>,
        %parallel_loop3A_1214 = vector.shape_cast %parallel_loop3A_1213 : vector<1x16xf32> to vector<16xf32>
        %parallel_loop3A_1215 = vector.shape_cast %parallel_loop3A_1210 : vector<16xf32> to vector<1x16xf32>
        tpu.vector_store %arg12[%parallel_loop3A_1211, %parallel_loop3A_1212], %parallel_loop3A_1215 {strides = array<i32>} : memref<64x64xf32, #tpu.memory_space<vmem>>, vector<1x16xf32>,
        %parallel_loop3A_1216 = arith.constant 16 : i32
        %parallel_loop3A_1217 = arith.addi %parallel_loop3A_1198, %parallel_loop3A_1216 : i32
        %parallel_loop3A_1218 = arith.index_cast %parallel_loop3A_1194 : i32 to index
        %parallel_loop3A_1219 = arith.index_cast %parallel_loop3A_1217 : i32 to index
        %parallel_loop3A_1220 = tpu.vector_load %arg10[%parallel_loop3A_1218, %parallel_loop3A_1219] {strides = array<i32>} : memref<64x128xf32, #tpu.memory_space<vmem>>, vector<1x16xf32>,
        %parallel_loop3A_1221 = vector.shape_cast %parallel_loop3A_1220 : vector<1x16xf32> to vector<16xf32>
        %parallel_loop3A_1222 = arith.index_cast %parallel_loop3A_1199 : i32 to index
        %parallel_loop3A_1223 = arith.constant 16 : index
        %parallel_loop3A_1224 = tpu.vector_load %arg8[%parallel_loop3A_1222, %parallel_loop3A_1223] {strides = array<i32>} : memref<264x64xf32, #tpu.memory_space<vmem>>, vector<1x16xf32>,
        %parallel_loop3A_1225 = vector.shape_cast %parallel_loop3A_1224 : vector<1x16xf32> to vector<16xf32>
        %parallel_loop3A_1226 = arith.addf %parallel_loop3A_1221, %parallel_loop3A_1225 : vector<16xf32>
        %parallel_loop3A_1227 = arith.index_cast %parallel_loop3A_1194 : i32 to index
        %parallel_loop3A_1228 = arith.constant 16 : index
        %parallel_loop3A_1229 = tpu.vector_load %arg12[%parallel_loop3A_1227, %parallel_loop3A_1228] {strides = array<i32>} : memref<64x64xf32, #tpu.memory_space<vmem>>, vector<1x16xf32>,
        %parallel_loop3A_1230 = vector.shape_cast %parallel_loop3A_1229 : vector<1x16xf32> to vector<16xf32>
        %parallel_loop3A_1231 = vector.shape_cast %parallel_loop3A_1226 : vector<16xf32> to vector<1x16xf32>
        tpu.vector_store %arg12[%parallel_loop3A_1227, %parallel_loop3A_1228], %parallel_loop3A_1231 {strides = array<i32>} : memref<64x64xf32, #tpu.memory_space<vmem>>, vector<1x16xf32>,
        %parallel_loop3A_1232 = arith.constant 32 : i32
        %parallel_loop3A_1233 = arith.addi %parallel_loop3A_1198, %parallel_loop3A_1232 : i32
        %parallel_loop3A_1234 = arith.index_cast %parallel_loop3A_1194 : i32 to index
        %parallel_loop3A_1235 = arith.index_cast %parallel_loop3A_1233 : i32 to index
        %parallel_loop3A_1236 = tpu.vector_load %arg10[%parallel_loop3A_1234, %parallel_loop3A_1235] {strides = array<i32>} : memref<64x128xf32, #tpu.memory_space<vmem>>, vector<1x16xf32>,
        %parallel_loop3A_1237 = vector.shape_cast %parallel_loop3A_1236 : vector<1x16xf32> to vector<16xf32>
        %parallel_loop3A_1238 = arith.index_cast %parallel_loop3A_1199 : i32 to index
        %parallel_loop3A_1239 = arith.constant 32 : index
        %parallel_loop3A_1240 = tpu.vector_load %arg8[%parallel_loop3A_1238, %parallel_loop3A_1239] {strides = array<i32>} : memref<264x64xf32, #tpu.memory_space<vmem>>, vector<1x16xf32>,
        %parallel_loop3A_1241 = vector.shape_cast %parallel_loop3A_1240 : vector<1x16xf32> to vector<16xf32>
        %parallel_loop3A_1242 = arith.addf %parallel_loop3A_1237, %parallel_loop3A_1241 : vector<16xf32>
        %parallel_loop3A_1243 = arith.index_cast %parallel_loop3A_1194 : i32 to index
        %parallel_loop3A_1244 = arith.constant 32 : index
        %parallel_loop3A_1245 = tpu.vector_load %arg12[%parallel_loop3A_1243, %parallel_loop3A_1244] {strides = array<i32>} : memref<64x64xf32, #tpu.memory_space<vmem>>, vector<1x16xf32>,
        %parallel_loop3A_1246 = vector.shape_cast %parallel_loop3A_1245 : vector<1x16xf32> to vector<16xf32>
        %parallel_loop3A_1247 = vector.shape_cast %parallel_loop3A_1242 : vector<16xf32> to vector<1x16xf32>
        tpu.vector_store %arg12[%parallel_loop3A_1243, %parallel_loop3A_1244], %parallel_loop3A_1247 {strides = array<i32>} : memref<64x64xf32, #tpu.memory_space<vmem>>, vector<1x16xf32>,
        %parallel_loop3A_1248 = arith.constant 48 : i32
        %parallel_loop3A_1249 = arith.addi %parallel_loop3A_1198, %parallel_loop3A_1248 : i32
        %parallel_loop3A_1250 = arith.index_cast %parallel_loop3A_1194 : i32 to index
        %parallel_loop3A_1251 = arith.index_cast %parallel_loop3A_1249 : i32 to index
        %parallel_loop3A_1252 = tpu.vector_load %arg10[%parallel_loop3A_1250, %parallel_loop3A_1251] {strides = array<i32>} : memref<64x128xf32, #tpu.memory_space<vmem>>, vector<1x16xf32>,
        %parallel_loop3A_1253 = vector.shape_cast %parallel_loop3A_1252 : vector<1x16xf32> to vector<16xf32>
        %parallel_loop3A_1254 = arith.index_cast %parallel_loop3A_1199 : i32 to index
        %parallel_loop3A_1255 = arith.constant 48 : index
        %parallel_loop3A_1256 = tpu.vector_load %arg8[%parallel_loop3A_1254, %parallel_loop3A_1255] {strides = array<i32>} : memref<264x64xf32, #tpu.memory_space<vmem>>, vector<1x16xf32>,
        %parallel_loop3A_1257 = vector.shape_cast %parallel_loop3A_1256 : vector<1x16xf32> to vector<16xf32>
        %parallel_loop3A_1258 = arith.addf %parallel_loop3A_1253, %parallel_loop3A_1257 : vector<16xf32>
        %parallel_loop3A_1259 = arith.index_cast %parallel_loop3A_1194 : i32 to index
        %parallel_loop3A_1260 = arith.constant 48 : index
        %parallel_loop3A_1261 = tpu.vector_load %arg12[%parallel_loop3A_1259, %parallel_loop3A_1260] {strides = array<i32>} : memref<64x64xf32, #tpu.memory_space<vmem>>, vector<1x16xf32>,
        %parallel_loop3A_1262 = vector.shape_cast %parallel_loop3A_1261 : vector<1x16xf32> to vector<16xf32>
        %parallel_loop3A_1263 = vector.shape_cast %parallel_loop3A_1258 : vector<16xf32> to vector<1x16xf32>
        tpu.vector_store %arg12[%parallel_loop3A_1259, %parallel_loop3A_1260], %parallel_loop3A_1263 {strides = array<i32>} : memref<64x64xf32, #tpu.memory_space<vmem>>, vector<1x16xf32>,
      } {sc.loop_unroll_factor = 2 : i64, sc.parallel_access}
      %add3A_95 = arith.constant 2 : i32
      %add3A_96 = arith.addi %add3A_72, %add3A_95 : i32
      %lt3A_97 = arith.constant 400 : i32
      %lt3A_98 = arith.cmpi slt, %add3A_96, %lt3A_97 : i32
      %convert_element_type3A_99 = arith.extui %lt3A_98 : i1 to i32
      %cond3A_100 = arith.constant 0 : i32
      %cond3A_101 = arith.cmpi ne, %convert_element_type3A_99, %cond3A_100 : i32
      scf.if %cond3A_101 {
        %add3A_116 = arith.constant 2 : i32
        %add3A_117 = arith.addi %add3A_72, %add3A_116 : i32
        %mul3A_118 = arith.constant 64 : i32
        %mul3A_119 = arith.muli %add3A_117, %mul3A_118 : i32
        %dma_start3A_120 = tpu.memref_slice %arg7[%mul3A_119] : memref<25600xi32, #tpu.memory_space<vmem>> -> memref<64xi32, #tpu.memory_space<vmem>>
        %dma_start3A_121 = arith.constant 0 : i32
        %dma_start3A_122 = arith.constant 0 : i32
        %dma_start3A_123 = tpu.memref_slice %arg3[%dma_start3A_121, %dma_start3A_122] : memref<500000x128xf32, #tpu.memory_space<hbm>> -> memref<500000x128xf32, #tpu.memory_space<hbm>>
        tpu.enqueue_indirect_dma source(%dma_start3A_123 : memref<500000x128xf32, #tpu.memory_space<hbm>>) target(%arg10 : memref<64x128xf32, #tpu.memory_space<vmem>>) offsets(%dma_start3A_120 : memref<64xi32, #tpu.memory_space<vmem>>) semaphore(%arg14 : memref<!tpu.dma_semaphore, #tpu.memory_space<semaphore_mem>>)
      } else {
      }
      %mul3A_102 = arith.constant 64 : i32
      %mul3A_103 = arith.muli %add3A_72, %mul3A_102 : i32
      %add3A_104 = arith.addi %mul3A_2, %mul3A_103 : i32
      %dma_start3A_105 = arith.constant 0 : i32
      %dma_start3A_106 = tpu.memref_slice %arg5[%add3A_104, %dma_start3A_105] : memref<819200x64xf32, #tpu.memory_space<hbm>> -> memref<64x64xf32, #tpu.memory_space<hbm>>
      %dma_start3A_107 = arith.constant 0 : i32
      %dma_start3A_108 = tpu.memref_slice %arg5[%add3A_104, %dma_start3A_107] : memref<819200x64xf32, #tpu.memory_space<hbm>> -> memref<64x64xf32, #tpu.memory_space<hbm>>
      tpu.enqueue_dma source(%arg12 : memref<64x64xf32, #tpu.memory_space<vmem>>) target(%dma_start3A_108 : memref<64x64xf32, #tpu.memory_space<hbm>>) target_semaphore(%arg16 : memref<!tpu.dma_semaphore, #tpu.memory_space<semaphore_mem>>)
      %add3A_109 = arith.constant 128 : i32
      %add3A_110 = arith.addi %scan3A_40, %add3A_109 : i32
      %ge3A_111 = arith.constant 200 : i32
      %ge3A_112 = arith.cmpi sge, %add3A_110, %ge3A_111 : i32
      %sub3A_113 = arith.constant 200 : i32
      %sub3A_114 = arith.subi %add3A_110, %sub3A_113 : i32
      %select_n3A_115 = arith.select %ge3A_112, %sub3A_114, %add3A_110 : i32
      scf.yield %select_n3A_115 : i32
    }
    %scan3A_23 = arith.constant 200 : i32
    %mul3A_24 = arith.constant 398 : i32
    %mul3A_25 = arith.constant 64 : i32
    %mul3A_26 = arith.muli %mul3A_24, %mul3A_25 : i32
    %add3A_27 = arith.addi %mul3A_2, %mul3A_26 : i32
    %dma_wait3A = arith.constant 0 : i32
    %dma_wait3A_28 = tpu.memref_slice %arg5[%add3A_27, %dma_wait3A] : memref<819200x64xf32, #tpu.memory_space<hbm>> -> memref<64x64xf32, #tpu.memory_space<hbm>>
    %dma_wait3A_29 = arith.constant 0 : i32
    %dma_wait3A_30 = tpu.memref_slice %arg5[%add3A_27, %dma_wait3A_29] : memref<819200x64xf32, #tpu.memory_space<hbm>> -> memref<64x64xf32, #tpu.memory_space<hbm>>
    tpu.wait_dma2 semaphore(%arg15 : memref<!tpu.dma_semaphore, #tpu.memory_space<semaphore_mem>>) src(%arg11 : memref<64x64xf32, #tpu.memory_space<vmem>>) dst(%dma_wait3A_30 : memref<64x64xf32, #tpu.memory_space<hbm>>)
    %mul3A_31 = arith.constant 399 : i32
    %mul3A_32 = arith.constant 64 : i32
    %mul3A_33 = arith.muli %mul3A_31, %mul3A_32 : i32
    %add3A_34 = arith.addi %mul3A_2, %mul3A_33 : i32
    %dma_wait3A_35 = arith.constant 0 : i32
    %dma_wait3A_36 = tpu.memref_slice %arg5[%add3A_34, %dma_wait3A_35] : memref<819200x64xf32, #tpu.memory_space<hbm>> -> memref<64x64xf32, #tpu.memory_space<hbm>>
    %dma_wait3A_37 = arith.constant 0 : i32
    %dma_wait3A_38 = tpu.memref_slice %arg5[%add3A_34, %dma_wait3A_37] : memref<819200x64xf32, #tpu.memory_space<hbm>> -> memref<64x64xf32, #tpu.memory_space<hbm>>
    tpu.wait_dma2 semaphore(%arg16 : memref<!tpu.dma_semaphore, #tpu.memory_space<semaphore_mem>>) src(%arg12 : memref<64x64xf32, #tpu.memory_space<vmem>>) dst(%dma_wait3A_38 : memref<64x64xf32, #tpu.memory_space<hbm>>)
    return
  }
}

</mosaic_0001>

<sc_bundles>
// kernel: kernel.3.cloned.1.call-start
scs
__scs_entry_jumppad:
0x0: {  	(pc) =	sbr.rel $0x88, $3  }
0x1: {  	(tag) =	ssettag $0x0;
	lr =	simm.s32 $0x1  }
0x2: {  	[smem:$0x3F9E] =	sst lr;
	_ =	strace $0xD0000000  }
0x3: {  	_ = 	snop  }
0x4: {  	_ = 	snop  }
0x5: {  	_ = 	snop  }
0x6: {  	_ = 	snop  }
0x7: {  	_ = 	snop  }
__scs_overlays_trampoline_lowered:
0x8: {  	[smem:$0x3FAD] =	sst s0  }
0x9: {  	[smem:$0x3FAE] =	sst s1  }
0xa: {  	[smem:$0x3FAF] =	sst s2  }
0xb: {  	[smem:$0x3FB0] =	sst s3  }
0xc: {  	[smem:$0x3FB1] =	sst s4  }
0xd: {  	[smem:$0x3FB2] =	sst s5  }
0xe: {  	[smem:$0x3FB3] =	sst s6  }
0xf: {  	[smem:$0x3FB4] =	sst s7  }
0x10: {  	[smem:$0x3FB5] =	sst s8  }
0x11: {  	[smem:$0x3FB6] =	sst s9;
	s0 =	simm.s32 @!p0 $0x0  }
0x12: {  	s1 =	sld [smem:$0x3F9C];
	s0 =	simm.s32 @p0 $0x1  }
0x13: {  	[smem:$0x3FB7] =	sst s0;
	s0 =	simm.s32 @!p1 $0x0  }
0x14: {  	s2 =	sld [smem:$0x3F9B];
	s0 =	simm.s32 @p1 $0x1  }
0x15: {  	[smem:$0x3FB8] =	sst s0;
	s0 =	simm.s32 @!p2 $0x0  }
0x16: {  	s3 =	sld [smem:$0x3FDB];
	s0 =	simm.s32 @p2 $0x1  }
0x17: {  	s4 =	simm.s32 $0x1BF5;
	[smem:$0x3FBA] =	sst s0  }
0x18: {  	s0 =	sld [smem:$0x3F9D];
	_ =	swait.ge [sflag:s4], $0x0  }
0x19: {  	s7 =	sld [smem:$0x3F9E]  }
0x1a: {  	s8 =	sadd.s32 $0xFFFFE003, lr  }
0x1b: {  	s9 =	sadd.s32 $0xFFFFFEF7, lr;
	s5 =	simm.s32 $0xFFFFFFFF;
	p2 =	slt.u32 s8, $0xFFFFF086  }
0x1c: {  	p1 =	slt.u32 s9, $0xF7A;
	s5 =	simm.s32 @!p2 $0x0  }
0x1d: {  	s5 =	simm.s32 @p1 $0x1;
	p0 =	seq.s32 s7, s2  }
0x1e: {  	s7 =	smul.u32 @!p0 $0xF7A, s2;
	p2 =	seq.s32 @!p0 s5, $0x0  }
0x1f: {  	s9 =	smul.u32 $0xF7A, s1;
	s8 =	simm.s32 @!p0 $0x1BF5;
	p2 =	por !p2, p0  }
0x20: {  	[sflag:s8] =	ssyncset.s32 @!p0 $0xFFFFF086;
	s6 =	sadd.s32 @!p0 s3, s7;
	s7 =	simm.s32 @!p0 $0x108  }
0x21: {  	s3 =	sadd.s32 s3, s9;
	s6 =	sadd.s32 @!p0 $0x88, s6;
	s7 =	simm.s32 @p2 $0x1082  }
0x22: {  	[simem:s7], [sflag:s8] =	dma.local @!p0 [hbm:s6], $0xF7A  }
0x23: {  	s9 =	sor.u32 $0xD0000000, s2;
	s6 =	simm.s32 $0x108;
	_ =	swait.ge @!p0 [sflag:s8], $0x0  }
0x24: {  	s3 =	sadd.s32 $0x88, s3;
	s6 =	simm.s32 @!p1 $0x1082;
	[sflag:s4] =	ssyncset.s32 $0xFFFFF086  }
0x25: {  	[simem:s6], [sflag:s4] =	dma.local [hbm:s3], $0xF7A  }
0x26: {  	[smem:$0x3F9E] =	sst s1;
	(tag) =	ssettag s2;
	_ =	strace s9  }
0x27: {  	s1 =	sld [smem:$0x3FAE]  }
0x28: {  	s2 =	sld [smem:$0x3FAF]  }
0x29: {  	s4 =	sld [smem:$0x3FB1]  }
0x2a: {  	p0 =	seq.s32 s5, $0x0;
	s5 =	sld [smem:$0x3FB2]  }
0x2b: {  	s6 =	sld [smem:$0x3FB3]  }
0x2c: {  	s7 =	sld [smem:$0x3FB4]  }
0x2d: {  	s3 =	simm.s32 $0x108;
	s8 =	sld [smem:$0x3FB5]  }
0x2e: {  	s3 =	simm.s32 @!p0 $0x1082;
	s9 =	sld [smem:$0x3FB6]  }
0x2f: {  	lr =	sadd.s32 s0, s3;
	s0 =	sld [smem:$0x3FAD]  }
0x30: {  	s3 =	sld [smem:$0x3FB0]  }
0x31: {  	[smem:$0x3FB9] =	sst s10  }
0x32: {  	s10 =	sld [smem:$0x3FB7];
	_ =	sdelay $0x3  }
0x33: {  	p0 =	seq.s32 s10, $0x1;
	s10 =	sld [smem:$0x3FB9];
	_ =	sdelay $0x3  }
0x34: {  	[smem:$0x3FB9] =	sst s10  }
0x35: {  	s10 =	sld [smem:$0x3FB8];
	_ =	sdelay $0x3  }
0x36: {  	p1 =	seq.s32 s10, $0x1;
	s10 =	sld [smem:$0x3FB9];
	_ =	sdelay $0x3  }
0x37: {  	[smem:$0x3FB9] =	sst s10  }
0x38: {  	s10 =	sld [smem:$0x3FBA]  }
0x39: {  	_ = 	snop;
	(pc) =	sbr.ind lr, $3  }
0x3a: {  	_ = 	snop  }
0x3b: {  	_ = 	snop  }
0x3c: {  	p2 =	seq.s32 s10, $0x1;
	s10 =	sld [smem:$0x3FB9]  }
0x3d: {  	_ =	shalt  }
0x3e: {  	_ =	shalt  }
0x3f: {  	_ =	shalt  }
0x40: {  	_ =	shalt  }
0x41: {  	_ =	shalt  }
0x42: {  	_ =	shalt  }
0x43: {  	_ =	shalt  }
0x44: {  	_ =	shalt  }
0x45: {  	_ =	shalt  }
0x46: {  	_ =	shalt  }
0x47: {  	_ =	shalt  }
0x48: {  	_ =	shalt  }
0x49: {  	_ =	shalt  }
0x4a: {  	_ =	shalt  }
0x4b: {  	_ =	shalt  }
0x4c: {  	_ =	shalt  }
0x4d: {  	_ =	shalt  }
0x4e: {  	_ =	shalt  }
0x4f: {  	_ =	shalt  }
0x50: {  	_ =	shalt  }
0x51: {  	_ =	shalt  }
0x52: {  	_ =	shalt  }
0x53: {  	_ =	shalt  }
0x54: {  	_ =	shalt  }
0x55: {  	_ =	shalt  }
0x56: {  	_ =	shalt  }
0x57: {  	_ =	shalt  }
0x58: {  	_ =	shalt  }
0x59: {  	_ =	shalt  }
0x5a: {  	_ =	shalt  }
0x5b: {  	_ =	shalt  }
0x5c: {  	_ =	shalt  }
0x5d: {  	_ =	shalt  }
0x5e: {  	_ =	shalt  }
0x5f: {  	_ =	shalt  }
0x60: {  	_ =	shalt  }
0x61: {  	_ =	shalt  }
0x62: {  	_ =	shalt  }
0x63: {  	_ =	shalt  }
0x64: {  	_ =	shalt  }
0x65: {  	_ =	shalt  }
0x66: {  	_ =	shalt  }
0x67: {  	_ =	shalt  }
0x68: {  	_ =	shalt  }
0x69: {  	_ =	shalt  }
0x6a: {  	_ =	shalt  }
0x6b: {  	_ =	shalt  }
0x6c: {  	_ =	shalt  }
0x6d: {  	_ =	shalt  }
0x6e: {  	_ =	shalt  }
0x6f: {  	_ =	shalt  }
0x70: {  	_ =	shalt  }
0x71: {  	_ =	shalt  }
0x72: {  	_ =	shalt  }
0x73: {  	_ =	shalt  }
0x74: {  	_ =	shalt  }
0x75: {  	_ =	shalt  }
0x76: {  	_ =	shalt  }
0x77: {  	_ =	shalt  }
0x78: {  	_ =	shalt  }
0x79: {  	_ =	shalt  }
0x7a: {  	_ =	shalt  }
0x7b: {  	_ =	shalt  }
0x7c: {  	_ =	shalt  }
0x7d: {  	_ =	shalt  }
0x7e: {  	_ =	shalt  }
0x7f: {  	_ =	shalt  }
0x80: {  	_ =	shalt  }
0x81: {  	_ =	shalt  }
0x82: {  	_ =	shalt  }
0x83: {  	_ =	shalt  }
0x84: {  	_ =	shalt  }
0x85: {  	_ =	shalt  }
0x86: {  	_ =	shalt  }
0x87: {  	_ =	shalt  }
.Lfunc_end0:
.L_simem_size_0:
called_computation.1_lowered:
.L_overlay_start_0:
0x88: {  	s2 =	sld [smem:$0x3FD9]  }
0x89: {  	s3 =	sld [smem:$0x3FFE];
	_ =	sdelay $0x1  }
0x8a: {  	s1 =	srdreg.scid  }
0x8b: {  	s0 =	sand.u32 $0x1, s1  }
0x8c: {  	s17 =	sshll.u32 s0, $0xA;
	s2 =	sadd.s32 s3, s2  }
0x8d: {  	s2 =	sadd.s32 s2, s17  }
0x8e: {  	[smem:$0x3FC5] =	sst s2  }
0x8f: {  	_ = 	snop  }
0x90: {  	s2 =	sld [smem:$0x3FD0];
	(tm) =	ssettm $0x1  }
0x91: {  	s18 =	sld [smem:$0x3FFB];
	_ =	sdelay $0x3  }
0x92: {  	_ =	strace s18  }
0x93: {  	s3 =	sld [smem:$0x3FFC];
	_ =	sdelay $0x3  }
0x94: {  	_ =	strace s3  }
0x95: {  	s3 =	sld [smem:$0x3FFD];
	_ =	sdelay $0x3  }
0x96: {  	_ =	strace s3  }
0x97: {  	_ =	strace $0x8FFFFFFF  }
0x98: {  	s19 =	sld [smem:$0x3FDB];
	_ =	sdelay $0x1  }
0x99: {  	s4 =	simm.s32 $_scs_section_size  }
0x9a: {  	s5 =	simm.s32 $_size__tile_overlayer_lowered;
	s6 =	simm.s32 $_tile_overlayer_lowered  }
0x9b: {  	s22 =	simm.s32 $0x1BFF;
	s21 =	sshll.u32 s6, $0x1;
	s3 =	sadd.s32 s4, s19  }
0x9c: {  	s7 =	simm.s32 $0x0;
	s20 =	sshll.u32 s5, $0x1;
	s5 =	sadd.s32 s21, s3  }
0x9d: {  	[timem:s7], [sflag:s22] =	dma.local [hbm:s5], s20  }
0x9e: {  	_ =	swait.ge [sflag:s22], s20  }
0x9f: {  	s4 =	ssub.s32 $0x0, s20;
	[sflag:s22] =	ssyncset.done $0x0  }
0xa0: {  	[sflag:s22] =	ssyncadd.s32 s4;
	_ =	sdelay $0x1  }
0xa1: {  	s23 =	simm.s32 $0x1B8B  }
0xa2: {  	_ =	swait.ge [sflag:s23], $0x1  }
0xa3: {  	[sflag:s23] =	ssyncset.done $0x0  }
0xa4: {  	s25 =	simm.s32 $0x1B8E;
	s24 =	sld [smem:$0x3FFE];
	[sflag:s23] =	ssyncadd.s32 $0xFFFFFFFF  }
0xa5: {  	s26 =	simm.s32 $execute0_lowered;
	[smem:$0x3FD2] =	sst s25  }
0xa6: {  	s5 =	sshll.u32 s26, $0x1;
	_ =	strace $0x80000046;
	[dreg:$0x1] =	wrdreg $0xFFFFFFFF  }
0xa7: {  	s28 =	simm.s32 $_size_execute0_lowered;
	s3 =	sadd.s32 s3, s5;
	[dreg:$0x0] =	wrdreg $0x0  }
0xa8: {  	s5 =	sshll.u32 s28, $0x1;
	[dreg:$0x2] =	wrdreg s3  }
0xa9: {  	[dreg:$0x3] =	wrdreg s5  }
0xaa: {  	[dreg:$0x4] =	wrdreg $0xC0  }
0xab: {  	_ =	task [dreg:s7], $0x5FFFF  }
0xac: {  	[dreg:$0x1] =	wrdreg $0xFFFFFFFF  }
0xad: {  	[dreg:$0x0] =	wrdreg $0x60  }
0xae: {  	[dreg:$0x2] =	wrdreg s2  }
0xaf: {  	[dreg:$0x3] =	wrdreg s24  }
0xb0: {  	[dreg:$0x4] =	wrdreg $0x9  }
0xb1: {  	_ =	task.clear_ibuf [dreg:s7], $0x5FFFF;
	_ =	strace $0x90000046  }
0xb2: {  	s29 =	simm.s32 $0x9;
	_ =	strace $0x80000048  }
0xb3: {  	_ =	swait.ge [sflag:s29], $0x1  }
0xb4: {  	[sflag:s29] =	ssyncadd.s32 $0xFFFFFFFF  }
0xb5: {  	_ =	strace $0x90000048  }
0xb6: {  	_ =	sfence  }
0xb7: {  	s30 =	sld [smem:$0x0];
	_ =	sdelay $0x2  }
0xb8: {  	s31 =	sshll.u32 s1, $0xD;
	s1 =	sshrl.u32 s1, $0x2  }
0xb9: {  	s3 =	sand.u32 $0x4000, s31;
	s1 =	sadd.s32 s1, s30  }
0xba: {  	s0 =	sor.u32 s3, s0;
	s1 =	sshll.u32 s1, $0x11  }
0xbb: {  	s0 =	sor.u32 s1, s0  }
0xbc: {  	s0 =	sadd.s32 $0x8F2B, s0  }
0xbd: {  	[sflag:s0] =	ssyncadd.remote.s32 $0x1  }
0xbe: {  	_ =	sfence.sel $0xFFFF  }
0xbf: {  	[dreg:$0x0] =	wrdreg $0xFFFFFFFF;
	(pc) =	sbr.abs _section_cstart, $3  }
0xc0: {  	[dreg:$0x1] =	wrdreg $0xFFFFFFFF  }
0xc1: {  	_ =	task.clear_ibuf [dreg:s7], $0x2FFFF;
	_ =	strace $0x9FFFFFFF  }
0xc2: {  	(tm) =	ssettm $0x7FFFFFFF  }
0xc3: {  	_ =	shalt  }
tec
execute0_lowered:
.L_overlay_start_1:
0x0: {  	(tag) =	ssettag $0x1  }
0x1: {  	s0 =	rddreg [dreg:$0x0]  }
0x2: {  	s1 =	rddreg [dreg:$0x1]  }
0x3: {  	s19 =	simm.s32 $0x0;
	s3 =	srdreg.scid;
	s2 =	stileid.u32  }
0x4: {  	[smem:$0x7FF] =	sst s19;
	s3 =	sand.u32 $0x1, s3;
	s4 =	sshll.u32 s2, $0x1  }
0x5: {  	s29 =	sadd.s32 $0xC00, s1;
	s5 =	sadd.s32 $0x1A00, s1;
	s4 =	sor.u32 s3, s4  }
0x6: {  	s2 =	simm.s32 $0x0;
	s6 =	ssub.s32 $0x2, s3;
	s8 =	smul.u32 $0xC80, s4  }
0x7: {  	_ =	strace $0x80000047;
	s3 =	sadd.s32 $0xF43000, s1;
	s7 =	sshrl.u32 s6, $0x1  }
0x8: {  	[dreg:$0x3] =	wrdreg s29;
	s30 =	ssub.s32 s6, s7;
	s0 =	sadd.s32 s0, s8  }
0x9: {  	s7 =	smul.u32 $0x320000, s4;
	s31 =	smax.u32 s30, $0x1;
	[dreg:$0x4] =	wrdreg s0  }
0xa: {  	s6 =	simm.s32 $0x40;
	s8 =	simm.s32 $0x6440;
	[dreg:$0x5] =	wrdreg s31  }
.LBB2_1:
0xb: {  	[dreg:$0x6] =	wrdreg s2  }
0xc: {  	s0 =	rddreg [dreg:$0x4];
	s1 =	simm.s32 $0x5  }
0xd: {  	[tilespmem:s19], [sflag:$0x5] =	stream.linear.gather [hbm4b:s0+s19], $0x6400, $0x38;
	[tilespmem:$0x1CC00] =	vst v63  }
0xe: {  	_ =	swait.ge [sflag:s1], $0x6400  }
0xf: {  	[sflag:s1] =	ssyncset.done $0x0  }
0x10: {  	s30 =	simm.s32 $0xC800;
	s29 =	rddreg [dreg:$0x3];
	[sflag:s1] =	ssyncadd.s32 $0xFFFF9C00  }
0x11: {  	[tilespmem:s30], [sflag:$0x5] =	stream.linear.gather [hbm4b:s29+s19], $0x6400, $0x38;
	[tilespmem:$0x1CC00] =	vst v63  }
0x12: {  	_ =	swait.ge [sflag:s1], $0x6400  }
0x13: {  	[sflag:s1] =	ssyncset.done $0x0  }
0x14: {  	s31 =	simm.s32 $0x12C00;
	[sflag:s1] =	ssyncadd.s32 $0xFFFF9C00  }
0x15: {  	[tilespmem:s31], [sflag:$0x5] =	stream.linear.gather [hbm4b:s29+s19], $0x2000, $0x38;
	[tilespmem:$0x1CC00] =	vst v63  }
0x16: {  	_ =	swait.ge [sflag:s1], $0x2000  }
0x17: {  	[sflag:s1] =	ssyncset.done $0x0  }
0x18: {  	[sflag:s1] =	ssyncadd.s32 $0xFFFFE000  }
0x19: {  	v3 =	vld [tilespmem:s6+$0x30]  }
0x1a: {  	v4 =	vld [tilespmem:s6+$0xFFFFFFD0]  }
0x1b: {  	v5 =	vld [tilespmem:s6+$0xFFFFFFE0]  }
0x1c: {  	v2 =	vld [tilespmem:s6+$0xFFFFFFF0]  }
0x1d: {  	v1 =	vld [tilespmem:s6+$0x0]  }
0x1e: {  	v0 =	vld [tilespmem:s6+$0x10];
	v6 =	vshrl.u32 v3, $0x1  }
0x1f: {  	v7 =	vshrl.u32 v4, $0x1;
	v3 =	vld [tilespmem:s6+$0x20];
	[tilespmem:s8+$0x30] =	vst v6  }
0x20: {  	s4 =	simm.s32 $0xC0;
	s0 =	simm.s32 $0x6440;
	s1 =	simm.s32 $0x0;
	v4 =	vld [tilespmem:s6+$0xFFFFFFC0];
	v5 =	vshrl.u32 v5, $0x1;
	[tilespmem:s8+$0xFFFFFFD0] =	vst v7  }
.LBB2_2:
0x21: {  	v6 =	vld [tilespmem:s4+$0x30];
	s1 =	sadd.s32 $0x8, s1;
	[tilespmem:s0+$0xFFFFFFE0] =	vst v5;
	v2 =	vshrl.u32 v2, $0x1  }
0x22: {  	v5 =	vld [tilespmem:s4+$0xFFFFFFD0];
	p0 =	slt.u32 s1, $0x638;
	[tilespmem:s0+$0xFFFFFFF0] =	vst v2;
	v1 =	vshrl.u32 v1, $0x1  }
0x23: {  	v7 =	vld [tilespmem:s4+$0xFFFFFFE0];
	[tilespmem:s0+$0x0] =	vst v1;
	v0 =	vshrl.u32 v0, $0x1  }
.Ltmp0:
0x24: {  	v2 =	vld [tilespmem:s4+$0xFFFFFFF0];
	[tilespmem:s0+$0x10] =	vst v0;
	v0 =	vshrl.u32 v3, $0x1;
	(pc) =	sbr.rel @p0 .LBB2_2-.Ltmp0, $4  }
0x25: {  	v1 =	vld [tilespmem:s4+$0x0];
	v3 =	vshrl.u32 v4, $0x1;
	[tilespmem:s0+$0x20] =	vst v0  }
0x26: {  	v0 =	vld [tilespmem:s4+$0x10];
	v4 =	vshrl.u32 v6, $0x1;
	[tilespmem:s0+$0xFFFFFFC0] =	vst v3;
	s0 =	sadd.s32 $0x80, s0  }
0x27: {  	v5 =	vshrl.u32 v5, $0x1;
	v3 =	vld [tilespmem:s4+$0x20];
	[tilespmem:s0+$0x30] =	vst v4  }
0x28: {  	v4 =	vld [tilespmem:s4+$0xFFFFFFC0];
	[tilespmem:s0+$0xFFFFFFD0] =	vst v5;
	v5 =	vshrl.u32 v7, $0x1;
	s4 =	sadd.s32 $0x80, s4  }
0x29: {  	[tilespmem:s0+$0xFFFFFFE0] =	vst v5;
	v2 =	vshrl.u32 v2, $0x1  }
0x2a: {  	[tilespmem:s0+$0xFFFFFFF0] =	vst v2;
	v1 =	vshrl.u32 v1, $0x1  }
0x2b: {  	[tilespmem:s0+$0x0] =	vst v1;
	v0 =	vshrl.u32 v0, $0x1  }
0x2c: {  	[tilespmem:s0+$0x10] =	vst v0;
	v62 =	vshrl.u32 v3, $0x1  }
0x2d: {  	v63 =	vshrl.u32 v4, $0x1;
	[tilespmem:s0+$0x20] =	vst v62  }
0x2e: {  	s30 =	simm.s32 $0x6400;
	s1 =	simm.s32 $0x14C00;
	[tilespmem:s0+$0xFFFFFFC0] =	vst v63  }
0x2f: {  	[tilespmem:s1], [sflag:$0x1] =	stream.indirect.gather [hbm4b:s3+s6], $0x80, s30, s6, $0xb8;
	[tilespmem:$0x1CC00] =	vst v63  }
0x30: {  	s31 =	simm.s32 $0x16C00;
	s25 =	simm.s32 $0x0;
	s24 =	simm.s32 $0x0  }
0x31: {  	[tilespmem:s31], [sflag:$0x2] =	stream.indirect.gather [hbm4b:s3+s6], $0x80, s8, s6, $0xb8;
	[tilespmem:$0x1CC00] =	vst v63  }
.LBB2_4:
0x32: {  	s0 =	simm.s32 $0x1  }
0x33: {  	s26 =	sshll.u32 s24, $0x9;
	_ =	swait.ge [sflag:s0], $0x2000  }
0x34: {  	p0 =	seq.s32 s24, $0x0;
	s1 =	sshrl.u32 s26, $0x2;
	[sflag:s0] =	ssyncset.done $0x0  }
0x35: {  	v0 =	vmov s1;
	[sflag:s0] =	ssyncadd.s32 $0xFFFFE000;
	s0 =	simm.s32 @!p0 $0x3  }
0x36: {  	_ =	swait.ge @!p0 [sflag:s0], $0x2000  }
0x37: {  	s28 =	sshll.u32 s24, $0x1;
	[sflag:s0] =	ssyncset.done @!p0 $0x0  }
0x38: {  	p1 =	por $0x1, $0x1;
	s30 =	simm.s32 $0x0;
	[sflag:s0] =	ssyncadd.s32 @!p0 $0xFFFFE000  }
.LBB2_5:
0x39: {  	s29 =	sshll.u32 s30, $0x4  }
0x3a: {  	v1 =	vld.idx.msk [tilespmem:v0+s29+$0x0 ss:$0x1], $0xffff;
	_ =	sdelay $0x4  }
0x3b: {  	v1 =	vand.u32 $0x1, v1  }
0x3c: {  	v1 =	vshll.u32 v1, $0x6  }
0x3d: {  	(v2sf) =	vpush v1, $0x0  }
0x3e: {  	(v2sf) =	vpush v1, $0x1  }
0x3f: {  	(v2sf) =	vpush v1, $0x2  }
0x40: {  	(v2sf) =	vpush v1, $0x3  }
0x41: {  	(v2sf) =	vpush v1, $0x4  }
0x42: {  	(v2sf) =	vpush v1, $0x5  }
0x43: {  	(v2sf) =	vpush v1, $0x6  }
0x44: {  	(v2sf) =	vpush v1, $0x7  }
0x45: {  	s12 =	sor.u32 $0x10, s29;
	(v2sf) =	vpush v1, $0x8  }
0x46: {  	v2 =	vld.idx.msk [tilespmem:v0+s12+$0x0 ss:$0x1], $0xffff;
	(v2sf) =	vpush v1, $0x9  }
0x47: {  	(v2sf) =	vpush v1, $0xA  }
0x48: {  	(v2sf) =	vpush v1, $0xB  }
0x49: {  	(v2sf) =	vpush v1, $0xC  }
0x4a: {  	(v2sf) =	vpush v1, $0xD  }
0x4b: {  	v2 =	vand.u32 $0x1, v2;
	(v2sf) =	vpush v1, $0xE  }
0x4c: {  	s23 =	spop (v2sf);
	(v2sf) =	vpush v1, $0xF;
	v1 =	vshll.u32 v2, $0x6  }
0x4d: {  	s9 =	spop (v2sf);
	(v2sf) =	vpush v1, $0x0  }
0x4e: {  	s4 =	spop (v2sf)  }
0x4f: {  	s22 =	spop (v2sf)  }
0x50: {  	s21 =	spop (v2sf)  }
0x51: {  	s15 =	spop (v2sf)  }
0x52: {  	s8 =	spop (v2sf)  }
0x53: {  	s6 =	spop (v2sf)  }
0x54: {  	s16 =	spop (v2sf)  }
0x55: {  	s14 =	spop (v2sf)  }
0x56: {  	s13 =	spop (v2sf)  }
0x57: {  	s31 =	sadd.s32 s25, s29;
	s11 =	spop (v2sf)  }
0x58: {  	s20 =	sshll.u32 s31, $0x9;
	s10 =	spop (v2sf)  }
0x59: {  	s18 =	sshll.u32 s30, $0xB;
	s20 =	sshra.s32 s20, $0x2;
	s1 =	spop (v2sf)  }
0x5a: {  	s2 =	sadd.s32 s25, s12;
	v3 =	vld [tilespmem:s20+$0xC800];
	s23 =	sor.u32 s23, s18;
	s0 =	spop (v2sf)  }
0x5b: {  	s2 =	sshll.u32 s2, $0x9;
	v2 =	vld [tilespmem:s23+$0x14C00];
	s31 =	spop (v2sf)  }
0x5c: {  	s12 =	sshll.u32 s12, $0x7;
	s2 =	sshra.s32 s2, $0x2;
	s17 =	spop (v2sf)  }
0x5d: {  	v5 =	vld [tilespmem:s2+$0xC800];
	s17 =	sor.u32 s17, s12  }
0x5e: {  	v4 =	vld [tilespmem:s17+$0x14C00];
	_ =	sdelay $0x1  }
0x5f: {  	v2 =	vadd.f32 v3, v2;
	_ =	sdelay $0x1  }
0x60: {  	s23 =	sadd.s32 $0x14C00, s23;
	[tilespmem:s18+$0x18C00] =	vst v2  }
0x61: {  	v3 =	vld [tilespmem:s23+$0x10];
	v2 =	vadd.f32 v5, v4  }
0x62: {  	v56 =	vld [tilespmem:s20+$0xC810]  }
0x63: {  	s17 =	sadd.s32 $0x14C00, s17;
	[tilespmem:s12+$0x18C00] =	vst v2  }
0x64: {  	v2 =	vld [tilespmem:s17+$0x10]  }
0x65: {  	v57 =	vld [tilespmem:s2+$0xC810];
	_ =	sdelay $0x1  }
0x66: {  	v3 =	vadd.f32 v56, v3;
	_ =	sdelay $0x1  }
0x67: {  	[tilespmem:s18+$0x18C10] =	vst v3  }
0x68: {  	v3 =	vld [tilespmem:s23+$0x20];
	v2 =	vadd.f32 v57, v2  }
0x69: {  	v58 =	vld [tilespmem:s20+$0xC820]  }
0x6a: {  	[tilespmem:s12+$0x18C10] =	vst v2  }
0x6b: {  	v2 =	vld [tilespmem:s17+$0x20]  }
0x6c: {  	(v2sf) =	vpush v1, $0x1;
	v59 =	vld [tilespmem:s2+$0xC820];
	_ =	sdelay $0x1  }
0x6d: {  	v3 =	vadd.f32 v58, v3;
	_ =	sdelay $0x1  }
0x6e: {  	[tilespmem:s18+$0x18C20] =	vst v3  }
0x6f: {  	v3 =	vld [tilespmem:s23+$0x30];
	v2 =	vadd.f32 v59, v2  }
0x70: {  	v60 =	vld [tilespmem:s20+$0xC830]  }
0x71: {  	[tilespmem:s12+$0x18C20] =	vst v2  }
0x72: {  	v2 =	vld [tilespmem:s17+$0x30]  }
0x73: {  	v61 =	vld [tilespmem:s2+$0xC830];
	_ =	sdelay $0x1  }
0x74: {  	v3 =	vadd.f32 v60, v3  }
0x75: {  	s17 =	sor.u32 $0x1, s29  }
0x76: {  	[tilespmem:s18+$0x18C30] =	vst v3;
	s18 =	sor.u32 $0x11, s29;
	s20 =	sadd.s32 s25, s17;
	s2 =	sshll.u32 s17, $0x7  }
0x77: {  	s23 =	sadd.s32 s25, s18;
	s17 =	sshll.u32 s20, $0x9;
	s9 =	sor.u32 s9, s2;
	v2 =	vadd.f32 v61, v2  }
0x78: {  	s18 =	sshll.u32 s18, $0x7;
	s20 =	spop (v2sf);
	s17 =	sshra.s32 s17, $0x2;
	v3 =	vld [tilespmem:s9+$0x14C00]  }
0x79: {  	s23 =	sshll.u32 s23, $0x9;
	[tilespmem:s12+$0x18C30] =	vst v2;
	v2 =	vld [tilespmem:s17+$0xC800];
	s12 =	sor.u32 s20, s18  }
0x7a: {  	s20 =	sshra.s32 s23, $0x2;
	v62 =	vld [tilespmem:s12+$0x14C00]  }
0x7b: {  	v63 =	vld [tilespmem:s20+$0xC800];
	_ =	sdelay $0x2  }
0x7c: {  	v2 =	vadd.f32 v2, v3;
	_ =	sdelay $0x1  }
0x7d: {  	s9 =	sadd.s32 $0x14C00, s9;
	[tilespmem:s2+$0x18C00] =	vst v2;
	v2 =	vadd.f32 v63, v62  }
0x7e: {  	v3 =	vld [tilespmem:s9+$0x10]  }
0x7f: {  	s12 =	sadd.s32 $0x14C00, s12;
	v8 =	vld [tilespmem:s17+$0xC810];
	[tilespmem:s18+$0x18C00] =	vst v2  }
0x80: {  	v2 =	vld [tilespmem:s12+$0x10]  }
0x81: {  	v9 =	vld [tilespmem:s20+$0xC810];
	_ =	sdelay $0x2  }
0x82: {  	v3 =	vadd.f32 v8, v3;
	_ =	sdelay $0x1  }
0x83: {  	[tilespmem:s2+$0x18C10] =	vst v3;
	v2 =	vadd.f32 v9, v2  }
0x84: {  	v3 =	vld [tilespmem:s9+$0x20]  }
0x85: {  	(v2sf) =	vpush v1, $0x2;
	v10 =	vld [tilespmem:s17+$0xC820];
	[tilespmem:s18+$0x18C10] =	vst v2  }
0x86: {  	v2 =	vld [tilespmem:s12+$0x20]  }
0x87: {  	v11 =	vld [tilespmem:s20+$0xC820];
	_ =	sdelay $0x2  }
0x88: {  	v3 =	vadd.f32 v10, v3;
	_ =	sdelay $0x1  }
0x89: {  	[tilespmem:s2+$0x18C20] =	vst v3;
	v2 =	vadd.f32 v11, v2  }
0x8a: {  	v3 =	vld [tilespmem:s9+$0x30]  }
0x8b: {  	v12 =	vld [tilespmem:s17+$0xC830];
	[tilespmem:s18+$0x18C20] =	vst v2  }
0x8c: {  	v2 =	vld [tilespmem:s12+$0x30]  }
0x8d: {  	v13 =	vld [tilespmem:s20+$0xC830];
	_ =	sdelay $0x2  }
0x8e: {  	s12 =	sor.u32 $0x2, s29;
	v3 =	vadd.f32 v12, v3  }
0x8f: {  	s23 =	spop (v2sf);
	s17 =	sadd.s32 s25, s12;
	s9 =	sshll.u32 s12, $0x7  }
0x90: {  	s20 =	sor.u32 $0x12, s29;
	s12 =	sshll.u32 s17, $0x9;
	[tilespmem:s2+$0x18C30] =	vst v3;
	s2 =	sor.u32 s4, s9;
	v2 =	vadd.f32 v13, v2  }
0x91: {  	s17 =	sadd.s32 s25, s20;
	s4 =	sshra.s32 s12, $0x2;
	s12 =	sshll.u32 s20, $0x7;
	v3 =	vld [tilespmem:s2+$0x14C00]  }
0x92: {  	s17 =	sshll.u32 s17, $0x9;
	s23 =	sor.u32 s23, s12;
	[tilespmem:s18+$0x18C30] =	vst v2;
	v2 =	vld [tilespmem:s4+$0xC800]  }
0x93: {  	s17 =	sshra.s32 s17, $0x2;
	v14 =	vld [tilespmem:s23+$0x14C00]  }
0x94: {  	v15 =	vld [tilespmem:s17+$0xC800];
	_ =	sdelay $0x2  }
0x95: {  	v2 =	vadd.f32 v2, v3;
	_ =	sdelay $0x1  }
0x96: {  	s2 =	sadd.s32 $0x14C00, s2;
	[tilespmem:s9+$0x18C00] =	vst v2;
	v2 =	vadd.f32 v15, v14  }
0x97: {  	v3 =	vld [tilespmem:s2+$0x10]  }
0x98: {  	s18 =	sadd.s32 $0x14C00, s23;
	v16 =	vld [tilespmem:s4+$0xC810];
	[tilespmem:s12+$0x18C00] =	vst v2  }
0x99: {  	v2 =	vld [tilespmem:s18+$0x10]  }
0x9a: {  	v17 =	vld [tilespmem:s17+$0xC810];
	_ =	sdelay $0x2  }
0x9b: {  	v3 =	vadd.f32 v16, v3;
	_ =	sdelay $0x1  }
0x9c: {  	[tilespmem:s9+$0x18C10] =	vst v3;
	v2 =	vadd.f32 v17, v2  }
0x9d: {  	v3 =	vld [tilespmem:s2+$0x20]  }
0x9e: {  	v18 =	vld [tilespmem:s4+$0xC820];
	[tilespmem:s12+$0x18C10] =	vst v2  }
0x9f: {  	v2 =	vld [tilespmem:s18+$0x20]  }
0xa0: {  	(v2sf) =	vpush v1, $0x3;
	v19 =	vld [tilespmem:s17+$0xC820];
	_ =	sdelay $0x2  }
0xa1: {  	v3 =	vadd.f32 v18, v3;
	_ =	sdelay $0x1  }
0xa2: {  	[tilespmem:s9+$0x18C20] =	vst v3;
	v2 =	vadd.f32 v19, v2  }
0xa3: {  	v3 =	vld [tilespmem:s2+$0x30]  }
0xa4: {  	v20 =	vld [tilespmem:s4+$0xC830];
	[tilespmem:s12+$0x18C20] =	vst v2  }
0xa5: {  	v2 =	vld [tilespmem:s18+$0x30]  }
0xa6: {  	v21 =	vld [tilespmem:s17+$0xC830];
	_ =	sdelay $0x2  }
0xa7: {  	s17 =	sor.u32 $0x3, s29;
	v3 =	vadd.f32 v20, v3  }
0xa8: {  	s20 =	sor.u32 $0x13, s29;
	s18 =	sadd.s32 s25, s17;
	s2 =	sshll.u32 s17, $0x7  }
0xa9: {  	s23 =	sadd.s32 s25, s20;
	s4 =	sshll.u32 s18, $0x9;
	[tilespmem:s9+$0x18C30] =	vst v3;
	s9 =	sor.u32 s22, s2;
	v2 =	vadd.f32 v21, v2  }
0xaa: {  	s17 =	sshll.u32 s20, $0x7;
	s4 =	sshra.s32 s4, $0x2;
	s22 =	spop (v2sf);
	v3 =	vld [tilespmem:s9+$0x14C00]  }
0xab: {  	s23 =	sshll.u32 s23, $0x9;
	s22 =	sor.u32 s22, s17;
	[tilespmem:s12+$0x18C30] =	vst v2;
	v2 =	vld [tilespmem:s4+$0xC800]  }
0xac: {  	s18 =	sshra.s32 s23, $0x2;
	v22 =	vld [tilespmem:s22+$0x14C00]  }
0xad: {  	v23 =	vld [tilespmem:s18+$0xC800];
	_ =	sdelay $0x2  }
0xae: {  	v2 =	vadd.f32 v2, v3;
	_ =	sdelay $0x1  }
0xaf: {  	s9 =	sadd.s32 $0x14C00, s9;
	[tilespmem:s2+$0x18C00] =	vst v2;
	v2 =	vadd.f32 v23, v22  }
0xb0: {  	v3 =	vld [tilespmem:s9+$0x10]  }
0xb1: {  	s12 =	sadd.s32 $0x14C00, s22;
	v24 =	vld [tilespmem:s4+$0xC810];
	[tilespmem:s17+$0x18C00] =	vst v2  }
0xb2: {  	v2 =	vld [tilespmem:s12+$0x10]  }
0xb3: {  	v25 =	vld [tilespmem:s18+$0xC810];
	_ =	sdelay $0x2  }
0xb4: {  	v3 =	vadd.f32 v24, v3;
	_ =	sdelay $0x1  }
0xb5: {  	[tilespmem:s2+$0x18C10] =	vst v3;
	v2 =	vadd.f32 v25, v2  }
0xb6: {  	v3 =	vld [tilespmem:s9+$0x20]  }
0xb7: {  	v26 =	vld [tilespmem:s4+$0xC820];
	[tilespmem:s17+$0x18C10] =	vst v2  }
0xb8: {  	(v2sf) =	vpush v1, $0x4;
	v2 =	vld [tilespmem:s12+$0x20]  }
0xb9: {  	v27 =	vld [tilespmem:s18+$0xC820];
	_ =	sdelay $0x2  }
0xba: {  	v3 =	vadd.f32 v26, v3;
	_ =	sdelay $0x1  }
0xbb: {  	[tilespmem:s2+$0x18C20] =	vst v3;
	v2 =	vadd.f32 v27, v2  }
0xbc: {  	v3 =	vld [tilespmem:s9+$0x30]  }
0xbd: {  	v28 =	vld [tilespmem:s4+$0xC830];
	[tilespmem:s17+$0x18C20] =	vst v2  }
0xbe: {  	v2 =	vld [tilespmem:s12+$0x30]  }
0xbf: {  	v29 =	vld [tilespmem:s18+$0xC830];
	_ =	sdelay $0x2  }
0xc0: {  	s12 =	sor.u32 $0x4, s29;
	v3 =	vadd.f32 v28, v3  }
0xc1: {  	s20 =	sor.u32 $0x14, s29;
	s18 =	sadd.s32 s25, s12;
	s4 =	sshll.u32 s12, $0x7  }
0xc2: {  	s22 =	spop (v2sf);
	s9 =	sshll.u32 s18, $0x9;
	[tilespmem:s2+$0x18C30] =	vst v3;
	s2 =	sor.u32 s21, s4;
	v2 =	vadd.f32 v29, v2  }
0xc3: {  	s12 =	sshll.u32 s20, $0x7;
	s9 =	sshra.s32 s9, $0x2;
	s21 =	sadd.s32 s25, s20;
	v3 =	vld [tilespmem:s2+$0x14C00]  }
0xc4: {  	s23 =	sor.u32 s22, s12;
	s18 =	sshll.u32 s21, $0x9;
	[tilespmem:s17+$0x18C30] =	vst v2;
	v2 =	vld [tilespmem:s9+$0xC800]  }
0xc5: {  	s18 =	sshra.s32 s18, $0x2;
	v30 =	vld [tilespmem:s23+$0x14C00]  }
0xc6: {  	v31 =	vld [tilespmem:s18+$0xC800];
	_ =	sdelay $0x2  }
0xc7: {  	v2 =	vadd.f32 v2, v3;
	_ =	sdelay $0x1  }
0xc8: {  	s2 =	sadd.s32 $0x14C00, s2;
	[tilespmem:s4+$0x18C00] =	vst v2;
	v2 =	vadd.f32 v31, v30  }
0xc9: {  	v3 =	vld [tilespmem:s2+$0x10]  }
0xca: {  	s17 =	sadd.s32 $0x14C00, s23;
	v32 =	vld [tilespmem:s9+$0xC810];
	[tilespmem:s12+$0x18C00] =	vst v2  }
0xcb: {  	v2 =	vld [tilespmem:s17+$0x10]  }
0xcc: {  	v33 =	vld [tilespmem:s18+$0xC810];
	_ =	sdelay $0x2  }
0xcd: {  	v3 =	vadd.f32 v32, v3;
	_ =	sdelay $0x1  }
0xce: {  	[tilespmem:s4+$0x18C10] =	vst v3;
	v2 =	vadd.f32 v33, v2  }
0xcf: {  	v3 =	vld [tilespmem:s2+$0x20]  }
0xd0: {  	(v2sf) =	vpush v1, $0x5;
	v34 =	vld [tilespmem:s9+$0xC820];
	[tilespmem:s12+$0x18C10] =	vst v2  }
0xd1: {  	v2 =	vld [tilespmem:s17+$0x20]  }
0xd2: {  	v35 =	vld [tilespmem:s18+$0xC820];
	_ =	sdelay $0x2  }
0xd3: {  	v3 =	vadd.f32 v34, v3;
	_ =	sdelay $0x1  }
0xd4: {  	[tilespmem:s4+$0x18C20] =	vst v3;
	v2 =	vadd.f32 v35, v2  }
0xd5: {  	v3 =	vld [tilespmem:s2+$0x30]  }
0xd6: {  	v36 =	vld [tilespmem:s9+$0xC830];
	[tilespmem:s12+$0x18C20] =	vst v2  }
0xd7: {  	v2 =	vld [tilespmem:s17+$0x30]  }
0xd8: {  	v37 =	vld [tilespmem:s18+$0xC830];
	_ =	sdelay $0x2  }
0xd9: {  	s18 =	sor.u32 $0x5, s29;
	v3 =	vadd.f32 v36, v3  }
0xda: {  	s22 =	spop (v2sf);
	s20 =	sadd.s32 s25, s18;
	s2 =	sshll.u32 s18, $0x7  }
0xdb: {  	s21 =	sor.u32 $0x15, s29;
	s9 =	sshll.u32 s20, $0x9;
	[tilespmem:s4+$0x18C30] =	vst v3;
	s4 =	sor.u32 s15, s2;
	v2 =	vadd.f32 v37, v2  }
0xdc: {  	s23 =	sadd.s32 s25, s21;
	s9 =	sshra.s32 s9, $0x2;
	s15 =	sshll.u32 s21, $0x7;
	v3 =	vld [tilespmem:s4+$0x14C00]  }
0xdd: {  	s21 =	sshll.u32 s23, $0x9;
	s20 =	sor.u32 s22, s15;
	[tilespmem:s12+$0x18C30] =	vst v2;
	v2 =	vld [tilespmem:s9+$0xC800]  }
0xde: {  	s17 =	sshra.s32 s21, $0x2;
	v38 =	vld [tilespmem:s20+$0x14C00]  }
0xdf: {  	v39 =	vld [tilespmem:s17+$0xC800];
	_ =	sdelay $0x2  }
0xe0: {  	v2 =	vadd.f32 v2, v3;
	_ =	sdelay $0x1  }
0xe1: {  	s4 =	sadd.s32 $0x14C00, s4;
	[tilespmem:s2+$0x18C00] =	vst v2;
	v2 =	vadd.f32 v39, v38  }
0xe2: {  	v3 =	vld [tilespmem:s4+$0x10]  }
0xe3: {  	s12 =	sadd.s32 $0x14C00, s20;
	v40 =	vld [tilespmem:s9+$0xC810];
	[tilespmem:s15+$0x18C00] =	vst v2  }
0xe4: {  	v2 =	vld [tilespmem:s12+$0x10]  }
0xe5: {  	v41 =	vld [tilespmem:s17+$0xC810];
	_ =	sdelay $0x2  }
0xe6: {  	v3 =	vadd.f32 v40, v3;
	_ =	sdelay $0x1  }
0xe7: {  	[tilespmem:s2+$0x18C10] =	vst v3;
	v2 =	vadd.f32 v41, v2  }
0xe8: {  	v3 =	vld [tilespmem:s4+$0x20]  }
0xe9: {  	v42 =	vld [tilespmem:s9+$0xC820];
	[tilespmem:s15+$0x18C10] =	vst v2  }
0xea: {  	v2 =	vld [tilespmem:s12+$0x20]  }
0xeb: {  	(v2sf) =	vpush v1, $0x6;
	v43 =	vld [tilespmem:s17+$0xC820];
	_ =	sdelay $0x2  }
0xec: {  	v3 =	vadd.f32 v42, v3;
	_ =	sdelay $0x1  }
0xed: {  	[tilespmem:s2+$0x18C20] =	vst v3;
	v2 =	vadd.f32 v43, v2  }
0xee: {  	v3 =	vld [tilespmem:s4+$0x30]  }
0xef: {  	v44 =	vld [tilespmem:s9+$0xC830];
	[tilespmem:s15+$0x18C20] =	vst v2  }
0xf0: {  	v2 =	vld [tilespmem:s12+$0x30]  }
0xf1: {  	v45 =	vld [tilespmem:s17+$0xC830];
	_ =	sdelay $0x2  }
0xf2: {  	s22 =	sor.u32 $0x6, s29;
	v3 =	vadd.f32 v44, v3  }
0xf3: {  	s23 =	sadd.s32 s25, s22;
	s20 =	sor.u32 $0x16, s29;
	s4 =	sshll.u32 s22, $0x7  }
0xf4: {  	s21 =	sadd.s32 s25, s20;
	s9 =	sshll.u32 s23, $0x9;
	s8 =	sor.u32 s8, s4;
	[tilespmem:s2+$0x18C30] =	vst v3;
	v2 =	vadd.f32 v45, v2  }
0xf5: {  	s22 =	spop (v2sf);
	s18 =	sshra.s32 s9, $0x2;
	s9 =	sshll.u32 s20, $0x7;
	v3 =	vld [tilespmem:s8+$0x14C00]  }
0xf6: {  	s23 =	sor.u32 s22, s9;
	s12 =	sshll.u32 s21, $0x9;
	[tilespmem:s15+$0x18C30] =	vst v2;
	v2 =	vld [tilespmem:s18+$0xC800]  }
0xf7: {  	s12 =	sshra.s32 s12, $0x2;
	v46 =	vld [tilespmem:s23+$0x14C00]  }
0xf8: {  	v47 =	vld [tilespmem:s12+$0xC800];
	_ =	sdelay $0x2  }
0xf9: {  	v2 =	vadd.f32 v2, v3;
	_ =	sdelay $0x1  }
0xfa: {  	s2 =	sadd.s32 $0x14C00, s8;
	[tilespmem:s4+$0x18C00] =	vst v2;
	v2 =	vadd.f32 v47, v46  }
0xfb: {  	v3 =	vld [tilespmem:s2+$0x10]  }
0xfc: {  	s15 =	sadd.s32 $0x14C00, s23;
	v48 =	vld [tilespmem:s18+$0xC810];
	[tilespmem:s9+$0x18C00] =	vst v2  }
0xfd: {  	v2 =	vld [tilespmem:s15+$0x10]  }
0xfe: {  	v49 =	vld [tilespmem:s12+$0xC810];
	_ =	sdelay $0x2  }
0xff: {  	v3 =	vadd.f32 v48, v3;
	_ =	sdelay $0x1  }
0x100: {  	[tilespmem:s4+$0x18C10] =	vst v3;
	v2 =	vadd.f32 v49, v2  }
0x101: {  	v3 =	vld [tilespmem:s2+$0x20]  }
0x102: {  	v50 =	vld [tilespmem:s18+$0xC820];
	[tilespmem:s9+$0x18C10] =	vst v2  }
0x103: {  	v2 =	vld [tilespmem:s15+$0x20]  }
0x104: {  	(v2sf) =	vpush v1, $0x7;
	v51 =	vld [tilespmem:s12+$0xC820];
	_ =	sdelay $0x2  }
0x105: {  	v3 =	vadd.f32 v50, v3;
	_ =	sdelay $0x1  }
0x106: {  	[tilespmem:s4+$0x18C20] =	vst v3;
	v2 =	vadd.f32 v51, v2  }
0x107: {  	v3 =	vld [tilespmem:s2+$0x30]  }
0x108: {  	v52 =	vld [tilespmem:s18+$0xC830];
	[tilespmem:s9+$0x18C20] =	vst v2  }
0x109: {  	v2 =	vld [tilespmem:s15+$0x30]  }
0x10a: {  	v53 =	vld [tilespmem:s12+$0xC830];
	_ =	sdelay $0x2  }
0x10b: {  	s12 =	sor.u32 $0x7, s29;
	v3 =	vadd.f32 v52, v3  }
0x10c: {  	s20 =	sor.u32 $0x17, s29;
	s15 =	sadd.s32 s25, s12;
	s2 =	sshll.u32 s12, $0x7  }
0x10d: {  	s22 =	sadd.s32 s25, s20;
	s8 =	sshll.u32 s15, $0x9;
	s17 =	sor.u32 s6, s2;
	[tilespmem:s4+$0x18C30] =	vst v3;
	v2 =	vadd.f32 v53, v2  }
0x10e: {  	s21 =	spop (v2sf);
	s18 =	sshra.s32 s8, $0x2;
	s8 =	sshll.u32 s20, $0x7;
	v3 =	vld [tilespmem:s17+$0x14C00]  }
0x10f: {  	s15 =	sshll.u32 s22, $0x9;
	s23 =	sor.u32 s21, s8;
	[tilespmem:s9+$0x18C30] =	vst v2;
	v2 =	vld [tilespmem:s18+$0xC800]  }
0x110: {  	s12 =	sshra.s32 s15, $0x2;
	v54 =	vld [tilespmem:s23+$0x14C00]  }
0x111: {  	v55 =	vld [tilespmem:s12+$0xC800];
	_ =	sdelay $0x2  }
0x112: {  	v2 =	vadd.f32 v2, v3;
	_ =	sdelay $0x1  }
0x113: {  	s4 =	sadd.s32 $0x14C00, s17;
	[tilespmem:s2+$0x18C00] =	vst v2;
	v2 =	vadd.f32 v55, v54  }
0x114: {  	v3 =	vld [tilespmem:s4+$0x10]  }
0x115: {  	s9 =	sadd.s32 $0x14C00, s23;
	v56 =	vld [tilespmem:s18+$0xC810];
	[tilespmem:s8+$0x18C00] =	vst v2  }
0x116: {  	v2 =	vld [tilespmem:s9+$0x10]  }
0x117: {  	v57 =	vld [tilespmem:s12+$0xC810];
	_ =	sdelay $0x2  }
0x118: {  	v3 =	vadd.f32 v56, v3;
	_ =	sdelay $0x1  }
0x119: {  	[tilespmem:s2+$0x18C10] =	vst v3;
	v2 =	vadd.f32 v57, v2  }
0x11a: {  	v3 =	vld [tilespmem:s4+$0x20]  }
0x11b: {  	v58 =	vld [tilespmem:s18+$0xC820];
	[tilespmem:s8+$0x18C10] =	vst v2  }
0x11c: {  	v2 =	vld [tilespmem:s9+$0x20]  }
0x11d: {  	(v2sf) =	vpush v1, $0x8;
	v59 =	vld [tilespmem:s12+$0xC820];
	_ =	sdelay $0x2  }
0x11e: {  	v3 =	vadd.f32 v58, v3;
	_ =	sdelay $0x1  }
0x11f: {  	[tilespmem:s2+$0x18C20] =	vst v3;
	v2 =	vadd.f32 v59, v2  }
0x120: {  	v3 =	vld [tilespmem:s4+$0x30]  }
0x121: {  	v60 =	vld [tilespmem:s18+$0xC830];
	[tilespmem:s8+$0x18C20] =	vst v2  }
0x122: {  	v2 =	vld [tilespmem:s9+$0x30]  }
0x123: {  	v61 =	vld [tilespmem:s12+$0xC830];
	_ =	sdelay $0x2  }
0x124: {  	s17 =	sor.u32 $0x8, s29;
	v3 =	vadd.f32 v60, v3  }
0x125: {  	s21 =	sor.u32 $0x18, s29;
	s18 =	sadd.s32 s25, s17;
	s4 =	sshll.u32 s17, $0x7  }
0x126: {  	s22 =	sadd.s32 s25, s21;
	s6 =	sshll.u32 s18, $0x9;
	s20 =	sor.u32 s16, s4;
	[tilespmem:s2+$0x18C30] =	vst v3;
	v2 =	vadd.f32 v61, v2  }
0x127: {  	s23 =	spop (v2sf);
	s6 =	sshra.s32 s6, $0x2;
	s9 =	sshll.u32 s21, $0x7;
	v3 =	vld [tilespmem:s20+$0x14C00]  }
0x128: {  	s12 =	sshll.u32 s22, $0x9;
	s15 =	sor.u32 s23, s9;
	[tilespmem:s8+$0x18C30] =	vst v2;
	v2 =	vld [tilespmem:s6+$0xC800]  }
0x129: {  	s12 =	sshra.s32 s12, $0x2;
	v62 =	vld [tilespmem:s15+$0x14C00]  }
0x12a: {  	v63 =	vld [tilespmem:s12+$0xC800];
	_ =	sdelay $0x2  }
0x12b: {  	v2 =	vadd.f32 v2, v3;
	_ =	sdelay $0x1  }
0x12c: {  	s2 =	sadd.s32 $0x14C00, s20;
	[tilespmem:s4+$0x18C00] =	vst v2;
	v2 =	vadd.f32 v63, v62  }
0x12d: {  	v3 =	vld [tilespmem:s2+$0x10]  }
0x12e: {  	s8 =	sadd.s32 $0x14C00, s15;
	v8 =	vld [tilespmem:s6+$0xC810];
	[tilespmem:s9+$0x18C00] =	vst v2  }
0x12f: {  	v2 =	vld [tilespmem:s8+$0x10]  }
0x130: {  	v9 =	vld [tilespmem:s12+$0xC810];
	_ =	sdelay $0x2  }
0x131: {  	v3 =	vadd.f32 v8, v3;
	_ =	sdelay $0x1  }
0x132: {  	[tilespmem:s4+$0x18C10] =	vst v3;
	v2 =	vadd.f32 v9, v2  }
0x133: {  	v3 =	vld [tilespmem:s2+$0x20]  }
0x134: {  	(v2sf) =	vpush v1, $0x9;
	v10 =	vld [tilespmem:s6+$0xC820];
	[tilespmem:s9+$0x18C10] =	vst v2  }
0x135: {  	v2 =	vld [tilespmem:s8+$0x20]  }
0x136: {  	v11 =	vld [tilespmem:s12+$0xC820];
	_ =	sdelay $0x2  }
0x137: {  	v3 =	vadd.f32 v10, v3;
	_ =	sdelay $0x1  }
0x138: {  	[tilespmem:s4+$0x18C20] =	vst v3;
	v2 =	vadd.f32 v11, v2  }
0x139: {  	v3 =	vld [tilespmem:s2+$0x30]  }
0x13a: {  	v12 =	vld [tilespmem:s6+$0xC830];
	[tilespmem:s9+$0x18C20] =	vst v2  }
0x13b: {  	v2 =	vld [tilespmem:s8+$0x30]  }
0x13c: {  	v13 =	vld [tilespmem:s12+$0xC830];
	_ =	sdelay $0x2  }
0x13d: {  	s16 =	sor.u32 $0x9, s29;
	v3 =	vadd.f32 v12, v3  }
0x13e: {  	s17 =	sadd.s32 s25, s16;
	s21 =	spop (v2sf);
	s2 =	sshll.u32 s16, $0x7  }
0x13f: {  	s20 =	sor.u32 $0x19, s29;
	s6 =	sshll.u32 s17, $0x9;
	s18 =	sor.u32 s14, s2;
	[tilespmem:s4+$0x18C30] =	vst v3;
	v2 =	vadd.f32 v13, v2  }
0x140: {  	s22 =	sadd.s32 s25, s20;
	s6 =	sshra.s32 s6, $0x2;
	s8 =	sshll.u32 s20, $0x7;
	v3 =	vld [tilespmem:s18+$0x14C00]  }
0x141: {  	s15 =	sshll.u32 s22, $0x9;
	s23 =	sor.u32 s21, s8;
	[tilespmem:s9+$0x18C30] =	vst v2;
	v2 =	vld [tilespmem:s6+$0xC800]  }
0x142: {  	s12 =	sshra.s32 s15, $0x2;
	v14 =	vld [tilespmem:s23+$0x14C00]  }
0x143: {  	v15 =	vld [tilespmem:s12+$0xC800];
	_ =	sdelay $0x2  }
0x144: {  	v2 =	vadd.f32 v2, v3;
	_ =	sdelay $0x1  }
0x145: {  	s4 =	sadd.s32 $0x14C00, s18;
	[tilespmem:s2+$0x18C00] =	vst v2;
	v2 =	vadd.f32 v15, v14  }
0x146: {  	v3 =	vld [tilespmem:s4+$0x10]  }
0x147: {  	s9 =	sadd.s32 $0x14C00, s23;
	v16 =	vld [tilespmem:s6+$0xC810];
	[tilespmem:s8+$0x18C00] =	vst v2  }
0x148: {  	v2 =	vld [tilespmem:s9+$0x10]  }
0x149: {  	v17 =	vld [tilespmem:s12+$0xC810];
	_ =	sdelay $0x2  }
0x14a: {  	v3 =	vadd.f32 v16, v3;
	_ =	sdelay $0x1  }
0x14b: {  	[tilespmem:s2+$0x18C10] =	vst v3;
	v2 =	vadd.f32 v17, v2  }
0x14c: {  	v3 =	vld [tilespmem:s4+$0x20]  }
0x14d: {  	(v2sf) =	vpush v1, $0xA;
	v18 =	vld [tilespmem:s6+$0xC820];
	[tilespmem:s8+$0x18C10] =	vst v2  }
0x14e: {  	v2 =	vld [tilespmem:s9+$0x20]  }
0x14f: {  	v19 =	vld [tilespmem:s12+$0xC820];
	_ =	sdelay $0x2  }
0x150: {  	v3 =	vadd.f32 v18, v3;
	_ =	sdelay $0x1  }
0x151: {  	[tilespmem:s2+$0x18C20] =	vst v3;
	v2 =	vadd.f32 v19, v2  }
0x152: {  	v3 =	vld [tilespmem:s4+$0x30]  }
0x153: {  	v20 =	vld [tilespmem:s6+$0xC830];
	[tilespmem:s8+$0x18C20] =	vst v2  }
0x154: {  	v2 =	vld [tilespmem:s9+$0x30]  }
0x155: {  	v21 =	vld [tilespmem:s12+$0xC830];
	_ =	sdelay $0x2  }
0x156: {  	s16 =	sor.u32 $0xA, s29;
	v3 =	vadd.f32 v20, v3  }
0x157: {  	s22 =	spop (v2sf);
	s17 =	sadd.s32 s25, s16;
	s4 =	sshll.u32 s16, $0x7  }
0x158: {  	s20 =	sor.u32 $0x1A, s29;
	s6 =	sshll.u32 s17, $0x9;
	s18 =	sor.u32 s13, s4;
	[tilespmem:s2+$0x18C30] =	vst v3;
	v2 =	vadd.f32 v21, v2  }
0x159: {  	s21 =	sadd.s32 s25, s20;
	s6 =	sshra.s32 s6, $0x2;
	s9 =	sshll.u32 s20, $0x7;
	v3 =	vld [tilespmem:s18+$0x14C00]  }
0x15a: {  	s12 =	sshll.u32 s21, $0x9;
	s23 =	sor.u32 s22, s9;
	[tilespmem:s8+$0x18C30] =	vst v2;
	v2 =	vld [tilespmem:s6+$0xC800]  }
0x15b: {  	s12 =	sshra.s32 s12, $0x2;
	v22 =	vld [tilespmem:s23+$0x14C00]  }
0x15c: {  	v23 =	vld [tilespmem:s12+$0xC800];
	_ =	sdelay $0x2  }
0x15d: {  	v2 =	vadd.f32 v2, v3;
	_ =	sdelay $0x1  }
0x15e: {  	s2 =	sadd.s32 $0x14C00, s18;
	[tilespmem:s4+$0x18C00] =	vst v2;
	v2 =	vadd.f32 v23, v22  }
0x15f: {  	v3 =	vld [tilespmem:s2+$0x10]  }
0x160: {  	s8 =	sadd.s32 $0x14C00, s23;
	v24 =	vld [tilespmem:s6+$0xC810];
	[tilespmem:s9+$0x18C00] =	vst v2  }
0x161: {  	v2 =	vld [tilespmem:s8+$0x10]  }
0x162: {  	v25 =	vld [tilespmem:s12+$0xC810];
	_ =	sdelay $0x2  }
0x163: {  	v3 =	vadd.f32 v24, v3;
	_ =	sdelay $0x1  }
0x164: {  	[tilespmem:s4+$0x18C10] =	vst v3;
	v2 =	vadd.f32 v25, v2  }
0x165: {  	v3 =	vld [tilespmem:s2+$0x20]  }
0x166: {  	v26 =	vld [tilespmem:s6+$0xC820];
	[tilespmem:s9+$0x18C10] =	vst v2  }
0x167: {  	(v2sf) =	vpush v1, $0xB;
	v2 =	vld [tilespmem:s8+$0x20]  }
0x168: {  	v27 =	vld [tilespmem:s12+$0xC820];
	_ =	sdelay $0x2  }
0x169: {  	v3 =	vadd.f32 v26, v3;
	_ =	sdelay $0x1  }
0x16a: {  	[tilespmem:s4+$0x18C20] =	vst v3;
	v2 =	vadd.f32 v27, v2  }
0x16b: {  	v3 =	vld [tilespmem:s2+$0x30]  }
0x16c: {  	v28 =	vld [tilespmem:s6+$0xC830];
	[tilespmem:s9+$0x18C20] =	vst v2  }
0x16d: {  	v2 =	vld [tilespmem:s8+$0x30]  }
0x16e: {  	v29 =	vld [tilespmem:s12+$0xC830];
	_ =	sdelay $0x2  }
0x16f: {  	s12 =	sor.u32 $0xB, s29;
	v3 =	vadd.f32 v28, v3  }
0x170: {  	s15 =	sor.u32 $0x1B, s29;
	s13 =	sadd.s32 s25, s12;
	s2 =	sshll.u32 s12, $0x7  }
0x171: {  	s16 =	spop (v2sf);
	s6 =	sshll.u32 s13, $0x9;
	s14 =	sor.u32 s11, s2;
	[tilespmem:s4+$0x18C30] =	vst v3;
	v2 =	vadd.f32 v29, v2  }
0x172: {  	s17 =	sadd.s32 s25, s15;
	s8 =	sshll.u32 s15, $0x7;
	s6 =	sshra.s32 s6, $0x2;
	v3 =	vld [tilespmem:s14+$0x14C00]  }
0x173: {  	s20 =	sshll.u32 s17, $0x9;
	s18 =	sor.u32 s16, s8;
	[tilespmem:s9+$0x18C30] =	vst v2;
	v2 =	vld [tilespmem:s6+$0xC800]  }
0x174: {  	s11 =	sshra.s32 s20, $0x2;
	v30 =	vld [tilespmem:s18+$0x14C00]  }
0x175: {  	v31 =	vld [tilespmem:s11+$0xC800];
	_ =	sdelay $0x2  }
0x176: {  	v2 =	vadd.f32 v2, v3;
	_ =	sdelay $0x1  }
0x177: {  	s4 =	sadd.s32 $0x14C00, s14;
	[tilespmem:s2+$0x18C00] =	vst v2;
	v2 =	vadd.f32 v31, v30  }
0x178: {  	v3 =	vld [tilespmem:s4+$0x10]  }
0x179: {  	s9 =	sadd.s32 $0x14C00, s18;
	v32 =	vld [tilespmem:s6+$0xC810];
	[tilespmem:s8+$0x18C00] =	vst v2  }
0x17a: {  	v2 =	vld [tilespmem:s9+$0x10]  }
0x17b: {  	v33 =	vld [tilespmem:s11+$0xC810];
	_ =	sdelay $0x2  }
0x17c: {  	v3 =	vadd.f32 v32, v3;
	_ =	sdelay $0x1  }
0x17d: {  	[tilespmem:s2+$0x18C10] =	vst v3;
	v2 =	vadd.f32 v33, v2  }
0x17e: {  	v3 =	vld [tilespmem:s4+$0x20]  }
0x17f: {  	v34 =	vld [tilespmem:s6+$0xC820];
	[tilespmem:s8+$0x18C10] =	vst v2  }
0x180: {  	v2 =	vld [tilespmem:s9+$0x20]  }
0x181: {  	(v2sf) =	vpush v1, $0xC;
	v35 =	vld [tilespmem:s11+$0xC820];
	_ =	sdelay $0x2  }
0x182: {  	v3 =	vadd.f32 v34, v3;
	_ =	sdelay $0x1  }
0x183: {  	[tilespmem:s2+$0x18C20] =	vst v3;
	v2 =	vadd.f32 v35, v2  }
0x184: {  	v3 =	vld [tilespmem:s4+$0x30]  }
0x185: {  	v36 =	vld [tilespmem:s6+$0xC830];
	[tilespmem:s8+$0x18C20] =	vst v2  }
0x186: {  	v2 =	vld [tilespmem:s9+$0x30]  }
0x187: {  	v37 =	vld [tilespmem:s11+$0xC830];
	_ =	sdelay $0x2  }
0x188: {  	s21 =	sor.u32 $0xC, s29;
	v3 =	vadd.f32 v36, v3  }
0x189: {  	s22 =	sadd.s32 s25, s21;
	s12 =	sor.u32 $0x1C, s29;
	s4 =	sshll.u32 s21, $0x7  }
0x18a: {  	s13 =	sadd.s32 s25, s12;
	s6 =	sshll.u32 s22, $0x9;
	s23 =	sor.u32 s10, s4;
	[tilespmem:s2+$0x18C30] =	vst v3;
	v2 =	vadd.f32 v37, v2  }
0x18b: {  	s14 =	spop (v2sf);
	s6 =	sshra.s32 s6, $0x2;
	s9 =	sshll.u32 s12, $0x7;
	v3 =	vld [tilespmem:s23+$0x14C00]  }
0x18c: {  	s10 =	sshll.u32 s13, $0x9;
	s15 =	sor.u32 s14, s9;
	[tilespmem:s8+$0x18C30] =	vst v2;
	v2 =	vld [tilespmem:s6+$0xC800]  }
0x18d: {  	s10 =	sshra.s32 s10, $0x2;
	v38 =	vld [tilespmem:s15+$0x14C00]  }
0x18e: {  	v39 =	vld [tilespmem:s10+$0xC800];
	_ =	sdelay $0x2  }
0x18f: {  	v2 =	vadd.f32 v2, v3;
	_ =	sdelay $0x1  }
0x190: {  	s2 =	sadd.s32 $0x14C00, s23;
	[tilespmem:s4+$0x18C00] =	vst v2;
	v2 =	vadd.f32 v39, v38  }
0x191: {  	v3 =	vld [tilespmem:s2+$0x10]  }
0x192: {  	s8 =	sadd.s32 $0x14C00, s15;
	v40 =	vld [tilespmem:s6+$0xC810];
	[tilespmem:s9+$0x18C00] =	vst v2  }
0x193: {  	v2 =	vld [tilespmem:s8+$0x10]  }
0x194: {  	v41 =	vld [tilespmem:s10+$0xC810];
	_ =	sdelay $0x2  }
0x195: {  	v3 =	vadd.f32 v40, v3;
	_ =	sdelay $0x1  }
0x196: {  	[tilespmem:s4+$0x18C10] =	vst v3;
	v2 =	vadd.f32 v41, v2  }
0x197: {  	v3 =	vld [tilespmem:s2+$0x20]  }
0x198: {  	v42 =	vld [tilespmem:s6+$0xC820];
	[tilespmem:s9+$0x18C10] =	vst v2  }
0x199: {  	(v2sf) =	vpush v1, $0xD;
	v2 =	vld [tilespmem:s8+$0x20]  }
0x19a: {  	v43 =	vld [tilespmem:s10+$0xC820];
	_ =	sdelay $0x2  }
0x19b: {  	v3 =	vadd.f32 v42, v3;
	_ =	sdelay $0x1  }
0x19c: {  	[tilespmem:s4+$0x18C20] =	vst v3;
	v2 =	vadd.f32 v43, v2  }
0x19d: {  	v3 =	vld [tilespmem:s2+$0x30]  }
0x19e: {  	v44 =	vld [tilespmem:s6+$0xC830];
	[tilespmem:s9+$0x18C20] =	vst v2  }
0x19f: {  	v2 =	vld [tilespmem:s8+$0x30]  }
0x1a0: {  	v45 =	vld [tilespmem:s10+$0xC830];
	_ =	sdelay $0x2  }
0x1a1: {  	s16 =	sor.u32 $0xD, s29;
	v3 =	vadd.f32 v44, v3  }
0x1a2: {  	s17 =	sadd.s32 s25, s16;
	s20 =	sor.u32 $0x1D, s29;
	s2 =	sshll.u32 s16, $0x7  }
0x1a3: {  	s21 =	spop (v2sf);
	s6 =	sshll.u32 s17, $0x9;
	s1 =	sor.u32 s1, s2;
	[tilespmem:s4+$0x18C30] =	vst v3;
	v2 =	vadd.f32 v45, v2  }
0x1a4: {  	s22 =	sadd.s32 s25, s20;
	s18 =	sshra.s32 s6, $0x2;
	s6 =	sshll.u32 s20, $0x7;
	v3 =	vld [tilespmem:s1+$0x14C00]  }
0x1a5: {  	s23 =	sshll.u32 s22, $0x9;
	s8 =	sor.u32 s21, s6;
	[tilespmem:s9+$0x18C30] =	vst v2;
	v2 =	vld [tilespmem:s18+$0xC800]  }
0x1a6: {  	s9 =	sshra.s32 s23, $0x2;
	v46 =	vld [tilespmem:s8+$0x14C00]  }
0x1a7: {  	v47 =	vld [tilespmem:s9+$0xC800];
	_ =	sdelay $0x2  }
0x1a8: {  	v2 =	vadd.f32 v2, v3;
	_ =	sdelay $0x1  }
0x1a9: {  	s1 =	sadd.s32 $0x14C00, s1;
	[tilespmem:s2+$0x18C00] =	vst v2;
	v2 =	vadd.f32 v47, v46  }
0x1aa: {  	v3 =	vld [tilespmem:s1+$0x10]  }
0x1ab: {  	s8 =	sadd.s32 $0x14C00, s8;
	v48 =	vld [tilespmem:s18+$0xC810];
	[tilespmem:s6+$0x18C00] =	vst v2  }
0x1ac: {  	v2 =	vld [tilespmem:s8+$0x10]  }
0x1ad: {  	v49 =	vld [tilespmem:s9+$0xC810];
	_ =	sdelay $0x2  }
0x1ae: {  	v3 =	vadd.f32 v48, v3;
	_ =	sdelay $0x1  }
0x1af: {  	[tilespmem:s2+$0x18C10] =	vst v3;
	v2 =	vadd.f32 v49, v2  }
0x1b0: {  	v3 =	vld [tilespmem:s1+$0x20]  }
0x1b1: {  	v50 =	vld [tilespmem:s18+$0xC820];
	[tilespmem:s6+$0x18C10] =	vst v2  }
0x1b2: {  	v2 =	vld [tilespmem:s8+$0x20]  }
0x1b3: {  	(v2sf) =	vpush v1, $0xE;
	v51 =	vld [tilespmem:s9+$0xC820];
	_ =	sdelay $0x2  }
0x1b4: {  	v3 =	vadd.f32 v50, v3;
	_ =	sdelay $0x1  }
0x1b5: {  	[tilespmem:s2+$0x18C20] =	vst v3;
	v2 =	vadd.f32 v51, v2  }
0x1b6: {  	v3 =	vld [tilespmem:s1+$0x30]  }
0x1b7: {  	v52 =	vld [tilespmem:s18+$0xC830];
	[tilespmem:s6+$0x18C20] =	vst v2  }
0x1b8: {  	v2 =	vld [tilespmem:s8+$0x30]  }
0x1b9: {  	v53 =	vld [tilespmem:s9+$0xC830];
	_ =	sdelay $0x2  }
0x1ba: {  	s10 =	sor.u32 $0xE, s29;
	v3 =	vadd.f32 v52, v3  }
0x1bb: {  	s13 =	sor.u32 $0x1E, s29;
	s11 =	sadd.s32 s25, s10;
	s1 =	sshll.u32 s10, $0x7  }
0x1bc: {  	s14 =	sadd.s32 s25, s13;
	s4 =	sshll.u32 s11, $0x9;
	s0 =	sor.u32 s0, s1;
	[tilespmem:s2+$0x18C30] =	vst v3;
	v2 =	vadd.f32 v53, v2  }
0x1bd: {  	s15 =	spop (v2sf);
	s12 =	sshra.s32 s4, $0x2;
	s4 =	sshll.u32 s13, $0x7;
	v3 =	vld [tilespmem:s0+$0x14C00]  }
0x1be: {  	s16 =	sor.u32 s15, s4;
	s8 =	sshll.u32 s14, $0x9;
	[tilespmem:s6+$0x18C30] =	vst v2;
	v2 =	vld [tilespmem:s12+$0xC800]  }
0x1bf: {  	s8 =	sshra.s32 s8, $0x2;
	v54 =	vld [tilespmem:s16+$0x14C00]  }
0x1c0: {  	v55 =	vld [tilespmem:s8+$0xC800];
	_ =	sdelay $0x2  }
0x1c1: {  	v2 =	vadd.f32 v2, v3;
	_ =	sdelay $0x1  }
0x1c2: {  	s0 =	sadd.s32 $0x14C00, s0;
	[tilespmem:s1+$0x18C00] =	vst v2;
	v2 =	vadd.f32 v55, v54  }
0x1c3: {  	v3 =	vld [tilespmem:s0+$0x10]  }
0x1c4: {  	s6 =	sadd.s32 $0x14C00, s16;
	v56 =	vld [tilespmem:s12+$0xC810];
	[tilespmem:s4+$0x18C00] =	vst v2  }
0x1c5: {  	v2 =	vld [tilespmem:s6+$0x10]  }
0x1c6: {  	v57 =	vld [tilespmem:s8+$0xC810];
	_ =	sdelay $0x2  }
0x1c7: {  	v3 =	vadd.f32 v56, v3;
	_ =	sdelay $0x1  }
0x1c8: {  	[tilespmem:s1+$0x18C10] =	vst v3;
	v2 =	vadd.f32 v57, v2  }
0x1c9: {  	v3 =	vld [tilespmem:s0+$0x20]  }
0x1ca: {  	(v2sf) =	vpush v1, $0xF;
	v58 =	vld [tilespmem:s12+$0xC820];
	[tilespmem:s4+$0x18C10] =	vst v2  }
0x1cb: {  	v2 =	vld [tilespmem:s6+$0x20]  }
0x1cc: {  	v1 =	vld [tilespmem:s8+$0xC820];
	_ =	sdelay $0x2  }
0x1cd: {  	v3 =	vadd.f32 v58, v3;
	_ =	sdelay $0x1  }
0x1ce: {  	[tilespmem:s1+$0x18C20] =	vst v3;
	v1 =	vadd.f32 v1, v2  }
0x1cf: {  	v2 =	vld [tilespmem:s0+$0x30]  }
0x1d0: {  	v3 =	vld [tilespmem:s12+$0xC830];
	[tilespmem:s4+$0x18C20] =	vst v1  }
0x1d1: {  	v1 =	vld [tilespmem:s6+$0x30]  }
0x1d2: {  	v59 =	vld [tilespmem:s8+$0xC830];
	_ =	sdelay $0x2  }
0x1d3: {  	s17 =	sshllo.u32 s30, $0x4;
	v2 =	vadd.f32 v3, v2  }
0x1d4: {  	s22 =	spop (v2sf);
	s18 =	sadd.s32 s25, s17;
	s0 =	sshll.u32 s17, $0x7  }
0x1d5: {  	s21 =	sor.u32 $0x1F, s29;
	s2 =	sshll.u32 s18, $0x9;
	s20 =	sor.u32 s31, s0;
	[tilespmem:s1+$0x18C30] =	vst v2;
	v1 =	vadd.f32 v59, v1  }
0x1d6: {  	s23 =	sadd.s32 s25, s21;
	s2 =	sshra.s32 s2, $0x2;
	s6 =	sshll.u32 s21, $0x7;
	v2 =	vld [tilespmem:s20+$0x14C00]  }
0x1d7: {  	s31 =	sshll.u32 s23, $0x9;
	s29 =	sor.u32 s22, s6;
	v3 =	vld [tilespmem:s2+$0xC800];
	[tilespmem:s4+$0x18C30] =	vst v1  }
0x1d8: {  	s8 =	sshra.s32 s31, $0x2;
	v1 =	vld [tilespmem:s29+$0x14C00]  }
0x1d9: {  	v60 =	vld [tilespmem:s8+$0xC800];
	_ =	sdelay $0x2  }
0x1da: {  	v2 =	vadd.f32 v3, v2;
	_ =	sdelay $0x1  }
0x1db: {  	s1 =	sadd.s32 $0x14C00, s20;
	[tilespmem:s0+$0x18C00] =	vst v2;
	v1 =	vadd.f32 v60, v1  }
0x1dc: {  	v2 =	vld [tilespmem:s1+$0x10]  }
0x1dd: {  	s4 =	sadd.s32 $0x14C00, s29;
	v3 =	vld [tilespmem:s2+$0xC810];
	[tilespmem:s6+$0x18C00] =	vst v1  }
0x1de: {  	v1 =	vld [tilespmem:s4+$0x10]  }
0x1df: {  	v61 =	vld [tilespmem:s8+$0xC810];
	_ =	sdelay $0x2  }
0x1e0: {  	v2 =	vadd.f32 v3, v2;
	_ =	sdelay $0x1  }
0x1e1: {  	[tilespmem:s0+$0x18C10] =	vst v2;
	v1 =	vadd.f32 v61, v1  }
0x1e2: {  	v2 =	vld [tilespmem:s1+$0x20]  }
0x1e3: {  	v3 =	vld [tilespmem:s2+$0xC820];
	[tilespmem:s6+$0x18C10] =	vst v1  }
0x1e4: {  	v1 =	vld [tilespmem:s4+$0x20]  }
0x1e5: {  	v62 =	vld [tilespmem:s8+$0xC820];
	_ =	sdelay $0x2  }
0x1e6: {  	v2 =	vadd.f32 v3, v2;
	_ =	sdelay $0x1  }
0x1e7: {  	[tilespmem:s0+$0x18C20] =	vst v2;
	v1 =	vadd.f32 v62, v1  }
0x1e8: {  	v2 =	vld [tilespmem:s1+$0x30]  }
0x1e9: {  	v3 =	vld [tilespmem:s2+$0xC830];
	[tilespmem:s6+$0x18C20] =	vst v1  }
0x1ea: {  	v1 =	vld [tilespmem:s4+$0x30]  }
0x1eb: {  	v63 =	vld [tilespmem:s8+$0xC830];
	_ =	sdelay $0x1  }
0x1ec: {  	p2 =	por p1, p1  }
.Ltmp1:
0x1ed: {  	_ = 	snop;
	(pc) =	sbr.rel @p2 .LBB2_5-.Ltmp1, $4  }
0x1ee: {  	v2 =	vadd.f32 v3, v2  }
0x1ef: {  	v1 =	vadd.f32 v63, v1  }
0x1f0: {  	[tilespmem:s0+$0x18C30] =	vst v2  }
0x1f1: {  	p1 =	por $0x0, $0x0;
	s30 =	simm.s32 $0x2;
	[tilespmem:s6+$0x18C30] =	vst v1  }
0x1f2: {  	p1 =	seq.s32 s24, $0xC7  }
0x1f3: {  	s20 =	sshll.u32 s24, $0xE;
	s26 =	sshrl.u32 @!p1 s26, $0x2  }
0x1f4: {  	s1 =	simm.s32 @!p1 $0x40;
	s2 =	simm.s32 @!p1 $0x14C00;
	s0 =	sadd.s32 @!p1 $0x6480, s26  }
0x1f5: {  	[tilespmem:s2], [sflag:$0x1] =	stream.indirect.gather @!p1 [hbm4b:s3+s1], $0x80, s0, s1, $0xb8;
	[tilespmem:$0x1CC00] =	vst v63  }
0x1f6: {  	s0 =	sadd.s32 s7, s20  }
0x1f7: {  	s21 =	simm.s32 $0x18C00;
	s0 =	sshrl.u32 s0, $0x3  }
0x1f8: {  	s22 =	simm.s32 $0x2;
	s28 =	sor.u32 $0x1, s28;
	s0 =	sadd.s32 s5, s0  }
0x1f9: {  	[hbm4b:s0+s19] =	stream.linear.scatter [tilespmem:s21], [sflag:$0x3], $0x2000, $0x38;
	[tilespmem:$0x1CC00] =	vst v63  }
0x1fa: {  	s23 =	sshll.u32 s28, $0x6;
	_ =	swait.ge [sflag:s22], $0x2000  }
0x1fb: {  	s30 =	sand.u32 $0x3FFFFFC0, s23;
	[sflag:s22] =	ssyncset.done $0x0  }
0x1fc: {  	v0 =	vmov s30;
	s0 =	simm.s32 @!p0 $0x4;
	[sflag:s22] =	ssyncadd.s32 $0xFFFFE000  }
0x1fd: {  	s29 =	sadd.s32 $0x40, s25;
	s31 =	simm.s32 $0x0;
	_ =	swait.ge @!p0 [sflag:s0], $0x2000  }
0x1fe: {  	p2 =	sgt.s32 s29, $0xC7;
	s1 =	sadd.s32 $0xFFFFFF78, s25;
	[sflag:s0] =	ssyncset.done @!p0 $0x0  }
0x1ff: {  	s29 =	smov.u32 @p2 s1;
	[sflag:s0] =	ssyncadd.s32 @!p0 $0xFFFFE000;
	p0 =	por $0x1, $0x1  }
.LBB2_7:
0x200: {  	s30 =	sshll.u32 s31, $0x4  }
0x201: {  	v1 =	vld.idx.msk [tilespmem:v0+s30+$0x0 ss:$0x1], $0xffff;
	_ =	sdelay $0x4  }
0x202: {  	v1 =	vand.u32 $0x1, v1  }
0x203: {  	v1 =	vshll.u32 v1, $0x6  }
0x204: {  	(v2sf) =	vpush v1, $0x0  }
0x205: {  	(v2sf) =	vpush v1, $0x1  }
0x206: {  	(v2sf) =	vpush v1, $0x2  }
0x207: {  	(v2sf) =	vpush v1, $0x3  }
0x208: {  	(v2sf) =	vpush v1, $0x4  }
0x209: {  	(v2sf) =	vpush v1, $0x5  }
0x20a: {  	(v2sf) =	vpush v1, $0x6  }
0x20b: {  	(v2sf) =	vpush v1, $0x7  }
0x20c: {  	s2 =	sor.u32 $0x10, s30;
	(v2sf) =	vpush v1, $0x8  }
0x20d: {  	v2 =	vld.idx.msk [tilespmem:v0+s2+$0x0 ss:$0x1], $0xffff;
	(v2sf) =	vpush v1, $0x9  }
0x20e: {  	(v2sf) =	vpush v1, $0xA  }
0x20f: {  	(v2sf) =	vpush v1, $0xB  }
0x210: {  	(v2sf) =	vpush v1, $0xC  }
0x211: {  	(v2sf) =	vpush v1, $0xD  }
0x212: {  	v2 =	vand.u32 $0x1, v2;
	(v2sf) =	vpush v1, $0xE  }
0x213: {  	s17 =	spop (v2sf);
	(v2sf) =	vpush v1, $0xF;
	v1 =	vshll.u32 v2, $0x6  }
0x214: {  	s12 =	spop (v2sf);
	(v2sf) =	vpush v1, $0x0  }
0x215: {  	s9 =	spop (v2sf)  }
0x216: {  	s4 =	spop (v2sf)  }
0x217: {  	s22 =	spop (v2sf)  }
0x218: {  	s21 =	spop (v2sf)  }
0x219: {  	s15 =	spop (v2sf)  }
0x21a: {  	s8 =	spop (v2sf)  }
0x21b: {  	s6 =	spop (v2sf)  }
0x21c: {  	s16 =	spop (v2sf)  }
0x21d: {  	s14 =	spop (v2sf)  }
0x21e: {  	s13 =	spop (v2sf)  }
0x21f: {  	s0 =	sadd.s32 s29, s30;
	s11 =	spop (v2sf)  }
0x220: {  	s18 =	sshll.u32 s31, $0xB;
	s20 =	sshll.u32 s0, $0x9;
	s10 =	spop (v2sf)  }
0x221: {  	s23 =	sadd.s32 s29, s2;
	s20 =	sshra.s32 s20, $0x2;
	s1 =	spop (v2sf)  }
0x222: {  	s23 =	sshll.u32 s23, $0x9;
	v3 =	vld [tilespmem:s20+$0xC800];
	s17 =	sor.u32 s17, s18;
	s0 =	spop (v2sf)  }
0x223: {  	s2 =	sshll.u32 s2, $0x7;
	s23 =	sshra.s32 s23, $0x2;
	v2 =	vld [tilespmem:s17+$0x16C00];
	s19 =	spop (v2sf)  }
0x224: {  	v5 =	vld [tilespmem:s23+$0xC800];
	s19 =	sor.u32 s19, s2  }
0x225: {  	v4 =	vld [tilespmem:s19+$0x16C00];
	_ =	sdelay $0x2  }
0x226: {  	v2 =	vadd.f32 v3, v2;
	_ =	sdelay $0x1  }
0x227: {  	s17 =	sadd.s32 $0x16C00, s17;
	[tilespmem:s18+$0x1AC00] =	vst v2;
	v2 =	vadd.f32 v5, v4  }
0x228: {  	v3 =	vld [tilespmem:s17+$0x10]  }
0x229: {  	v56 =	vld [tilespmem:s20+$0xC810];
	s19 =	sadd.s32 $0x16C00, s19;
	[tilespmem:s2+$0x1AC00] =	vst v2  }
0x22a: {  	v2 =	vld [tilespmem:s19+$0x10]  }
0x22b: {  	v57 =	vld [tilespmem:s23+$0xC810];
	_ =	sdelay $0x2  }
0x22c: {  	v3 =	vadd.f32 v56, v3;
	_ =	sdelay $0x1  }
0x22d: {  	[tilespmem:s18+$0x1AC10] =	vst v3;
	v2 =	vadd.f32 v57, v2  }
0x22e: {  	v3 =	vld [tilespmem:s17+$0x20]  }
0x22f: {  	v58 =	vld [tilespmem:s20+$0xC820];
	[tilespmem:s2+$0x1AC10] =	vst v2  }
0x230: {  	v2 =	vld [tilespmem:s19+$0x20]  }
0x231: {  	(v2sf) =	vpush v1, $0x1;
	v59 =	vld [tilespmem:s23+$0xC820];
	_ =	sdelay $0x2  }
0x232: {  	v3 =	vadd.f32 v58, v3;
	_ =	sdelay $0x1  }
0x233: {  	[tilespmem:s18+$0x1AC20] =	vst v3;
	v2 =	vadd.f32 v59, v2  }
0x234: {  	v3 =	vld [tilespmem:s17+$0x30]  }
0x235: {  	v60 =	vld [tilespmem:s20+$0xC830];
	[tilespmem:s2+$0x1AC20] =	vst v2  }
0x236: {  	v2 =	vld [tilespmem:s19+$0x30]  }
0x237: {  	v61 =	vld [tilespmem:s23+$0xC830];
	_ =	sdelay $0x1  }
0x238: {  	s19 =	sor.u32 $0x1, s30  }
0x239: {  	v3 =	vadd.f32 v60, v3;
	s20 =	sadd.s32 s29, s19  }
0x23a: {  	s17 =	sshll.u32 s19, $0x7;
	s19 =	sshll.u32 s20, $0x9  }
0x23b: {  	[tilespmem:s18+$0x1AC30] =	vst v3;
	s12 =	sor.u32 s12, s17;
	s18 =	sshra.s32 s19, $0x2;
	s19 =	sor.u32 $0x11, s30;
	v2 =	vadd.f32 v61, v2  }
0x23c: {  	s20 =	spop (v2sf);
	v3 =	vld [tilespmem:s12+$0x16C00];
	s23 =	sadd.s32 s29, s19;
	s19 =	sshll.u32 s19, $0x7  }
0x23d: {  	s23 =	sshll.u32 s23, $0x9;
	[tilespmem:s2+$0x1AC30] =	vst v2;
	v2 =	vld [tilespmem:s18+$0xC800];
	s2 =	sor.u32 s20, s19  }
0x23e: {  	s20 =	sshra.s32 s23, $0x2;
	v62 =	vld [tilespmem:s2+$0x16C00]  }
0x23f: {  	v63 =	vld [tilespmem:s20+$0xC800];
	_ =	sdelay $0x2  }
0x240: {  	v2 =	vadd.f32 v2, v3;
	_ =	sdelay $0x1  }
0x241: {  	s12 =	sadd.s32 $0x16C00, s12;
	[tilespmem:s17+$0x1AC00] =	vst v2;
	v2 =	vadd.f32 v63, v62  }
0x242: {  	v3 =	vld [tilespmem:s12+$0x10]  }
0x243: {  	s2 =	sadd.s32 $0x16C00, s2;
	v8 =	vld [tilespmem:s18+$0xC810];
	[tilespmem:s19+$0x1AC00] =	vst v2  }
0x244: {  	v2 =	vld [tilespmem:s2+$0x10]  }
0x245: {  	v9 =	vld [tilespmem:s20+$0xC810];
	_ =	sdelay $0x2  }
0x246: {  	v3 =	vadd.f32 v8, v3;
	_ =	sdelay $0x1  }
0x247: {  	[tilespmem:s17+$0x1AC10] =	vst v3;
	v2 =	vadd.f32 v9, v2  }
0x248: {  	v3 =	vld [tilespmem:s12+$0x20]  }
0x249: {  	(v2sf) =	vpush v1, $0x2;
	v10 =	vld [tilespmem:s18+$0xC820];
	[tilespmem:s19+$0x1AC10] =	vst v2  }
0x24a: {  	v2 =	vld [tilespmem:s2+$0x20]  }
0x24b: {  	v11 =	vld [tilespmem:s20+$0xC820];
	_ =	sdelay $0x2  }
0x24c: {  	v3 =	vadd.f32 v10, v3;
	_ =	sdelay $0x1  }
0x24d: {  	[tilespmem:s17+$0x1AC20] =	vst v3;
	v2 =	vadd.f32 v11, v2  }
0x24e: {  	v3 =	vld [tilespmem:s12+$0x30]  }
0x24f: {  	v12 =	vld [tilespmem:s18+$0xC830];
	[tilespmem:s19+$0x1AC20] =	vst v2  }
0x250: {  	v2 =	vld [tilespmem:s2+$0x30]  }
0x251: {  	v13 =	vld [tilespmem:s20+$0xC830];
	_ =	sdelay $0x2  }
0x252: {  	s12 =	sor.u32 $0x2, s30;
	v3 =	vadd.f32 v12, v3  }
0x253: {  	s23 =	spop (v2sf);
	s18 =	sadd.s32 s29, s12;
	s2 =	sshll.u32 s12, $0x7  }
0x254: {  	s12 =	sshll.u32 s18, $0x9;
	s20 =	sor.u32 $0x12, s30;
	s9 =	sor.u32 s9, s2;
	[tilespmem:s17+$0x1AC30] =	vst v3;
	v2 =	vadd.f32 v13, v2  }
0x255: {  	s12 =	sshra.s32 s12, $0x2;
	s18 =	sadd.s32 s29, s20;
	s17 =	sshll.u32 s20, $0x7;
	v3 =	vld [tilespmem:s9+$0x16C00]  }
0x256: {  	s18 =	sshll.u32 s18, $0x9;
	s23 =	sor.u32 s23, s17;
	[tilespmem:s19+$0x1AC30] =	vst v2;
	v2 =	vld [tilespmem:s12+$0xC800]  }
0x257: {  	s18 =	sshra.s32 s18, $0x2;
	v14 =	vld [tilespmem:s23+$0x16C00]  }
0x258: {  	v15 =	vld [tilespmem:s18+$0xC800];
	_ =	sdelay $0x2  }
0x259: {  	v2 =	vadd.f32 v2, v3;
	_ =	sdelay $0x1  }
0x25a: {  	s9 =	sadd.s32 $0x16C00, s9;
	[tilespmem:s2+$0x1AC00] =	vst v2;
	v2 =	vadd.f32 v15, v14  }
0x25b: {  	v3 =	vld [tilespmem:s9+$0x10]  }
0x25c: {  	s19 =	sadd.s32 $0x16C00, s23;
	v16 =	vld [tilespmem:s12+$0xC810];
	[tilespmem:s17+$0x1AC00] =	vst v2  }
0x25d: {  	v2 =	vld [tilespmem:s19+$0x10]  }
0x25e: {  	v17 =	vld [tilespmem:s18+$0xC810];
	_ =	sdelay $0x2  }
0x25f: {  	v3 =	vadd.f32 v16, v3;
	_ =	sdelay $0x1  }
0x260: {  	[tilespmem:s2+$0x1AC10] =	vst v3;
	v2 =	vadd.f32 v17, v2  }
0x261: {  	v3 =	vld [tilespmem:s9+$0x20]  }
0x262: {  	(v2sf) =	vpush v1, $0x3;
	v18 =	vld [tilespmem:s12+$0xC820];
	[tilespmem:s17+$0x1AC10] =	vst v2  }
0x263: {  	v2 =	vld [tilespmem:s19+$0x20]  }
0x264: {  	v19 =	vld [tilespmem:s18+$0xC820];
	_ =	sdelay $0x2  }
0x265: {  	v3 =	vadd.f32 v18, v3;
	_ =	sdelay $0x1  }
0x266: {  	[tilespmem:s2+$0x1AC20] =	vst v3;
	v2 =	vadd.f32 v19, v2  }
0x267: {  	v3 =	vld [tilespmem:s9+$0x30]  }
0x268: {  	v20 =	vld [tilespmem:s12+$0xC830];
	[tilespmem:s17+$0x1AC20] =	vst v2  }
0x269: {  	v2 =	vld [tilespmem:s19+$0x30]  }
0x26a: {  	v21 =	vld [tilespmem:s18+$0xC830];
	_ =	sdelay $0x2  }
0x26b: {  	s12 =	sor.u32 $0x3, s30;
	v3 =	vadd.f32 v20, v3  }
0x26c: {  	s20 =	spop (v2sf);
	s9 =	sshll.u32 s12, $0x7;
	s18 =	sadd.s32 s29, s12  }
0x26d: {  	s19 =	sor.u32 $0x13, s30;
	s12 =	sshll.u32 s18, $0x9;
	[tilespmem:s2+$0x1AC30] =	vst v3;
	s2 =	sor.u32 s4, s9;
	v2 =	vadd.f32 v21, v2  }
0x26e: {  	s23 =	sadd.s32 s29, s19;
	s4 =	sshra.s32 s12, $0x2;
	s12 =	sshll.u32 s19, $0x7;
	v3 =	vld [tilespmem:s2+$0x16C00]  }
0x26f: {  	s23 =	sshll.u32 s23, $0x9;
	s20 =	sor.u32 s20, s12;
	[tilespmem:s17+$0x1AC30] =	vst v2;
	v2 =	vld [tilespmem:s4+$0xC800]  }
0x270: {  	s18 =	sshra.s32 s23, $0x2;
	v22 =	vld [tilespmem:s20+$0x16C00]  }
0x271: {  	v23 =	vld [tilespmem:s18+$0xC800];
	_ =	sdelay $0x2  }
0x272: {  	v2 =	vadd.f32 v2, v3;
	_ =	sdelay $0x1  }
0x273: {  	s2 =	sadd.s32 $0x16C00, s2;
	[tilespmem:s9+$0x1AC00] =	vst v2;
	v2 =	vadd.f32 v23, v22  }
0x274: {  	v3 =	vld [tilespmem:s2+$0x10]  }
0x275: {  	s17 =	sadd.s32 $0x16C00, s20;
	v24 =	vld [tilespmem:s4+$0xC810];
	[tilespmem:s12+$0x1AC00] =	vst v2  }
0x276: {  	v2 =	vld [tilespmem:s17+$0x10]  }
0x277: {  	v25 =	vld [tilespmem:s18+$0xC810];
	_ =	sdelay $0x2  }
0x278: {  	v3 =	vadd.f32 v24, v3;
	_ =	sdelay $0x1  }
0x279: {  	[tilespmem:s9+$0x1AC10] =	vst v3;
	v2 =	vadd.f32 v25, v2  }
0x27a: {  	v3 =	vld [tilespmem:s2+$0x20]  }
0x27b: {  	v26 =	vld [tilespmem:s4+$0xC820];
	[tilespmem:s12+$0x1AC10] =	vst v2  }
0x27c: {  	v2 =	vld [tilespmem:s17+$0x20]  }
0x27d: {  	(v2sf) =	vpush v1, $0x4;
	v27 =	vld [tilespmem:s18+$0xC820];
	_ =	sdelay $0x2  }
0x27e: {  	v3 =	vadd.f32 v26, v3;
	_ =	sdelay $0x1  }
0x27f: {  	[tilespmem:s9+$0x1AC20] =	vst v3;
	v2 =	vadd.f32 v27, v2  }
0x280: {  	v3 =	vld [tilespmem:s2+$0x30]  }
0x281: {  	v28 =	vld [tilespmem:s4+$0xC830];
	[tilespmem:s12+$0x1AC20] =	vst v2  }
0x282: {  	v2 =	vld [tilespmem:s17+$0x30]  }
0x283: {  	v29 =	vld [tilespmem:s18+$0xC830];
	_ =	sdelay $0x2  }
0x284: {  	s17 =	sor.u32 $0x4, s30;
	v3 =	vadd.f32 v28, v3  }
0x285: {  	s19 =	sor.u32 $0x14, s30;
	s18 =	sadd.s32 s29, s17;
	s2 =	sshll.u32 s17, $0x7  }
0x286: {  	s20 =	sadd.s32 s29, s19;
	s4 =	sshll.u32 s18, $0x9;
	[tilespmem:s9+$0x1AC30] =	vst v3;
	s9 =	sor.u32 s22, s2;
	v2 =	vadd.f32 v29, v2  }
0x287: {  	s17 =	sshll.u32 s19, $0x7;
	s4 =	sshra.s32 s4, $0x2;
	s22 =	spop (v2sf);
	v3 =	vld [tilespmem:s9+$0x16C00]  }
0x288: {  	s18 =	sshll.u32 s20, $0x9;
	s23 =	sor.u32 s22, s17;
	[tilespmem:s12+$0x1AC30] =	vst v2;
	v2 =	vld [tilespmem:s4+$0xC800]  }
0x289: {  	s18 =	sshra.s32 s18, $0x2;
	v30 =	vld [tilespmem:s23+$0x16C00]  }
0x28a: {  	v31 =	vld [tilespmem:s18+$0xC800];
	_ =	sdelay $0x2  }
0x28b: {  	v2 =	vadd.f32 v2, v3;
	_ =	sdelay $0x1  }
0x28c: {  	s9 =	sadd.s32 $0x16C00, s9;
	[tilespmem:s2+$0x1AC00] =	vst v2;
	v2 =	vadd.f32 v31, v30  }
0x28d: {  	v3 =	vld [tilespmem:s9+$0x10]  }
0x28e: {  	s12 =	sadd.s32 $0x16C00, s23;
	v32 =	vld [tilespmem:s4+$0xC810];
	[tilespmem:s17+$0x1AC00] =	vst v2  }
0x28f: {  	v2 =	vld [tilespmem:s12+$0x10]  }
0x290: {  	v33 =	vld [tilespmem:s18+$0xC810];
	_ =	sdelay $0x2  }
0x291: {  	v3 =	vadd.f32 v32, v3;
	_ =	sdelay $0x1  }
0x292: {  	[tilespmem:s2+$0x1AC10] =	vst v3;
	v2 =	vadd.f32 v33, v2  }
0x293: {  	v3 =	vld [tilespmem:s9+$0x20]  }
0x294: {  	v34 =	vld [tilespmem:s4+$0xC820];
	[tilespmem:s17+$0x1AC10] =	vst v2  }
0x295: {  	(v2sf) =	vpush v1, $0x5;
	v2 =	vld [tilespmem:s12+$0x20]  }
0x296: {  	v35 =	vld [tilespmem:s18+$0xC820];
	_ =	sdelay $0x2  }
0x297: {  	v3 =	vadd.f32 v34, v3;
	_ =	sdelay $0x1  }
0x298: {  	[tilespmem:s2+$0x1AC20] =	vst v3;
	v2 =	vadd.f32 v35, v2  }
0x299: {  	v3 =	vld [tilespmem:s9+$0x30]  }
0x29a: {  	v36 =	vld [tilespmem:s4+$0xC830];
	[tilespmem:s17+$0x1AC20] =	vst v2  }
0x29b: {  	v2 =	vld [tilespmem:s12+$0x30]  }
0x29c: {  	v37 =	vld [tilespmem:s18+$0xC830];
	_ =	sdelay $0x2  }
0x29d: {  	s12 =	sor.u32 $0x5, s30;
	v3 =	vadd.f32 v36, v3  }
0x29e: {  	s19 =	sor.u32 $0x15, s30;
	s18 =	sadd.s32 s29, s12;
	s4 =	sshll.u32 s12, $0x7  }
0x29f: {  	s20 =	spop (v2sf);
	s9 =	sshll.u32 s18, $0x9;
	[tilespmem:s2+$0x1AC30] =	vst v3;
	s2 =	sor.u32 s21, s4;
	v2 =	vadd.f32 v37, v2  }
0x2a0: {  	s12 =	sshll.u32 s19, $0x7;
	s9 =	sshra.s32 s9, $0x2;
	s21 =	sadd.s32 s29, s19;
	v3 =	vld [tilespmem:s2+$0x16C00]  }
0x2a1: {  	s22 =	sor.u32 s20, s12;
	s23 =	sshll.u32 s21, $0x9;
	[tilespmem:s17+$0x1AC30] =	vst v2;
	v2 =	vld [tilespmem:s9+$0xC800]  }
0x2a2: {  	s18 =	sshra.s32 s23, $0x2;
	v38 =	vld [tilespmem:s22+$0x16C00]  }
0x2a3: {  	v39 =	vld [tilespmem:s18+$0xC800];
	_ =	sdelay $0x2  }
0x2a4: {  	v2 =	vadd.f32 v2, v3;
	_ =	sdelay $0x1  }
0x2a5: {  	s2 =	sadd.s32 $0x16C00, s2;
	[tilespmem:s4+$0x1AC00] =	vst v2;
	v2 =	vadd.f32 v39, v38  }
0x2a6: {  	v3 =	vld [tilespmem:s2+$0x10]  }
0x2a7: {  	s17 =	sadd.s32 $0x16C00, s22;
	v40 =	vld [tilespmem:s9+$0xC810];
	[tilespmem:s12+$0x1AC00] =	vst v2  }
0x2a8: {  	v2 =	vld [tilespmem:s17+$0x10]  }
0x2a9: {  	v41 =	vld [tilespmem:s18+$0xC810];
	_ =	sdelay $0x2  }
0x2aa: {  	v3 =	vadd.f32 v40, v3;
	_ =	sdelay $0x1  }
0x2ab: {  	[tilespmem:s4+$0x1AC10] =	vst v3;
	v2 =	vadd.f32 v41, v2  }
0x2ac: {  	v3 =	vld [tilespmem:s2+$0x20]  }
0x2ad: {  	v42 =	vld [tilespmem:s9+$0xC820];
	[tilespmem:s12+$0x1AC10] =	vst v2  }
0x2ae: {  	v2 =	vld [tilespmem:s17+$0x20]  }
0x2af: {  	(v2sf) =	vpush v1, $0x6;
	v43 =	vld [tilespmem:s18+$0xC820];
	_ =	sdelay $0x2  }
0x2b0: {  	v3 =	vadd.f32 v42, v3;
	_ =	sdelay $0x1  }
0x2b1: {  	[tilespmem:s4+$0x1AC20] =	vst v3;
	v2 =	vadd.f32 v43, v2  }
0x2b2: {  	v3 =	vld [tilespmem:s2+$0x30]  }
0x2b3: {  	v44 =	vld [tilespmem:s9+$0xC830];
	[tilespmem:s12+$0x1AC20] =	vst v2  }
0x2b4: {  	v2 =	vld [tilespmem:s17+$0x30]  }
0x2b5: {  	v45 =	vld [tilespmem:s18+$0xC830];
	_ =	sdelay $0x2  }
0x2b6: {  	s17 =	sor.u32 $0x6, s30;
	v3 =	vadd.f32 v44, v3  }
0x2b7: {  	s20 =	sor.u32 $0x16, s30;
	s18 =	sadd.s32 s29, s17;
	s2 =	sshll.u32 s17, $0x7  }
0x2b8: {  	s21 =	sadd.s32 s29, s20;
	s9 =	sshll.u32 s18, $0x9;
	s19 =	sor.u32 s15, s2;
	[tilespmem:s4+$0x1AC30] =	vst v3;
	v2 =	vadd.f32 v45, v2  }
0x2b9: {  	s22 =	spop (v2sf);
	s15 =	sshll.u32 s20, $0x7;
	s9 =	sshra.s32 s9, $0x2;
	v3 =	vld [tilespmem:s19+$0x16C00]  }
0x2ba: {  	s17 =	sshll.u32 s21, $0x9;
	s23 =	sor.u32 s22, s15;
	[tilespmem:s12+$0x1AC30] =	vst v2;
	v2 =	vld [tilespmem:s9+$0xC800]  }
0x2bb: {  	s17 =	sshra.s32 s17, $0x2;
	v46 =	vld [tilespmem:s23+$0x16C00]  }
0x2bc: {  	v47 =	vld [tilespmem:s17+$0xC800];
	_ =	sdelay $0x2  }
0x2bd: {  	v2 =	vadd.f32 v2, v3;
	_ =	sdelay $0x1  }
0x2be: {  	s4 =	sadd.s32 $0x16C00, s19;
	[tilespmem:s2+$0x1AC00] =	vst v2;
	v2 =	vadd.f32 v47, v46  }
0x2bf: {  	v3 =	vld [tilespmem:s4+$0x10]  }
0x2c0: {  	s12 =	sadd.s32 $0x16C00, s23;
	v48 =	vld [tilespmem:s9+$0xC810];
	[tilespmem:s15+$0x1AC00] =	vst v2  }
0x2c1: {  	v2 =	vld [tilespmem:s12+$0x10]  }
0x2c2: {  	v49 =	vld [tilespmem:s17+$0xC810];
	_ =	sdelay $0x2  }
0x2c3: {  	v3 =	vadd.f32 v48, v3;
	_ =	sdelay $0x1  }
0x2c4: {  	[tilespmem:s2+$0x1AC10] =	vst v3;
	v2 =	vadd.f32 v49, v2  }
0x2c5: {  	v3 =	vld [tilespmem:s4+$0x20]  }
0x2c6: {  	(v2sf) =	vpush v1, $0x7;
	v50 =	vld [tilespmem:s9+$0xC820];
	[tilespmem:s15+$0x1AC10] =	vst v2  }
0x2c7: {  	v2 =	vld [tilespmem:s12+$0x20]  }
0x2c8: {  	v51 =	vld [tilespmem:s17+$0xC820];
	_ =	sdelay $0x2  }
0x2c9: {  	v3 =	vadd.f32 v50, v3;
	_ =	sdelay $0x1  }
0x2ca: {  	[tilespmem:s2+$0x1AC20] =	vst v3;
	v2 =	vadd.f32 v51, v2  }
0x2cb: {  	v3 =	vld [tilespmem:s4+$0x30]  }
0x2cc: {  	v52 =	vld [tilespmem:s9+$0xC830];
	[tilespmem:s15+$0x1AC20] =	vst v2  }
0x2cd: {  	v2 =	vld [tilespmem:s12+$0x30]  }
0x2ce: {  	v53 =	vld [tilespmem:s17+$0xC830];
	_ =	sdelay $0x2  }
0x2cf: {  	s12 =	sor.u32 $0x7, s30;
	v3 =	vadd.f32 v52, v3  }
0x2d0: {  	s21 =	spop (v2sf);
	s17 =	sadd.s32 s29, s12;
	s4 =	sshll.u32 s12, $0x7  }
0x2d1: {  	s20 =	sor.u32 $0x17, s30;
	s9 =	sshll.u32 s17, $0x9;
	s18 =	sor.u32 s8, s4;
	[tilespmem:s2+$0x1AC30] =	vst v3;
	v2 =	vadd.f32 v53, v2  }
0x2d2: {  	s22 =	sadd.s32 s29, s20;
	s19 =	sshra.s32 s9, $0x2;
	s9 =	sshll.u32 s20, $0x7;
	v3 =	vld [tilespmem:s18+$0x16C00]  }
0x2d3: {  	s23 =	sshll.u32 s22, $0x9;
	s12 =	sor.u32 s21, s9;
	[tilespmem:s15+$0x1AC30] =	vst v2;
	v2 =	vld [tilespmem:s19+$0xC800]  }
0x2d4: {  	s15 =	sshra.s32 s23, $0x2;
	v54 =	vld [tilespmem:s12+$0x16C00]  }
0x2d5: {  	v55 =	vld [tilespmem:s15+$0xC800];
	_ =	sdelay $0x2  }
0x2d6: {  	v2 =	vadd.f32 v2, v3;
	_ =	sdelay $0x1  }
0x2d7: {  	s2 =	sadd.s32 $0x16C00, s18;
	[tilespmem:s4+$0x1AC00] =	vst v2;
	v2 =	vadd.f32 v55, v54  }
0x2d8: {  	v3 =	vld [tilespmem:s2+$0x10]  }
0x2d9: {  	s12 =	sadd.s32 $0x16C00, s12;
	v56 =	vld [tilespmem:s19+$0xC810];
	[tilespmem:s9+$0x1AC00] =	vst v2  }
0x2da: {  	v2 =	vld [tilespmem:s12+$0x10]  }
0x2db: {  	v57 =	vld [tilespmem:s15+$0xC810];
	_ =	sdelay $0x2  }
0x2dc: {  	v3 =	vadd.f32 v56, v3;
	_ =	sdelay $0x1  }
0x2dd: {  	[tilespmem:s4+$0x1AC10] =	vst v3;
	v2 =	vadd.f32 v57, v2  }
0x2de: {  	v3 =	vld [tilespmem:s2+$0x20]  }
0x2df: {  	v58 =	vld [tilespmem:s19+$0xC820];
	[tilespmem:s9+$0x1AC10] =	vst v2  }
0x2e0: {  	v2 =	vld [tilespmem:s12+$0x20]  }
0x2e1: {  	(v2sf) =	vpush v1, $0x8;
	v59 =	vld [tilespmem:s15+$0xC820];
	_ =	sdelay $0x2  }
0x2e2: {  	v3 =	vadd.f32 v58, v3;
	_ =	sdelay $0x1  }
0x2e3: {  	[tilespmem:s4+$0x1AC20] =	vst v3;
	v2 =	vadd.f32 v59, v2  }
0x2e4: {  	v3 =	vld [tilespmem:s2+$0x30]  }
0x2e5: {  	v60 =	vld [tilespmem:s19+$0xC830];
	[tilespmem:s9+$0x1AC20] =	vst v2  }
0x2e6: {  	v2 =	vld [tilespmem:s12+$0x30]  }
0x2e7: {  	v61 =	vld [tilespmem:s15+$0xC830];
	_ =	sdelay $0x2  }
0x2e8: {  	s17 =	sor.u32 $0x8, s30;
	v3 =	vadd.f32 v60, v3  }
0x2e9: {  	s21 =	sor.u32 $0x18, s30;
	s18 =	sadd.s32 s29, s17;
	s2 =	sshll.u32 s17, $0x7  }
0x2ea: {  	s22 =	sadd.s32 s29, s21;
	s8 =	sshll.u32 s18, $0x9;
	s19 =	sor.u32 s6, s2;
	[tilespmem:s4+$0x1AC30] =	vst v3;
	v2 =	vadd.f32 v61, v2  }
0x2eb: {  	s23 =	spop (v2sf);
	s20 =	sshra.s32 s8, $0x2;
	s8 =	sshll.u32 s21, $0x7;
	v3 =	vld [tilespmem:s19+$0x16C00]  }
0x2ec: {  	s15 =	sor.u32 s23, s8;
	s12 =	sshll.u32 s22, $0x9;
	[tilespmem:s9+$0x1AC30] =	vst v2;
	v2 =	vld [tilespmem:s20+$0xC800]  }
0x2ed: {  	s12 =	sshra.s32 s12, $0x2;
	v62 =	vld [tilespmem:s15+$0x16C00]  }
0x2ee: {  	v63 =	vld [tilespmem:s12+$0xC800];
	_ =	sdelay $0x2  }
0x2ef: {  	v2 =	vadd.f32 v2, v3;
	_ =	sdelay $0x1  }
0x2f0: {  	s4 =	sadd.s32 $0x16C00, s19;
	[tilespmem:s2+$0x1AC00] =	vst v2;
	v2 =	vadd.f32 v63, v62  }
0x2f1: {  	v3 =	vld [tilespmem:s4+$0x10]  }
0x2f2: {  	s9 =	sadd.s32 $0x16C00, s15;
	v8 =	vld [tilespmem:s20+$0xC810];
	[tilespmem:s8+$0x1AC00] =	vst v2  }
0x2f3: {  	v2 =	vld [tilespmem:s9+$0x10]  }
0x2f4: {  	v9 =	vld [tilespmem:s12+$0xC810];
	_ =	sdelay $0x2  }
0x2f5: {  	v3 =	vadd.f32 v8, v3;
	_ =	sdelay $0x1  }
0x2f6: {  	[tilespmem:s2+$0x1AC10] =	vst v3;
	v2 =	vadd.f32 v9, v2  }
0x2f7: {  	v3 =	vld [tilespmem:s4+$0x20]  }
0x2f8: {  	(v2sf) =	vpush v1, $0x9;
	v10 =	vld [tilespmem:s20+$0xC820];
	[tilespmem:s8+$0x1AC10] =	vst v2  }
0x2f9: {  	v2 =	vld [tilespmem:s9+$0x20]  }
0x2fa: {  	v11 =	vld [tilespmem:s12+$0xC820];
	_ =	sdelay $0x2  }
0x2fb: {  	v3 =	vadd.f32 v10, v3;
	_ =	sdelay $0x1  }
0x2fc: {  	[tilespmem:s2+$0x1AC20] =	vst v3;
	v2 =	vadd.f32 v11, v2  }
0x2fd: {  	v3 =	vld [tilespmem:s4+$0x30]  }
0x2fe: {  	v12 =	vld [tilespmem:s20+$0xC830];
	[tilespmem:s8+$0x1AC20] =	vst v2  }
0x2ff: {  	v2 =	vld [tilespmem:s9+$0x30]  }
0x300: {  	v13 =	vld [tilespmem:s12+$0xC830];
	_ =	sdelay $0x2  }
0x301: {  	s17 =	sor.u32 $0x9, s30;
	v3 =	vadd.f32 v12, v3  }
0x302: {  	s21 =	spop (v2sf);
	s18 =	sadd.s32 s29, s17;
	s4 =	sshll.u32 s17, $0x7  }
0x303: {  	s6 =	sshll.u32 s18, $0x9;
	s20 =	sor.u32 $0x19, s30;
	s19 =	sor.u32 s16, s4;
	[tilespmem:s2+$0x1AC30] =	vst v3;
	v2 =	vadd.f32 v13, v2  }
0x304: {  	s6 =	sshra.s32 s6, $0x2;
	s22 =	sadd.s32 s29, s20;
	s9 =	sshll.u32 s20, $0x7;
	v3 =	vld [tilespmem:s19+$0x16C00]  }
0x305: {  	s16 =	sshll.u32 s22, $0x9;
	s23 =	sor.u32 s21, s9;
	[tilespmem:s8+$0x1AC30] =	vst v2;
	v2 =	vld [tilespmem:s6+$0xC800]  }
0x306: {  	s12 =	sshra.s32 s16, $0x2;
	v14 =	vld [tilespmem:s23+$0x16C00]  }
0x307: {  	v15 =	vld [tilespmem:s12+$0xC800];
	_ =	sdelay $0x2  }
0x308: {  	v2 =	vadd.f32 v2, v3;
	_ =	sdelay $0x1  }
0x309: {  	s2 =	sadd.s32 $0x16C00, s19;
	[tilespmem:s4+$0x1AC00] =	vst v2;
	v2 =	vadd.f32 v15, v14  }
0x30a: {  	v3 =	vld [tilespmem:s2+$0x10]  }
0x30b: {  	s8 =	sadd.s32 $0x16C00, s23;
	v16 =	vld [tilespmem:s6+$0xC810];
	[tilespmem:s9+$0x1AC00] =	vst v2  }
0x30c: {  	v2 =	vld [tilespmem:s8+$0x10]  }
0x30d: {  	v17 =	vld [tilespmem:s12+$0xC810];
	_ =	sdelay $0x2  }
0x30e: {  	v3 =	vadd.f32 v16, v3;
	_ =	sdelay $0x1  }
0x30f: {  	[tilespmem:s4+$0x1AC10] =	vst v3;
	v2 =	vadd.f32 v17, v2  }
0x310: {  	v3 =	vld [tilespmem:s2+$0x20]  }
0x311: {  	v18 =	vld [tilespmem:s6+$0xC820];
	[tilespmem:s9+$0x1AC10] =	vst v2  }
0x312: {  	(v2sf) =	vpush v1, $0xA;
	v2 =	vld [tilespmem:s8+$0x20]  }
0x313: {  	v19 =	vld [tilespmem:s12+$0xC820];
	_ =	sdelay $0x2  }
0x314: {  	v3 =	vadd.f32 v18, v3;
	_ =	sdelay $0x1  }
0x315: {  	[tilespmem:s4+$0x1AC20] =	vst v3;
	v2 =	vadd.f32 v19, v2  }
0x316: {  	v3 =	vld [tilespmem:s2+$0x30]  }
0x317: {  	v20 =	vld [tilespmem:s6+$0xC830];
	[tilespmem:s9+$0x1AC20] =	vst v2  }
0x318: {  	v2 =	vld [tilespmem:s8+$0x30]  }
0x319: {  	v21 =	vld [tilespmem:s12+$0xC830];
	_ =	sdelay $0x2  }
0x31a: {  	s17 =	sor.u32 $0xA, s30;
	v3 =	vadd.f32 v20, v3  }
0x31b: {  	s18 =	sadd.s32 s29, s17;
	s20 =	sor.u32 $0x1A, s30;
	s2 =	sshll.u32 s17, $0x7  }
0x31c: {  	s22 =	spop (v2sf);
	s6 =	sshll.u32 s18, $0x9;
	s19 =	sor.u32 s14, s2;
	[tilespmem:s4+$0x1AC30] =	vst v3;
	v2 =	vadd.f32 v21, v2  }
0x31d: {  	s21 =	sadd.s32 s29, s20;
	s6 =	sshra.s32 s6, $0x2;
	s8 =	sshll.u32 s20, $0x7;
	v3 =	vld [tilespmem:s19+$0x16C00]  }
0x31e: {  	s12 =	sshll.u32 s21, $0x9;
	s23 =	sor.u32 s22, s8;
	[tilespmem:s9+$0x1AC30] =	vst v2;
	v2 =	vld [tilespmem:s6+$0xC800]  }
0x31f: {  	s12 =	sshra.s32 s12, $0x2;
	v22 =	vld [tilespmem:s23+$0x16C00]  }
0x320: {  	v23 =	vld [tilespmem:s12+$0xC800];
	_ =	sdelay $0x2  }
0x321: {  	v2 =	vadd.f32 v2, v3;
	_ =	sdelay $0x1  }
0x322: {  	s4 =	sadd.s32 $0x16C00, s19;
	[tilespmem:s2+$0x1AC00] =	vst v2;
	v2 =	vadd.f32 v23, v22  }
0x323: {  	v3 =	vld [tilespmem:s4+$0x10]  }
0x324: {  	s9 =	sadd.s32 $0x16C00, s23;
	v24 =	vld [tilespmem:s6+$0xC810];
	[tilespmem:s8+$0x1AC00] =	vst v2  }
0x325: {  	v2 =	vld [tilespmem:s9+$0x10]  }
0x326: {  	v25 =	vld [tilespmem:s12+$0xC810];
	_ =	sdelay $0x2  }
0x327: {  	v3 =	vadd.f32 v24, v3;
	_ =	sdelay $0x1  }
0x328: {  	[tilespmem:s2+$0x1AC10] =	vst v3;
	v2 =	vadd.f32 v25, v2  }
0x329: {  	v3 =	vld [tilespmem:s4+$0x20]  }
0x32a: {  	v26 =	vld [tilespmem:s6+$0xC820];
	[tilespmem:s8+$0x1AC10] =	vst v2  }
0x32b: {  	(v2sf) =	vpush v1, $0xB;
	v2 =	vld [tilespmem:s9+$0x20]  }
0x32c: {  	v27 =	vld [tilespmem:s12+$0xC820];
	_ =	sdelay $0x2  }
0x32d: {  	v3 =	vadd.f32 v26, v3;
	_ =	sdelay $0x1  }
0x32e: {  	[tilespmem:s2+$0x1AC20] =	vst v3;
	v2 =	vadd.f32 v27, v2  }
0x32f: {  	v3 =	vld [tilespmem:s4+$0x30]  }
0x330: {  	v28 =	vld [tilespmem:s6+$0xC830];
	[tilespmem:s8+$0x1AC20] =	vst v2  }
0x331: {  	v2 =	vld [tilespmem:s9+$0x30]  }
0x332: {  	v29 =	vld [tilespmem:s12+$0xC830];
	_ =	sdelay $0x2  }
0x333: {  	s12 =	sor.u32 $0xB, s30;
	v3 =	vadd.f32 v28, v3  }
0x334: {  	s16 =	sor.u32 $0x1B, s30;
	s14 =	sadd.s32 s29, s12;
	s4 =	sshll.u32 s12, $0x7  }
0x335: {  	s17 =	spop (v2sf);
	s6 =	sshll.u32 s14, $0x9;
	s15 =	sor.u32 s13, s4;
	[tilespmem:s2+$0x1AC30] =	vst v3;
	v2 =	vadd.f32 v29, v2  }
0x336: {  	s18 =	sadd.s32 s29, s16;
	s9 =	sshll.u32 s16, $0x7;
	s6 =	sshra.s32 s6, $0x2;
	v3 =	vld [tilespmem:s15+$0x16C00]  }
0x337: {  	s20 =	sshll.u32 s18, $0x9;
	s19 =	sor.u32 s17, s9;
	[tilespmem:s8+$0x1AC30] =	vst v2;
	v2 =	vld [tilespmem:s6+$0xC800]  }
0x338: {  	s12 =	sshra.s32 s20, $0x2;
	v30 =	vld [tilespmem:s19+$0x16C00]  }
0x339: {  	v31 =	vld [tilespmem:s12+$0xC800];
	_ =	sdelay $0x2  }
0x33a: {  	v2 =	vadd.f32 v2, v3;
	_ =	sdelay $0x1  }
0x33b: {  	s2 =	sadd.s32 $0x16C00, s15;
	[tilespmem:s4+$0x1AC00] =	vst v2;
	v2 =	vadd.f32 v31, v30  }
0x33c: {  	v3 =	vld [tilespmem:s2+$0x10]  }
0x33d: {  	s8 =	sadd.s32 $0x16C00, s19;
	v32 =	vld [tilespmem:s6+$0xC810];
	[tilespmem:s9+$0x1AC00] =	vst v2  }
0x33e: {  	v2 =	vld [tilespmem:s8+$0x10]  }
0x33f: {  	v33 =	vld [tilespmem:s12+$0xC810];
	_ =	sdelay $0x2  }
0x340: {  	v3 =	vadd.f32 v32, v3;
	_ =	sdelay $0x1  }
0x341: {  	[tilespmem:s4+$0x1AC10] =	vst v3;
	v2 =	vadd.f32 v33, v2  }
0x342: {  	v3 =	vld [tilespmem:s2+$0x20]  }
0x343: {  	(v2sf) =	vpush v1, $0xC;
	v34 =	vld [tilespmem:s6+$0xC820];
	[tilespmem:s9+$0x1AC10] =	vst v2  }
0x344: {  	v2 =	vld [tilespmem:s8+$0x20]  }
0x345: {  	v35 =	vld [tilespmem:s12+$0xC820];
	_ =	sdelay $0x2  }
0x346: {  	v3 =	vadd.f32 v34, v3;
	_ =	sdelay $0x1  }
0x347: {  	[tilespmem:s4+$0x1AC20] =	vst v3;
	v2 =	vadd.f32 v35, v2  }
0x348: {  	v3 =	vld [tilespmem:s2+$0x30]  }
0x349: {  	v36 =	vld [tilespmem:s6+$0xC830];
	[tilespmem:s9+$0x1AC20] =	vst v2  }
0x34a: {  	v2 =	vld [tilespmem:s8+$0x30]  }
0x34b: {  	v37 =	vld [tilespmem:s12+$0xC830];
	_ =	sdelay $0x2  }
0x34c: {  	s21 =	sor.u32 $0xC, s30;
	v3 =	vadd.f32 v36, v3  }
0x34d: {  	s22 =	sadd.s32 s29, s21;
	s14 =	spop (v2sf);
	s2 =	sshll.u32 s21, $0x7  }
0x34e: {  	s6 =	sshll.u32 s22, $0x9;
	s23 =	sor.u32 s11, s2;
	s12 =	sor.u32 $0x1C, s30;
	[tilespmem:s4+$0x1AC30] =	vst v3;
	v2 =	vadd.f32 v37, v2  }
0x34f: {  	s6 =	sshra.s32 s6, $0x2;
	s13 =	sadd.s32 s29, s12;
	s8 =	sshll.u32 s12, $0x7;
	v3 =	vld [tilespmem:s23+$0x16C00]  }
0x350: {  	s15 =	sor.u32 s14, s8;
	s11 =	sshll.u32 s13, $0x9;
	[tilespmem:s9+$0x1AC30] =	vst v2;
	v2 =	vld [tilespmem:s6+$0xC800]  }
0x351: {  	s11 =	sshra.s32 s11, $0x2;
	v38 =	vld [tilespmem:s15+$0x16C00]  }
0x352: {  	v39 =	vld [tilespmem:s11+$0xC800];
	_ =	sdelay $0x2  }
0x353: {  	v2 =	vadd.f32 v2, v3;
	_ =	sdelay $0x1  }
0x354: {  	s4 =	sadd.s32 $0x16C00, s23;
	[tilespmem:s2+$0x1AC00] =	vst v2;
	v2 =	vadd.f32 v39, v38  }
0x355: {  	v3 =	vld [tilespmem:s4+$0x10]  }
0x356: {  	s9 =	sadd.s32 $0x16C00, s15;
	v40 =	vld [tilespmem:s6+$0xC810];
	[tilespmem:s8+$0x1AC00] =	vst v2  }
0x357: {  	v2 =	vld [tilespmem:s9+$0x10]  }
0x358: {  	v41 =	vld [tilespmem:s11+$0xC810];
	_ =	sdelay $0x2  }
0x359: {  	v3 =	vadd.f32 v40, v3;
	_ =	sdelay $0x1  }
0x35a: {  	[tilespmem:s2+$0x1AC10] =	vst v3;
	v2 =	vadd.f32 v41, v2  }
0x35b: {  	v3 =	vld [tilespmem:s4+$0x20]  }
0x35c: {  	v42 =	vld [tilespmem:s6+$0xC820];
	[tilespmem:s8+$0x1AC10] =	vst v2  }
0x35d: {  	(v2sf) =	vpush v1, $0xD;
	v2 =	vld [tilespmem:s9+$0x20]  }
0x35e: {  	v43 =	vld [tilespmem:s11+$0xC820];
	_ =	sdelay $0x2  }
0x35f: {  	v3 =	vadd.f32 v42, v3;
	_ =	sdelay $0x1  }
0x360: {  	[tilespmem:s2+$0x1AC20] =	vst v3;
	v2 =	vadd.f32 v43, v2  }
0x361: {  	v3 =	vld [tilespmem:s4+$0x30]  }
0x362: {  	v44 =	vld [tilespmem:s6+$0xC830];
	[tilespmem:s8+$0x1AC20] =	vst v2  }
0x363: {  	v2 =	vld [tilespmem:s9+$0x30]  }
0x364: {  	v45 =	vld [tilespmem:s11+$0xC830];
	_ =	sdelay $0x2  }
0x365: {  	s16 =	sor.u32 $0xD, s30;
	v3 =	vadd.f32 v44, v3  }
0x366: {  	s17 =	sadd.s32 s29, s16;
	s19 =	sor.u32 $0x1D, s30;
	s4 =	sshll.u32 s16, $0x7  }
0x367: {  	s20 =	spop (v2sf);
	s6 =	sshll.u32 s17, $0x9;
	s18 =	sor.u32 s10, s4;
	[tilespmem:s2+$0x1AC30] =	vst v3;
	v2 =	vadd.f32 v45, v2  }
0x368: {  	s21 =	sadd.s32 s29, s19;
	s6 =	sshra.s32 s6, $0x2;
	s9 =	sshll.u32 s19, $0x7;
	v3 =	vld [tilespmem:s18+$0x16C00]  }
0x369: {  	s23 =	sshll.u32 s21, $0x9;
	s22 =	sor.u32 s20, s9;
	[tilespmem:s8+$0x1AC30] =	vst v2;
	v2 =	vld [tilespmem:s6+$0xC800]  }
0x36a: {  	s10 =	sshra.s32 s23, $0x2;
	v46 =	vld [tilespmem:s22+$0x16C00]  }
0x36b: {  	v47 =	vld [tilespmem:s10+$0xC800];
	_ =	sdelay $0x2  }
0x36c: {  	v2 =	vadd.f32 v2, v3;
	_ =	sdelay $0x1  }
0x36d: {  	s2 =	sadd.s32 $0x16C00, s18;
	[tilespmem:s4+$0x1AC00] =	vst v2;
	v2 =	vadd.f32 v47, v46  }
0x36e: {  	v3 =	vld [tilespmem:s2+$0x10]  }
0x36f: {  	s8 =	sadd.s32 $0x16C00, s22;
	v48 =	vld [tilespmem:s6+$0xC810];
	[tilespmem:s9+$0x1AC00] =	vst v2  }
0x370: {  	v2 =	vld [tilespmem:s8+$0x10]  }
0x371: {  	v49 =	vld [tilespmem:s10+$0xC810];
	_ =	sdelay $0x2  }
0x372: {  	v3 =	vadd.f32 v48, v3;
	_ =	sdelay $0x1  }
0x373: {  	[tilespmem:s4+$0x1AC10] =	vst v3;
	v2 =	vadd.f32 v49, v2  }
0x374: {  	v3 =	vld [tilespmem:s2+$0x20]  }
0x375: {  	v50 =	vld [tilespmem:s6+$0xC820];
	[tilespmem:s9+$0x1AC10] =	vst v2  }
0x376: {  	v2 =	vld [tilespmem:s8+$0x20]  }
0x377: {  	(v2sf) =	vpush v1, $0xE;
	v51 =	vld [tilespmem:s10+$0xC820];
	_ =	sdelay $0x2  }
0x378: {  	v3 =	vadd.f32 v50, v3;
	_ =	sdelay $0x1  }
0x379: {  	[tilespmem:s4+$0x1AC20] =	vst v3;
	v2 =	vadd.f32 v51, v2  }
0x37a: {  	v3 =	vld [tilespmem:s2+$0x30]  }
0x37b: {  	v52 =	vld [tilespmem:s6+$0xC830];
	[tilespmem:s9+$0x1AC20] =	vst v2  }
0x37c: {  	v2 =	vld [tilespmem:s8+$0x30]  }
0x37d: {  	v53 =	vld [tilespmem:s10+$0xC830];
	_ =	sdelay $0x2  }
0x37e: {  	s10 =	sor.u32 $0xE, s30;
	v3 =	vadd.f32 v52, v3  }
0x37f: {  	s13 =	sor.u32 $0x1E, s30;
	s11 =	sadd.s32 s29, s10;
	s2 =	sshll.u32 s10, $0x7  }
0x380: {  	s14 =	sadd.s32 s29, s13;
	s6 =	sshll.u32 s11, $0x9;
	s1 =	sor.u32 s1, s2;
	[tilespmem:s4+$0x1AC30] =	vst v3;
	v2 =	vadd.f32 v53, v2  }
0x381: {  	s15 =	spop (v2sf);
	s12 =	sshra.s32 s6, $0x2;
	s6 =	sshll.u32 s13, $0x7;
	v3 =	vld [tilespmem:s1+$0x16C00]  }
0x382: {  	s8 =	sshll.u32 s14, $0x9;
	s16 =	sor.u32 s15, s6;
	[tilespmem:s9+$0x1AC30] =	vst v2;
	v2 =	vld [tilespmem:s12+$0xC800]  }
0x383: {  	s8 =	sshra.s32 s8, $0x2;
	v54 =	vld [tilespmem:s16+$0x16C00]  }
0x384: {  	v55 =	vld [tilespmem:s8+$0xC800];
	_ =	sdelay $0x2  }
0x385: {  	v2 =	vadd.f32 v2, v3;
	_ =	sdelay $0x1  }
0x386: {  	s1 =	sadd.s32 $0x16C00, s1;
	[tilespmem:s2+$0x1AC00] =	vst v2;
	v2 =	vadd.f32 v55, v54  }
0x387: {  	v3 =	vld [tilespmem:s1+$0x10]  }
0x388: {  	s9 =	sadd.s32 $0x16C00, s16;
	v56 =	vld [tilespmem:s12+$0xC810];
	[tilespmem:s6+$0x1AC00] =	vst v2  }
0x389: {  	v2 =	vld [tilespmem:s9+$0x10]  }
0x38a: {  	v57 =	vld [tilespmem:s8+$0xC810];
	_ =	sdelay $0x2  }
0x38b: {  	v3 =	vadd.f32 v56, v3;
	_ =	sdelay $0x1  }
0x38c: {  	[tilespmem:s2+$0x1AC10] =	vst v3;
	v2 =	vadd.f32 v57, v2  }
0x38d: {  	v3 =	vld [tilespmem:s1+$0x20]  }
0x38e: {  	(v2sf) =	vpush v1, $0xF;
	v58 =	vld [tilespmem:s12+$0xC820];
	[tilespmem:s6+$0x1AC10] =	vst v2  }
0x38f: {  	v2 =	vld [tilespmem:s9+$0x20]  }
0x390: {  	v1 =	vld [tilespmem:s8+$0xC820];
	_ =	sdelay $0x2  }
0x391: {  	v3 =	vadd.f32 v58, v3;
	_ =	sdelay $0x1  }
0x392: {  	[tilespmem:s2+$0x1AC20] =	vst v3;
	v1 =	vadd.f32 v1, v2  }
0x393: {  	v2 =	vld [tilespmem:s1+$0x30]  }
0x394: {  	v3 =	vld [tilespmem:s12+$0xC830];
	[tilespmem:s6+$0x1AC20] =	vst v1  }
0x395: {  	v1 =	vld [tilespmem:s9+$0x30]  }
0x396: {  	v59 =	vld [tilespmem:s8+$0xC830];
	_ =	sdelay $0x2  }
0x397: {  	s17 =	sshllo.u32 s31, $0x4;
	v2 =	vadd.f32 v3, v2  }
0x398: {  	s21 =	spop (v2sf);
	s18 =	sadd.s32 s29, s17;
	s1 =	sshll.u32 s17, $0x7  }
0x399: {  	s20 =	sor.u32 $0x1F, s30;
	s4 =	sshll.u32 s18, $0x9;
	s0 =	sor.u32 s0, s1;
	[tilespmem:s2+$0x1AC30] =	vst v2;
	v1 =	vadd.f32 v59, v1  }
0x39a: {  	s22 =	sadd.s32 s29, s20;
	s19 =	sshra.s32 s4, $0x2;
	s4 =	sshll.u32 s20, $0x7;
	v2 =	vld [tilespmem:s0+$0x16C00]  }
0x39b: {  	s30 =	sshll.u32 s22, $0x9;
	s23 =	sor.u32 s21, s4;
	v3 =	vld [tilespmem:s19+$0xC800];
	[tilespmem:s6+$0x1AC30] =	vst v1  }
0x39c: {  	s8 =	sshra.s32 s30, $0x2;
	v1 =	vld [tilespmem:s23+$0x16C00]  }
0x39d: {  	v60 =	vld [tilespmem:s8+$0xC800];
	_ =	sdelay $0x2  }
0x39e: {  	v2 =	vadd.f32 v3, v2;
	_ =	sdelay $0x1  }
0x39f: {  	s0 =	sadd.s32 $0x16C00, s0;
	[tilespmem:s1+$0x1AC00] =	vst v2;
	v1 =	vadd.f32 v60, v1  }
0x3a0: {  	v2 =	vld [tilespmem:s0+$0x10]  }
0x3a1: {  	s6 =	sadd.s32 $0x16C00, s23;
	v3 =	vld [tilespmem:s19+$0xC810];
	[tilespmem:s4+$0x1AC00] =	vst v1  }
0x3a2: {  	v1 =	vld [tilespmem:s6+$0x10]  }
0x3a3: {  	v61 =	vld [tilespmem:s8+$0xC810];
	_ =	sdelay $0x2  }
0x3a4: {  	v2 =	vadd.f32 v3, v2;
	_ =	sdelay $0x1  }
0x3a5: {  	[tilespmem:s1+$0x1AC10] =	vst v2;
	v1 =	vadd.f32 v61, v1  }
0x3a6: {  	v2 =	vld [tilespmem:s0+$0x20]  }
0x3a7: {  	v3 =	vld [tilespmem:s19+$0xC820];
	[tilespmem:s4+$0x1AC10] =	vst v1  }
0x3a8: {  	v1 =	vld [tilespmem:s6+$0x20]  }
0x3a9: {  	v62 =	vld [tilespmem:s8+$0xC820];
	_ =	sdelay $0x2  }
0x3aa: {  	v2 =	vadd.f32 v3, v2;
	_ =	sdelay $0x1  }
0x3ab: {  	[tilespmem:s1+$0x1AC20] =	vst v2;
	v1 =	vadd.f32 v62, v1  }
0x3ac: {  	v2 =	vld [tilespmem:s0+$0x30]  }
0x3ad: {  	v3 =	vld [tilespmem:s19+$0xC830];
	[tilespmem:s4+$0x1AC20] =	vst v1  }
0x3ae: {  	v1 =	vld [tilespmem:s6+$0x30]  }
0x3af: {  	v63 =	vld [tilespmem:s8+$0xC830];
	_ =	sdelay $0x1  }
0x3b0: {  	p2 =	por p0, p0  }
.Ltmp2:
0x3b1: {  	_ = 	snop;
	(pc) =	sbr.rel @p2 .LBB2_7-.Ltmp2, $4  }
0x3b2: {  	v2 =	vadd.f32 v3, v2  }
0x3b3: {  	v1 =	vadd.f32 v63, v1  }
0x3b4: {  	[tilespmem:s1+$0x1AC30] =	vst v2  }
0x3b5: {  	p0 =	por $0x0, $0x0;
	s31 =	simm.s32 $0x2;
	[tilespmem:s4+$0x1AC30] =	vst v1  }
0x3b6: {  	s0 =	sadd.s32 @!p1 $0x64C0, s26  }
0x3b7: {  	s1 =	simm.s32 @!p1 $0x40;
	s2 =	simm.s32 @!p1 $0x16C00;
	s30 =	sshll.u32 s28, $0xD  }
0x3b8: {  	[tilespmem:s2], [sflag:$0x2] =	stream.indirect.gather @!p1 [hbm4b:s3+s1], $0x80, s0, s1, $0xb8;
	[tilespmem:$0x1CC00] =	vst v63  }
0x3b9: {  	s0 =	sadd.s32 s7, s30  }
0x3ba: {  	s0 =	sshrl.u32 s0, $0x3  }
0x3bb: {  	s19 =	simm.s32 $0x0;
	s31 =	simm.s32 $0x1AC00;
	s0 =	sadd.s32 s5, s0  }
0x3bc: {  	[hbm4b:s0+s19] =	stream.linear.scatter [tilespmem:s31], [sflag:$0x4], $0x2000, $0x38;
	[tilespmem:$0x1CC00] =	vst v63  }
0x3bd: {  	s0 =	sadd.s32 $0x80, s25  }
0x3be: {  	s24 =	sadd.s32 $0x1, s24;
	s1 =	sadd.s32 $0xFFFFFFB8, s25;
	p0 =	sgt.s32 s0, $0xC7  }
0x3bf: {  	s0 =	smov.u32 @p0 s1;
	p0 =	sne.s32 s24, $0xC8  }
.Ltmp3:
0x3c0: {  	_ = 	snop;
	(pc) =	sbr.rel @p0 .LBB2_4-.Ltmp3, $2  }
0x3c1: {  	_ =	sdelay $0x2  }
0x3c2: {  	s25 =	smov.u32 s0  }
0x3c3: {  	s0 =	simm.s32 $0x3  }
0x3c4: {  	_ =	swait.ge [sflag:s0], $0x2000  }
0x3c5: {  	[sflag:s0] =	ssyncset.done $0x0  }
0x3c6: {  	s1 =	simm.s32 $0x4;
	[sflag:s0] =	ssyncadd.s32 $0xFFFFE000  }
0x3c7: {  	_ =	swait.ge [sflag:s1], $0x2000  }
0x3c8: {  	s2 =	rddreg [dreg:$0x6]  }
0x3c9: {  	s31 =	rddreg [dreg:$0x5];
	s2 =	sadd.s32 $0x1, s2  }
0x3ca: {  	p0 =	sne.s32 s2, s31  }
.Ltmp4:
0x3cb: {  	_ = 	snop;
	(pc) =	sbr.rel @p0 .LBB2_1-.Ltmp4, $3  }
0x3cc: {  	_ =	sdelay $0x1  }
0x3cd: {  	[sflag:s1] =	ssyncset.done $0x0  }
0x3ce: {  	s6 =	simm.s32 $0x40;
	s8 =	simm.s32 $0x6440;
	[sflag:s1] =	ssyncadd.s32 $0xFFFFE000  }
0x3cf: {  	_ =	sfence.sel $0x180000  }
0x3d0: {  	[bflag:$0x0] =	sbarrier.arrive $0xFFFF  }
0x3d1: {  	_ =	strace $0x90000047  }
0x3d2: {  	s0 =	stileid.u32;
	[bflag:$0x2] =	sbarrier.arrive $0xFFFF  }
0x3d3: {  	p0 =	sne.s32 s0, $0x0;
	s0 =	rddreg [dreg:$0x2]  }
0x3d4: {  	s0 =	sadd.s32 @!p0 $0x100000, s0  }
0x3d5: {  	[sflag:s0] =	ssyncadd.tile.s32 @!p0 $0x1;
	_ =	shalt  }
.Lfunc_end2:
_tile_overlayer_lowered:
.L_overlay_start_2:
0x3d6: {  	(tag) =	ssettag $0x2  }
0x3d7: {  	s0 =	rddreg [dreg:$0x0];
	s2 =	stileid.u32  }
0x3d8: {  	s1 =	rddreg [dreg:$0x1];
	p0 =	sne.s32 s2, $0x0  }
0x3d9: {  	s3 =	rddreg [dreg:$0x2];
	[bflag:$0x3] =	sbarrier.arrive $0xFFFF;
	s2 =	simm.s32 @!p0 $0x1C05  }
0x3da: {  	[timem:s3], [sflag:s2] =	dma.local @!p0 [hbm:s0], s1  }
0x3db: {  	s0 =	simm.s32 @!p0 $0x5  }
0x3dc: {  	_ =	swait.ge @!p0 [sflag:s0], s1  }
0x3dd: {  	s1 =	ssub.s32 @!p0 $0x0, s1;
	[sflag:s0] =	ssyncset.done @!p0 $0x0  }
0x3de: {  	[sflag:s0] =	ssyncadd.s32 @!p0 s1  }
0x3df: {  	[bflag:$0x3] =	sbarrier.arrive $0xFFFF  }
0x3e0: {  	_ =	shalt  }

// kernel: sparse-core-data-format-call.cloned.1.call-start
scs
called_computation_lowered:
.L_overlay_start_0:
0x0: {  	s2 =	sld [smem:$0x3FD9]  }
0x1: {  	s3 =	sld [smem:$0x3FFE];
	_ =	sdelay $0x1  }
0x2: {  	s1 =	srdreg.scid  }
0x3: {  	s0 =	sand.u32 $0x1, s1  }
0x4: {  	s18 =	sshll.u32 s0, $0xA;
	s2 =	sadd.s32 s3, s2  }
0x5: {  	s2 =	sadd.s32 s2, s18  }
0x6: {  	[smem:$0x3FC5] =	sst s2  }
0x7: {  	_ = 	snop  }
0x8: {  	s2 =	sld [smem:$0x3FD0];
	(tm) =	ssettm $0x1  }
0x9: {  	s19 =	sld [smem:$0x3FFB];
	_ =	sdelay $0x3  }
0xa: {  	_ =	strace s19  }
0xb: {  	s3 =	sld [smem:$0x3FFC];
	_ =	sdelay $0x3  }
0xc: {  	_ =	strace s3  }
0xd: {  	s3 =	sld [smem:$0x3FFD];
	_ =	sdelay $0x3  }
0xe: {  	_ =	strace s3  }
0xf: {  	_ =	strace $0x8FFFFFFF  }
0x10: {  	s20 =	sld [smem:$0x3FDB];
	_ =	sdelay $0x1  }
0x11: {  	s4 =	simm.s32 $_scs_section_size  }
0x12: {  	s5 =	simm.s32 $_size__tile_overlayer_lowered;
	s6 =	simm.s32 $_tile_overlayer_lowered  }
0x13: {  	s23 =	simm.s32 $0x1BFF;
	s22 =	sshll.u32 s6, $0x1;
	s3 =	sadd.s32 s4, s20  }
0x14: {  	s7 =	simm.s32 $0x0;
	s21 =	sshll.u32 s5, $0x1;
	s5 =	sadd.s32 s22, s3  }
0x15: {  	[timem:s7], [sflag:s23] =	dma.local [hbm:s5], s21  }
0x16: {  	_ =	swait.ge [sflag:s23], s21  }
0x17: {  	s4 =	ssub.s32 $0x0, s21;
	[sflag:s23] =	ssyncset.done $0x0  }
0x18: {  	[sflag:s23] =	ssyncadd.s32 s4;
	_ =	sdelay $0x1  }
0x19: {  	s24 =	simm.s32 $0x1B8B  }
0x1a: {  	_ =	swait.ge [sflag:s24], $0x1  }
0x1b: {  	[sflag:s24] =	ssyncset.done $0x0  }
0x1c: {  	s26 =	simm.s32 $0x1B8E;
	s25 =	sld [smem:$0x3FFE];
	[sflag:s24] =	ssyncadd.s32 $0xFFFFFFFF  }
0x1d: {  	s27 =	simm.s32 $execute0_lowered;
	[smem:$0x3FD2] =	sst s26  }
0x1e: {  	s5 =	sshll.u32 s27, $0x1;
	_ =	strace $0x80000049;
	[dreg:$0x1] =	wrdreg $0xFFFFFFFF  }
0x1f: {  	s28 =	simm.s32 $_size_execute0_lowered;
	s3 =	sadd.s32 s3, s5;
	[dreg:$0x0] =	wrdreg $0x0  }
0x20: {  	s5 =	sshll.u32 s28, $0x1;
	[dreg:$0x2] =	wrdreg s3  }
0x21: {  	[dreg:$0x3] =	wrdreg s5  }
0x22: {  	[dreg:$0x4] =	wrdreg $0xC0  }
0x23: {  	_ =	task [dreg:s7], $0x5FFFF  }
0x24: {  	[dreg:$0x1] =	wrdreg $0xFFFFFFFF  }
0x25: {  	[dreg:$0x0] =	wrdreg $0x60  }
0x26: {  	[dreg:$0x2] =	wrdreg s25  }
0x27: {  	[dreg:$0x3] =	wrdreg s2  }
0x28: {  	[dreg:$0x4] =	wrdreg $0x9  }
0x29: {  	_ =	task.clear_ibuf [dreg:s7], $0x5FFFF;
	_ =	strace $0x90000049  }
0x2a: {  	s29 =	simm.s32 $0x9;
	_ =	strace $0x8000004B  }
0x2b: {  	_ =	swait.ge [sflag:s29], $0x1  }
0x2c: {  	[sflag:s29] =	ssyncadd.s32 $0xFFFFFFFF  }
0x2d: {  	_ =	strace $0x9000004B  }
0x2e: {  	_ =	sfence  }
0x2f: {  	s30 =	sld [smem:$0x0];
	_ =	sdelay $0x2  }
0x30: {  	s31 =	sshll.u32 s1, $0xD;
	s1 =	sshrl.u32 s1, $0x2  }
0x31: {  	s3 =	sand.u32 $0x4000, s31;
	s1 =	sadd.s32 s1, s30  }
0x32: {  	s0 =	sor.u32 s3, s0;
	s1 =	sshll.u32 s1, $0x11  }
0x33: {  	s0 =	sor.u32 s1, s0  }
0x34: {  	s0 =	sadd.s32 $0x8F2B, s0  }
0x35: {  	[sflag:s0] =	ssyncadd.remote.s32 $0x1  }
0x36: {  	_ =	sfence.sel $0xFFFF  }
0x37: {  	[dreg:$0x0] =	wrdreg $0xFFFFFFFF;
	(pc) =	sbr.abs _section_cstart, $3  }
0x38: {  	[dreg:$0x1] =	wrdreg $0xFFFFFFFF  }
0x39: {  	_ =	task.clear_ibuf [dreg:s7], $0x2FFFF;
	_ =	strace $0x9FFFFFFF  }
0x3a: {  	(tm) =	ssettm $0x7FFFFFFF  }
0x3b: {  	_ =	shalt  }
tec
execute0_lowered:
.L_overlay_start_1:
0x0: {  	(tag) =	ssettag $0x1  }
0x1: {  	s0 =	srdreg.scid  }
0x2: {  	s1 =	sshll.u32 s0, $0x4  }
0x3: {  	s0 =	stileid.u32;
	s1 =	sand.u32 $0x10, s1  }
0x4: {  	s1 =	sor.u32 s0, s1  }
0x5: {  	s6 =	rddreg [dreg:$0x0];
	s4 =	simm.s32 $0x1;
	s2 =	sshll.u32 s1, $0x7  }
0x6: {  	s7 =	simm.s32 $0x2;
	s12 =	simm.s32 $0x0;
	s1 =	ssub.s32 $0x1000, s2  }
0x7: {  	s8 =	simm.s32 $0x8000;
	s13 =	simm.s32 $0x0;
	s3 =	sand.u32 $0xF80, s1  }
0x8: {  	s9 =	simm.s32 $0x0;
	s5 =	sshrl.u32 s1, $0xC;
	p0 =	sne.s32 s3, $0x0  }
.Ltmp0:
0x9: {  	s1 =	rddreg [dreg:$0x2];
	s4 =	simm.s32 @!p0 $0x0;
	(pc) =	sbr.rel .LBB1_1-.Ltmp0, $4  }
0xa: {  	s11 =	simm.s32 $0x0;
	s3 =	rddreg [dreg:$0x1];
	s5 =	sadd.s32 s4, s5  }
0xb: {  	_ =	strace $0x8000004A;
	s4 =	simm.s32 $0x1;
	s5 =	smul.u32 $0xC8, s5  }
0xc: {  	s6 =	sadd.s32 $0x1A00, s6;
	s10 =	smov.u32 s2;
	[sflag:s4] =	ssyncpa.u1 $0x0  }
0xd: {  	p0 =	por $0x0, $0x0;
	[sflag:s7] =	ssyncpa.u1 $0x0;
	s7 =	sor.u32 $0x1, s5  }
.LBB1_4:
0xe: {  	s16 =	sshll.u32 s13, $0x3;
	s17 =	sand.u32 $0x78, s13  }
0xf: {  	s30 =	sand.u32 $0x7E00, s13;
	s12 =	sshll.u32 s12, $0xF;
	s16 =	sand.u32 $0xC00, s16  }
0x10: {  	[tilespmem:s15+$0x810 ss:$0x81] =	vst.msk $0xffff, v2;
	s31 =	sand.u32 $0x7, s13;
	s16 =	sor.u32 s17, s16;
	s17 =	sadd.s32 s3, s30  }
0x11: {  	[tilespmem:s15+$0x1020 ss:$0x81] =	vst.msk $0xffff, v0;
	s13 =	sshll.u32 s31, $0x12;
	s12 =	sadd.s32 s12, s17;
	s16 =	sshrl.u32 s16, $0x3  }
0x12: {  	[tilespmem:s15+$0x0 ss:$0x81] =	vst.msk $0xffff, v1;
	s13 =	sor.u32 $0x400, s13;
	s12 =	sadd.s32 s16, s12  }
0x13: {  	[hbm4b:s12+s13] =	stream.strided.scatter [tilespmem:s14], [sflag:$0x2], $0x2000, s8, s13, $0x20;
	[tilespmem:$0x8080] =	vst v63  }
.LBB1_5:
0x14: {  	s14 =	sadd.s32 $0x1, s9  }
0x15: {  	s12 =	sadd.s32 $0x1000, s10;
	s16 =	smov.u32 s10;
	p2 =	sgt.s32 s14, $0xC7  }
0x16: {  	s16 =	smov.u32 @p2 s12  }
0x17: {  	s14 =	simm.s32 @p2 $0x0;
	p2 =	sgt.s32 s16, $0xFFF  }
0x18: {  	s16 =	smov.u32 @p2 s2;
	p2 =	sne.s32 s11, s7  }
.Ltmp1:
0x19: {  	p1 =	slt.u32 s11, $0x2;
	(pc) =	sbr.rel @!p2 .LBB1_6-.Ltmp1, $4  }
0x1a: {  	s15 =	simm.s32 @!p1 $0x2  }
0x1b: {  	s13 =	smov.u32 s10;
	p0 =	por !p0, !p0;
	_ =	swait.ge @!p1 [sflag:s15], $0x2000  }
0x1c: {  	s12 =	smov.u32 s9;
	[sflag:s15] =	ssyncset.done @!p1 $0x0;
	s9 =	smov.u32 s14  }
0x1d: {  	s11 =	sadd.s32 $0x1, s11;
	[sflag:s15] =	ssyncadd.s32 @!p1 $0xFFFFE000;
	s10 =	smov.u32 s16  }
.LBB1_1:
0x1e: {  	p1 =	sge.u32 s11, s5  }
0x1f: {  	s14 =	sand.u32 @!p1 $0x1FFFFFF, s9  }
0x20: {  	s15 =	smulhi.u32 @!p1 $0x147AE15, s14;
	_ =	sdelay $0x1  }
0x21: {  	s15 =	smul.u32 @!p1 $0xC8, s15  }
0x22: {  	s16 =	sxor.u32 @!p1 $0xFFFFFFFF, s11;
	s17 =	smul.u32 @!p1 $0xC80, s10  }
0x23: {  	s31 =	sadd.s32 $0xFFFFFFFF, s11;
	s16 =	sshll.u32 @!p1 s16, $0xD;
	s14 =	ssub.s32 @!p1 s14, s15  }
0x24: {  	s15 =	sand.u32 @!p1 $0x2000, s16;
	s16 =	sadd.s32 @!p1 s6, s17;
	s14 =	sshll.u32 @!p1 s14, $0x4  }
0x25: {  	s17 =	simm.s32 @!p1 $0x6400;
	s14 =	sadd.s32 @!p1 s14, s16;
	s16 =	simm.s32 @!p1 $0x40  }
0x26: {  	[tilespmem:s15], [sflag:$0x1] =	stream.strided.gather @!p1 [hbm4b:s14+s16], $0x2000, s17, s16, $0x38;
	[tilespmem:$0x8080] =	vst v63  }
0x27: {  	p1 =	sge.u32 s31, s5  }
.Ltmp2:
0x28: {  	_ = 	snop;
	(pc) =	sbr.rel @p1 .LBB1_5-.Ltmp2, $1  }
0x29: {  	_ =	sdelay $0x3  }
0x2a: {  	s14 =	simm.s32 $0x1  }
0x2b: {  	_ =	swait.ge [sflag:s4], $0x2000;
	s14 =	simm.s32 @!p0 $0x0  }
0x2c: {  	[sflag:s4] =	ssyncset.done $0x0;
	s15 =	sshll.u32 s14, $0xD  }
0x2d: {  	[sflag:s4] =	ssyncadd.s32 $0xFFFFE000;
	s18 =	sor.u32 $0x20, s15  }
0x2e: {  	s14 =	smul.u32 $0x8100, s14;
	v3 =	vld [tilespmem:s18+$0x10]  }
0x2f: {  	s30 =	sand.u32 $0x1, s11;
	v2 =	vld [tilespmem:s18+$0xFFFFFFF0]  }
0x30: {  	s15 =	smul.u32 $0x8100, s30;
	s14 =	sshrl.u32 s14, $0x2;
	v0 =	vld [tilespmem:s18+$0x0]  }
0x31: {  	v1 =	vld [tilespmem:s18+$0xFFFFFFE0];
	s16 =	sor.u32 $0x4000, s14  }
0x32: {  	s31 =	sshrl.u32 s15, $0x2;
	s15 =	sadd.s32 $0x0, s16  }
0x33: {  	s17 =	simm.s32 $0x4;
	s18 =	sadd.s32 $0x40, s18;
	s14 =	sor.u32 $0x4000, s31;
	[tilespmem:s15+$0x1830 ss:$0x81] =	vst.msk $0xffff, v3  }
.LBB1_3:
0x34: {  	v3 =	vld [tilespmem:s18+$0x10];
	p1 =	sne.s32 s17, $0x1FC;
	[tilespmem:s15+$0x810 ss:$0x81] =	vst.msk $0xffff, v2;
	s19 =	smov.u32 s17;
	s17 =	sadd.s32 $0x4, s17  }
.Ltmp3:
0x35: {  	v2 =	vld [tilespmem:s18+$0xFFFFFFF0];
	[tilespmem:s15+$0x1020 ss:$0x81] =	vst.msk $0xffff, v0;
	(pc) =	sbr.rel @p1 .LBB1_3-.Ltmp3, $4  }
0x36: {  	v0 =	vld [tilespmem:s18+$0x0];
	[tilespmem:s15+$0x0 ss:$0x81] =	vst.msk $0xffff, v1  }
0x37: {  	s15 =	sshra.s32 s19, $0x2;
	v1 =	vld [tilespmem:s18+$0xFFFFFFE0]  }
0x38: {  	s15 =	sadd.s32 s15, s16  }
0x39: {  	s18 =	sadd.s32 $0x40, s18;
	[tilespmem:s15+$0x1830 ss:$0x81] =	vst.msk $0xffff, v3  }
.Ltmp4:
0x3a: {  	_ = 	snop;
	(pc) =	sbr.rel .LBB1_4-.Ltmp4, $1  }
0x3b: {  	_ =	sdelay $0x3  }
.LBB1_6:
0x3c: {  	_ =	sfence.sel $0x180000  }
0x3d: {  	s2 =	simm.s32 $0x1;
	[bflag:$0x0] =	sbarrier.arrive $0xFFFF  }
0x3e: {  	s31 =	simm.s32 $0x2;
	[sflag:s2] =	ssyncpa.u1 $0x1  }
0x3f: {  	[sflag:s31] =	ssyncpa.u1 $0x1  }
0x40: {  	p0 =	sne.s32 s0, $0x0;
	_ =	strace $0x9000004A  }
0x41: {  	s0 =	sadd.s32 @!p0 $0x100000, s1;
	[bflag:$0x2] =	sbarrier.arrive $0xFFFF  }
0x42: {  	[sflag:s0] =	ssyncadd.tile.s32 @!p0 $0x1;
	_ =	shalt  }
.Lfunc_end1:
_tile_overlayer_lowered:
.L_overlay_start_2:
0x43: {  	(tag) =	ssettag $0x2  }
0x44: {  	s0 =	rddreg [dreg:$0x0];
	s2 =	stileid.u32  }
0x45: {  	s1 =	rddreg [dreg:$0x1];
	p0 =	sne.s32 s2, $0x0  }
0x46: {  	s3 =	rddreg [dreg:$0x2];
	[bflag:$0x3] =	sbarrier.arrive $0xFFFF;
	s2 =	simm.s32 @!p0 $0x1C01  }
0x47: {  	[timem:s3], [sflag:s2] =	dma.local @!p0 [hbm:s0], s1  }
0x48: {  	s0 =	simm.s32 @!p0 $0x1  }
0x49: {  	_ =	swait.ge @!p0 [sflag:s0], s1  }
0x4a: {  	s1 =	ssub.s32 @!p0 $0x0, s1;
	[sflag:s0] =	ssyncset.done @!p0 $0x0  }
0x4b: {  	[sflag:s0] =	ssyncadd.s32 @!p0 s1  }
0x4c: {  	[bflag:$0x3] =	sbarrier.arrive $0xFFFF  }
0x4d: {  	_ =	shalt  }

</sc_bundles>
